<compile_context>
chip_gen: v7x
topology: tpu7x:2x2x1
jax: 0.10.2.dev20260603
libtpu: 0.0.44.dev20260713+nightly
codegen_flags: <defaults>
</compile_context>

<pallas_src>
import functools

import jax
import jax.numpy as jnp
from jax import lax
from jax.experimental import pallas as pl
from jax.experimental.pallas import tpu as pltpu
from jax.experimental.pallas import tpu_sc as plsc

N_TOKENS = 8192
N_EXPERTS = 64
K = 8
TC_BLOCK = 1024
CHUNK_STARTS = (0,)
CHUNK_SIZES = (8192,)


def _tc_scores(start, size):

    def body(w_ref, x_ref, orig_ref):
        logits = lax.dot_general(
            w_ref[...], x_ref[...], (((1,), (1,)), ((), ())),
            preferred_element_type=jnp.float32)
        orig_ref[...] = 1.0 / (1.0 + jnp.exp(-logits))

    block0 = start // TC_BLOCK
    return pl.pallas_call(
        body,
        grid=(size // TC_BLOCK,),
        in_specs=[
            pl.BlockSpec((N_EXPERTS, 2048), lambda i: (0, 0)),
            pl.BlockSpec((TC_BLOCK, 2048), lambda i: (block0 + i, 0)),
        ],
        out_specs=pl.BlockSpec((N_EXPERTS, TC_BLOCK), lambda i: (0, i)),
        out_shape=jax.ShapeDtypeStruct((N_EXPERTS, size), jnp.float32),
    )


def _route(size):
    mesh = plsc.VectorSubcoreMesh(core_axis_name="c", subcore_axis_name="s")
    nw = mesh.num_cores * mesh.num_subcores
    cpw = size // nw
    groups = cpw // 16

    @functools.partial(
        pl.kernel,
        out_type=[
            jax.ShapeDtypeStruct((K, size), jnp.int32),
            jax.ShapeDtypeStruct((K, size), jnp.float32),
        ],
        mesh=mesh,
        scratch_types=[
            pltpu.VMEM((N_EXPERTS, cpw), jnp.float32),
            pltpu.VMEM((N_EXPERTS,), jnp.float32),
            pltpu.VMEM((K, cpw), jnp.int32),
            pltpu.VMEM((K, cpw), jnp.float32),
        ],
        compiler_params=pltpu.CompilerParams(use_tc_tiling_on_sc=False,
                                             needs_layout_passes=False),
    )
    def route_kernel(origT_hbm, bias_hbm, inds_hbm, sel_hbm,
                     orig_v, bias_v, inds_b, sel_b):
        wid = lax.axis_index("s") * mesh.num_cores + lax.axis_index("c")
        base = wid * cpw
        pltpu.sync_copy(bias_hbm, bias_v)
        pltpu.sync_copy(origT_hbm.at[:, pl.ds(base, cpw)], orig_v)

        lane = lax.iota(jnp.int32, 16)
        inf16 = jnp.full((16,), jnp.inf, jnp.float32)

        zero16i = jnp.zeros((16,), jnp.int32)
        nlanes = 4

        @plsc.parallel_loop(0, groups // nlanes, 1)
        def group_body(gp):
            cols0 = [gp * 16 * nlanes + 16 * j for j in range(nlanes)]
            colsv = [c + lane for c in cols0]
            ssums = [jnp.zeros((16,), jnp.float32) for _ in range(nlanes)]
            for k in range(K):
                def scan4(i, mc):
                    ms = list(mc[:nlanes])
                    mis = list(mc[nlanes:])
                    for u in range(4):
                        e = i * 4 + u
                        ev = jnp.full((16,), e, jnp.int32)
                        bv = plsc.load_gather(bias_v, [ev])
                        for j in range(nlanes):
                            v = orig_v[e, pl.ds(cols0[j], 16)] + bv
                            lt = v < ms[j]
                            ms[j] = jnp.where(lt, v, ms[j])
                            mis[j] = jnp.where(lt, ev, mis[j])
                    return tuple(ms) + tuple(mis)
                mc = lax.fori_loop(
                    0, N_EXPERTS // 4, scan4,
                    (inf16,) * nlanes + (zero16i,) * nlanes)
                mis = mc[nlanes:]
                for j in range(nlanes):
                    ov = plsc.load_gather(orig_v, [mis[j], colsv[j]])
                    ssums[j] = ssums[j] + ov
                    inds_b[k, pl.ds(cols0[j], 16)] = mis[j]
                    sel_b[k, pl.ds(cols0[j], 16)] = ov
                    plsc.store_scatter(orig_v, [mis[j], colsv[j]], inf16)
            rcps = [1.0 / s for s in ssums]
            for k in range(K):
                for j in range(nlanes):
                    sel_b[k, pl.ds(cols0[j], 16)] = (
                        sel_b[k, pl.ds(cols0[j], 16)] * rcps[j])
        pltpu.sync_copy(inds_b, inds_hbm.at[:, pl.ds(base, cpw)])
        pltpu.sync_copy(sel_b, sel_hbm.at[:, pl.ds(base, cpw)])

    return route_kernel


def kernel(x, weight, e_score_correction_bias):
    inds_chunks, sel_chunks = [], []
    for start, size in zip(CHUNK_STARTS, CHUNK_SIZES):
        origT = _tc_scores(start, size)(weight, x)
        indsT, selT = _route(size)(origT, e_score_correction_bias)
        inds_chunks.append(indsT)
        sel_chunks.append(selT)
    inds = jnp.concatenate(inds_chunks, axis=1).T
    sel = jnp.concatenate(sel_chunks, axis=1).T
    return inds, sel

# --- scband reference (transcript-rebuilt; emitter-appended) ---
"""Pipeline reference for scband-mo-egate-43963285242657 (READ-ONLY COPY).

The authoritative reference and input builder live on the scoring server;
editing this copy changes nothing except your own understanding.
"""

import jax, jax.numpy as jnp
import numpy as np

TOP_K = 8
N_GROUP = 1
TOPK_GROUP = 1
NORM_TOPK_PROB = True
ROUTED_SCALING_FACTOR = 1.0


def setup_inputs(seed: int = 0) -> dict:
    key = jax.random.key(seed)
    k1, k2, k3 = jax.random.split(key, 3)
    x = jax.random.normal(k1, (8192, 2048), dtype=jnp.float32)
    weight = jax.random.normal(k2, (64, 2048), dtype=jnp.float32) * 0.02
    e_score_correction_bias = jax.random.normal(k3, (64,), dtype=jnp.float32) * 0.02
    return {"x": x, "weight": weight, "e_score_correction_bias": e_score_correction_bias}


def reference(x, weight, e_score_correction_bias):
    # scores = sigmoid(x @ W.T), computed in float32
    scores = jax.nn.sigmoid(jnp.matmul(x, weight.T)).astype(jnp.float32)
    orig_scores = scores
    scores = scores + e_score_correction_bias
    # n_group == 1, so the group-masking branch is skipped (faithful to forward)
    # NOTE: faithful to the original code: topk of NEGATED scores
    _, inds = jax.lax.top_k(-scores, TOP_K)
    sel = jnp.take_along_axis(orig_scores, inds, axis=-1)
    if TOP_K > 1 and NORM_TOPK_PROB:
        denominator = jnp.sum(sel, axis=-1, keepdims=True)
        sel = sel / denominator
    sel = sel * ROUTED_SCALING_FACTOR
    return (inds, sel)

if __name__ == "__main__":
    import jax
    _d = setup_inputs()
    print(jax.jit(kernel)(*tuple(_d.values())))

</pallas_src>

<mosaic_0001>
#map = affine_map<(d0, d1) -> (0, 0)>
#map1 = affine_map<(d0, d1) -> (0)>
module attributes {stable_mosaic.version = 14 : i64} {
  func.func @route_kernel(%arg0: i32, %arg1: i32, %arg2: memref<64x8192xf32, #tpu.memory_space<hbm>>, %arg3: memref<64xf32, #tpu.memory_space<hbm>>, %arg4: memref<8x8192xi32, #tpu.memory_space<hbm>>, %arg5: memref<8x8192xf32, #tpu.memory_space<hbm>>, %arg6: memref<64x256xf32, #tpu.memory_space<vmem>>, %arg7: memref<64xf32, #tpu.memory_space<vmem>>, %arg8: memref<8x256xi32, #tpu.memory_space<vmem>>, %arg9: memref<8x256xf32, #tpu.memory_space<vmem>>) attributes {dimension_semantics = [#tpu.dimension_semantics<core_parallel>, #tpu.dimension_semantics<subcore_parallel>], iteration_bounds = array<i64: 2, 16>, scalar_prefetch = 0 : i64, scratch_operands = 4 : i64, tpu.core_type = #tpu.core_type<sc_vector_subcore>, window_params = [{transform_indices = #map}, {transform_indices = #map1}, {transform_indices = #map}, {transform_indices = #map}]} {
    %mul3A = arith.constant 2 : i32
    %mul3A_0 = arith.muli %arg1, %mul3A : i32
    %add3A = arith.addi %mul3A_0, %arg0 : i32
    %mul3A_1 = arith.constant 256 : i32
    %mul3A_2 = arith.muli %add3A, %mul3A_1 : i32
    "tpu.region"() ({
      %run_scoped3A = tpu.sem_alloc : memref<!tpu.dma_semaphore, #tpu.memory_space<semaphore_mem>>
      tpu.enqueue_dma source(%arg3 : memref<64xf32, #tpu.memory_space<hbm>>) target(%arg7 : memref<64xf32, #tpu.memory_space<vmem>>) target_semaphore(%run_scoped3A : memref<!tpu.dma_semaphore, #tpu.memory_space<semaphore_mem>>)
      tpu.wait_dma2 semaphore(%run_scoped3A : memref<!tpu.dma_semaphore, #tpu.memory_space<semaphore_mem>>) src(%arg3 : memref<64xf32, #tpu.memory_space<hbm>>) dst(%arg7 : memref<64xf32, #tpu.memory_space<vmem>>)
      tpu.yield
    }) : () -> ()
    "tpu.region"() ({
      %run_scoped3A = tpu.sem_alloc : memref<!tpu.dma_semaphore, #tpu.memory_space<semaphore_mem>>
      %dma_start3A = arith.constant 0 : i32
      %dma_start3A_8 = tpu.memref_slice %arg2[%dma_start3A, %mul3A_2] : memref<64x8192xf32, #tpu.memory_space<hbm>> -> memref<64x256xf32, #tpu.memory_space<hbm>>
      %dma_start3A_9 = arith.constant 0 : i32
      %dma_start3A_10 = tpu.memref_slice %arg2[%dma_start3A_9, %mul3A_2] : memref<64x8192xf32, #tpu.memory_space<hbm>> -> memref<64x256xf32, #tpu.memory_space<hbm>>
      tpu.enqueue_dma source(%dma_start3A_10 : memref<64x256xf32, #tpu.memory_space<hbm>>) target(%arg6 : memref<64x256xf32, #tpu.memory_space<vmem>>) target_semaphore(%run_scoped3A : memref<!tpu.dma_semaphore, #tpu.memory_space<semaphore_mem>>)
      %dma_wait3A = arith.constant 0 : i32
      %dma_wait3A_11 = tpu.memref_slice %arg2[%dma_wait3A, %mul3A_2] : memref<64x8192xf32, #tpu.memory_space<hbm>> -> memref<64x256xf32, #tpu.memory_space<hbm>>
      %dma_wait3A_12 = arith.constant 0 : i32
      %dma_wait3A_13 = tpu.memref_slice %arg2[%dma_wait3A_12, %mul3A_2] : memref<64x8192xf32, #tpu.memory_space<hbm>> -> memref<64x256xf32, #tpu.memory_space<hbm>>
      tpu.wait_dma2 semaphore(%run_scoped3A : memref<!tpu.dma_semaphore, #tpu.memory_space<semaphore_mem>>) src(%dma_wait3A_13 : memref<64x256xf32, #tpu.memory_space<hbm>>) dst(%arg6 : memref<64x256xf32, #tpu.memory_space<vmem>>)
      tpu.yield
    }) : () -> ()
    %iota3A = tpu.iota {dimensions = array<i32: 0>} : vector<16xi32>
    %broadcast_in_dim3A = arith.constant 0x7F800000 : f32
    %broadcast_in_dim3A_3 = vector.broadcast %broadcast_in_dim3A : f32 to vector<16xf32>
    %broadcast_in_dim3A_4 = arith.constant 0 : i32
    %broadcast_in_dim3A_5 = vector.broadcast %broadcast_in_dim3A_4 : i32 to vector<16xi32>
    %parallel_loop3A = arith.constant 0 : i32
    %parallel_loop3A_6 = arith.constant 4 : i32
    %parallel_loop3A_7 = arith.constant 1 : i32
    scf.for %parallel_loop3A_8 = %parallel_loop3A to %parallel_loop3A_6 step %parallel_loop3A_7  : i32 {
      %parallel_loop3A_9 = arith.constant 16 : i32
      %parallel_loop3A_10 = arith.muli %parallel_loop3A_8, %parallel_loop3A_9 : i32
      %parallel_loop3A_11 = arith.constant 4 : i32
      %parallel_loop3A_12 = arith.muli %parallel_loop3A_10, %parallel_loop3A_11 : i32
      %parallel_loop3A_13 = arith.constant 0 : i32
      %parallel_loop3A_14 = arith.addi %parallel_loop3A_12, %parallel_loop3A_13 : i32
      %parallel_loop3A_15 = arith.constant 16 : i32
      %parallel_loop3A_16 = arith.muli %parallel_loop3A_8, %parallel_loop3A_15 : i32
      %parallel_loop3A_17 = arith.constant 4 : i32
      %parallel_loop3A_18 = arith.muli %parallel_loop3A_16, %parallel_loop3A_17 : i32
      %parallel_loop3A_19 = arith.constant 16 : i32
      %parallel_loop3A_20 = arith.addi %parallel_loop3A_18, %parallel_loop3A_19 : i32
      %parallel_loop3A_21 = arith.constant 16 : i32
      %parallel_loop3A_22 = arith.muli %parallel_loop3A_8, %parallel_loop3A_21 : i32
      %parallel_loop3A_23 = arith.constant 4 : i32
      %parallel_loop3A_24 = arith.muli %parallel_loop3A_22, %parallel_loop3A_23 : i32
      %parallel_loop3A_25 = arith.constant 32 : i32
      %parallel_loop3A_26 = arith.addi %parallel_loop3A_24, %parallel_loop3A_25 : i32
      %parallel_loop3A_27 = arith.constant 16 : i32
      %parallel_loop3A_28 = arith.muli %parallel_loop3A_8, %parallel_loop3A_27 : i32
      %parallel_loop3A_29 = arith.constant 4 : i32
      %parallel_loop3A_30 = arith.muli %parallel_loop3A_28, %parallel_loop3A_29 : i32
      %parallel_loop3A_31 = arith.constant 48 : i32
      %parallel_loop3A_32 = arith.addi %parallel_loop3A_30, %parallel_loop3A_31 : i32
      %parallel_loop3A_33 = vector.broadcast %parallel_loop3A_14 : i32 to vector<16xi32>
      %parallel_loop3A_34 = arith.addi %parallel_loop3A_33, %iota3A : vector<16xi32>
      %parallel_loop3A_35 = vector.broadcast %parallel_loop3A_20 : i32 to vector<16xi32>
      %parallel_loop3A_36 = arith.addi %parallel_loop3A_35, %iota3A : vector<16xi32>
      %parallel_loop3A_37 = vector.broadcast %parallel_loop3A_26 : i32 to vector<16xi32>
      %parallel_loop3A_38 = arith.addi %parallel_loop3A_37, %iota3A : vector<16xi32>
      %parallel_loop3A_39 = vector.broadcast %parallel_loop3A_32 : i32 to vector<16xi32>
      %parallel_loop3A_40 = arith.addi %parallel_loop3A_39, %iota3A : vector<16xi32>
      %parallel_loop3A_41 = arith.constant 0.000000e+00 : f32
      %parallel_loop3A_42 = vector.broadcast %parallel_loop3A_41 : f32 to vector<16xf32>
      %parallel_loop3A_43 = arith.constant 0.000000e+00 : f32
      %parallel_loop3A_44 = vector.broadcast %parallel_loop3A_43 : f32 to vector<16xf32>
      %parallel_loop3A_45 = arith.constant 0.000000e+00 : f32
      %parallel_loop3A_46 = vector.broadcast %parallel_loop3A_45 : f32 to vector<16xf32>
      %parallel_loop3A_47 = arith.constant 0.000000e+00 : f32
      %parallel_loop3A_48 = vector.broadcast %parallel_loop3A_47 : f32 to vector<16xf32>
      %parallel_loop3A_49 = arith.constant 0 : i32
      %parallel_loop3A_50 = arith.constant 16 : i32
      %parallel_loop3A_51 = arith.addi %parallel_loop3A_49, %parallel_loop3A_50 : i32
      %parallel_loop3A_52 = arith.constant 1 : i32
      %parallel_loop3A_53:8 = scf.for %scan3A = %parallel_loop3A_49 to %parallel_loop3A_51 step %parallel_loop3A_52 iter_args(%scan3A_717 = %broadcast_in_dim3A_3, %scan3A_718 = %broadcast_in_dim3A_3, %scan3A_719 = %broadcast_in_dim3A_3, %scan3A_720 = %broadcast_in_dim3A_3, %scan3A_721 = %broadcast_in_dim3A_5, %scan3A_722 = %broadcast_in_dim3A_5, %scan3A_723 = %broadcast_in_dim3A_5, %scan3A_724 = %broadcast_in_dim3A_5) -> (vector<16xf32>, vector<16xf32>, vector<16xf32>, vector<16xf32>, vector<16xi32>, vector<16xi32>, vector<16xi32>, vector<16xi32>)  : i32 {
        %parallel_loop3A_725 = arith.constant 4 : i32
        %parallel_loop3A_726 = arith.muli %scan3A, %parallel_loop3A_725 : i32
        %parallel_loop3A_727 = arith.constant 0 : i32
        %parallel_loop3A_728 = arith.addi %parallel_loop3A_726, %parallel_loop3A_727 : i32
        %parallel_loop3A_729 = vector.broadcast %parallel_loop3A_728 : i32 to vector<16xi32>
        %parallel_loop3A_730 = tpu.vector_load_idx %arg7[%parallel_loop3A_729] : memref<64xf32, #tpu.memory_space<vmem>>[vector<16xi32>], vector<16xf32>,
        %parallel_loop3A_731 = arith.index_cast %parallel_loop3A_728 : i32 to index
        %parallel_loop3A_732 = arith.index_cast %parallel_loop3A_14 : i32 to index
        %parallel_loop3A_733 = tpu.vector_load %arg6[%parallel_loop3A_731, %parallel_loop3A_732] {strides = array<i32>} : memref<64x256xf32, #tpu.memory_space<vmem>>, vector<16xf32>,
        %parallel_loop3A_734 = arith.addf %parallel_loop3A_733, %parallel_loop3A_730 : vector<16xf32>
        %parallel_loop3A_735 = arith.cmpf olt, %parallel_loop3A_734, %scan3A_717 : vector<16xf32>
        %parallel_loop3A_736 = arith.select %parallel_loop3A_735, %parallel_loop3A_734, %scan3A_717 : vector<16xi1>, vector<16xf32>
        %parallel_loop3A_737 = arith.select %parallel_loop3A_735, %parallel_loop3A_729, %scan3A_721 : vector<16xi1>, vector<16xi32>
        %parallel_loop3A_738 = arith.index_cast %parallel_loop3A_728 : i32 to index
        %parallel_loop3A_739 = arith.index_cast %parallel_loop3A_20 : i32 to index
        %parallel_loop3A_740 = tpu.vector_load %arg6[%parallel_loop3A_738, %parallel_loop3A_739] {strides = array<i32>} : memref<64x256xf32, #tpu.memory_space<vmem>>, vector<16xf32>,
        %parallel_loop3A_741 = arith.addf %parallel_loop3A_740, %parallel_loop3A_730 : vector<16xf32>
        %parallel_loop3A_742 = arith.cmpf olt, %parallel_loop3A_741, %scan3A_718 : vector<16xf32>
        %parallel_loop3A_743 = arith.select %parallel_loop3A_742, %parallel_loop3A_741, %scan3A_718 : vector<16xi1>, vector<16xf32>
        %parallel_loop3A_744 = arith.select %parallel_loop3A_742, %parallel_loop3A_729, %scan3A_722 : vector<16xi1>, vector<16xi32>
        %parallel_loop3A_745 = arith.index_cast %parallel_loop3A_728 : i32 to index
        %parallel_loop3A_746 = arith.index_cast %parallel_loop3A_26 : i32 to index
        %parallel_loop3A_747 = tpu.vector_load %arg6[%parallel_loop3A_745, %parallel_loop3A_746] {strides = array<i32>} : memref<64x256xf32, #tpu.memory_space<vmem>>, vector<16xf32>,
        %parallel_loop3A_748 = arith.addf %parallel_loop3A_747, %parallel_loop3A_730 : vector<16xf32>
        %parallel_loop3A_749 = arith.cmpf olt, %parallel_loop3A_748, %scan3A_719 : vector<16xf32>
        %parallel_loop3A_750 = arith.select %parallel_loop3A_749, %parallel_loop3A_748, %scan3A_719 : vector<16xi1>, vector<16xf32>
        %parallel_loop3A_751 = arith.select %parallel_loop3A_749, %parallel_loop3A_729, %scan3A_723 : vector<16xi1>, vector<16xi32>
        %parallel_loop3A_752 = arith.index_cast %parallel_loop3A_728 : i32 to index
        %parallel_loop3A_753 = arith.index_cast %parallel_loop3A_32 : i32 to index
        %parallel_loop3A_754 = tpu.vector_load %arg6[%parallel_loop3A_752, %parallel_loop3A_753] {strides = array<i32>} : memref<64x256xf32, #tpu.memory_space<vmem>>, vector<16xf32>,
        %parallel_loop3A_755 = arith.addf %parallel_loop3A_754, %parallel_loop3A_730 : vector<16xf32>
        %parallel_loop3A_756 = arith.cmpf olt, %parallel_loop3A_755, %scan3A_720 : vector<16xf32>
        %parallel_loop3A_757 = arith.select %parallel_loop3A_756, %parallel_loop3A_755, %scan3A_720 : vector<16xi1>, vector<16xf32>
        %parallel_loop3A_758 = arith.select %parallel_loop3A_756, %parallel_loop3A_729, %scan3A_724 : vector<16xi1>, vector<16xi32>
        %parallel_loop3A_759 = arith.constant 4 : i32
        %parallel_loop3A_760 = arith.muli %scan3A, %parallel_loop3A_759 : i32
        %parallel_loop3A_761 = arith.constant 1 : i32
        %parallel_loop3A_762 = arith.addi %parallel_loop3A_760, %parallel_loop3A_761 : i32
        %parallel_loop3A_763 = vector.broadcast %parallel_loop3A_762 : i32 to vector<16xi32>
        %parallel_loop3A_764 = tpu.vector_load_idx %arg7[%parallel_loop3A_763] : memref<64xf32, #tpu.memory_space<vmem>>[vector<16xi32>], vector<16xf32>,
        %parallel_loop3A_765 = arith.index_cast %parallel_loop3A_762 : i32 to index
        %parallel_loop3A_766 = arith.index_cast %parallel_loop3A_14 : i32 to index
        %parallel_loop3A_767 = tpu.vector_load %arg6[%parallel_loop3A_765, %parallel_loop3A_766] {strides = array<i32>} : memref<64x256xf32, #tpu.memory_space<vmem>>, vector<16xf32>,
        %parallel_loop3A_768 = arith.addf %parallel_loop3A_767, %parallel_loop3A_764 : vector<16xf32>
        %parallel_loop3A_769 = arith.cmpf olt, %parallel_loop3A_768, %parallel_loop3A_736 : vector<16xf32>
        %parallel_loop3A_770 = arith.select %parallel_loop3A_769, %parallel_loop3A_768, %parallel_loop3A_736 : vector<16xi1>, vector<16xf32>
        %parallel_loop3A_771 = arith.select %parallel_loop3A_769, %parallel_loop3A_763, %parallel_loop3A_737 : vector<16xi1>, vector<16xi32>
        %parallel_loop3A_772 = arith.index_cast %parallel_loop3A_762 : i32 to index
        %parallel_loop3A_773 = arith.index_cast %parallel_loop3A_20 : i32 to index
        %parallel_loop3A_774 = tpu.vector_load %arg6[%parallel_loop3A_772, %parallel_loop3A_773] {strides = array<i32>} : memref<64x256xf32, #tpu.memory_space<vmem>>, vector<16xf32>,
        %parallel_loop3A_775 = arith.addf %parallel_loop3A_774, %parallel_loop3A_764 : vector<16xf32>
        %parallel_loop3A_776 = arith.cmpf olt, %parallel_loop3A_775, %parallel_loop3A_743 : vector<16xf32>
        %parallel_loop3A_777 = arith.select %parallel_loop3A_776, %parallel_loop3A_775, %parallel_loop3A_743 : vector<16xi1>, vector<16xf32>
        %parallel_loop3A_778 = arith.select %parallel_loop3A_776, %parallel_loop3A_763, %parallel_loop3A_744 : vector<16xi1>, vector<16xi32>
        %parallel_loop3A_779 = arith.index_cast %parallel_loop3A_762 : i32 to index
        %parallel_loop3A_780 = arith.index_cast %parallel_loop3A_26 : i32 to index
        %parallel_loop3A_781 = tpu.vector_load %arg6[%parallel_loop3A_779, %parallel_loop3A_780] {strides = array<i32>} : memref<64x256xf32, #tpu.memory_space<vmem>>, vector<16xf32>,
        %parallel_loop3A_782 = arith.addf %parallel_loop3A_781, %parallel_loop3A_764 : vector<16xf32>
        %parallel_loop3A_783 = arith.cmpf olt, %parallel_loop3A_782, %parallel_loop3A_750 : vector<16xf32>
        %parallel_loop3A_784 = arith.select %parallel_loop3A_783, %parallel_loop3A_782, %parallel_loop3A_750 : vector<16xi1>, vector<16xf32>
        %parallel_loop3A_785 = arith.select %parallel_loop3A_783, %parallel_loop3A_763, %parallel_loop3A_751 : vector<16xi1>, vector<16xi32>
        %parallel_loop3A_786 = arith.index_cast %parallel_loop3A_762 : i32 to index
        %parallel_loop3A_787 = arith.index_cast %parallel_loop3A_32 : i32 to index
        %parallel_loop3A_788 = tpu.vector_load %arg6[%parallel_loop3A_786, %parallel_loop3A_787] {strides = array<i32>} : memref<64x256xf32, #tpu.memory_space<vmem>>, vector<16xf32>,
        %parallel_loop3A_789 = arith.addf %parallel_loop3A_788, %parallel_loop3A_764 : vector<16xf32>
        %parallel_loop3A_790 = arith.cmpf olt, %parallel_loop3A_789, %parallel_loop3A_757 : vector<16xf32>
        %parallel_loop3A_791 = arith.select %parallel_loop3A_790, %parallel_loop3A_789, %parallel_loop3A_757 : vector<16xi1>, vector<16xf32>
        %parallel_loop3A_792 = arith.select %parallel_loop3A_790, %parallel_loop3A_763, %parallel_loop3A_758 : vector<16xi1>, vector<16xi32>
        %parallel_loop3A_793 = arith.constant 4 : i32
        %parallel_loop3A_794 = arith.muli %scan3A, %parallel_loop3A_793 : i32
        %parallel_loop3A_795 = arith.constant 2 : i32
        %parallel_loop3A_796 = arith.addi %parallel_loop3A_794, %parallel_loop3A_795 : i32
        %parallel_loop3A_797 = vector.broadcast %parallel_loop3A_796 : i32 to vector<16xi32>
        %parallel_loop3A_798 = tpu.vector_load_idx %arg7[%parallel_loop3A_797] : memref<64xf32, #tpu.memory_space<vmem>>[vector<16xi32>], vector<16xf32>,
        %parallel_loop3A_799 = arith.index_cast %parallel_loop3A_796 : i32 to index
        %parallel_loop3A_800 = arith.index_cast %parallel_loop3A_14 : i32 to index
        %parallel_loop3A_801 = tpu.vector_load %arg6[%parallel_loop3A_799, %parallel_loop3A_800] {strides = array<i32>} : memref<64x256xf32, #tpu.memory_space<vmem>>, vector<16xf32>,
        %parallel_loop3A_802 = arith.addf %parallel_loop3A_801, %parallel_loop3A_798 : vector<16xf32>
        %parallel_loop3A_803 = arith.cmpf olt, %parallel_loop3A_802, %parallel_loop3A_770 : vector<16xf32>
        %parallel_loop3A_804 = arith.select %parallel_loop3A_803, %parallel_loop3A_802, %parallel_loop3A_770 : vector<16xi1>, vector<16xf32>
        %parallel_loop3A_805 = arith.select %parallel_loop3A_803, %parallel_loop3A_797, %parallel_loop3A_771 : vector<16xi1>, vector<16xi32>
        %parallel_loop3A_806 = arith.index_cast %parallel_loop3A_796 : i32 to index
        %parallel_loop3A_807 = arith.index_cast %parallel_loop3A_20 : i32 to index
        %parallel_loop3A_808 = tpu.vector_load %arg6[%parallel_loop3A_806, %parallel_loop3A_807] {strides = array<i32>} : memref<64x256xf32, #tpu.memory_space<vmem>>, vector<16xf32>,
        %parallel_loop3A_809 = arith.addf %parallel_loop3A_808, %parallel_loop3A_798 : vector<16xf32>
        %parallel_loop3A_810 = arith.cmpf olt, %parallel_loop3A_809, %parallel_loop3A_777 : vector<16xf32>
        %parallel_loop3A_811 = arith.select %parallel_loop3A_810, %parallel_loop3A_809, %parallel_loop3A_777 : vector<16xi1>, vector<16xf32>
        %parallel_loop3A_812 = arith.select %parallel_loop3A_810, %parallel_loop3A_797, %parallel_loop3A_778 : vector<16xi1>, vector<16xi32>
        %parallel_loop3A_813 = arith.index_cast %parallel_loop3A_796 : i32 to index
        %parallel_loop3A_814 = arith.index_cast %parallel_loop3A_26 : i32 to index
        %parallel_loop3A_815 = tpu.vector_load %arg6[%parallel_loop3A_813, %parallel_loop3A_814] {strides = array<i32>} : memref<64x256xf32, #tpu.memory_space<vmem>>, vector<16xf32>,
        %parallel_loop3A_816 = arith.addf %parallel_loop3A_815, %parallel_loop3A_798 : vector<16xf32>
        %parallel_loop3A_817 = arith.cmpf olt, %parallel_loop3A_816, %parallel_loop3A_784 : vector<16xf32>
        %parallel_loop3A_818 = arith.select %parallel_loop3A_817, %parallel_loop3A_816, %parallel_loop3A_784 : vector<16xi1>, vector<16xf32>
        %parallel_loop3A_819 = arith.select %parallel_loop3A_817, %parallel_loop3A_797, %parallel_loop3A_785 : vector<16xi1>, vector<16xi32>
        %parallel_loop3A_820 = arith.index_cast %parallel_loop3A_796 : i32 to index
        %parallel_loop3A_821 = arith.index_cast %parallel_loop3A_32 : i32 to index
        %parallel_loop3A_822 = tpu.vector_load %arg6[%parallel_loop3A_820, %parallel_loop3A_821] {strides = array<i32>} : memref<64x256xf32, #tpu.memory_space<vmem>>, vector<16xf32>,
        %parallel_loop3A_823 = arith.addf %parallel_loop3A_822, %parallel_loop3A_798 : vector<16xf32>
        %parallel_loop3A_824 = arith.cmpf olt, %parallel_loop3A_823, %parallel_loop3A_791 : vector<16xf32>
        %parallel_loop3A_825 = arith.select %parallel_loop3A_824, %parallel_loop3A_823, %parallel_loop3A_791 : vector<16xi1>, vector<16xf32>
        %parallel_loop3A_826 = arith.select %parallel_loop3A_824, %parallel_loop3A_797, %parallel_loop3A_792 : vector<16xi1>, vector<16xi32>
        %parallel_loop3A_827 = arith.constant 4 : i32
        %parallel_loop3A_828 = arith.muli %scan3A, %parallel_loop3A_827 : i32
        %parallel_loop3A_829 = arith.constant 3 : i32
        %parallel_loop3A_830 = arith.addi %parallel_loop3A_828, %parallel_loop3A_829 : i32
        %parallel_loop3A_831 = vector.broadcast %parallel_loop3A_830 : i32 to vector<16xi32>
        %parallel_loop3A_832 = tpu.vector_load_idx %arg7[%parallel_loop3A_831] : memref<64xf32, #tpu.memory_space<vmem>>[vector<16xi32>], vector<16xf32>,
        %parallel_loop3A_833 = arith.index_cast %parallel_loop3A_830 : i32 to index
        %parallel_loop3A_834 = arith.index_cast %parallel_loop3A_14 : i32 to index
        %parallel_loop3A_835 = tpu.vector_load %arg6[%parallel_loop3A_833, %parallel_loop3A_834] {strides = array<i32>} : memref<64x256xf32, #tpu.memory_space<vmem>>, vector<16xf32>,
        %parallel_loop3A_836 = arith.addf %parallel_loop3A_835, %parallel_loop3A_832 : vector<16xf32>
        %parallel_loop3A_837 = arith.cmpf olt, %parallel_loop3A_836, %parallel_loop3A_804 : vector<16xf32>
        %parallel_loop3A_838 = arith.select %parallel_loop3A_837, %parallel_loop3A_836, %parallel_loop3A_804 : vector<16xi1>, vector<16xf32>
        %parallel_loop3A_839 = arith.select %parallel_loop3A_837, %parallel_loop3A_831, %parallel_loop3A_805 : vector<16xi1>, vector<16xi32>
        %parallel_loop3A_840 = arith.index_cast %parallel_loop3A_830 : i32 to index
        %parallel_loop3A_841 = arith.index_cast %parallel_loop3A_20 : i32 to index
        %parallel_loop3A_842 = tpu.vector_load %arg6[%parallel_loop3A_840, %parallel_loop3A_841] {strides = array<i32>} : memref<64x256xf32, #tpu.memory_space<vmem>>, vector<16xf32>,
        %parallel_loop3A_843 = arith.addf %parallel_loop3A_842, %parallel_loop3A_832 : vector<16xf32>
        %parallel_loop3A_844 = arith.cmpf olt, %parallel_loop3A_843, %parallel_loop3A_811 : vector<16xf32>
        %parallel_loop3A_845 = arith.select %parallel_loop3A_844, %parallel_loop3A_843, %parallel_loop3A_811 : vector<16xi1>, vector<16xf32>
        %parallel_loop3A_846 = arith.select %parallel_loop3A_844, %parallel_loop3A_831, %parallel_loop3A_812 : vector<16xi1>, vector<16xi32>
        %parallel_loop3A_847 = arith.index_cast %parallel_loop3A_830 : i32 to index
        %parallel_loop3A_848 = arith.index_cast %parallel_loop3A_26 : i32 to index
        %parallel_loop3A_849 = tpu.vector_load %arg6[%parallel_loop3A_847, %parallel_loop3A_848] {strides = array<i32>} : memref<64x256xf32, #tpu.memory_space<vmem>>, vector<16xf32>,
        %parallel_loop3A_850 = arith.addf %parallel_loop3A_849, %parallel_loop3A_832 : vector<16xf32>
        %parallel_loop3A_851 = arith.cmpf olt, %parallel_loop3A_850, %parallel_loop3A_818 : vector<16xf32>
        %parallel_loop3A_852 = arith.select %parallel_loop3A_851, %parallel_loop3A_850, %parallel_loop3A_818 : vector<16xi1>, vector<16xf32>
        %parallel_loop3A_853 = arith.select %parallel_loop3A_851, %parallel_loop3A_831, %parallel_loop3A_819 : vector<16xi1>, vector<16xi32>
        %parallel_loop3A_854 = arith.index_cast %parallel_loop3A_830 : i32 to index
        %parallel_loop3A_855 = arith.index_cast %parallel_loop3A_32 : i32 to index
        %parallel_loop3A_856 = tpu.vector_load %arg6[%parallel_loop3A_854, %parallel_loop3A_855] {strides = array<i32>} : memref<64x256xf32, #tpu.memory_space<vmem>>, vector<16xf32>,
        %parallel_loop3A_857 = arith.addf %parallel_loop3A_856, %parallel_loop3A_832 : vector<16xf32>
        %parallel_loop3A_858 = arith.cmpf olt, %parallel_loop3A_857, %parallel_loop3A_825 : vector<16xf32>
        %parallel_loop3A_859 = arith.select %parallel_loop3A_858, %parallel_loop3A_857, %parallel_loop3A_825 : vector<16xi1>, vector<16xf32>
        %parallel_loop3A_860 = arith.select %parallel_loop3A_858, %parallel_loop3A_831, %parallel_loop3A_826 : vector<16xi1>, vector<16xi32>
        scf.yield %parallel_loop3A_838, %parallel_loop3A_845, %parallel_loop3A_852, %parallel_loop3A_859, %parallel_loop3A_839, %parallel_loop3A_846, %parallel_loop3A_853, %parallel_loop3A_860 : vector<16xf32>, vector<16xf32>, vector<16xf32>, vector<16xf32>, vector<16xi32>, vector<16xi32>, vector<16xi32>, vector<16xi32>
      }
      %parallel_loop3A_54 = arith.constant 16 : i32
      %parallel_loop3A_55 = tpu.vector_load_idx %arg6[%parallel_loop3A_53#4, %parallel_loop3A_34] : memref<64x256xf32, #tpu.memory_space<vmem>>[vector<16xi32>, vector<16xi32>], vector<16xf32>,
      %parallel_loop3A_56 = arith.addf %parallel_loop3A_42, %parallel_loop3A_55 : vector<16xf32>
      %parallel_loop3A_57 = arith.constant 0 : i32
      %parallel_loop3A_58 = arith.index_cast %parallel_loop3A_57 : i32 to index
      %parallel_loop3A_59 = arith.index_cast %parallel_loop3A_14 : i32 to index
      %parallel_loop3A_60 = tpu.vector_load %arg8[%parallel_loop3A_58, %parallel_loop3A_59] {strides = array<i32>} : memref<8x256xi32, #tpu.memory_space<vmem>>, vector<16xi32>,
      tpu.vector_store %arg8[%parallel_loop3A_58, %parallel_loop3A_59], %parallel_loop3A_53#4 {strides = array<i32>} : memref<8x256xi32, #tpu.memory_space<vmem>>, vector<16xi32>,
      %parallel_loop3A_61 = arith.constant 0 : i32
      %parallel_loop3A_62 = arith.index_cast %parallel_loop3A_61 : i32 to index
      %parallel_loop3A_63 = arith.index_cast %parallel_loop3A_14 : i32 to index
      %parallel_loop3A_64 = tpu.vector_load %arg9[%parallel_loop3A_62, %parallel_loop3A_63] {strides = array<i32>} : memref<8x256xf32, #tpu.memory_space<vmem>>, vector<16xf32>,
      tpu.vector_store %arg9[%parallel_loop3A_62, %parallel_loop3A_63], %parallel_loop3A_55 {strides = array<i32>} : memref<8x256xf32, #tpu.memory_space<vmem>>, vector<16xf32>,
      tpu.vector_store_idx %arg6[%parallel_loop3A_53#4, %parallel_loop3A_34], %broadcast_in_dim3A_3 : memref<64x256xf32, #tpu.memory_space<vmem>>[vector<16xi32>, vector<16xi32>], vector<16xf32>,
      %parallel_loop3A_65 = tpu.vector_load_idx %arg6[%parallel_loop3A_53#5, %parallel_loop3A_36] : memref<64x256xf32, #tpu.memory_space<vmem>>[vector<16xi32>, vector<16xi32>], vector<16xf32>,
      %parallel_loop3A_66 = arith.addf %parallel_loop3A_44, %parallel_loop3A_65 : vector<16xf32>
      %parallel_loop3A_67 = arith.constant 0 : i32
      %parallel_loop3A_68 = arith.index_cast %parallel_loop3A_67 : i32 to index
      %parallel_loop3A_69 = arith.index_cast %parallel_loop3A_20 : i32 to index
      %parallel_loop3A_70 = tpu.vector_load %arg8[%parallel_loop3A_68, %parallel_loop3A_69] {strides = array<i32>} : memref<8x256xi32, #tpu.memory_space<vmem>>, vector<16xi32>,
      tpu.vector_store %arg8[%parallel_loop3A_68, %parallel_loop3A_69], %parallel_loop3A_53#5 {strides = array<i32>} : memref<8x256xi32, #tpu.memory_space<vmem>>, vector<16xi32>,
      %parallel_loop3A_71 = arith.constant 0 : i32
      %parallel_loop3A_72 = arith.index_cast %parallel_loop3A_71 : i32 to index
      %parallel_loop3A_73 = arith.index_cast %parallel_loop3A_20 : i32 to index
      %parallel_loop3A_74 = tpu.vector_load %arg9[%parallel_loop3A_72, %parallel_loop3A_73] {strides = array<i32>} : memref<8x256xf32, #tpu.memory_space<vmem>>, vector<16xf32>,
      tpu.vector_store %arg9[%parallel_loop3A_72, %parallel_loop3A_73], %parallel_loop3A_65 {strides = array<i32>} : memref<8x256xf32, #tpu.memory_space<vmem>>, vector<16xf32>,
      tpu.vector_store_idx %arg6[%parallel_loop3A_53#5, %parallel_loop3A_36], %broadcast_in_dim3A_3 : memref<64x256xf32, #tpu.memory_space<vmem>>[vector<16xi32>, vector<16xi32>], vector<16xf32>,
      %parallel_loop3A_75 = tpu.vector_load_idx %arg6[%parallel_loop3A_53#6, %parallel_loop3A_38] : memref<64x256xf32, #tpu.memory_space<vmem>>[vector<16xi32>, vector<16xi32>], vector<16xf32>,
      %parallel_loop3A_76 = arith.addf %parallel_loop3A_46, %parallel_loop3A_75 : vector<16xf32>
      %parallel_loop3A_77 = arith.constant 0 : i32
      %parallel_loop3A_78 = arith.index_cast %parallel_loop3A_77 : i32 to index
      %parallel_loop3A_79 = arith.index_cast %parallel_loop3A_26 : i32 to index
      %parallel_loop3A_80 = tpu.vector_load %arg8[%parallel_loop3A_78, %parallel_loop3A_79] {strides = array<i32>} : memref<8x256xi32, #tpu.memory_space<vmem>>, vector<16xi32>,
      tpu.vector_store %arg8[%parallel_loop3A_78, %parallel_loop3A_79], %parallel_loop3A_53#6 {strides = array<i32>} : memref<8x256xi32, #tpu.memory_space<vmem>>, vector<16xi32>,
      %parallel_loop3A_81 = arith.constant 0 : i32
      %parallel_loop3A_82 = arith.index_cast %parallel_loop3A_81 : i32 to index
      %parallel_loop3A_83 = arith.index_cast %parallel_loop3A_26 : i32 to index
      %parallel_loop3A_84 = tpu.vector_load %arg9[%parallel_loop3A_82, %parallel_loop3A_83] {strides = array<i32>} : memref<8x256xf32, #tpu.memory_space<vmem>>, vector<16xf32>,
      tpu.vector_store %arg9[%parallel_loop3A_82, %parallel_loop3A_83], %parallel_loop3A_75 {strides = array<i32>} : memref<8x256xf32, #tpu.memory_space<vmem>>, vector<16xf32>,
      tpu.vector_store_idx %arg6[%parallel_loop3A_53#6, %parallel_loop3A_38], %broadcast_in_dim3A_3 : memref<64x256xf32, #tpu.memory_space<vmem>>[vector<16xi32>, vector<16xi32>], vector<16xf32>,
      %parallel_loop3A_85 = tpu.vector_load_idx %arg6[%parallel_loop3A_53#7, %parallel_loop3A_40] : memref<64x256xf32, #tpu.memory_space<vmem>>[vector<16xi32>, vector<16xi32>], vector<16xf32>,
      %parallel_loop3A_86 = arith.addf %parallel_loop3A_48, %parallel_loop3A_85 : vector<16xf32>
      %parallel_loop3A_87 = arith.constant 0 : i32
      %parallel_loop3A_88 = arith.index_cast %parallel_loop3A_87 : i32 to index
      %parallel_loop3A_89 = arith.index_cast %parallel_loop3A_32 : i32 to index
      %parallel_loop3A_90 = tpu.vector_load %arg8[%parallel_loop3A_88, %parallel_loop3A_89] {strides = array<i32>} : memref<8x256xi32, #tpu.memory_space<vmem>>, vector<16xi32>,
      tpu.vector_store %arg8[%parallel_loop3A_88, %parallel_loop3A_89], %parallel_loop3A_53#7 {strides = array<i32>} : memref<8x256xi32, #tpu.memory_space<vmem>>, vector<16xi32>,
      %parallel_loop3A_91 = arith.constant 0 : i32
      %parallel_loop3A_92 = arith.index_cast %parallel_loop3A_91 : i32 to index
      %parallel_loop3A_93 = arith.index_cast %parallel_loop3A_32 : i32 to index
      %parallel_loop3A_94 = tpu.vector_load %arg9[%parallel_loop3A_92, %parallel_loop3A_93] {strides = array<i32>} : memref<8x256xf32, #tpu.memory_space<vmem>>, vector<16xf32>,
      tpu.vector_store %arg9[%parallel_loop3A_92, %parallel_loop3A_93], %parallel_loop3A_85 {strides = array<i32>} : memref<8x256xf32, #tpu.memory_space<vmem>>, vector<16xf32>,
      tpu.vector_store_idx %arg6[%parallel_loop3A_53#7, %parallel_loop3A_40], %broadcast_in_dim3A_3 : memref<64x256xf32, #tpu.memory_space<vmem>>[vector<16xi32>, vector<16xi32>], vector<16xf32>,
      %parallel_loop3A_95 = arith.constant 0 : i32
      %parallel_loop3A_96 = arith.constant 16 : i32
      %parallel_loop3A_97 = arith.addi %parallel_loop3A_95, %parallel_loop3A_96 : i32
      %parallel_loop3A_98 = arith.constant 1 : i32
      %parallel_loop3A_99:8 = scf.for %scan3A = %parallel_loop3A_95 to %parallel_loop3A_97 step %parallel_loop3A_98 iter_args(%scan3A_717 = %broadcast_in_dim3A_3, %scan3A_718 = %broadcast_in_dim3A_3, %scan3A_719 = %broadcast_in_dim3A_3, %scan3A_720 = %broadcast_in_dim3A_3, %scan3A_721 = %broadcast_in_dim3A_5, %scan3A_722 = %broadcast_in_dim3A_5, %scan3A_723 = %broadcast_in_dim3A_5, %scan3A_724 = %broadcast_in_dim3A_5) -> (vector<16xf32>, vector<16xf32>, vector<16xf32>, vector<16xf32>, vector<16xi32>, vector<16xi32>, vector<16xi32>, vector<16xi32>)  : i32 {
        %parallel_loop3A_725 = arith.constant 4 : i32
        %parallel_loop3A_726 = arith.muli %scan3A, %parallel_loop3A_725 : i32
        %parallel_loop3A_727 = arith.constant 0 : i32
        %parallel_loop3A_728 = arith.addi %parallel_loop3A_726, %parallel_loop3A_727 : i32
        %parallel_loop3A_729 = vector.broadcast %parallel_loop3A_728 : i32 to vector<16xi32>
        %parallel_loop3A_730 = tpu.vector_load_idx %arg7[%parallel_loop3A_729] : memref<64xf32, #tpu.memory_space<vmem>>[vector<16xi32>], vector<16xf32>,
        %parallel_loop3A_731 = arith.index_cast %parallel_loop3A_728 : i32 to index
        %parallel_loop3A_732 = arith.index_cast %parallel_loop3A_14 : i32 to index
        %parallel_loop3A_733 = tpu.vector_load %arg6[%parallel_loop3A_731, %parallel_loop3A_732] {strides = array<i32>} : memref<64x256xf32, #tpu.memory_space<vmem>>, vector<16xf32>,
        %parallel_loop3A_734 = arith.addf %parallel_loop3A_733, %parallel_loop3A_730 : vector<16xf32>
        %parallel_loop3A_735 = arith.cmpf olt, %parallel_loop3A_734, %scan3A_717 : vector<16xf32>
        %parallel_loop3A_736 = arith.select %parallel_loop3A_735, %parallel_loop3A_734, %scan3A_717 : vector<16xi1>, vector<16xf32>
        %parallel_loop3A_737 = arith.select %parallel_loop3A_735, %parallel_loop3A_729, %scan3A_721 : vector<16xi1>, vector<16xi32>
        %parallel_loop3A_738 = arith.index_cast %parallel_loop3A_728 : i32 to index
        %parallel_loop3A_739 = arith.index_cast %parallel_loop3A_20 : i32 to index
        %parallel_loop3A_740 = tpu.vector_load %arg6[%parallel_loop3A_738, %parallel_loop3A_739] {strides = array<i32>} : memref<64x256xf32, #tpu.memory_space<vmem>>, vector<16xf32>,
        %parallel_loop3A_741 = arith.addf %parallel_loop3A_740, %parallel_loop3A_730 : vector<16xf32>
        %parallel_loop3A_742 = arith.cmpf olt, %parallel_loop3A_741, %scan3A_718 : vector<16xf32>
        %parallel_loop3A_743 = arith.select %parallel_loop3A_742, %parallel_loop3A_741, %scan3A_718 : vector<16xi1>, vector<16xf32>
        %parallel_loop3A_744 = arith.select %parallel_loop3A_742, %parallel_loop3A_729, %scan3A_722 : vector<16xi1>, vector<16xi32>
        %parallel_loop3A_745 = arith.index_cast %parallel_loop3A_728 : i32 to index
        %parallel_loop3A_746 = arith.index_cast %parallel_loop3A_26 : i32 to index
        %parallel_loop3A_747 = tpu.vector_load %arg6[%parallel_loop3A_745, %parallel_loop3A_746] {strides = array<i32>} : memref<64x256xf32, #tpu.memory_space<vmem>>, vector<16xf32>,
        %parallel_loop3A_748 = arith.addf %parallel_loop3A_747, %parallel_loop3A_730 : vector<16xf32>
        %parallel_loop3A_749 = arith.cmpf olt, %parallel_loop3A_748, %scan3A_719 : vector<16xf32>
        %parallel_loop3A_750 = arith.select %parallel_loop3A_749, %parallel_loop3A_748, %scan3A_719 : vector<16xi1>, vector<16xf32>
        %parallel_loop3A_751 = arith.select %parallel_loop3A_749, %parallel_loop3A_729, %scan3A_723 : vector<16xi1>, vector<16xi32>
        %parallel_loop3A_752 = arith.index_cast %parallel_loop3A_728 : i32 to index
        %parallel_loop3A_753 = arith.index_cast %parallel_loop3A_32 : i32 to index
        %parallel_loop3A_754 = tpu.vector_load %arg6[%parallel_loop3A_752, %parallel_loop3A_753] {strides = array<i32>} : memref<64x256xf32, #tpu.memory_space<vmem>>, vector<16xf32>,
        %parallel_loop3A_755 = arith.addf %parallel_loop3A_754, %parallel_loop3A_730 : vector<16xf32>
        %parallel_loop3A_756 = arith.cmpf olt, %parallel_loop3A_755, %scan3A_720 : vector<16xf32>
        %parallel_loop3A_757 = arith.select %parallel_loop3A_756, %parallel_loop3A_755, %scan3A_720 : vector<16xi1>, vector<16xf32>
        %parallel_loop3A_758 = arith.select %parallel_loop3A_756, %parallel_loop3A_729, %scan3A_724 : vector<16xi1>, vector<16xi32>
        %parallel_loop3A_759 = arith.constant 4 : i32
        %parallel_loop3A_760 = arith.muli %scan3A, %parallel_loop3A_759 : i32
        %parallel_loop3A_761 = arith.constant 1 : i32
        %parallel_loop3A_762 = arith.addi %parallel_loop3A_760, %parallel_loop3A_761 : i32
        %parallel_loop3A_763 = vector.broadcast %parallel_loop3A_762 : i32 to vector<16xi32>
        %parallel_loop3A_764 = tpu.vector_load_idx %arg7[%parallel_loop3A_763] : memref<64xf32, #tpu.memory_space<vmem>>[vector<16xi32>], vector<16xf32>,
        %parallel_loop3A_765 = arith.index_cast %parallel_loop3A_762 : i32 to index
        %parallel_loop3A_766 = arith.index_cast %parallel_loop3A_14 : i32 to index
        %parallel_loop3A_767 = tpu.vector_load %arg6[%parallel_loop3A_765, %parallel_loop3A_766] {strides = array<i32>} : memref<64x256xf32, #tpu.memory_space<vmem>>, vector<16xf32>,
        %parallel_loop3A_768 = arith.addf %parallel_loop3A_767, %parallel_loop3A_764 : vector<16xf32>
        %parallel_loop3A_769 = arith.cmpf olt, %parallel_loop3A_768, %parallel_loop3A_736 : vector<16xf32>
        %parallel_loop3A_770 = arith.select %parallel_loop3A_769, %parallel_loop3A_768, %parallel_loop3A_736 : vector<16xi1>, vector<16xf32>
        %parallel_loop3A_771 = arith.select %parallel_loop3A_769, %parallel_loop3A_763, %parallel_loop3A_737 : vector<16xi1>, vector<16xi32>
        %parallel_loop3A_772 = arith.index_cast %parallel_loop3A_762 : i32 to index
        %parallel_loop3A_773 = arith.index_cast %parallel_loop3A_20 : i32 to index
        %parallel_loop3A_774 = tpu.vector_load %arg6[%parallel_loop3A_772, %parallel_loop3A_773] {strides = array<i32>} : memref<64x256xf32, #tpu.memory_space<vmem>>, vector<16xf32>,
        %parallel_loop3A_775 = arith.addf %parallel_loop3A_774, %parallel_loop3A_764 : vector<16xf32>
        %parallel_loop3A_776 = arith.cmpf olt, %parallel_loop3A_775, %parallel_loop3A_743 : vector<16xf32>
        %parallel_loop3A_777 = arith.select %parallel_loop3A_776, %parallel_loop3A_775, %parallel_loop3A_743 : vector<16xi1>, vector<16xf32>
        %parallel_loop3A_778 = arith.select %parallel_loop3A_776, %parallel_loop3A_763, %parallel_loop3A_744 : vector<16xi1>, vector<16xi32>
        %parallel_loop3A_779 = arith.index_cast %parallel_loop3A_762 : i32 to index
        %parallel_loop3A_780 = arith.index_cast %parallel_loop3A_26 : i32 to index
        %parallel_loop3A_781 = tpu.vector_load %arg6[%parallel_loop3A_779, %parallel_loop3A_780] {strides = array<i32>} : memref<64x256xf32, #tpu.memory_space<vmem>>, vector<16xf32>,
        %parallel_loop3A_782 = arith.addf %parallel_loop3A_781, %parallel_loop3A_764 : vector<16xf32>
        %parallel_loop3A_783 = arith.cmpf olt, %parallel_loop3A_782, %parallel_loop3A_750 : vector<16xf32>
        %parallel_loop3A_784 = arith.select %parallel_loop3A_783, %parallel_loop3A_782, %parallel_loop3A_750 : vector<16xi1>, vector<16xf32>
        %parallel_loop3A_785 = arith.select %parallel_loop3A_783, %parallel_loop3A_763, %parallel_loop3A_751 : vector<16xi1>, vector<16xi32>
        %parallel_loop3A_786 = arith.index_cast %parallel_loop3A_762 : i32 to index
        %parallel_loop3A_787 = arith.index_cast %parallel_loop3A_32 : i32 to index
        %parallel_loop3A_788 = tpu.vector_load %arg6[%parallel_loop3A_786, %parallel_loop3A_787] {strides = array<i32>} : memref<64x256xf32, #tpu.memory_space<vmem>>, vector<16xf32>,
        %parallel_loop3A_789 = arith.addf %parallel_loop3A_788, %parallel_loop3A_764 : vector<16xf32>
        %parallel_loop3A_790 = arith.cmpf olt, %parallel_loop3A_789, %parallel_loop3A_757 : vector<16xf32>
        %parallel_loop3A_791 = arith.select %parallel_loop3A_790, %parallel_loop3A_789, %parallel_loop3A_757 : vector<16xi1>, vector<16xf32>
        %parallel_loop3A_792 = arith.select %parallel_loop3A_790, %parallel_loop3A_763, %parallel_loop3A_758 : vector<16xi1>, vector<16xi32>
        %parallel_loop3A_793 = arith.constant 4 : i32
        %parallel_loop3A_794 = arith.muli %scan3A, %parallel_loop3A_793 : i32
        %parallel_loop3A_795 = arith.constant 2 : i32
        %parallel_loop3A_796 = arith.addi %parallel_loop3A_794, %parallel_loop3A_795 : i32
        %parallel_loop3A_797 = vector.broadcast %parallel_loop3A_796 : i32 to vector<16xi32>
        %parallel_loop3A_798 = tpu.vector_load_idx %arg7[%parallel_loop3A_797] : memref<64xf32, #tpu.memory_space<vmem>>[vector<16xi32>], vector<16xf32>,
        %parallel_loop3A_799 = arith.index_cast %parallel_loop3A_796 : i32 to index
        %parallel_loop3A_800 = arith.index_cast %parallel_loop3A_14 : i32 to index
        %parallel_loop3A_801 = tpu.vector_load %arg6[%parallel_loop3A_799, %parallel_loop3A_800] {strides = array<i32>} : memref<64x256xf32, #tpu.memory_space<vmem>>, vector<16xf32>,
        %parallel_loop3A_802 = arith.addf %parallel_loop3A_801, %parallel_loop3A_798 : vector<16xf32>
        %parallel_loop3A_803 = arith.cmpf olt, %parallel_loop3A_802, %parallel_loop3A_770 : vector<16xf32>
        %parallel_loop3A_804 = arith.select %parallel_loop3A_803, %parallel_loop3A_802, %parallel_loop3A_770 : vector<16xi1>, vector<16xf32>
        %parallel_loop3A_805 = arith.select %parallel_loop3A_803, %parallel_loop3A_797, %parallel_loop3A_771 : vector<16xi1>, vector<16xi32>
        %parallel_loop3A_806 = arith.index_cast %parallel_loop3A_796 : i32 to index
        %parallel_loop3A_807 = arith.index_cast %parallel_loop3A_20 : i32 to index
        %parallel_loop3A_808 = tpu.vector_load %arg6[%parallel_loop3A_806, %parallel_loop3A_807] {strides = array<i32>} : memref<64x256xf32, #tpu.memory_space<vmem>>, vector<16xf32>,
        %parallel_loop3A_809 = arith.addf %parallel_loop3A_808, %parallel_loop3A_798 : vector<16xf32>
        %parallel_loop3A_810 = arith.cmpf olt, %parallel_loop3A_809, %parallel_loop3A_777 : vector<16xf32>
        %parallel_loop3A_811 = arith.select %parallel_loop3A_810, %parallel_loop3A_809, %parallel_loop3A_777 : vector<16xi1>, vector<16xf32>
        %parallel_loop3A_812 = arith.select %parallel_loop3A_810, %parallel_loop3A_797, %parallel_loop3A_778 : vector<16xi1>, vector<16xi32>
        %parallel_loop3A_813 = arith.index_cast %parallel_loop3A_796 : i32 to index
        %parallel_loop3A_814 = arith.index_cast %parallel_loop3A_26 : i32 to index
        %parallel_loop3A_815 = tpu.vector_load %arg6[%parallel_loop3A_813, %parallel_loop3A_814] {strides = array<i32>} : memref<64x256xf32, #tpu.memory_space<vmem>>, vector<16xf32>,
        %parallel_loop3A_816 = arith.addf %parallel_loop3A_815, %parallel_loop3A_798 : vector<16xf32>
        %parallel_loop3A_817 = arith.cmpf olt, %parallel_loop3A_816, %parallel_loop3A_784 : vector<16xf32>
        %parallel_loop3A_818 = arith.select %parallel_loop3A_817, %parallel_loop3A_816, %parallel_loop3A_784 : vector<16xi1>, vector<16xf32>
        %parallel_loop3A_819 = arith.select %parallel_loop3A_817, %parallel_loop3A_797, %parallel_loop3A_785 : vector<16xi1>, vector<16xi32>
        %parallel_loop3A_820 = arith.index_cast %parallel_loop3A_796 : i32 to index
        %parallel_loop3A_821 = arith.index_cast %parallel_loop3A_32 : i32 to index
        %parallel_loop3A_822 = tpu.vector_load %arg6[%parallel_loop3A_820, %parallel_loop3A_821] {strides = array<i32>} : memref<64x256xf32, #tpu.memory_space<vmem>>, vector<16xf32>,
        %parallel_loop3A_823 = arith.addf %parallel_loop3A_822, %parallel_loop3A_798 : vector<16xf32>
        %parallel_loop3A_824 = arith.cmpf olt, %parallel_loop3A_823, %parallel_loop3A_791 : vector<16xf32>
        %parallel_loop3A_825 = arith.select %parallel_loop3A_824, %parallel_loop3A_823, %parallel_loop3A_791 : vector<16xi1>, vector<16xf32>
        %parallel_loop3A_826 = arith.select %parallel_loop3A_824, %parallel_loop3A_797, %parallel_loop3A_792 : vector<16xi1>, vector<16xi32>
        %parallel_loop3A_827 = arith.constant 4 : i32
        %parallel_loop3A_828 = arith.muli %scan3A, %parallel_loop3A_827 : i32
        %parallel_loop3A_829 = arith.constant 3 : i32
        %parallel_loop3A_830 = arith.addi %parallel_loop3A_828, %parallel_loop3A_829 : i32
        %parallel_loop3A_831 = vector.broadcast %parallel_loop3A_830 : i32 to vector<16xi32>
        %parallel_loop3A_832 = tpu.vector_load_idx %arg7[%parallel_loop3A_831] : memref<64xf32, #tpu.memory_space<vmem>>[vector<16xi32>], vector<16xf32>,
        %parallel_loop3A_833 = arith.index_cast %parallel_loop3A_830 : i32 to index
        %parallel_loop3A_834 = arith.index_cast %parallel_loop3A_14 : i32 to index
        %parallel_loop3A_835 = tpu.vector_load %arg6[%parallel_loop3A_833, %parallel_loop3A_834] {strides = array<i32>} : memref<64x256xf32, #tpu.memory_space<vmem>>, vector<16xf32>,
        %parallel_loop3A_836 = arith.addf %parallel_loop3A_835, %parallel_loop3A_832 : vector<16xf32>
        %parallel_loop3A_837 = arith.cmpf olt, %parallel_loop3A_836, %parallel_loop3A_804 : vector<16xf32>
        %parallel_loop3A_838 = arith.select %parallel_loop3A_837, %parallel_loop3A_836, %parallel_loop3A_804 : vector<16xi1>, vector<16xf32>
        %parallel_loop3A_839 = arith.select %parallel_loop3A_837, %parallel_loop3A_831, %parallel_loop3A_805 : vector<16xi1>, vector<16xi32>
        %parallel_loop3A_840 = arith.index_cast %parallel_loop3A_830 : i32 to index
        %parallel_loop3A_841 = arith.index_cast %parallel_loop3A_20 : i32 to index
        %parallel_loop3A_842 = tpu.vector_load %arg6[%parallel_loop3A_840, %parallel_loop3A_841] {strides = array<i32>} : memref<64x256xf32, #tpu.memory_space<vmem>>, vector<16xf32>,
        %parallel_loop3A_843 = arith.addf %parallel_loop3A_842, %parallel_loop3A_832 : vector<16xf32>
        %parallel_loop3A_844 = arith.cmpf olt, %parallel_loop3A_843, %parallel_loop3A_811 : vector<16xf32>
        %parallel_loop3A_845 = arith.select %parallel_loop3A_844, %parallel_loop3A_843, %parallel_loop3A_811 : vector<16xi1>, vector<16xf32>
        %parallel_loop3A_846 = arith.select %parallel_loop3A_844, %parallel_loop3A_831, %parallel_loop3A_812 : vector<16xi1>, vector<16xi32>
        %parallel_loop3A_847 = arith.index_cast %parallel_loop3A_830 : i32 to index
        %parallel_loop3A_848 = arith.index_cast %parallel_loop3A_26 : i32 to index
        %parallel_loop3A_849 = tpu.vector_load %arg6[%parallel_loop3A_847, %parallel_loop3A_848] {strides = array<i32>} : memref<64x256xf32, #tpu.memory_space<vmem>>, vector<16xf32>,
        %parallel_loop3A_850 = arith.addf %parallel_loop3A_849, %parallel_loop3A_832 : vector<16xf32>
        %parallel_loop3A_851 = arith.cmpf olt, %parallel_loop3A_850, %parallel_loop3A_818 : vector<16xf32>
        %parallel_loop3A_852 = arith.select %parallel_loop3A_851, %parallel_loop3A_850, %parallel_loop3A_818 : vector<16xi1>, vector<16xf32>
        %parallel_loop3A_853 = arith.select %parallel_loop3A_851, %parallel_loop3A_831, %parallel_loop3A_819 : vector<16xi1>, vector<16xi32>
        %parallel_loop3A_854 = arith.index_cast %parallel_loop3A_830 : i32 to index
        %parallel_loop3A_855 = arith.index_cast %parallel_loop3A_32 : i32 to index
        %parallel_loop3A_856 = tpu.vector_load %arg6[%parallel_loop3A_854, %parallel_loop3A_855] {strides = array<i32>} : memref<64x256xf32, #tpu.memory_space<vmem>>, vector<16xf32>,
        %parallel_loop3A_857 = arith.addf %parallel_loop3A_856, %parallel_loop3A_832 : vector<16xf32>
        %parallel_loop3A_858 = arith.cmpf olt, %parallel_loop3A_857, %parallel_loop3A_825 : vector<16xf32>
        %parallel_loop3A_859 = arith.select %parallel_loop3A_858, %parallel_loop3A_857, %parallel_loop3A_825 : vector<16xi1>, vector<16xf32>
        %parallel_loop3A_860 = arith.select %parallel_loop3A_858, %parallel_loop3A_831, %parallel_loop3A_826 : vector<16xi1>, vector<16xi32>
        scf.yield %parallel_loop3A_838, %parallel_loop3A_845, %parallel_loop3A_852, %parallel_loop3A_859, %parallel_loop3A_839, %parallel_loop3A_846, %parallel_loop3A_853, %parallel_loop3A_860 : vector<16xf32>, vector<16xf32>, vector<16xf32>, vector<16xf32>, vector<16xi32>, vector<16xi32>, vector<16xi32>, vector<16xi32>
      }
      %parallel_loop3A_100 = arith.constant 16 : i32
      %parallel_loop3A_101 = tpu.vector_load_idx %arg6[%parallel_loop3A_99#4, %parallel_loop3A_34] : memref<64x256xf32, #tpu.memory_space<vmem>>[vector<16xi32>, vector<16xi32>], vector<16xf32>,
      %parallel_loop3A_102 = arith.addf %parallel_loop3A_56, %parallel_loop3A_101 : vector<16xf32>
      %parallel_loop3A_103 = arith.constant 1 : i32
      %parallel_loop3A_104 = arith.index_cast %parallel_loop3A_103 : i32 to index
      %parallel_loop3A_105 = arith.index_cast %parallel_loop3A_14 : i32 to index
      %parallel_loop3A_106 = tpu.vector_load %arg8[%parallel_loop3A_104, %parallel_loop3A_105] {strides = array<i32>} : memref<8x256xi32, #tpu.memory_space<vmem>>, vector<16xi32>,
      tpu.vector_store %arg8[%parallel_loop3A_104, %parallel_loop3A_105], %parallel_loop3A_99#4 {strides = array<i32>} : memref<8x256xi32, #tpu.memory_space<vmem>>, vector<16xi32>,
      %parallel_loop3A_107 = arith.constant 1 : i32
      %parallel_loop3A_108 = arith.index_cast %parallel_loop3A_107 : i32 to index
      %parallel_loop3A_109 = arith.index_cast %parallel_loop3A_14 : i32 to index
      %parallel_loop3A_110 = tpu.vector_load %arg9[%parallel_loop3A_108, %parallel_loop3A_109] {strides = array<i32>} : memref<8x256xf32, #tpu.memory_space<vmem>>, vector<16xf32>,
      tpu.vector_store %arg9[%parallel_loop3A_108, %parallel_loop3A_109], %parallel_loop3A_101 {strides = array<i32>} : memref<8x256xf32, #tpu.memory_space<vmem>>, vector<16xf32>,
      tpu.vector_store_idx %arg6[%parallel_loop3A_99#4, %parallel_loop3A_34], %broadcast_in_dim3A_3 : memref<64x256xf32, #tpu.memory_space<vmem>>[vector<16xi32>, vector<16xi32>], vector<16xf32>,
      %parallel_loop3A_111 = tpu.vector_load_idx %arg6[%parallel_loop3A_99#5, %parallel_loop3A_36] : memref<64x256xf32, #tpu.memory_space<vmem>>[vector<16xi32>, vector<16xi32>], vector<16xf32>,
      %parallel_loop3A_112 = arith.addf %parallel_loop3A_66, %parallel_loop3A_111 : vector<16xf32>
      %parallel_loop3A_113 = arith.constant 1 : i32
      %parallel_loop3A_114 = arith.index_cast %parallel_loop3A_113 : i32 to index
      %parallel_loop3A_115 = arith.index_cast %parallel_loop3A_20 : i32 to index
      %parallel_loop3A_116 = tpu.vector_load %arg8[%parallel_loop3A_114, %parallel_loop3A_115] {strides = array<i32>} : memref<8x256xi32, #tpu.memory_space<vmem>>, vector<16xi32>,
      tpu.vector_store %arg8[%parallel_loop3A_114, %parallel_loop3A_115], %parallel_loop3A_99#5 {strides = array<i32>} : memref<8x256xi32, #tpu.memory_space<vmem>>, vector<16xi32>,
      %parallel_loop3A_117 = arith.constant 1 : i32
      %parallel_loop3A_118 = arith.index_cast %parallel_loop3A_117 : i32 to index
      %parallel_loop3A_119 = arith.index_cast %parallel_loop3A_20 : i32 to index
      %parallel_loop3A_120 = tpu.vector_load %arg9[%parallel_loop3A_118, %parallel_loop3A_119] {strides = array<i32>} : memref<8x256xf32, #tpu.memory_space<vmem>>, vector<16xf32>,
      tpu.vector_store %arg9[%parallel_loop3A_118, %parallel_loop3A_119], %parallel_loop3A_111 {strides = array<i32>} : memref<8x256xf32, #tpu.memory_space<vmem>>, vector<16xf32>,
      tpu.vector_store_idx %arg6[%parallel_loop3A_99#5, %parallel_loop3A_36], %broadcast_in_dim3A_3 : memref<64x256xf32, #tpu.memory_space<vmem>>[vector<16xi32>, vector<16xi32>], vector<16xf32>,
      %parallel_loop3A_121 = tpu.vector_load_idx %arg6[%parallel_loop3A_99#6, %parallel_loop3A_38] : memref<64x256xf32, #tpu.memory_space<vmem>>[vector<16xi32>, vector<16xi32>], vector<16xf32>,
      %parallel_loop3A_122 = arith.addf %parallel_loop3A_76, %parallel_loop3A_121 : vector<16xf32>
      %parallel_loop3A_123 = arith.constant 1 : i32
      %parallel_loop3A_124 = arith.index_cast %parallel_loop3A_123 : i32 to index
      %parallel_loop3A_125 = arith.index_cast %parallel_loop3A_26 : i32 to index
      %parallel_loop3A_126 = tpu.vector_load %arg8[%parallel_loop3A_124, %parallel_loop3A_125] {strides = array<i32>} : memref<8x256xi32, #tpu.memory_space<vmem>>, vector<16xi32>,
      tpu.vector_store %arg8[%parallel_loop3A_124, %parallel_loop3A_125], %parallel_loop3A_99#6 {strides = array<i32>} : memref<8x256xi32, #tpu.memory_space<vmem>>, vector<16xi32>,
      %parallel_loop3A_127 = arith.constant 1 : i32
      %parallel_loop3A_128 = arith.index_cast %parallel_loop3A_127 : i32 to index
      %parallel_loop3A_129 = arith.index_cast %parallel_loop3A_26 : i32 to index
      %parallel_loop3A_130 = tpu.vector_load %arg9[%parallel_loop3A_128, %parallel_loop3A_129] {strides = array<i32>} : memref<8x256xf32, #tpu.memory_space<vmem>>, vector<16xf32>,
      tpu.vector_store %arg9[%parallel_loop3A_128, %parallel_loop3A_129], %parallel_loop3A_121 {strides = array<i32>} : memref<8x256xf32, #tpu.memory_space<vmem>>, vector<16xf32>,
      tpu.vector_store_idx %arg6[%parallel_loop3A_99#6, %parallel_loop3A_38], %broadcast_in_dim3A_3 : memref<64x256xf32, #tpu.memory_space<vmem>>[vector<16xi32>, vector<16xi32>], vector<16xf32>,
      %parallel_loop3A_131 = tpu.vector_load_idx %arg6[%parallel_loop3A_99#7, %parallel_loop3A_40] : memref<64x256xf32, #tpu.memory_space<vmem>>[vector<16xi32>, vector<16xi32>], vector<16xf32>,
      %parallel_loop3A_132 = arith.addf %parallel_loop3A_86, %parallel_loop3A_131 : vector<16xf32>
      %parallel_loop3A_133 = arith.constant 1 : i32
      %parallel_loop3A_134 = arith.index_cast %parallel_loop3A_133 : i32 to index
      %parallel_loop3A_135 = arith.index_cast %parallel_loop3A_32 : i32 to index
      %parallel_loop3A_136 = tpu.vector_load %arg8[%parallel_loop3A_134, %parallel_loop3A_135] {strides = array<i32>} : memref<8x256xi32, #tpu.memory_space<vmem>>, vector<16xi32>,
      tpu.vector_store %arg8[%parallel_loop3A_134, %parallel_loop3A_135], %parallel_loop3A_99#7 {strides = array<i32>} : memref<8x256xi32, #tpu.memory_space<vmem>>, vector<16xi32>,
      %parallel_loop3A_137 = arith.constant 1 : i32
      %parallel_loop3A_138 = arith.index_cast %parallel_loop3A_137 : i32 to index
      %parallel_loop3A_139 = arith.index_cast %parallel_loop3A_32 : i32 to index
      %parallel_loop3A_140 = tpu.vector_load %arg9[%parallel_loop3A_138, %parallel_loop3A_139] {strides = array<i32>} : memref<8x256xf32, #tpu.memory_space<vmem>>, vector<16xf32>,
      tpu.vector_store %arg9[%parallel_loop3A_138, %parallel_loop3A_139], %parallel_loop3A_131 {strides = array<i32>} : memref<8x256xf32, #tpu.memory_space<vmem>>, vector<16xf32>,
      tpu.vector_store_idx %arg6[%parallel_loop3A_99#7, %parallel_loop3A_40], %broadcast_in_dim3A_3 : memref<64x256xf32, #tpu.memory_space<vmem>>[vector<16xi32>, vector<16xi32>], vector<16xf32>,
      %parallel_loop3A_141 = arith.constant 0 : i32
      %parallel_loop3A_142 = arith.constant 16 : i32
      %parallel_loop3A_143 = arith.addi %parallel_loop3A_141, %parallel_loop3A_142 : i32
      %parallel_loop3A_144 = arith.constant 1 : i32
      %parallel_loop3A_145:8 = scf.for %scan3A = %parallel_loop3A_141 to %parallel_loop3A_143 step %parallel_loop3A_144 iter_args(%scan3A_717 = %broadcast_in_dim3A_3, %scan3A_718 = %broadcast_in_dim3A_3, %scan3A_719 = %broadcast_in_dim3A_3, %scan3A_720 = %broadcast_in_dim3A_3, %scan3A_721 = %broadcast_in_dim3A_5, %scan3A_722 = %broadcast_in_dim3A_5, %scan3A_723 = %broadcast_in_dim3A_5, %scan3A_724 = %broadcast_in_dim3A_5) -> (vector<16xf32>, vector<16xf32>, vector<16xf32>, vector<16xf32>, vector<16xi32>, vector<16xi32>, vector<16xi32>, vector<16xi32>)  : i32 {
        %parallel_loop3A_725 = arith.constant 4 : i32
        %parallel_loop3A_726 = arith.muli %scan3A, %parallel_loop3A_725 : i32
        %parallel_loop3A_727 = arith.constant 0 : i32
        %parallel_loop3A_728 = arith.addi %parallel_loop3A_726, %parallel_loop3A_727 : i32
        %parallel_loop3A_729 = vector.broadcast %parallel_loop3A_728 : i32 to vector<16xi32>
        %parallel_loop3A_730 = tpu.vector_load_idx %arg7[%parallel_loop3A_729] : memref<64xf32, #tpu.memory_space<vmem>>[vector<16xi32>], vector<16xf32>,
        %parallel_loop3A_731 = arith.index_cast %parallel_loop3A_728 : i32 to index
        %parallel_loop3A_732 = arith.index_cast %parallel_loop3A_14 : i32 to index
        %parallel_loop3A_733 = tpu.vector_load %arg6[%parallel_loop3A_731, %parallel_loop3A_732] {strides = array<i32>} : memref<64x256xf32, #tpu.memory_space<vmem>>, vector<16xf32>,
        %parallel_loop3A_734 = arith.addf %parallel_loop3A_733, %parallel_loop3A_730 : vector<16xf32>
        %parallel_loop3A_735 = arith.cmpf olt, %parallel_loop3A_734, %scan3A_717 : vector<16xf32>
        %parallel_loop3A_736 = arith.select %parallel_loop3A_735, %parallel_loop3A_734, %scan3A_717 : vector<16xi1>, vector<16xf32>
        %parallel_loop3A_737 = arith.select %parallel_loop3A_735, %parallel_loop3A_729, %scan3A_721 : vector<16xi1>, vector<16xi32>
        %parallel_loop3A_738 = arith.index_cast %parallel_loop3A_728 : i32 to index
        %parallel_loop3A_739 = arith.index_cast %parallel_loop3A_20 : i32 to index
        %parallel_loop3A_740 = tpu.vector_load %arg6[%parallel_loop3A_738, %parallel_loop3A_739] {strides = array<i32>} : memref<64x256xf32, #tpu.memory_space<vmem>>, vector<16xf32>,
        %parallel_loop3A_741 = arith.addf %parallel_loop3A_740, %parallel_loop3A_730 : vector<16xf32>
        %parallel_loop3A_742 = arith.cmpf olt, %parallel_loop3A_741, %scan3A_718 : vector<16xf32>
        %parallel_loop3A_743 = arith.select %parallel_loop3A_742, %parallel_loop3A_741, %scan3A_718 : vector<16xi1>, vector<16xf32>
        %parallel_loop3A_744 = arith.select %parallel_loop3A_742, %parallel_loop3A_729, %scan3A_722 : vector<16xi1>, vector<16xi32>
        %parallel_loop3A_745 = arith.index_cast %parallel_loop3A_728 : i32 to index
        %parallel_loop3A_746 = arith.index_cast %parallel_loop3A_26 : i32 to index
        %parallel_loop3A_747 = tpu.vector_load %arg6[%parallel_loop3A_745, %parallel_loop3A_746] {strides = array<i32>} : memref<64x256xf32, #tpu.memory_space<vmem>>, vector<16xf32>,
        %parallel_loop3A_748 = arith.addf %parallel_loop3A_747, %parallel_loop3A_730 : vector<16xf32>
        %parallel_loop3A_749 = arith.cmpf olt, %parallel_loop3A_748, %scan3A_719 : vector<16xf32>
        %parallel_loop3A_750 = arith.select %parallel_loop3A_749, %parallel_loop3A_748, %scan3A_719 : vector<16xi1>, vector<16xf32>
        %parallel_loop3A_751 = arith.select %parallel_loop3A_749, %parallel_loop3A_729, %scan3A_723 : vector<16xi1>, vector<16xi32>
        %parallel_loop3A_752 = arith.index_cast %parallel_loop3A_728 : i32 to index
        %parallel_loop3A_753 = arith.index_cast %parallel_loop3A_32 : i32 to index
        %parallel_loop3A_754 = tpu.vector_load %arg6[%parallel_loop3A_752, %parallel_loop3A_753] {strides = array<i32>} : memref<64x256xf32, #tpu.memory_space<vmem>>, vector<16xf32>,
        %parallel_loop3A_755 = arith.addf %parallel_loop3A_754, %parallel_loop3A_730 : vector<16xf32>
        %parallel_loop3A_756 = arith.cmpf olt, %parallel_loop3A_755, %scan3A_720 : vector<16xf32>
        %parallel_loop3A_757 = arith.select %parallel_loop3A_756, %parallel_loop3A_755, %scan3A_720 : vector<16xi1>, vector<16xf32>
        %parallel_loop3A_758 = arith.select %parallel_loop3A_756, %parallel_loop3A_729, %scan3A_724 : vector<16xi1>, vector<16xi32>
        %parallel_loop3A_759 = arith.constant 4 : i32
        %parallel_loop3A_760 = arith.muli %scan3A, %parallel_loop3A_759 : i32
        %parallel_loop3A_761 = arith.constant 1 : i32
        %parallel_loop3A_762 = arith.addi %parallel_loop3A_760, %parallel_loop3A_761 : i32
        %parallel_loop3A_763 = vector.broadcast %parallel_loop3A_762 : i32 to vector<16xi32>
        %parallel_loop3A_764 = tpu.vector_load_idx %arg7[%parallel_loop3A_763] : memref<64xf32, #tpu.memory_space<vmem>>[vector<16xi32>], vector<16xf32>,
        %parallel_loop3A_765 = arith.index_cast %parallel_loop3A_762 : i32 to index
        %parallel_loop3A_766 = arith.index_cast %parallel_loop3A_14 : i32 to index
        %parallel_loop3A_767 = tpu.vector_load %arg6[%parallel_loop3A_765, %parallel_loop3A_766] {strides = array<i32>} : memref<64x256xf32, #tpu.memory_space<vmem>>, vector<16xf32>,
        %parallel_loop3A_768 = arith.addf %parallel_loop3A_767, %parallel_loop3A_764 : vector<16xf32>
        %parallel_loop3A_769 = arith.cmpf olt, %parallel_loop3A_768, %parallel_loop3A_736 : vector<16xf32>
        %parallel_loop3A_770 = arith.select %parallel_loop3A_769, %parallel_loop3A_768, %parallel_loop3A_736 : vector<16xi1>, vector<16xf32>
        %parallel_loop3A_771 = arith.select %parallel_loop3A_769, %parallel_loop3A_763, %parallel_loop3A_737 : vector<16xi1>, vector<16xi32>
        %parallel_loop3A_772 = arith.index_cast %parallel_loop3A_762 : i32 to index
        %parallel_loop3A_773 = arith.index_cast %parallel_loop3A_20 : i32 to index
        %parallel_loop3A_774 = tpu.vector_load %arg6[%parallel_loop3A_772, %parallel_loop3A_773] {strides = array<i32>} : memref<64x256xf32, #tpu.memory_space<vmem>>, vector<16xf32>,
        %parallel_loop3A_775 = arith.addf %parallel_loop3A_774, %parallel_loop3A_764 : vector<16xf32>
        %parallel_loop3A_776 = arith.cmpf olt, %parallel_loop3A_775, %parallel_loop3A_743 : vector<16xf32>
        %parallel_loop3A_777 = arith.select %parallel_loop3A_776, %parallel_loop3A_775, %parallel_loop3A_743 : vector<16xi1>, vector<16xf32>
        %parallel_loop3A_778 = arith.select %parallel_loop3A_776, %parallel_loop3A_763, %parallel_loop3A_744 : vector<16xi1>, vector<16xi32>
        %parallel_loop3A_779 = arith.index_cast %parallel_loop3A_762 : i32 to index
        %parallel_loop3A_780 = arith.index_cast %parallel_loop3A_26 : i32 to index
        %parallel_loop3A_781 = tpu.vector_load %arg6[%parallel_loop3A_779, %parallel_loop3A_780] {strides = array<i32>} : memref<64x256xf32, #tpu.memory_space<vmem>>, vector<16xf32>,
        %parallel_loop3A_782 = arith.addf %parallel_loop3A_781, %parallel_loop3A_764 : vector<16xf32>
        %parallel_loop3A_783 = arith.cmpf olt, %parallel_loop3A_782, %parallel_loop3A_750 : vector<16xf32>
        %parallel_loop3A_784 = arith.select %parallel_loop3A_783, %parallel_loop3A_782, %parallel_loop3A_750 : vector<16xi1>, vector<16xf32>
        %parallel_loop3A_785 = arith.select %parallel_loop3A_783, %parallel_loop3A_763, %parallel_loop3A_751 : vector<16xi1>, vector<16xi32>
        %parallel_loop3A_786 = arith.index_cast %parallel_loop3A_762 : i32 to index
        %parallel_loop3A_787 = arith.index_cast %parallel_loop3A_32 : i32 to index
        %parallel_loop3A_788 = tpu.vector_load %arg6[%parallel_loop3A_786, %parallel_loop3A_787] {strides = array<i32>} : memref<64x256xf32, #tpu.memory_space<vmem>>, vector<16xf32>,
        %parallel_loop3A_789 = arith.addf %parallel_loop3A_788, %parallel_loop3A_764 : vector<16xf32>
        %parallel_loop3A_790 = arith.cmpf olt, %parallel_loop3A_789, %parallel_loop3A_757 : vector<16xf32>
        %parallel_loop3A_791 = arith.select %parallel_loop3A_790, %parallel_loop3A_789, %parallel_loop3A_757 : vector<16xi1>, vector<16xf32>
        %parallel_loop3A_792 = arith.select %parallel_loop3A_790, %parallel_loop3A_763, %parallel_loop3A_758 : vector<16xi1>, vector<16xi32>
        %parallel_loop3A_793 = arith.constant 4 : i32
        %parallel_loop3A_794 = arith.muli %scan3A, %parallel_loop3A_793 : i32
        %parallel_loop3A_795 = arith.constant 2 : i32
        %parallel_loop3A_796 = arith.addi %parallel_loop3A_794, %parallel_loop3A_795 : i32
        %parallel_loop3A_797 = vector.broadcast %parallel_loop3A_796 : i32 to vector<16xi32>
        %parallel_loop3A_798 = tpu.vector_load_idx %arg7[%parallel_loop3A_797] : memref<64xf32, #tpu.memory_space<vmem>>[vector<16xi32>], vector<16xf32>,
        %parallel_loop3A_799 = arith.index_cast %parallel_loop3A_796 : i32 to index
        %parallel_loop3A_800 = arith.index_cast %parallel_loop3A_14 : i32 to index
        %parallel_loop3A_801 = tpu.vector_load %arg6[%parallel_loop3A_799, %parallel_loop3A_800] {strides = array<i32>} : memref<64x256xf32, #tpu.memory_space<vmem>>, vector<16xf32>,
        %parallel_loop3A_802 = arith.addf %parallel_loop3A_801, %parallel_loop3A_798 : vector<16xf32>
        %parallel_loop3A_803 = arith.cmpf olt, %parallel_loop3A_802, %parallel_loop3A_770 : vector<16xf32>
        %parallel_loop3A_804 = arith.select %parallel_loop3A_803, %parallel_loop3A_802, %parallel_loop3A_770 : vector<16xi1>, vector<16xf32>
        %parallel_loop3A_805 = arith.select %parallel_loop3A_803, %parallel_loop3A_797, %parallel_loop3A_771 : vector<16xi1>, vector<16xi32>
        %parallel_loop3A_806 = arith.index_cast %parallel_loop3A_796 : i32 to index
        %parallel_loop3A_807 = arith.index_cast %parallel_loop3A_20 : i32 to index
        %parallel_loop3A_808 = tpu.vector_load %arg6[%parallel_loop3A_806, %parallel_loop3A_807] {strides = array<i32>} : memref<64x256xf32, #tpu.memory_space<vmem>>, vector<16xf32>,
        %parallel_loop3A_809 = arith.addf %parallel_loop3A_808, %parallel_loop3A_798 : vector<16xf32>
        %parallel_loop3A_810 = arith.cmpf olt, %parallel_loop3A_809, %parallel_loop3A_777 : vector<16xf32>
        %parallel_loop3A_811 = arith.select %parallel_loop3A_810, %parallel_loop3A_809, %parallel_loop3A_777 : vector<16xi1>, vector<16xf32>
        %parallel_loop3A_812 = arith.select %parallel_loop3A_810, %parallel_loop3A_797, %parallel_loop3A_778 : vector<16xi1>, vector<16xi32>
        %parallel_loop3A_813 = arith.index_cast %parallel_loop3A_796 : i32 to index
        %parallel_loop3A_814 = arith.index_cast %parallel_loop3A_26 : i32 to index
        %parallel_loop3A_815 = tpu.vector_load %arg6[%parallel_loop3A_813, %parallel_loop3A_814] {strides = array<i32>} : memref<64x256xf32, #tpu.memory_space<vmem>>, vector<16xf32>,
        %parallel_loop3A_816 = arith.addf %parallel_loop3A_815, %parallel_loop3A_798 : vector<16xf32>
        %parallel_loop3A_817 = arith.cmpf olt, %parallel_loop3A_816, %parallel_loop3A_784 : vector<16xf32>
        %parallel_loop3A_818 = arith.select %parallel_loop3A_817, %parallel_loop3A_816, %parallel_loop3A_784 : vector<16xi1>, vector<16xf32>
        %parallel_loop3A_819 = arith.select %parallel_loop3A_817, %parallel_loop3A_797, %parallel_loop3A_785 : vector<16xi1>, vector<16xi32>
        %parallel_loop3A_820 = arith.index_cast %parallel_loop3A_796 : i32 to index
        %parallel_loop3A_821 = arith.index_cast %parallel_loop3A_32 : i32 to index
        %parallel_loop3A_822 = tpu.vector_load %arg6[%parallel_loop3A_820, %parallel_loop3A_821] {strides = array<i32>} : memref<64x256xf32, #tpu.memory_space<vmem>>, vector<16xf32>,
        %parallel_loop3A_823 = arith.addf %parallel_loop3A_822, %parallel_loop3A_798 : vector<16xf32>
        %parallel_loop3A_824 = arith.cmpf olt, %parallel_loop3A_823, %parallel_loop3A_791 : vector<16xf32>
        %parallel_loop3A_825 = arith.select %parallel_loop3A_824, %parallel_loop3A_823, %parallel_loop3A_791 : vector<16xi1>, vector<16xf32>
        %parallel_loop3A_826 = arith.select %parallel_loop3A_824, %parallel_loop3A_797, %parallel_loop3A_792 : vector<16xi1>, vector<16xi32>
        %parallel_loop3A_827 = arith.constant 4 : i32
        %parallel_loop3A_828 = arith.muli %scan3A, %parallel_loop3A_827 : i32
        %parallel_loop3A_829 = arith.constant 3 : i32
        %parallel_loop3A_830 = arith.addi %parallel_loop3A_828, %parallel_loop3A_829 : i32
        %parallel_loop3A_831 = vector.broadcast %parallel_loop3A_830 : i32 to vector<16xi32>
        %parallel_loop3A_832 = tpu.vector_load_idx %arg7[%parallel_loop3A_831] : memref<64xf32, #tpu.memory_space<vmem>>[vector<16xi32>], vector<16xf32>,
        %parallel_loop3A_833 = arith.index_cast %parallel_loop3A_830 : i32 to index
        %parallel_loop3A_834 = arith.index_cast %parallel_loop3A_14 : i32 to index
        %parallel_loop3A_835 = tpu.vector_load %arg6[%parallel_loop3A_833, %parallel_loop3A_834] {strides = array<i32>} : memref<64x256xf32, #tpu.memory_space<vmem>>, vector<16xf32>,
        %parallel_loop3A_836 = arith.addf %parallel_loop3A_835, %parallel_loop3A_832 : vector<16xf32>
        %parallel_loop3A_837 = arith.cmpf olt, %parallel_loop3A_836, %parallel_loop3A_804 : vector<16xf32>
        %parallel_loop3A_838 = arith.select %parallel_loop3A_837, %parallel_loop3A_836, %parallel_loop3A_804 : vector<16xi1>, vector<16xf32>
        %parallel_loop3A_839 = arith.select %parallel_loop3A_837, %parallel_loop3A_831, %parallel_loop3A_805 : vector<16xi1>, vector<16xi32>
        %parallel_loop3A_840 = arith.index_cast %parallel_loop3A_830 : i32 to index
        %parallel_loop3A_841 = arith.index_cast %parallel_loop3A_20 : i32 to index
        %parallel_loop3A_842 = tpu.vector_load %arg6[%parallel_loop3A_840, %parallel_loop3A_841] {strides = array<i32>} : memref<64x256xf32, #tpu.memory_space<vmem>>, vector<16xf32>,
        %parallel_loop3A_843 = arith.addf %parallel_loop3A_842, %parallel_loop3A_832 : vector<16xf32>
        %parallel_loop3A_844 = arith.cmpf olt, %parallel_loop3A_843, %parallel_loop3A_811 : vector<16xf32>
        %parallel_loop3A_845 = arith.select %parallel_loop3A_844, %parallel_loop3A_843, %parallel_loop3A_811 : vector<16xi1>, vector<16xf32>
        %parallel_loop3A_846 = arith.select %parallel_loop3A_844, %parallel_loop3A_831, %parallel_loop3A_812 : vector<16xi1>, vector<16xi32>
        %parallel_loop3A_847 = arith.index_cast %parallel_loop3A_830 : i32 to index
        %parallel_loop3A_848 = arith.index_cast %parallel_loop3A_26 : i32 to index
        %parallel_loop3A_849 = tpu.vector_load %arg6[%parallel_loop3A_847, %parallel_loop3A_848] {strides = array<i32>} : memref<64x256xf32, #tpu.memory_space<vmem>>, vector<16xf32>,
        %parallel_loop3A_850 = arith.addf %parallel_loop3A_849, %parallel_loop3A_832 : vector<16xf32>
        %parallel_loop3A_851 = arith.cmpf olt, %parallel_loop3A_850, %parallel_loop3A_818 : vector<16xf32>
        %parallel_loop3A_852 = arith.select %parallel_loop3A_851, %parallel_loop3A_850, %parallel_loop3A_818 : vector<16xi1>, vector<16xf32>
        %parallel_loop3A_853 = arith.select %parallel_loop3A_851, %parallel_loop3A_831, %parallel_loop3A_819 : vector<16xi1>, vector<16xi32>
        %parallel_loop3A_854 = arith.index_cast %parallel_loop3A_830 : i32 to index
        %parallel_loop3A_855 = arith.index_cast %parallel_loop3A_32 : i32 to index
        %parallel_loop3A_856 = tpu.vector_load %arg6[%parallel_loop3A_854, %parallel_loop3A_855] {strides = array<i32>} : memref<64x256xf32, #tpu.memory_space<vmem>>, vector<16xf32>,
        %parallel_loop3A_857 = arith.addf %parallel_loop3A_856, %parallel_loop3A_832 : vector<16xf32>
        %parallel_loop3A_858 = arith.cmpf olt, %parallel_loop3A_857, %parallel_loop3A_825 : vector<16xf32>
        %parallel_loop3A_859 = arith.select %parallel_loop3A_858, %parallel_loop3A_857, %parallel_loop3A_825 : vector<16xi1>, vector<16xf32>
        %parallel_loop3A_860 = arith.select %parallel_loop3A_858, %parallel_loop3A_831, %parallel_loop3A_826 : vector<16xi1>, vector<16xi32>
        scf.yield %parallel_loop3A_838, %parallel_loop3A_845, %parallel_loop3A_852, %parallel_loop3A_859, %parallel_loop3A_839, %parallel_loop3A_846, %parallel_loop3A_853, %parallel_loop3A_860 : vector<16xf32>, vector<16xf32>, vector<16xf32>, vector<16xf32>, vector<16xi32>, vector<16xi32>, vector<16xi32>, vector<16xi32>
      }
      %parallel_loop3A_146 = arith.constant 16 : i32
      %parallel_loop3A_147 = tpu.vector_load_idx %arg6[%parallel_loop3A_145#4, %parallel_loop3A_34] : memref<64x256xf32, #tpu.memory_space<vmem>>[vector<16xi32>, vector<16xi32>], vector<16xf32>,
      %parallel_loop3A_148 = arith.addf %parallel_loop3A_102, %parallel_loop3A_147 : vector<16xf32>
      %parallel_loop3A_149 = arith.constant 2 : i32
      %parallel_loop3A_150 = arith.index_cast %parallel_loop3A_149 : i32 to index
      %parallel_loop3A_151 = arith.index_cast %parallel_loop3A_14 : i32 to index
      %parallel_loop3A_152 = tpu.vector_load %arg8[%parallel_loop3A_150, %parallel_loop3A_151] {strides = array<i32>} : memref<8x256xi32, #tpu.memory_space<vmem>>, vector<16xi32>,
      tpu.vector_store %arg8[%parallel_loop3A_150, %parallel_loop3A_151], %parallel_loop3A_145#4 {strides = array<i32>} : memref<8x256xi32, #tpu.memory_space<vmem>>, vector<16xi32>,
      %parallel_loop3A_153 = arith.constant 2 : i32
      %parallel_loop3A_154 = arith.index_cast %parallel_loop3A_153 : i32 to index
      %parallel_loop3A_155 = arith.index_cast %parallel_loop3A_14 : i32 to index
      %parallel_loop3A_156 = tpu.vector_load %arg9[%parallel_loop3A_154, %parallel_loop3A_155] {strides = array<i32>} : memref<8x256xf32, #tpu.memory_space<vmem>>, vector<16xf32>,
      tpu.vector_store %arg9[%parallel_loop3A_154, %parallel_loop3A_155], %parallel_loop3A_147 {strides = array<i32>} : memref<8x256xf32, #tpu.memory_space<vmem>>, vector<16xf32>,
      tpu.vector_store_idx %arg6[%parallel_loop3A_145#4, %parallel_loop3A_34], %broadcast_in_dim3A_3 : memref<64x256xf32, #tpu.memory_space<vmem>>[vector<16xi32>, vector<16xi32>], vector<16xf32>,
      %parallel_loop3A_157 = tpu.vector_load_idx %arg6[%parallel_loop3A_145#5, %parallel_loop3A_36] : memref<64x256xf32, #tpu.memory_space<vmem>>[vector<16xi32>, vector<16xi32>], vector<16xf32>,
      %parallel_loop3A_158 = arith.addf %parallel_loop3A_112, %parallel_loop3A_157 : vector<16xf32>
      %parallel_loop3A_159 = arith.constant 2 : i32
      %parallel_loop3A_160 = arith.index_cast %parallel_loop3A_159 : i32 to index
      %parallel_loop3A_161 = arith.index_cast %parallel_loop3A_20 : i32 to index
      %parallel_loop3A_162 = tpu.vector_load %arg8[%parallel_loop3A_160, %parallel_loop3A_161] {strides = array<i32>} : memref<8x256xi32, #tpu.memory_space<vmem>>, vector<16xi32>,
      tpu.vector_store %arg8[%parallel_loop3A_160, %parallel_loop3A_161], %parallel_loop3A_145#5 {strides = array<i32>} : memref<8x256xi32, #tpu.memory_space<vmem>>, vector<16xi32>,
      %parallel_loop3A_163 = arith.constant 2 : i32
      %parallel_loop3A_164 = arith.index_cast %parallel_loop3A_163 : i32 to index
      %parallel_loop3A_165 = arith.index_cast %parallel_loop3A_20 : i32 to index
      %parallel_loop3A_166 = tpu.vector_load %arg9[%parallel_loop3A_164, %parallel_loop3A_165] {strides = array<i32>} : memref<8x256xf32, #tpu.memory_space<vmem>>, vector<16xf32>,
      tpu.vector_store %arg9[%parallel_loop3A_164, %parallel_loop3A_165], %parallel_loop3A_157 {strides = array<i32>} : memref<8x256xf32, #tpu.memory_space<vmem>>, vector<16xf32>,
      tpu.vector_store_idx %arg6[%parallel_loop3A_145#5, %parallel_loop3A_36], %broadcast_in_dim3A_3 : memref<64x256xf32, #tpu.memory_space<vmem>>[vector<16xi32>, vector<16xi32>], vector<16xf32>,
      %parallel_loop3A_167 = tpu.vector_load_idx %arg6[%parallel_loop3A_145#6, %parallel_loop3A_38] : memref<64x256xf32, #tpu.memory_space<vmem>>[vector<16xi32>, vector<16xi32>], vector<16xf32>,
      %parallel_loop3A_168 = arith.addf %parallel_loop3A_122, %parallel_loop3A_167 : vector<16xf32>
      %parallel_loop3A_169 = arith.constant 2 : i32
      %parallel_loop3A_170 = arith.index_cast %parallel_loop3A_169 : i32 to index
      %parallel_loop3A_171 = arith.index_cast %parallel_loop3A_26 : i32 to index
      %parallel_loop3A_172 = tpu.vector_load %arg8[%parallel_loop3A_170, %parallel_loop3A_171] {strides = array<i32>} : memref<8x256xi32, #tpu.memory_space<vmem>>, vector<16xi32>,
      tpu.vector_store %arg8[%parallel_loop3A_170, %parallel_loop3A_171], %parallel_loop3A_145#6 {strides = array<i32>} : memref<8x256xi32, #tpu.memory_space<vmem>>, vector<16xi32>,
      %parallel_loop3A_173 = arith.constant 2 : i32
      %parallel_loop3A_174 = arith.index_cast %parallel_loop3A_173 : i32 to index
      %parallel_loop3A_175 = arith.index_cast %parallel_loop3A_26 : i32 to index
      %parallel_loop3A_176 = tpu.vector_load %arg9[%parallel_loop3A_174, %parallel_loop3A_175] {strides = array<i32>} : memref<8x256xf32, #tpu.memory_space<vmem>>, vector<16xf32>,
      tpu.vector_store %arg9[%parallel_loop3A_174, %parallel_loop3A_175], %parallel_loop3A_167 {strides = array<i32>} : memref<8x256xf32, #tpu.memory_space<vmem>>, vector<16xf32>,
      tpu.vector_store_idx %arg6[%parallel_loop3A_145#6, %parallel_loop3A_38], %broadcast_in_dim3A_3 : memref<64x256xf32, #tpu.memory_space<vmem>>[vector<16xi32>, vector<16xi32>], vector<16xf32>,
      %parallel_loop3A_177 = tpu.vector_load_idx %arg6[%parallel_loop3A_145#7, %parallel_loop3A_40] : memref<64x256xf32, #tpu.memory_space<vmem>>[vector<16xi32>, vector<16xi32>], vector<16xf32>,
      %parallel_loop3A_178 = arith.addf %parallel_loop3A_132, %parallel_loop3A_177 : vector<16xf32>
      %parallel_loop3A_179 = arith.constant 2 : i32
      %parallel_loop3A_180 = arith.index_cast %parallel_loop3A_179 : i32 to index
      %parallel_loop3A_181 = arith.index_cast %parallel_loop3A_32 : i32 to index
      %parallel_loop3A_182 = tpu.vector_load %arg8[%parallel_loop3A_180, %parallel_loop3A_181] {strides = array<i32>} : memref<8x256xi32, #tpu.memory_space<vmem>>, vector<16xi32>,
      tpu.vector_store %arg8[%parallel_loop3A_180, %parallel_loop3A_181], %parallel_loop3A_145#7 {strides = array<i32>} : memref<8x256xi32, #tpu.memory_space<vmem>>, vector<16xi32>,
      %parallel_loop3A_183 = arith.constant 2 : i32
      %parallel_loop3A_184 = arith.index_cast %parallel_loop3A_183 : i32 to index
      %parallel_loop3A_185 = arith.index_cast %parallel_loop3A_32 : i32 to index
      %parallel_loop3A_186 = tpu.vector_load %arg9[%parallel_loop3A_184, %parallel_loop3A_185] {strides = array<i32>} : memref<8x256xf32, #tpu.memory_space<vmem>>, vector<16xf32>,
      tpu.vector_store %arg9[%parallel_loop3A_184, %parallel_loop3A_185], %parallel_loop3A_177 {strides = array<i32>} : memref<8x256xf32, #tpu.memory_space<vmem>>, vector<16xf32>,
      tpu.vector_store_idx %arg6[%parallel_loop3A_145#7, %parallel_loop3A_40], %broadcast_in_dim3A_3 : memref<64x256xf32, #tpu.memory_space<vmem>>[vector<16xi32>, vector<16xi32>], vector<16xf32>,
      %parallel_loop3A_187 = arith.constant 0 : i32
      %parallel_loop3A_188 = arith.constant 16 : i32
      %parallel_loop3A_189 = arith.addi %parallel_loop3A_187, %parallel_loop3A_188 : i32
      %parallel_loop3A_190 = arith.constant 1 : i32
      %parallel_loop3A_191:8 = scf.for %scan3A = %parallel_loop3A_187 to %parallel_loop3A_189 step %parallel_loop3A_190 iter_args(%scan3A_717 = %broadcast_in_dim3A_3, %scan3A_718 = %broadcast_in_dim3A_3, %scan3A_719 = %broadcast_in_dim3A_3, %scan3A_720 = %broadcast_in_dim3A_3, %scan3A_721 = %broadcast_in_dim3A_5, %scan3A_722 = %broadcast_in_dim3A_5, %scan3A_723 = %broadcast_in_dim3A_5, %scan3A_724 = %broadcast_in_dim3A_5) -> (vector<16xf32>, vector<16xf32>, vector<16xf32>, vector<16xf32>, vector<16xi32>, vector<16xi32>, vector<16xi32>, vector<16xi32>)  : i32 {
        %parallel_loop3A_725 = arith.constant 4 : i32
        %parallel_loop3A_726 = arith.muli %scan3A, %parallel_loop3A_725 : i32
        %parallel_loop3A_727 = arith.constant 0 : i32
        %parallel_loop3A_728 = arith.addi %parallel_loop3A_726, %parallel_loop3A_727 : i32
        %parallel_loop3A_729 = vector.broadcast %parallel_loop3A_728 : i32 to vector<16xi32>
        %parallel_loop3A_730 = tpu.vector_load_idx %arg7[%parallel_loop3A_729] : memref<64xf32, #tpu.memory_space<vmem>>[vector<16xi32>], vector<16xf32>,
        %parallel_loop3A_731 = arith.index_cast %parallel_loop3A_728 : i32 to index
        %parallel_loop3A_732 = arith.index_cast %parallel_loop3A_14 : i32 to index
        %parallel_loop3A_733 = tpu.vector_load %arg6[%parallel_loop3A_731, %parallel_loop3A_732] {strides = array<i32>} : memref<64x256xf32, #tpu.memory_space<vmem>>, vector<16xf32>,
        %parallel_loop3A_734 = arith.addf %parallel_loop3A_733, %parallel_loop3A_730 : vector<16xf32>
        %parallel_loop3A_735 = arith.cmpf olt, %parallel_loop3A_734, %scan3A_717 : vector<16xf32>
        %parallel_loop3A_736 = arith.select %parallel_loop3A_735, %parallel_loop3A_734, %scan3A_717 : vector<16xi1>, vector<16xf32>
        %parallel_loop3A_737 = arith.select %parallel_loop3A_735, %parallel_loop3A_729, %scan3A_721 : vector<16xi1>, vector<16xi32>
        %parallel_loop3A_738 = arith.index_cast %parallel_loop3A_728 : i32 to index
        %parallel_loop3A_739 = arith.index_cast %parallel_loop3A_20 : i32 to index
        %parallel_loop3A_740 = tpu.vector_load %arg6[%parallel_loop3A_738, %parallel_loop3A_739] {strides = array<i32>} : memref<64x256xf32, #tpu.memory_space<vmem>>, vector<16xf32>,
        %parallel_loop3A_741 = arith.addf %parallel_loop3A_740, %parallel_loop3A_730 : vector<16xf32>
        %parallel_loop3A_742 = arith.cmpf olt, %parallel_loop3A_741, %scan3A_718 : vector<16xf32>
        %parallel_loop3A_743 = arith.select %parallel_loop3A_742, %parallel_loop3A_741, %scan3A_718 : vector<16xi1>, vector<16xf32>
        %parallel_loop3A_744 = arith.select %parallel_loop3A_742, %parallel_loop3A_729, %scan3A_722 : vector<16xi1>, vector<16xi32>
        %parallel_loop3A_745 = arith.index_cast %parallel_loop3A_728 : i32 to index
        %parallel_loop3A_746 = arith.index_cast %parallel_loop3A_26 : i32 to index
        %parallel_loop3A_747 = tpu.vector_load %arg6[%parallel_loop3A_745, %parallel_loop3A_746] {strides = array<i32>} : memref<64x256xf32, #tpu.memory_space<vmem>>, vector<16xf32>,
        %parallel_loop3A_748 = arith.addf %parallel_loop3A_747, %parallel_loop3A_730 : vector<16xf32>
        %parallel_loop3A_749 = arith.cmpf olt, %parallel_loop3A_748, %scan3A_719 : vector<16xf32>
        %parallel_loop3A_750 = arith.select %parallel_loop3A_749, %parallel_loop3A_748, %scan3A_719 : vector<16xi1>, vector<16xf32>
        %parallel_loop3A_751 = arith.select %parallel_loop3A_749, %parallel_loop3A_729, %scan3A_723 : vector<16xi1>, vector<16xi32>
        %parallel_loop3A_752 = arith.index_cast %parallel_loop3A_728 : i32 to index
        %parallel_loop3A_753 = arith.index_cast %parallel_loop3A_32 : i32 to index
        %parallel_loop3A_754 = tpu.vector_load %arg6[%parallel_loop3A_752, %parallel_loop3A_753] {strides = array<i32>} : memref<64x256xf32, #tpu.memory_space<vmem>>, vector<16xf32>,
        %parallel_loop3A_755 = arith.addf %parallel_loop3A_754, %parallel_loop3A_730 : vector<16xf32>
        %parallel_loop3A_756 = arith.cmpf olt, %parallel_loop3A_755, %scan3A_720 : vector<16xf32>
        %parallel_loop3A_757 = arith.select %parallel_loop3A_756, %parallel_loop3A_755, %scan3A_720 : vector<16xi1>, vector<16xf32>
        %parallel_loop3A_758 = arith.select %parallel_loop3A_756, %parallel_loop3A_729, %scan3A_724 : vector<16xi1>, vector<16xi32>
        %parallel_loop3A_759 = arith.constant 4 : i32
        %parallel_loop3A_760 = arith.muli %scan3A, %parallel_loop3A_759 : i32
        %parallel_loop3A_761 = arith.constant 1 : i32
        %parallel_loop3A_762 = arith.addi %parallel_loop3A_760, %parallel_loop3A_761 : i32
        %parallel_loop3A_763 = vector.broadcast %parallel_loop3A_762 : i32 to vector<16xi32>
        %parallel_loop3A_764 = tpu.vector_load_idx %arg7[%parallel_loop3A_763] : memref<64xf32, #tpu.memory_space<vmem>>[vector<16xi32>], vector<16xf32>,
        %parallel_loop3A_765 = arith.index_cast %parallel_loop3A_762 : i32 to index
        %parallel_loop3A_766 = arith.index_cast %parallel_loop3A_14 : i32 to index
        %parallel_loop3A_767 = tpu.vector_load %arg6[%parallel_loop3A_765, %parallel_loop3A_766] {strides = array<i32>} : memref<64x256xf32, #tpu.memory_space<vmem>>, vector<16xf32>,
        %parallel_loop3A_768 = arith.addf %parallel_loop3A_767, %parallel_loop3A_764 : vector<16xf32>
        %parallel_loop3A_769 = arith.cmpf olt, %parallel_loop3A_768, %parallel_loop3A_736 : vector<16xf32>
        %parallel_loop3A_770 = arith.select %parallel_loop3A_769, %parallel_loop3A_768, %parallel_loop3A_736 : vector<16xi1>, vector<16xf32>
        %parallel_loop3A_771 = arith.select %parallel_loop3A_769, %parallel_loop3A_763, %parallel_loop3A_737 : vector<16xi1>, vector<16xi32>
        %parallel_loop3A_772 = arith.index_cast %parallel_loop3A_762 : i32 to index
        %parallel_loop3A_773 = arith.index_cast %parallel_loop3A_20 : i32 to index
        %parallel_loop3A_774 = tpu.vector_load %arg6[%parallel_loop3A_772, %parallel_loop3A_773] {strides = array<i32>} : memref<64x256xf32, #tpu.memory_space<vmem>>, vector<16xf32>,
        %parallel_loop3A_775 = arith.addf %parallel_loop3A_774, %parallel_loop3A_764 : vector<16xf32>
        %parallel_loop3A_776 = arith.cmpf olt, %parallel_loop3A_775, %parallel_loop3A_743 : vector<16xf32>
        %parallel_loop3A_777 = arith.select %parallel_loop3A_776, %parallel_loop3A_775, %parallel_loop3A_743 : vector<16xi1>, vector<16xf32>
        %parallel_loop3A_778 = arith.select %parallel_loop3A_776, %parallel_loop3A_763, %parallel_loop3A_744 : vector<16xi1>, vector<16xi32>
        %parallel_loop3A_779 = arith.index_cast %parallel_loop3A_762 : i32 to index
        %parallel_loop3A_780 = arith.index_cast %parallel_loop3A_26 : i32 to index
        %parallel_loop3A_781 = tpu.vector_load %arg6[%parallel_loop3A_779, %parallel_loop3A_780] {strides = array<i32>} : memref<64x256xf32, #tpu.memory_space<vmem>>, vector<16xf32>,
        %parallel_loop3A_782 = arith.addf %parallel_loop3A_781, %parallel_loop3A_764 : vector<16xf32>
        %parallel_loop3A_783 = arith.cmpf olt, %parallel_loop3A_782, %parallel_loop3A_750 : vector<16xf32>
        %parallel_loop3A_784 = arith.select %parallel_loop3A_783, %parallel_loop3A_782, %parallel_loop3A_750 : vector<16xi1>, vector<16xf32>
        %parallel_loop3A_785 = arith.select %parallel_loop3A_783, %parallel_loop3A_763, %parallel_loop3A_751 : vector<16xi1>, vector<16xi32>
        %parallel_loop3A_786 = arith.index_cast %parallel_loop3A_762 : i32 to index
        %parallel_loop3A_787 = arith.index_cast %parallel_loop3A_32 : i32 to index
        %parallel_loop3A_788 = tpu.vector_load %arg6[%parallel_loop3A_786, %parallel_loop3A_787] {strides = array<i32>} : memref<64x256xf32, #tpu.memory_space<vmem>>, vector<16xf32>,
        %parallel_loop3A_789 = arith.addf %parallel_loop3A_788, %parallel_loop3A_764 : vector<16xf32>
        %parallel_loop3A_790 = arith.cmpf olt, %parallel_loop3A_789, %parallel_loop3A_757 : vector<16xf32>
        %parallel_loop3A_791 = arith.select %parallel_loop3A_790, %parallel_loop3A_789, %parallel_loop3A_757 : vector<16xi1>, vector<16xf32>
        %parallel_loop3A_792 = arith.select %parallel_loop3A_790, %parallel_loop3A_763, %parallel_loop3A_758 : vector<16xi1>, vector<16xi32>
        %parallel_loop3A_793 = arith.constant 4 : i32
        %parallel_loop3A_794 = arith.muli %scan3A, %parallel_loop3A_793 : i32
        %parallel_loop3A_795 = arith.constant 2 : i32
        %parallel_loop3A_796 = arith.addi %parallel_loop3A_794, %parallel_loop3A_795 : i32
        %parallel_loop3A_797 = vector.broadcast %parallel_loop3A_796 : i32 to vector<16xi32>
        %parallel_loop3A_798 = tpu.vector_load_idx %arg7[%parallel_loop3A_797] : memref<64xf32, #tpu.memory_space<vmem>>[vector<16xi32>], vector<16xf32>,
        %parallel_loop3A_799 = arith.index_cast %parallel_loop3A_796 : i32 to index
        %parallel_loop3A_800 = arith.index_cast %parallel_loop3A_14 : i32 to index
        %parallel_loop3A_801 = tpu.vector_load %arg6[%parallel_loop3A_799, %parallel_loop3A_800] {strides = array<i32>} : memref<64x256xf32, #tpu.memory_space<vmem>>, vector<16xf32>,
        %parallel_loop3A_802 = arith.addf %parallel_loop3A_801, %parallel_loop3A_798 : vector<16xf32>
        %parallel_loop3A_803 = arith.cmpf olt, %parallel_loop3A_802, %parallel_loop3A_770 : vector<16xf32>
        %parallel_loop3A_804 = arith.select %parallel_loop3A_803, %parallel_loop3A_802, %parallel_loop3A_770 : vector<16xi1>, vector<16xf32>
        %parallel_loop3A_805 = arith.select %parallel_loop3A_803, %parallel_loop3A_797, %parallel_loop3A_771 : vector<16xi1>, vector<16xi32>
        %parallel_loop3A_806 = arith.index_cast %parallel_loop3A_796 : i32 to index
        %parallel_loop3A_807 = arith.index_cast %parallel_loop3A_20 : i32 to index
        %parallel_loop3A_808 = tpu.vector_load %arg6[%parallel_loop3A_806, %parallel_loop3A_807] {strides = array<i32>} : memref<64x256xf32, #tpu.memory_space<vmem>>, vector<16xf32>,
        %parallel_loop3A_809 = arith.addf %parallel_loop3A_808, %parallel_loop3A_798 : vector<16xf32>
        %parallel_loop3A_810 = arith.cmpf olt, %parallel_loop3A_809, %parallel_loop3A_777 : vector<16xf32>
        %parallel_loop3A_811 = arith.select %parallel_loop3A_810, %parallel_loop3A_809, %parallel_loop3A_777 : vector<16xi1>, vector<16xf32>
        %parallel_loop3A_812 = arith.select %parallel_loop3A_810, %parallel_loop3A_797, %parallel_loop3A_778 : vector<16xi1>, vector<16xi32>
        %parallel_loop3A_813 = arith.index_cast %parallel_loop3A_796 : i32 to index
        %parallel_loop3A_814 = arith.index_cast %parallel_loop3A_26 : i32 to index
        %parallel_loop3A_815 = tpu.vector_load %arg6[%parallel_loop3A_813, %parallel_loop3A_814] {strides = array<i32>} : memref<64x256xf32, #tpu.memory_space<vmem>>, vector<16xf32>,
        %parallel_loop3A_816 = arith.addf %parallel_loop3A_815, %parallel_loop3A_798 : vector<16xf32>
        %parallel_loop3A_817 = arith.cmpf olt, %parallel_loop3A_816, %parallel_loop3A_784 : vector<16xf32>
        %parallel_loop3A_818 = arith.select %parallel_loop3A_817, %parallel_loop3A_816, %parallel_loop3A_784 : vector<16xi1>, vector<16xf32>
        %parallel_loop3A_819 = arith.select %parallel_loop3A_817, %parallel_loop3A_797, %parallel_loop3A_785 : vector<16xi1>, vector<16xi32>
        %parallel_loop3A_820 = arith.index_cast %parallel_loop3A_796 : i32 to index
        %parallel_loop3A_821 = arith.index_cast %parallel_loop3A_32 : i32 to index
        %parallel_loop3A_822 = tpu.vector_load %arg6[%parallel_loop3A_820, %parallel_loop3A_821] {strides = array<i32>} : memref<64x256xf32, #tpu.memory_space<vmem>>, vector<16xf32>,
        %parallel_loop3A_823 = arith.addf %parallel_loop3A_822, %parallel_loop3A_798 : vector<16xf32>
        %parallel_loop3A_824 = arith.cmpf olt, %parallel_loop3A_823, %parallel_loop3A_791 : vector<16xf32>
        %parallel_loop3A_825 = arith.select %parallel_loop3A_824, %parallel_loop3A_823, %parallel_loop3A_791 : vector<16xi1>, vector<16xf32>
        %parallel_loop3A_826 = arith.select %parallel_loop3A_824, %parallel_loop3A_797, %parallel_loop3A_792 : vector<16xi1>, vector<16xi32>
        %parallel_loop3A_827 = arith.constant 4 : i32
        %parallel_loop3A_828 = arith.muli %scan3A, %parallel_loop3A_827 : i32
        %parallel_loop3A_829 = arith.constant 3 : i32
        %parallel_loop3A_830 = arith.addi %parallel_loop3A_828, %parallel_loop3A_829 : i32
        %parallel_loop3A_831 = vector.broadcast %parallel_loop3A_830 : i32 to vector<16xi32>
        %parallel_loop3A_832 = tpu.vector_load_idx %arg7[%parallel_loop3A_831] : memref<64xf32, #tpu.memory_space<vmem>>[vector<16xi32>], vector<16xf32>,
        %parallel_loop3A_833 = arith.index_cast %parallel_loop3A_830 : i32 to index
        %parallel_loop3A_834 = arith.index_cast %parallel_loop3A_14 : i32 to index
        %parallel_loop3A_835 = tpu.vector_load %arg6[%parallel_loop3A_833, %parallel_loop3A_834] {strides = array<i32>} : memref<64x256xf32, #tpu.memory_space<vmem>>, vector<16xf32>,
        %parallel_loop3A_836 = arith.addf %parallel_loop3A_835, %parallel_loop3A_832 : vector<16xf32>
        %parallel_loop3A_837 = arith.cmpf olt, %parallel_loop3A_836, %parallel_loop3A_804 : vector<16xf32>
        %parallel_loop3A_838 = arith.select %parallel_loop3A_837, %parallel_loop3A_836, %parallel_loop3A_804 : vector<16xi1>, vector<16xf32>
        %parallel_loop3A_839 = arith.select %parallel_loop3A_837, %parallel_loop3A_831, %parallel_loop3A_805 : vector<16xi1>, vector<16xi32>
        %parallel_loop3A_840 = arith.index_cast %parallel_loop3A_830 : i32 to index
        %parallel_loop3A_841 = arith.index_cast %parallel_loop3A_20 : i32 to index
        %parallel_loop3A_842 = tpu.vector_load %arg6[%parallel_loop3A_840, %parallel_loop3A_841] {strides = array<i32>} : memref<64x256xf32, #tpu.memory_space<vmem>>, vector<16xf32>,
        %parallel_loop3A_843 = arith.addf %parallel_loop3A_842, %parallel_loop3A_832 : vector<16xf32>
        %parallel_loop3A_844 = arith.cmpf olt, %parallel_loop3A_843, %parallel_loop3A_811 : vector<16xf32>
        %parallel_loop3A_845 = arith.select %parallel_loop3A_844, %parallel_loop3A_843, %parallel_loop3A_811 : vector<16xi1>, vector<16xf32>
        %parallel_loop3A_846 = arith.select %parallel_loop3A_844, %parallel_loop3A_831, %parallel_loop3A_812 : vector<16xi1>, vector<16xi32>
        %parallel_loop3A_847 = arith.index_cast %parallel_loop3A_830 : i32 to index
        %parallel_loop3A_848 = arith.index_cast %parallel_loop3A_26 : i32 to index
        %parallel_loop3A_849 = tpu.vector_load %arg6[%parallel_loop3A_847, %parallel_loop3A_848] {strides = array<i32>} : memref<64x256xf32, #tpu.memory_space<vmem>>, vector<16xf32>,
        %parallel_loop3A_850 = arith.addf %parallel_loop3A_849, %parallel_loop3A_832 : vector<16xf32>
        %parallel_loop3A_851 = arith.cmpf olt, %parallel_loop3A_850, %parallel_loop3A_818 : vector<16xf32>
        %parallel_loop3A_852 = arith.select %parallel_loop3A_851, %parallel_loop3A_850, %parallel_loop3A_818 : vector<16xi1>, vector<16xf32>
        %parallel_loop3A_853 = arith.select %parallel_loop3A_851, %parallel_loop3A_831, %parallel_loop3A_819 : vector<16xi1>, vector<16xi32>
        %parallel_loop3A_854 = arith.index_cast %parallel_loop3A_830 : i32 to index
        %parallel_loop3A_855 = arith.index_cast %parallel_loop3A_32 : i32 to index
        %parallel_loop3A_856 = tpu.vector_load %arg6[%parallel_loop3A_854, %parallel_loop3A_855] {strides = array<i32>} : memref<64x256xf32, #tpu.memory_space<vmem>>, vector<16xf32>,
        %parallel_loop3A_857 = arith.addf %parallel_loop3A_856, %parallel_loop3A_832 : vector<16xf32>
        %parallel_loop3A_858 = arith.cmpf olt, %parallel_loop3A_857, %parallel_loop3A_825 : vector<16xf32>
        %parallel_loop3A_859 = arith.select %parallel_loop3A_858, %parallel_loop3A_857, %parallel_loop3A_825 : vector<16xi1>, vector<16xf32>
        %parallel_loop3A_860 = arith.select %parallel_loop3A_858, %parallel_loop3A_831, %parallel_loop3A_826 : vector<16xi1>, vector<16xi32>
        scf.yield %parallel_loop3A_838, %parallel_loop3A_845, %parallel_loop3A_852, %parallel_loop3A_859, %parallel_loop3A_839, %parallel_loop3A_846, %parallel_loop3A_853, %parallel_loop3A_860 : vector<16xf32>, vector<16xf32>, vector<16xf32>, vector<16xf32>, vector<16xi32>, vector<16xi32>, vector<16xi32>, vector<16xi32>
      }
      %parallel_loop3A_192 = arith.constant 16 : i32
      %parallel_loop3A_193 = tpu.vector_load_idx %arg6[%parallel_loop3A_191#4, %parallel_loop3A_34] : memref<64x256xf32, #tpu.memory_space<vmem>>[vector<16xi32>, vector<16xi32>], vector<16xf32>,
      %parallel_loop3A_194 = arith.addf %parallel_loop3A_148, %parallel_loop3A_193 : vector<16xf32>
      %parallel_loop3A_195 = arith.constant 3 : i32
      %parallel_loop3A_196 = arith.index_cast %parallel_loop3A_195 : i32 to index
      %parallel_loop3A_197 = arith.index_cast %parallel_loop3A_14 : i32 to index
      %parallel_loop3A_198 = tpu.vector_load %arg8[%parallel_loop3A_196, %parallel_loop3A_197] {strides = array<i32>} : memref<8x256xi32, #tpu.memory_space<vmem>>, vector<16xi32>,
      tpu.vector_store %arg8[%parallel_loop3A_196, %parallel_loop3A_197], %parallel_loop3A_191#4 {strides = array<i32>} : memref<8x256xi32, #tpu.memory_space<vmem>>, vector<16xi32>,
      %parallel_loop3A_199 = arith.constant 3 : i32
      %parallel_loop3A_200 = arith.index_cast %parallel_loop3A_199 : i32 to index
      %parallel_loop3A_201 = arith.index_cast %parallel_loop3A_14 : i32 to index
      %parallel_loop3A_202 = tpu.vector_load %arg9[%parallel_loop3A_200, %parallel_loop3A_201] {strides = array<i32>} : memref<8x256xf32, #tpu.memory_space<vmem>>, vector<16xf32>,
      tpu.vector_store %arg9[%parallel_loop3A_200, %parallel_loop3A_201], %parallel_loop3A_193 {strides = array<i32>} : memref<8x256xf32, #tpu.memory_space<vmem>>, vector<16xf32>,
      tpu.vector_store_idx %arg6[%parallel_loop3A_191#4, %parallel_loop3A_34], %broadcast_in_dim3A_3 : memref<64x256xf32, #tpu.memory_space<vmem>>[vector<16xi32>, vector<16xi32>], vector<16xf32>,
      %parallel_loop3A_203 = tpu.vector_load_idx %arg6[%parallel_loop3A_191#5, %parallel_loop3A_36] : memref<64x256xf32, #tpu.memory_space<vmem>>[vector<16xi32>, vector<16xi32>], vector<16xf32>,
      %parallel_loop3A_204 = arith.addf %parallel_loop3A_158, %parallel_loop3A_203 : vector<16xf32>
      %parallel_loop3A_205 = arith.constant 3 : i32
      %parallel_loop3A_206 = arith.index_cast %parallel_loop3A_205 : i32 to index
      %parallel_loop3A_207 = arith.index_cast %parallel_loop3A_20 : i32 to index
      %parallel_loop3A_208 = tpu.vector_load %arg8[%parallel_loop3A_206, %parallel_loop3A_207] {strides = array<i32>} : memref<8x256xi32, #tpu.memory_space<vmem>>, vector<16xi32>,
      tpu.vector_store %arg8[%parallel_loop3A_206, %parallel_loop3A_207], %parallel_loop3A_191#5 {strides = array<i32>} : memref<8x256xi32, #tpu.memory_space<vmem>>, vector<16xi32>,
      %parallel_loop3A_209 = arith.constant 3 : i32
      %parallel_loop3A_210 = arith.index_cast %parallel_loop3A_209 : i32 to index
      %parallel_loop3A_211 = arith.index_cast %parallel_loop3A_20 : i32 to index
      %parallel_loop3A_212 = tpu.vector_load %arg9[%parallel_loop3A_210, %parallel_loop3A_211] {strides = array<i32>} : memref<8x256xf32, #tpu.memory_space<vmem>>, vector<16xf32>,
      tpu.vector_store %arg9[%parallel_loop3A_210, %parallel_loop3A_211], %parallel_loop3A_203 {strides = array<i32>} : memref<8x256xf32, #tpu.memory_space<vmem>>, vector<16xf32>,
      tpu.vector_store_idx %arg6[%parallel_loop3A_191#5, %parallel_loop3A_36], %broadcast_in_dim3A_3 : memref<64x256xf32, #tpu.memory_space<vmem>>[vector<16xi32>, vector<16xi32>], vector<16xf32>,
      %parallel_loop3A_213 = tpu.vector_load_idx %arg6[%parallel_loop3A_191#6, %parallel_loop3A_38] : memref<64x256xf32, #tpu.memory_space<vmem>>[vector<16xi32>, vector<16xi32>], vector<16xf32>,
      %parallel_loop3A_214 = arith.addf %parallel_loop3A_168, %parallel_loop3A_213 : vector<16xf32>
      %parallel_loop3A_215 = arith.constant 3 : i32
      %parallel_loop3A_216 = arith.index_cast %parallel_loop3A_215 : i32 to index
      %parallel_loop3A_217 = arith.index_cast %parallel_loop3A_26 : i32 to index
      %parallel_loop3A_218 = tpu.vector_load %arg8[%parallel_loop3A_216, %parallel_loop3A_217] {strides = array<i32>} : memref<8x256xi32, #tpu.memory_space<vmem>>, vector<16xi32>,
      tpu.vector_store %arg8[%parallel_loop3A_216, %parallel_loop3A_217], %parallel_loop3A_191#6 {strides = array<i32>} : memref<8x256xi32, #tpu.memory_space<vmem>>, vector<16xi32>,
      %parallel_loop3A_219 = arith.constant 3 : i32
      %parallel_loop3A_220 = arith.index_cast %parallel_loop3A_219 : i32 to index
      %parallel_loop3A_221 = arith.index_cast %parallel_loop3A_26 : i32 to index
      %parallel_loop3A_222 = tpu.vector_load %arg9[%parallel_loop3A_220, %parallel_loop3A_221] {strides = array<i32>} : memref<8x256xf32, #tpu.memory_space<vmem>>, vector<16xf32>,
      tpu.vector_store %arg9[%parallel_loop3A_220, %parallel_loop3A_221], %parallel_loop3A_213 {strides = array<i32>} : memref<8x256xf32, #tpu.memory_space<vmem>>, vector<16xf32>,
      tpu.vector_store_idx %arg6[%parallel_loop3A_191#6, %parallel_loop3A_38], %broadcast_in_dim3A_3 : memref<64x256xf32, #tpu.memory_space<vmem>>[vector<16xi32>, vector<16xi32>], vector<16xf32>,
      %parallel_loop3A_223 = tpu.vector_load_idx %arg6[%parallel_loop3A_191#7, %parallel_loop3A_40] : memref<64x256xf32, #tpu.memory_space<vmem>>[vector<16xi32>, vector<16xi32>], vector<16xf32>,
      %parallel_loop3A_224 = arith.addf %parallel_loop3A_178, %parallel_loop3A_223 : vector<16xf32>
      %parallel_loop3A_225 = arith.constant 3 : i32
      %parallel_loop3A_226 = arith.index_cast %parallel_loop3A_225 : i32 to index
      %parallel_loop3A_227 = arith.index_cast %parallel_loop3A_32 : i32 to index
      %parallel_loop3A_228 = tpu.vector_load %arg8[%parallel_loop3A_226, %parallel_loop3A_227] {strides = array<i32>} : memref<8x256xi32, #tpu.memory_space<vmem>>, vector<16xi32>,
      tpu.vector_store %arg8[%parallel_loop3A_226, %parallel_loop3A_227], %parallel_loop3A_191#7 {strides = array<i32>} : memref<8x256xi32, #tpu.memory_space<vmem>>, vector<16xi32>,
      %parallel_loop3A_229 = arith.constant 3 : i32
      %parallel_loop3A_230 = arith.index_cast %parallel_loop3A_229 : i32 to index
      %parallel_loop3A_231 = arith.index_cast %parallel_loop3A_32 : i32 to index
      %parallel_loop3A_232 = tpu.vector_load %arg9[%parallel_loop3A_230, %parallel_loop3A_231] {strides = array<i32>} : memref<8x256xf32, #tpu.memory_space<vmem>>, vector<16xf32>,
      tpu.vector_store %arg9[%parallel_loop3A_230, %parallel_loop3A_231], %parallel_loop3A_223 {strides = array<i32>} : memref<8x256xf32, #tpu.memory_space<vmem>>, vector<16xf32>,
      tpu.vector_store_idx %arg6[%parallel_loop3A_191#7, %parallel_loop3A_40], %broadcast_in_dim3A_3 : memref<64x256xf32, #tpu.memory_space<vmem>>[vector<16xi32>, vector<16xi32>], vector<16xf32>,
      %parallel_loop3A_233 = arith.constant 0 : i32
      %parallel_loop3A_234 = arith.constant 16 : i32
      %parallel_loop3A_235 = arith.addi %parallel_loop3A_233, %parallel_loop3A_234 : i32
      %parallel_loop3A_236 = arith.constant 1 : i32
      %parallel_loop3A_237:8 = scf.for %scan3A = %parallel_loop3A_233 to %parallel_loop3A_235 step %parallel_loop3A_236 iter_args(%scan3A_717 = %broadcast_in_dim3A_3, %scan3A_718 = %broadcast_in_dim3A_3, %scan3A_719 = %broadcast_in_dim3A_3, %scan3A_720 = %broadcast_in_dim3A_3, %scan3A_721 = %broadcast_in_dim3A_5, %scan3A_722 = %broadcast_in_dim3A_5, %scan3A_723 = %broadcast_in_dim3A_5, %scan3A_724 = %broadcast_in_dim3A_5) -> (vector<16xf32>, vector<16xf32>, vector<16xf32>, vector<16xf32>, vector<16xi32>, vector<16xi32>, vector<16xi32>, vector<16xi32>)  : i32 {
        %parallel_loop3A_725 = arith.constant 4 : i32
        %parallel_loop3A_726 = arith.muli %scan3A, %parallel_loop3A_725 : i32
        %parallel_loop3A_727 = arith.constant 0 : i32
        %parallel_loop3A_728 = arith.addi %parallel_loop3A_726, %parallel_loop3A_727 : i32
        %parallel_loop3A_729 = vector.broadcast %parallel_loop3A_728 : i32 to vector<16xi32>
        %parallel_loop3A_730 = tpu.vector_load_idx %arg7[%parallel_loop3A_729] : memref<64xf32, #tpu.memory_space<vmem>>[vector<16xi32>], vector<16xf32>,
        %parallel_loop3A_731 = arith.index_cast %parallel_loop3A_728 : i32 to index
        %parallel_loop3A_732 = arith.index_cast %parallel_loop3A_14 : i32 to index
        %parallel_loop3A_733 = tpu.vector_load %arg6[%parallel_loop3A_731, %parallel_loop3A_732] {strides = array<i32>} : memref<64x256xf32, #tpu.memory_space<vmem>>, vector<16xf32>,
        %parallel_loop3A_734 = arith.addf %parallel_loop3A_733, %parallel_loop3A_730 : vector<16xf32>
        %parallel_loop3A_735 = arith.cmpf olt, %parallel_loop3A_734, %scan3A_717 : vector<16xf32>
        %parallel_loop3A_736 = arith.select %parallel_loop3A_735, %parallel_loop3A_734, %scan3A_717 : vector<16xi1>, vector<16xf32>
        %parallel_loop3A_737 = arith.select %parallel_loop3A_735, %parallel_loop3A_729, %scan3A_721 : vector<16xi1>, vector<16xi32>
        %parallel_loop3A_738 = arith.index_cast %parallel_loop3A_728 : i32 to index
        %parallel_loop3A_739 = arith.index_cast %parallel_loop3A_20 : i32 to index
        %parallel_loop3A_740 = tpu.vector_load %arg6[%parallel_loop3A_738, %parallel_loop3A_739] {strides = array<i32>} : memref<64x256xf32, #tpu.memory_space<vmem>>, vector<16xf32>,
        %parallel_loop3A_741 = arith.addf %parallel_loop3A_740, %parallel_loop3A_730 : vector<16xf32>
        %parallel_loop3A_742 = arith.cmpf olt, %parallel_loop3A_741, %scan3A_718 : vector<16xf32>
        %parallel_loop3A_743 = arith.select %parallel_loop3A_742, %parallel_loop3A_741, %scan3A_718 : vector<16xi1>, vector<16xf32>
        %parallel_loop3A_744 = arith.select %parallel_loop3A_742, %parallel_loop3A_729, %scan3A_722 : vector<16xi1>, vector<16xi32>
        %parallel_loop3A_745 = arith.index_cast %parallel_loop3A_728 : i32 to index
        %parallel_loop3A_746 = arith.index_cast %parallel_loop3A_26 : i32 to index
        %parallel_loop3A_747 = tpu.vector_load %arg6[%parallel_loop3A_745, %parallel_loop3A_746] {strides = array<i32>} : memref<64x256xf32, #tpu.memory_space<vmem>>, vector<16xf32>,
        %parallel_loop3A_748 = arith.addf %parallel_loop3A_747, %parallel_loop3A_730 : vector<16xf32>
        %parallel_loop3A_749 = arith.cmpf olt, %parallel_loop3A_748, %scan3A_719 : vector<16xf32>
        %parallel_loop3A_750 = arith.select %parallel_loop3A_749, %parallel_loop3A_748, %scan3A_719 : vector<16xi1>, vector<16xf32>
        %parallel_loop3A_751 = arith.select %parallel_loop3A_749, %parallel_loop3A_729, %scan3A_723 : vector<16xi1>, vector<16xi32>
        %parallel_loop3A_752 = arith.index_cast %parallel_loop3A_728 : i32 to index
        %parallel_loop3A_753 = arith.index_cast %parallel_loop3A_32 : i32 to index
        %parallel_loop3A_754 = tpu.vector_load %arg6[%parallel_loop3A_752, %parallel_loop3A_753] {strides = array<i32>} : memref<64x256xf32, #tpu.memory_space<vmem>>, vector<16xf32>,
        %parallel_loop3A_755 = arith.addf %parallel_loop3A_754, %parallel_loop3A_730 : vector<16xf32>
        %parallel_loop3A_756 = arith.cmpf olt, %parallel_loop3A_755, %scan3A_720 : vector<16xf32>
        %parallel_loop3A_757 = arith.select %parallel_loop3A_756, %parallel_loop3A_755, %scan3A_720 : vector<16xi1>, vector<16xf32>
        %parallel_loop3A_758 = arith.select %parallel_loop3A_756, %parallel_loop3A_729, %scan3A_724 : vector<16xi1>, vector<16xi32>
        %parallel_loop3A_759 = arith.constant 4 : i32
        %parallel_loop3A_760 = arith.muli %scan3A, %parallel_loop3A_759 : i32
        %parallel_loop3A_761 = arith.constant 1 : i32
        %parallel_loop3A_762 = arith.addi %parallel_loop3A_760, %parallel_loop3A_761 : i32
        %parallel_loop3A_763 = vector.broadcast %parallel_loop3A_762 : i32 to vector<16xi32>
        %parallel_loop3A_764 = tpu.vector_load_idx %arg7[%parallel_loop3A_763] : memref<64xf32, #tpu.memory_space<vmem>>[vector<16xi32>], vector<16xf32>,
        %parallel_loop3A_765 = arith.index_cast %parallel_loop3A_762 : i32 to index
        %parallel_loop3A_766 = arith.index_cast %parallel_loop3A_14 : i32 to index
        %parallel_loop3A_767 = tpu.vector_load %arg6[%parallel_loop3A_765, %parallel_loop3A_766] {strides = array<i32>} : memref<64x256xf32, #tpu.memory_space<vmem>>, vector<16xf32>,
        %parallel_loop3A_768 = arith.addf %parallel_loop3A_767, %parallel_loop3A_764 : vector<16xf32>
        %parallel_loop3A_769 = arith.cmpf olt, %parallel_loop3A_768, %parallel_loop3A_736 : vector<16xf32>
        %parallel_loop3A_770 = arith.select %parallel_loop3A_769, %parallel_loop3A_768, %parallel_loop3A_736 : vector<16xi1>, vector<16xf32>
        %parallel_loop3A_771 = arith.select %parallel_loop3A_769, %parallel_loop3A_763, %parallel_loop3A_737 : vector<16xi1>, vector<16xi32>
        %parallel_loop3A_772 = arith.index_cast %parallel_loop3A_762 : i32 to index
        %parallel_loop3A_773 = arith.index_cast %parallel_loop3A_20 : i32 to index
        %parallel_loop3A_774 = tpu.vector_load %arg6[%parallel_loop3A_772, %parallel_loop3A_773] {strides = array<i32>} : memref<64x256xf32, #tpu.memory_space<vmem>>, vector<16xf32>,
        %parallel_loop3A_775 = arith.addf %parallel_loop3A_774, %parallel_loop3A_764 : vector<16xf32>
        %parallel_loop3A_776 = arith.cmpf olt, %parallel_loop3A_775, %parallel_loop3A_743 : vector<16xf32>
        %parallel_loop3A_777 = arith.select %parallel_loop3A_776, %parallel_loop3A_775, %parallel_loop3A_743 : vector<16xi1>, vector<16xf32>
        %parallel_loop3A_778 = arith.select %parallel_loop3A_776, %parallel_loop3A_763, %parallel_loop3A_744 : vector<16xi1>, vector<16xi32>
        %parallel_loop3A_779 = arith.index_cast %parallel_loop3A_762 : i32 to index
        %parallel_loop3A_780 = arith.index_cast %parallel_loop3A_26 : i32 to index
        %parallel_loop3A_781 = tpu.vector_load %arg6[%parallel_loop3A_779, %parallel_loop3A_780] {strides = array<i32>} : memref<64x256xf32, #tpu.memory_space<vmem>>, vector<16xf32>,
        %parallel_loop3A_782 = arith.addf %parallel_loop3A_781, %parallel_loop3A_764 : vector<16xf32>
        %parallel_loop3A_783 = arith.cmpf olt, %parallel_loop3A_782, %parallel_loop3A_750 : vector<16xf32>
        %parallel_loop3A_784 = arith.select %parallel_loop3A_783, %parallel_loop3A_782, %parallel_loop3A_750 : vector<16xi1>, vector<16xf32>
        %parallel_loop3A_785 = arith.select %parallel_loop3A_783, %parallel_loop3A_763, %parallel_loop3A_751 : vector<16xi1>, vector<16xi32>
        %parallel_loop3A_786 = arith.index_cast %parallel_loop3A_762 : i32 to index
        %parallel_loop3A_787 = arith.index_cast %parallel_loop3A_32 : i32 to index
        %parallel_loop3A_788 = tpu.vector_load %arg6[%parallel_loop3A_786, %parallel_loop3A_787] {strides = array<i32>} : memref<64x256xf32, #tpu.memory_space<vmem>>, vector<16xf32>,
        %parallel_loop3A_789 = arith.addf %parallel_loop3A_788, %parallel_loop3A_764 : vector<16xf32>
        %parallel_loop3A_790 = arith.cmpf olt, %parallel_loop3A_789, %parallel_loop3A_757 : vector<16xf32>
        %parallel_loop3A_791 = arith.select %parallel_loop3A_790, %parallel_loop3A_789, %parallel_loop3A_757 : vector<16xi1>, vector<16xf32>
        %parallel_loop3A_792 = arith.select %parallel_loop3A_790, %parallel_loop3A_763, %parallel_loop3A_758 : vector<16xi1>, vector<16xi32>
        %parallel_loop3A_793 = arith.constant 4 : i32
        %parallel_loop3A_794 = arith.muli %scan3A, %parallel_loop3A_793 : i32
        %parallel_loop3A_795 = arith.constant 2 : i32
        %parallel_loop3A_796 = arith.addi %parallel_loop3A_794, %parallel_loop3A_795 : i32
        %parallel_loop3A_797 = vector.broadcast %parallel_loop3A_796 : i32 to vector<16xi32>
        %parallel_loop3A_798 = tpu.vector_load_idx %arg7[%parallel_loop3A_797] : memref<64xf32, #tpu.memory_space<vmem>>[vector<16xi32>], vector<16xf32>,
        %parallel_loop3A_799 = arith.index_cast %parallel_loop3A_796 : i32 to index
        %parallel_loop3A_800 = arith.index_cast %parallel_loop3A_14 : i32 to index
        %parallel_loop3A_801 = tpu.vector_load %arg6[%parallel_loop3A_799, %parallel_loop3A_800] {strides = array<i32>} : memref<64x256xf32, #tpu.memory_space<vmem>>, vector<16xf32>,
        %parallel_loop3A_802 = arith.addf %parallel_loop3A_801, %parallel_loop3A_798 : vector<16xf32>
        %parallel_loop3A_803 = arith.cmpf olt, %parallel_loop3A_802, %parallel_loop3A_770 : vector<16xf32>
        %parallel_loop3A_804 = arith.select %parallel_loop3A_803, %parallel_loop3A_802, %parallel_loop3A_770 : vector<16xi1>, vector<16xf32>
        %parallel_loop3A_805 = arith.select %parallel_loop3A_803, %parallel_loop3A_797, %parallel_loop3A_771 : vector<16xi1>, vector<16xi32>
        %parallel_loop3A_806 = arith.index_cast %parallel_loop3A_796 : i32 to index
        %parallel_loop3A_807 = arith.index_cast %parallel_loop3A_20 : i32 to index
        %parallel_loop3A_808 = tpu.vector_load %arg6[%parallel_loop3A_806, %parallel_loop3A_807] {strides = array<i32>} : memref<64x256xf32, #tpu.memory_space<vmem>>, vector<16xf32>,
        %parallel_loop3A_809 = arith.addf %parallel_loop3A_808, %parallel_loop3A_798 : vector<16xf32>
        %parallel_loop3A_810 = arith.cmpf olt, %parallel_loop3A_809, %parallel_loop3A_777 : vector<16xf32>
        %parallel_loop3A_811 = arith.select %parallel_loop3A_810, %parallel_loop3A_809, %parallel_loop3A_777 : vector<16xi1>, vector<16xf32>
        %parallel_loop3A_812 = arith.select %parallel_loop3A_810, %parallel_loop3A_797, %parallel_loop3A_778 : vector<16xi1>, vector<16xi32>
        %parallel_loop3A_813 = arith.index_cast %parallel_loop3A_796 : i32 to index
        %parallel_loop3A_814 = arith.index_cast %parallel_loop3A_26 : i32 to index
        %parallel_loop3A_815 = tpu.vector_load %arg6[%parallel_loop3A_813, %parallel_loop3A_814] {strides = array<i32>} : memref<64x256xf32, #tpu.memory_space<vmem>>, vector<16xf32>,
        %parallel_loop3A_816 = arith.addf %parallel_loop3A_815, %parallel_loop3A_798 : vector<16xf32>
        %parallel_loop3A_817 = arith.cmpf olt, %parallel_loop3A_816, %parallel_loop3A_784 : vector<16xf32>
        %parallel_loop3A_818 = arith.select %parallel_loop3A_817, %parallel_loop3A_816, %parallel_loop3A_784 : vector<16xi1>, vector<16xf32>
        %parallel_loop3A_819 = arith.select %parallel_loop3A_817, %parallel_loop3A_797, %parallel_loop3A_785 : vector<16xi1>, vector<16xi32>
        %parallel_loop3A_820 = arith.index_cast %parallel_loop3A_796 : i32 to index
        %parallel_loop3A_821 = arith.index_cast %parallel_loop3A_32 : i32 to index
        %parallel_loop3A_822 = tpu.vector_load %arg6[%parallel_loop3A_820, %parallel_loop3A_821] {strides = array<i32>} : memref<64x256xf32, #tpu.memory_space<vmem>>, vector<16xf32>,
        %parallel_loop3A_823 = arith.addf %parallel_loop3A_822, %parallel_loop3A_798 : vector<16xf32>
        %parallel_loop3A_824 = arith.cmpf olt, %parallel_loop3A_823, %parallel_loop3A_791 : vector<16xf32>
        %parallel_loop3A_825 = arith.select %parallel_loop3A_824, %parallel_loop3A_823, %parallel_loop3A_791 : vector<16xi1>, vector<16xf32>
        %parallel_loop3A_826 = arith.select %parallel_loop3A_824, %parallel_loop3A_797, %parallel_loop3A_792 : vector<16xi1>, vector<16xi32>
        %parallel_loop3A_827 = arith.constant 4 : i32
        %parallel_loop3A_828 = arith.muli %scan3A, %parallel_loop3A_827 : i32
        %parallel_loop3A_829 = arith.constant 3 : i32
        %parallel_loop3A_830 = arith.addi %parallel_loop3A_828, %parallel_loop3A_829 : i32
        %parallel_loop3A_831 = vector.broadcast %parallel_loop3A_830 : i32 to vector<16xi32>
        %parallel_loop3A_832 = tpu.vector_load_idx %arg7[%parallel_loop3A_831] : memref<64xf32, #tpu.memory_space<vmem>>[vector<16xi32>], vector<16xf32>,
        %parallel_loop3A_833 = arith.index_cast %parallel_loop3A_830 : i32 to index
        %parallel_loop3A_834 = arith.index_cast %parallel_loop3A_14 : i32 to index
        %parallel_loop3A_835 = tpu.vector_load %arg6[%parallel_loop3A_833, %parallel_loop3A_834] {strides = array<i32>} : memref<64x256xf32, #tpu.memory_space<vmem>>, vector<16xf32>,
        %parallel_loop3A_836 = arith.addf %parallel_loop3A_835, %parallel_loop3A_832 : vector<16xf32>
        %parallel_loop3A_837 = arith.cmpf olt, %parallel_loop3A_836, %parallel_loop3A_804 : vector<16xf32>
        %parallel_loop3A_838 = arith.select %parallel_loop3A_837, %parallel_loop3A_836, %parallel_loop3A_804 : vector<16xi1>, vector<16xf32>
        %parallel_loop3A_839 = arith.select %parallel_loop3A_837, %parallel_loop3A_831, %parallel_loop3A_805 : vector<16xi1>, vector<16xi32>
        %parallel_loop3A_840 = arith.index_cast %parallel_loop3A_830 : i32 to index
        %parallel_loop3A_841 = arith.index_cast %parallel_loop3A_20 : i32 to index
        %parallel_loop3A_842 = tpu.vector_load %arg6[%parallel_loop3A_840, %parallel_loop3A_841] {strides = array<i32>} : memref<64x256xf32, #tpu.memory_space<vmem>>, vector<16xf32>,
        %parallel_loop3A_843 = arith.addf %parallel_loop3A_842, %parallel_loop3A_832 : vector<16xf32>
        %parallel_loop3A_844 = arith.cmpf olt, %parallel_loop3A_843, %parallel_loop3A_811 : vector<16xf32>
        %parallel_loop3A_845 = arith.select %parallel_loop3A_844, %parallel_loop3A_843, %parallel_loop3A_811 : vector<16xi1>, vector<16xf32>
        %parallel_loop3A_846 = arith.select %parallel_loop3A_844, %parallel_loop3A_831, %parallel_loop3A_812 : vector<16xi1>, vector<16xi32>
        %parallel_loop3A_847 = arith.index_cast %parallel_loop3A_830 : i32 to index
        %parallel_loop3A_848 = arith.index_cast %parallel_loop3A_26 : i32 to index
        %parallel_loop3A_849 = tpu.vector_load %arg6[%parallel_loop3A_847, %parallel_loop3A_848] {strides = array<i32>} : memref<64x256xf32, #tpu.memory_space<vmem>>, vector<16xf32>,
        %parallel_loop3A_850 = arith.addf %parallel_loop3A_849, %parallel_loop3A_832 : vector<16xf32>
        %parallel_loop3A_851 = arith.cmpf olt, %parallel_loop3A_850, %parallel_loop3A_818 : vector<16xf32>
        %parallel_loop3A_852 = arith.select %parallel_loop3A_851, %parallel_loop3A_850, %parallel_loop3A_818 : vector<16xi1>, vector<16xf32>
        %parallel_loop3A_853 = arith.select %parallel_loop3A_851, %parallel_loop3A_831, %parallel_loop3A_819 : vector<16xi1>, vector<16xi32>
        %parallel_loop3A_854 = arith.index_cast %parallel_loop3A_830 : i32 to index
        %parallel_loop3A_855 = arith.index_cast %parallel_loop3A_32 : i32 to index
        %parallel_loop3A_856 = tpu.vector_load %arg6[%parallel_loop3A_854, %parallel_loop3A_855] {strides = array<i32>} : memref<64x256xf32, #tpu.memory_space<vmem>>, vector<16xf32>,
        %parallel_loop3A_857 = arith.addf %parallel_loop3A_856, %parallel_loop3A_832 : vector<16xf32>
        %parallel_loop3A_858 = arith.cmpf olt, %parallel_loop3A_857, %parallel_loop3A_825 : vector<16xf32>
        %parallel_loop3A_859 = arith.select %parallel_loop3A_858, %parallel_loop3A_857, %parallel_loop3A_825 : vector<16xi1>, vector<16xf32>
        %parallel_loop3A_860 = arith.select %parallel_loop3A_858, %parallel_loop3A_831, %parallel_loop3A_826 : vector<16xi1>, vector<16xi32>
        scf.yield %parallel_loop3A_838, %parallel_loop3A_845, %parallel_loop3A_852, %parallel_loop3A_859, %parallel_loop3A_839, %parallel_loop3A_846, %parallel_loop3A_853, %parallel_loop3A_860 : vector<16xf32>, vector<16xf32>, vector<16xf32>, vector<16xf32>, vector<16xi32>, vector<16xi32>, vector<16xi32>, vector<16xi32>
      }
      %parallel_loop3A_238 = arith.constant 16 : i32
      %parallel_loop3A_239 = tpu.vector_load_idx %arg6[%parallel_loop3A_237#4, %parallel_loop3A_34] : memref<64x256xf32, #tpu.memory_space<vmem>>[vector<16xi32>, vector<16xi32>], vector<16xf32>,
      %parallel_loop3A_240 = arith.addf %parallel_loop3A_194, %parallel_loop3A_239 : vector<16xf32>
      %parallel_loop3A_241 = arith.constant 4 : i32
      %parallel_loop3A_242 = arith.index_cast %parallel_loop3A_241 : i32 to index
      %parallel_loop3A_243 = arith.index_cast %parallel_loop3A_14 : i32 to index
      %parallel_loop3A_244 = tpu.vector_load %arg8[%parallel_loop3A_242, %parallel_loop3A_243] {strides = array<i32>} : memref<8x256xi32, #tpu.memory_space<vmem>>, vector<16xi32>,
      tpu.vector_store %arg8[%parallel_loop3A_242, %parallel_loop3A_243], %parallel_loop3A_237#4 {strides = array<i32>} : memref<8x256xi32, #tpu.memory_space<vmem>>, vector<16xi32>,
      %parallel_loop3A_245 = arith.constant 4 : i32
      %parallel_loop3A_246 = arith.index_cast %parallel_loop3A_245 : i32 to index
      %parallel_loop3A_247 = arith.index_cast %parallel_loop3A_14 : i32 to index
      %parallel_loop3A_248 = tpu.vector_load %arg9[%parallel_loop3A_246, %parallel_loop3A_247] {strides = array<i32>} : memref<8x256xf32, #tpu.memory_space<vmem>>, vector<16xf32>,
      tpu.vector_store %arg9[%parallel_loop3A_246, %parallel_loop3A_247], %parallel_loop3A_239 {strides = array<i32>} : memref<8x256xf32, #tpu.memory_space<vmem>>, vector<16xf32>,
      tpu.vector_store_idx %arg6[%parallel_loop3A_237#4, %parallel_loop3A_34], %broadcast_in_dim3A_3 : memref<64x256xf32, #tpu.memory_space<vmem>>[vector<16xi32>, vector<16xi32>], vector<16xf32>,
      %parallel_loop3A_249 = tpu.vector_load_idx %arg6[%parallel_loop3A_237#5, %parallel_loop3A_36] : memref<64x256xf32, #tpu.memory_space<vmem>>[vector<16xi32>, vector<16xi32>], vector<16xf32>,
      %parallel_loop3A_250 = arith.addf %parallel_loop3A_204, %parallel_loop3A_249 : vector<16xf32>
      %parallel_loop3A_251 = arith.constant 4 : i32
      %parallel_loop3A_252 = arith.index_cast %parallel_loop3A_251 : i32 to index
      %parallel_loop3A_253 = arith.index_cast %parallel_loop3A_20 : i32 to index
      %parallel_loop3A_254 = tpu.vector_load %arg8[%parallel_loop3A_252, %parallel_loop3A_253] {strides = array<i32>} : memref<8x256xi32, #tpu.memory_space<vmem>>, vector<16xi32>,
      tpu.vector_store %arg8[%parallel_loop3A_252, %parallel_loop3A_253], %parallel_loop3A_237#5 {strides = array<i32>} : memref<8x256xi32, #tpu.memory_space<vmem>>, vector<16xi32>,
      %parallel_loop3A_255 = arith.constant 4 : i32
      %parallel_loop3A_256 = arith.index_cast %parallel_loop3A_255 : i32 to index
      %parallel_loop3A_257 = arith.index_cast %parallel_loop3A_20 : i32 to index
      %parallel_loop3A_258 = tpu.vector_load %arg9[%parallel_loop3A_256, %parallel_loop3A_257] {strides = array<i32>} : memref<8x256xf32, #tpu.memory_space<vmem>>, vector<16xf32>,
      tpu.vector_store %arg9[%parallel_loop3A_256, %parallel_loop3A_257], %parallel_loop3A_249 {strides = array<i32>} : memref<8x256xf32, #tpu.memory_space<vmem>>, vector<16xf32>,
      tpu.vector_store_idx %arg6[%parallel_loop3A_237#5, %parallel_loop3A_36], %broadcast_in_dim3A_3 : memref<64x256xf32, #tpu.memory_space<vmem>>[vector<16xi32>, vector<16xi32>], vector<16xf32>,
      %parallel_loop3A_259 = tpu.vector_load_idx %arg6[%parallel_loop3A_237#6, %parallel_loop3A_38] : memref<64x256xf32, #tpu.memory_space<vmem>>[vector<16xi32>, vector<16xi32>], vector<16xf32>,
      %parallel_loop3A_260 = arith.addf %parallel_loop3A_214, %parallel_loop3A_259 : vector<16xf32>
      %parallel_loop3A_261 = arith.constant 4 : i32
      %parallel_loop3A_262 = arith.index_cast %parallel_loop3A_261 : i32 to index
      %parallel_loop3A_263 = arith.index_cast %parallel_loop3A_26 : i32 to index
      %parallel_loop3A_264 = tpu.vector_load %arg8[%parallel_loop3A_262, %parallel_loop3A_263] {strides = array<i32>} : memref<8x256xi32, #tpu.memory_space<vmem>>, vector<16xi32>,
      tpu.vector_store %arg8[%parallel_loop3A_262, %parallel_loop3A_263], %parallel_loop3A_237#6 {strides = array<i32>} : memref<8x256xi32, #tpu.memory_space<vmem>>, vector<16xi32>,
      %parallel_loop3A_265 = arith.constant 4 : i32
      %parallel_loop3A_266 = arith.index_cast %parallel_loop3A_265 : i32 to index
      %parallel_loop3A_267 = arith.index_cast %parallel_loop3A_26 : i32 to index
      %parallel_loop3A_268 = tpu.vector_load %arg9[%parallel_loop3A_266, %parallel_loop3A_267] {strides = array<i32>} : memref<8x256xf32, #tpu.memory_space<vmem>>, vector<16xf32>,
      tpu.vector_store %arg9[%parallel_loop3A_266, %parallel_loop3A_267], %parallel_loop3A_259 {strides = array<i32>} : memref<8x256xf32, #tpu.memory_space<vmem>>, vector<16xf32>,
      tpu.vector_store_idx %arg6[%parallel_loop3A_237#6, %parallel_loop3A_38], %broadcast_in_dim3A_3 : memref<64x256xf32, #tpu.memory_space<vmem>>[vector<16xi32>, vector<16xi32>], vector<16xf32>,
      %parallel_loop3A_269 = tpu.vector_load_idx %arg6[%parallel_loop3A_237#7, %parallel_loop3A_40] : memref<64x256xf32, #tpu.memory_space<vmem>>[vector<16xi32>, vector<16xi32>], vector<16xf32>,
      %parallel_loop3A_270 = arith.addf %parallel_loop3A_224, %parallel_loop3A_269 : vector<16xf32>
      %parallel_loop3A_271 = arith.constant 4 : i32
      %parallel_loop3A_272 = arith.index_cast %parallel_loop3A_271 : i32 to index
      %parallel_loop3A_273 = arith.index_cast %parallel_loop3A_32 : i32 to index
      %parallel_loop3A_274 = tpu.vector_load %arg8[%parallel_loop3A_272, %parallel_loop3A_273] {strides = array<i32>} : memref<8x256xi32, #tpu.memory_space<vmem>>, vector<16xi32>,
      tpu.vector_store %arg8[%parallel_loop3A_272, %parallel_loop3A_273], %parallel_loop3A_237#7 {strides = array<i32>} : memref<8x256xi32, #tpu.memory_space<vmem>>, vector<16xi32>,
      %parallel_loop3A_275 = arith.constant 4 : i32
      %parallel_loop3A_276 = arith.index_cast %parallel_loop3A_275 : i32 to index
      %parallel_loop3A_277 = arith.index_cast %parallel_loop3A_32 : i32 to index
      %parallel_loop3A_278 = tpu.vector_load %arg9[%parallel_loop3A_276, %parallel_loop3A_277] {strides = array<i32>} : memref<8x256xf32, #tpu.memory_space<vmem>>, vector<16xf32>,
      tpu.vector_store %arg9[%parallel_loop3A_276, %parallel_loop3A_277], %parallel_loop3A_269 {strides = array<i32>} : memref<8x256xf32, #tpu.memory_space<vmem>>, vector<16xf32>,
      tpu.vector_store_idx %arg6[%parallel_loop3A_237#7, %parallel_loop3A_40], %broadcast_in_dim3A_3 : memref<64x256xf32, #tpu.memory_space<vmem>>[vector<16xi32>, vector<16xi32>], vector<16xf32>,
      %parallel_loop3A_279 = arith.constant 0 : i32
      %parallel_loop3A_280 = arith.constant 16 : i32
      %parallel_loop3A_281 = arith.addi %parallel_loop3A_279, %parallel_loop3A_280 : i32
      %parallel_loop3A_282 = arith.constant 1 : i32
      %parallel_loop3A_283:8 = scf.for %scan3A = %parallel_loop3A_279 to %parallel_loop3A_281 step %parallel_loop3A_282 iter_args(%scan3A_717 = %broadcast_in_dim3A_3, %scan3A_718 = %broadcast_in_dim3A_3, %scan3A_719 = %broadcast_in_dim3A_3, %scan3A_720 = %broadcast_in_dim3A_3, %scan3A_721 = %broadcast_in_dim3A_5, %scan3A_722 = %broadcast_in_dim3A_5, %scan3A_723 = %broadcast_in_dim3A_5, %scan3A_724 = %broadcast_in_dim3A_5) -> (vector<16xf32>, vector<16xf32>, vector<16xf32>, vector<16xf32>, vector<16xi32>, vector<16xi32>, vector<16xi32>, vector<16xi32>)  : i32 {
        %parallel_loop3A_725 = arith.constant 4 : i32
        %parallel_loop3A_726 = arith.muli %scan3A, %parallel_loop3A_725 : i32
        %parallel_loop3A_727 = arith.constant 0 : i32
        %parallel_loop3A_728 = arith.addi %parallel_loop3A_726, %parallel_loop3A_727 : i32
        %parallel_loop3A_729 = vector.broadcast %parallel_loop3A_728 : i32 to vector<16xi32>
        %parallel_loop3A_730 = tpu.vector_load_idx %arg7[%parallel_loop3A_729] : memref<64xf32, #tpu.memory_space<vmem>>[vector<16xi32>], vector<16xf32>,
        %parallel_loop3A_731 = arith.index_cast %parallel_loop3A_728 : i32 to index
        %parallel_loop3A_732 = arith.index_cast %parallel_loop3A_14 : i32 to index
        %parallel_loop3A_733 = tpu.vector_load %arg6[%parallel_loop3A_731, %parallel_loop3A_732] {strides = array<i32>} : memref<64x256xf32, #tpu.memory_space<vmem>>, vector<16xf32>,
        %parallel_loop3A_734 = arith.addf %parallel_loop3A_733, %parallel_loop3A_730 : vector<16xf32>
        %parallel_loop3A_735 = arith.cmpf olt, %parallel_loop3A_734, %scan3A_717 : vector<16xf32>
        %parallel_loop3A_736 = arith.select %parallel_loop3A_735, %parallel_loop3A_734, %scan3A_717 : vector<16xi1>, vector<16xf32>
        %parallel_loop3A_737 = arith.select %parallel_loop3A_735, %parallel_loop3A_729, %scan3A_721 : vector<16xi1>, vector<16xi32>
        %parallel_loop3A_738 = arith.index_cast %parallel_loop3A_728 : i32 to index
        %parallel_loop3A_739 = arith.index_cast %parallel_loop3A_20 : i32 to index
        %parallel_loop3A_740 = tpu.vector_load %arg6[%parallel_loop3A_738, %parallel_loop3A_739] {strides = array<i32>} : memref<64x256xf32, #tpu.memory_space<vmem>>, vector<16xf32>,
        %parallel_loop3A_741 = arith.addf %parallel_loop3A_740, %parallel_loop3A_730 : vector<16xf32>
        %parallel_loop3A_742 = arith.cmpf olt, %parallel_loop3A_741, %scan3A_718 : vector<16xf32>
        %parallel_loop3A_743 = arith.select %parallel_loop3A_742, %parallel_loop3A_741, %scan3A_718 : vector<16xi1>, vector<16xf32>
        %parallel_loop3A_744 = arith.select %parallel_loop3A_742, %parallel_loop3A_729, %scan3A_722 : vector<16xi1>, vector<16xi32>
        %parallel_loop3A_745 = arith.index_cast %parallel_loop3A_728 : i32 to index
        %parallel_loop3A_746 = arith.index_cast %parallel_loop3A_26 : i32 to index
        %parallel_loop3A_747 = tpu.vector_load %arg6[%parallel_loop3A_745, %parallel_loop3A_746] {strides = array<i32>} : memref<64x256xf32, #tpu.memory_space<vmem>>, vector<16xf32>,
        %parallel_loop3A_748 = arith.addf %parallel_loop3A_747, %parallel_loop3A_730 : vector<16xf32>
        %parallel_loop3A_749 = arith.cmpf olt, %parallel_loop3A_748, %scan3A_719 : vector<16xf32>
        %parallel_loop3A_750 = arith.select %parallel_loop3A_749, %parallel_loop3A_748, %scan3A_719 : vector<16xi1>, vector<16xf32>
        %parallel_loop3A_751 = arith.select %parallel_loop3A_749, %parallel_loop3A_729, %scan3A_723 : vector<16xi1>, vector<16xi32>
        %parallel_loop3A_752 = arith.index_cast %parallel_loop3A_728 : i32 to index
        %parallel_loop3A_753 = arith.index_cast %parallel_loop3A_32 : i32 to index
        %parallel_loop3A_754 = tpu.vector_load %arg6[%parallel_loop3A_752, %parallel_loop3A_753] {strides = array<i32>} : memref<64x256xf32, #tpu.memory_space<vmem>>, vector<16xf32>,
        %parallel_loop3A_755 = arith.addf %parallel_loop3A_754, %parallel_loop3A_730 : vector<16xf32>
        %parallel_loop3A_756 = arith.cmpf olt, %parallel_loop3A_755, %scan3A_720 : vector<16xf32>
        %parallel_loop3A_757 = arith.select %parallel_loop3A_756, %parallel_loop3A_755, %scan3A_720 : vector<16xi1>, vector<16xf32>
        %parallel_loop3A_758 = arith.select %parallel_loop3A_756, %parallel_loop3A_729, %scan3A_724 : vector<16xi1>, vector<16xi32>
        %parallel_loop3A_759 = arith.constant 4 : i32
        %parallel_loop3A_760 = arith.muli %scan3A, %parallel_loop3A_759 : i32
        %parallel_loop3A_761 = arith.constant 1 : i32
        %parallel_loop3A_762 = arith.addi %parallel_loop3A_760, %parallel_loop3A_761 : i32
        %parallel_loop3A_763 = vector.broadcast %parallel_loop3A_762 : i32 to vector<16xi32>
        %parallel_loop3A_764 = tpu.vector_load_idx %arg7[%parallel_loop3A_763] : memref<64xf32, #tpu.memory_space<vmem>>[vector<16xi32>], vector<16xf32>,
        %parallel_loop3A_765 = arith.index_cast %parallel_loop3A_762 : i32 to index
        %parallel_loop3A_766 = arith.index_cast %parallel_loop3A_14 : i32 to index
        %parallel_loop3A_767 = tpu.vector_load %arg6[%parallel_loop3A_765, %parallel_loop3A_766] {strides = array<i32>} : memref<64x256xf32, #tpu.memory_space<vmem>>, vector<16xf32>,
        %parallel_loop3A_768 = arith.addf %parallel_loop3A_767, %parallel_loop3A_764 : vector<16xf32>
        %parallel_loop3A_769 = arith.cmpf olt, %parallel_loop3A_768, %parallel_loop3A_736 : vector<16xf32>
        %parallel_loop3A_770 = arith.select %parallel_loop3A_769, %parallel_loop3A_768, %parallel_loop3A_736 : vector<16xi1>, vector<16xf32>
        %parallel_loop3A_771 = arith.select %parallel_loop3A_769, %parallel_loop3A_763, %parallel_loop3A_737 : vector<16xi1>, vector<16xi32>
        %parallel_loop3A_772 = arith.index_cast %parallel_loop3A_762 : i32 to index
        %parallel_loop3A_773 = arith.index_cast %parallel_loop3A_20 : i32 to index
        %parallel_loop3A_774 = tpu.vector_load %arg6[%parallel_loop3A_772, %parallel_loop3A_773] {strides = array<i32>} : memref<64x256xf32, #tpu.memory_space<vmem>>, vector<16xf32>,
        %parallel_loop3A_775 = arith.addf %parallel_loop3A_774, %parallel_loop3A_764 : vector<16xf32>
        %parallel_loop3A_776 = arith.cmpf olt, %parallel_loop3A_775, %parallel_loop3A_743 : vector<16xf32>
        %parallel_loop3A_777 = arith.select %parallel_loop3A_776, %parallel_loop3A_775, %parallel_loop3A_743 : vector<16xi1>, vector<16xf32>
        %parallel_loop3A_778 = arith.select %parallel_loop3A_776, %parallel_loop3A_763, %parallel_loop3A_744 : vector<16xi1>, vector<16xi32>
        %parallel_loop3A_779 = arith.index_cast %parallel_loop3A_762 : i32 to index
        %parallel_loop3A_780 = arith.index_cast %parallel_loop3A_26 : i32 to index
        %parallel_loop3A_781 = tpu.vector_load %arg6[%parallel_loop3A_779, %parallel_loop3A_780] {strides = array<i32>} : memref<64x256xf32, #tpu.memory_space<vmem>>, vector<16xf32>,
        %parallel_loop3A_782 = arith.addf %parallel_loop3A_781, %parallel_loop3A_764 : vector<16xf32>
        %parallel_loop3A_783 = arith.cmpf olt, %parallel_loop3A_782, %parallel_loop3A_750 : vector<16xf32>
        %parallel_loop3A_784 = arith.select %parallel_loop3A_783, %parallel_loop3A_782, %parallel_loop3A_750 : vector<16xi1>, vector<16xf32>
        %parallel_loop3A_785 = arith.select %parallel_loop3A_783, %parallel_loop3A_763, %parallel_loop3A_751 : vector<16xi1>, vector<16xi32>
        %parallel_loop3A_786 = arith.index_cast %parallel_loop3A_762 : i32 to index
        %parallel_loop3A_787 = arith.index_cast %parallel_loop3A_32 : i32 to index
        %parallel_loop3A_788 = tpu.vector_load %arg6[%parallel_loop3A_786, %parallel_loop3A_787] {strides = array<i32>} : memref<64x256xf32, #tpu.memory_space<vmem>>, vector<16xf32>,
        %parallel_loop3A_789 = arith.addf %parallel_loop3A_788, %parallel_loop3A_764 : vector<16xf32>
        %parallel_loop3A_790 = arith.cmpf olt, %parallel_loop3A_789, %parallel_loop3A_757 : vector<16xf32>
        %parallel_loop3A_791 = arith.select %parallel_loop3A_790, %parallel_loop3A_789, %parallel_loop3A_757 : vector<16xi1>, vector<16xf32>
        %parallel_loop3A_792 = arith.select %parallel_loop3A_790, %parallel_loop3A_763, %parallel_loop3A_758 : vector<16xi1>, vector<16xi32>
        %parallel_loop3A_793 = arith.constant 4 : i32
        %parallel_loop3A_794 = arith.muli %scan3A, %parallel_loop3A_793 : i32
        %parallel_loop3A_795 = arith.constant 2 : i32
        %parallel_loop3A_796 = arith.addi %parallel_loop3A_794, %parallel_loop3A_795 : i32
        %parallel_loop3A_797 = vector.broadcast %parallel_loop3A_796 : i32 to vector<16xi32>
        %parallel_loop3A_798 = tpu.vector_load_idx %arg7[%parallel_loop3A_797] : memref<64xf32, #tpu.memory_space<vmem>>[vector<16xi32>], vector<16xf32>,
        %parallel_loop3A_799 = arith.index_cast %parallel_loop3A_796 : i32 to index
        %parallel_loop3A_800 = arith.index_cast %parallel_loop3A_14 : i32 to index
        %parallel_loop3A_801 = tpu.vector_load %arg6[%parallel_loop3A_799, %parallel_loop3A_800] {strides = array<i32>} : memref<64x256xf32, #tpu.memory_space<vmem>>, vector<16xf32>,
        %parallel_loop3A_802 = arith.addf %parallel_loop3A_801, %parallel_loop3A_798 : vector<16xf32>
        %parallel_loop3A_803 = arith.cmpf olt, %parallel_loop3A_802, %parallel_loop3A_770 : vector<16xf32>
        %parallel_loop3A_804 = arith.select %parallel_loop3A_803, %parallel_loop3A_802, %parallel_loop3A_770 : vector<16xi1>, vector<16xf32>
        %parallel_loop3A_805 = arith.select %parallel_loop3A_803, %parallel_loop3A_797, %parallel_loop3A_771 : vector<16xi1>, vector<16xi32>
        %parallel_loop3A_806 = arith.index_cast %parallel_loop3A_796 : i32 to index
        %parallel_loop3A_807 = arith.index_cast %parallel_loop3A_20 : i32 to index
        %parallel_loop3A_808 = tpu.vector_load %arg6[%parallel_loop3A_806, %parallel_loop3A_807] {strides = array<i32>} : memref<64x256xf32, #tpu.memory_space<vmem>>, vector<16xf32>,
        %parallel_loop3A_809 = arith.addf %parallel_loop3A_808, %parallel_loop3A_798 : vector<16xf32>
        %parallel_loop3A_810 = arith.cmpf olt, %parallel_loop3A_809, %parallel_loop3A_777 : vector<16xf32>
        %parallel_loop3A_811 = arith.select %parallel_loop3A_810, %parallel_loop3A_809, %parallel_loop3A_777 : vector<16xi1>, vector<16xf32>
        %parallel_loop3A_812 = arith.select %parallel_loop3A_810, %parallel_loop3A_797, %parallel_loop3A_778 : vector<16xi1>, vector<16xi32>
        %parallel_loop3A_813 = arith.index_cast %parallel_loop3A_796 : i32 to index
        %parallel_loop3A_814 = arith.index_cast %parallel_loop3A_26 : i32 to index
        %parallel_loop3A_815 = tpu.vector_load %arg6[%parallel_loop3A_813, %parallel_loop3A_814] {strides = array<i32>} : memref<64x256xf32, #tpu.memory_space<vmem>>, vector<16xf32>,
        %parallel_loop3A_816 = arith.addf %parallel_loop3A_815, %parallel_loop3A_798 : vector<16xf32>
        %parallel_loop3A_817 = arith.cmpf olt, %parallel_loop3A_816, %parallel_loop3A_784 : vector<16xf32>
        %parallel_loop3A_818 = arith.select %parallel_loop3A_817, %parallel_loop3A_816, %parallel_loop3A_784 : vector<16xi1>, vector<16xf32>
        %parallel_loop3A_819 = arith.select %parallel_loop3A_817, %parallel_loop3A_797, %parallel_loop3A_785 : vector<16xi1>, vector<16xi32>
        %parallel_loop3A_820 = arith.index_cast %parallel_loop3A_796 : i32 to index
        %parallel_loop3A_821 = arith.index_cast %parallel_loop3A_32 : i32 to index
        %parallel_loop3A_822 = tpu.vector_load %arg6[%parallel_loop3A_820, %parallel_loop3A_821] {strides = array<i32>} : memref<64x256xf32, #tpu.memory_space<vmem>>, vector<16xf32>,
        %parallel_loop3A_823 = arith.addf %parallel_loop3A_822, %parallel_loop3A_798 : vector<16xf32>
        %parallel_loop3A_824 = arith.cmpf olt, %parallel_loop3A_823, %parallel_loop3A_791 : vector<16xf32>
        %parallel_loop3A_825 = arith.select %parallel_loop3A_824, %parallel_loop3A_823, %parallel_loop3A_791 : vector<16xi1>, vector<16xf32>
        %parallel_loop3A_826 = arith.select %parallel_loop3A_824, %parallel_loop3A_797, %parallel_loop3A_792 : vector<16xi1>, vector<16xi32>
        %parallel_loop3A_827 = arith.constant 4 : i32
        %parallel_loop3A_828 = arith.muli %scan3A, %parallel_loop3A_827 : i32
        %parallel_loop3A_829 = arith.constant 3 : i32
        %parallel_loop3A_830 = arith.addi %parallel_loop3A_828, %parallel_loop3A_829 : i32
        %parallel_loop3A_831 = vector.broadcast %parallel_loop3A_830 : i32 to vector<16xi32>
        %parallel_loop3A_832 = tpu.vector_load_idx %arg7[%parallel_loop3A_831] : memref<64xf32, #tpu.memory_space<vmem>>[vector<16xi32>], vector<16xf32>,
        %parallel_loop3A_833 = arith.index_cast %parallel_loop3A_830 : i32 to index
        %parallel_loop3A_834 = arith.index_cast %parallel_loop3A_14 : i32 to index
        %parallel_loop3A_835 = tpu.vector_load %arg6[%parallel_loop3A_833, %parallel_loop3A_834] {strides = array<i32>} : memref<64x256xf32, #tpu.memory_space<vmem>>, vector<16xf32>,
        %parallel_loop3A_836 = arith.addf %parallel_loop3A_835, %parallel_loop3A_832 : vector<16xf32>
        %parallel_loop3A_837 = arith.cmpf olt, %parallel_loop3A_836, %parallel_loop3A_804 : vector<16xf32>
        %parallel_loop3A_838 = arith.select %parallel_loop3A_837, %parallel_loop3A_836, %parallel_loop3A_804 : vector<16xi1>, vector<16xf32>
        %parallel_loop3A_839 = arith.select %parallel_loop3A_837, %parallel_loop3A_831, %parallel_loop3A_805 : vector<16xi1>, vector<16xi32>
        %parallel_loop3A_840 = arith.index_cast %parallel_loop3A_830 : i32 to index
        %parallel_loop3A_841 = arith.index_cast %parallel_loop3A_20 : i32 to index
        %parallel_loop3A_842 = tpu.vector_load %arg6[%parallel_loop3A_840, %parallel_loop3A_841] {strides = array<i32>} : memref<64x256xf32, #tpu.memory_space<vmem>>, vector<16xf32>,
        %parallel_loop3A_843 = arith.addf %parallel_loop3A_842, %parallel_loop3A_832 : vector<16xf32>
        %parallel_loop3A_844 = arith.cmpf olt, %parallel_loop3A_843, %parallel_loop3A_811 : vector<16xf32>
        %parallel_loop3A_845 = arith.select %parallel_loop3A_844, %parallel_loop3A_843, %parallel_loop3A_811 : vector<16xi1>, vector<16xf32>
        %parallel_loop3A_846 = arith.select %parallel_loop3A_844, %parallel_loop3A_831, %parallel_loop3A_812 : vector<16xi1>, vector<16xi32>
        %parallel_loop3A_847 = arith.index_cast %parallel_loop3A_830 : i32 to index
        %parallel_loop3A_848 = arith.index_cast %parallel_loop3A_26 : i32 to index
        %parallel_loop3A_849 = tpu.vector_load %arg6[%parallel_loop3A_847, %parallel_loop3A_848] {strides = array<i32>} : memref<64x256xf32, #tpu.memory_space<vmem>>, vector<16xf32>,
        %parallel_loop3A_850 = arith.addf %parallel_loop3A_849, %parallel_loop3A_832 : vector<16xf32>
        %parallel_loop3A_851 = arith.cmpf olt, %parallel_loop3A_850, %parallel_loop3A_818 : vector<16xf32>
        %parallel_loop3A_852 = arith.select %parallel_loop3A_851, %parallel_loop3A_850, %parallel_loop3A_818 : vector<16xi1>, vector<16xf32>
        %parallel_loop3A_853 = arith.select %parallel_loop3A_851, %parallel_loop3A_831, %parallel_loop3A_819 : vector<16xi1>, vector<16xi32>
        %parallel_loop3A_854 = arith.index_cast %parallel_loop3A_830 : i32 to index
        %parallel_loop3A_855 = arith.index_cast %parallel_loop3A_32 : i32 to index
        %parallel_loop3A_856 = tpu.vector_load %arg6[%parallel_loop3A_854, %parallel_loop3A_855] {strides = array<i32>} : memref<64x256xf32, #tpu.memory_space<vmem>>, vector<16xf32>,
        %parallel_loop3A_857 = arith.addf %parallel_loop3A_856, %parallel_loop3A_832 : vector<16xf32>
        %parallel_loop3A_858 = arith.cmpf olt, %parallel_loop3A_857, %parallel_loop3A_825 : vector<16xf32>
        %parallel_loop3A_859 = arith.select %parallel_loop3A_858, %parallel_loop3A_857, %parallel_loop3A_825 : vector<16xi1>, vector<16xf32>
        %parallel_loop3A_860 = arith.select %parallel_loop3A_858, %parallel_loop3A_831, %parallel_loop3A_826 : vector<16xi1>, vector<16xi32>
        scf.yield %parallel_loop3A_838, %parallel_loop3A_845, %parallel_loop3A_852, %parallel_loop3A_859, %parallel_loop3A_839, %parallel_loop3A_846, %parallel_loop3A_853, %parallel_loop3A_860 : vector<16xf32>, vector<16xf32>, vector<16xf32>, vector<16xf32>, vector<16xi32>, vector<16xi32>, vector<16xi32>, vector<16xi32>
      }
      %parallel_loop3A_284 = arith.constant 16 : i32
      %parallel_loop3A_285 = tpu.vector_load_idx %arg6[%parallel_loop3A_283#4, %parallel_loop3A_34] : memref<64x256xf32, #tpu.memory_space<vmem>>[vector<16xi32>, vector<16xi32>], vector<16xf32>,
      %parallel_loop3A_286 = arith.addf %parallel_loop3A_240, %parallel_loop3A_285 : vector<16xf32>
      %parallel_loop3A_287 = arith.constant 5 : i32
      %parallel_loop3A_288 = arith.index_cast %parallel_loop3A_287 : i32 to index
      %parallel_loop3A_289 = arith.index_cast %parallel_loop3A_14 : i32 to index
      %parallel_loop3A_290 = tpu.vector_load %arg8[%parallel_loop3A_288, %parallel_loop3A_289] {strides = array<i32>} : memref<8x256xi32, #tpu.memory_space<vmem>>, vector<16xi32>,
      tpu.vector_store %arg8[%parallel_loop3A_288, %parallel_loop3A_289], %parallel_loop3A_283#4 {strides = array<i32>} : memref<8x256xi32, #tpu.memory_space<vmem>>, vector<16xi32>,
      %parallel_loop3A_291 = arith.constant 5 : i32
      %parallel_loop3A_292 = arith.index_cast %parallel_loop3A_291 : i32 to index
      %parallel_loop3A_293 = arith.index_cast %parallel_loop3A_14 : i32 to index
      %parallel_loop3A_294 = tpu.vector_load %arg9[%parallel_loop3A_292, %parallel_loop3A_293] {strides = array<i32>} : memref<8x256xf32, #tpu.memory_space<vmem>>, vector<16xf32>,
      tpu.vector_store %arg9[%parallel_loop3A_292, %parallel_loop3A_293], %parallel_loop3A_285 {strides = array<i32>} : memref<8x256xf32, #tpu.memory_space<vmem>>, vector<16xf32>,
      tpu.vector_store_idx %arg6[%parallel_loop3A_283#4, %parallel_loop3A_34], %broadcast_in_dim3A_3 : memref<64x256xf32, #tpu.memory_space<vmem>>[vector<16xi32>, vector<16xi32>], vector<16xf32>,
      %parallel_loop3A_295 = tpu.vector_load_idx %arg6[%parallel_loop3A_283#5, %parallel_loop3A_36] : memref<64x256xf32, #tpu.memory_space<vmem>>[vector<16xi32>, vector<16xi32>], vector<16xf32>,
      %parallel_loop3A_296 = arith.addf %parallel_loop3A_250, %parallel_loop3A_295 : vector<16xf32>
      %parallel_loop3A_297 = arith.constant 5 : i32
      %parallel_loop3A_298 = arith.index_cast %parallel_loop3A_297 : i32 to index
      %parallel_loop3A_299 = arith.index_cast %parallel_loop3A_20 : i32 to index
      %parallel_loop3A_300 = tpu.vector_load %arg8[%parallel_loop3A_298, %parallel_loop3A_299] {strides = array<i32>} : memref<8x256xi32, #tpu.memory_space<vmem>>, vector<16xi32>,
      tpu.vector_store %arg8[%parallel_loop3A_298, %parallel_loop3A_299], %parallel_loop3A_283#5 {strides = array<i32>} : memref<8x256xi32, #tpu.memory_space<vmem>>, vector<16xi32>,
      %parallel_loop3A_301 = arith.constant 5 : i32
      %parallel_loop3A_302 = arith.index_cast %parallel_loop3A_301 : i32 to index
      %parallel_loop3A_303 = arith.index_cast %parallel_loop3A_20 : i32 to index
      %parallel_loop3A_304 = tpu.vector_load %arg9[%parallel_loop3A_302, %parallel_loop3A_303] {strides = array<i32>} : memref<8x256xf32, #tpu.memory_space<vmem>>, vector<16xf32>,
      tpu.vector_store %arg9[%parallel_loop3A_302, %parallel_loop3A_303], %parallel_loop3A_295 {strides = array<i32>} : memref<8x256xf32, #tpu.memory_space<vmem>>, vector<16xf32>,
      tpu.vector_store_idx %arg6[%parallel_loop3A_283#5, %parallel_loop3A_36], %broadcast_in_dim3A_3 : memref<64x256xf32, #tpu.memory_space<vmem>>[vector<16xi32>, vector<16xi32>], vector<16xf32>,
      %parallel_loop3A_305 = tpu.vector_load_idx %arg6[%parallel_loop3A_283#6, %parallel_loop3A_38] : memref<64x256xf32, #tpu.memory_space<vmem>>[vector<16xi32>, vector<16xi32>], vector<16xf32>,
      %parallel_loop3A_306 = arith.addf %parallel_loop3A_260, %parallel_loop3A_305 : vector<16xf32>
      %parallel_loop3A_307 = arith.constant 5 : i32
      %parallel_loop3A_308 = arith.index_cast %parallel_loop3A_307 : i32 to index
      %parallel_loop3A_309 = arith.index_cast %parallel_loop3A_26 : i32 to index
      %parallel_loop3A_310 = tpu.vector_load %arg8[%parallel_loop3A_308, %parallel_loop3A_309] {strides = array<i32>} : memref<8x256xi32, #tpu.memory_space<vmem>>, vector<16xi32>,
      tpu.vector_store %arg8[%parallel_loop3A_308, %parallel_loop3A_309], %parallel_loop3A_283#6 {strides = array<i32>} : memref<8x256xi32, #tpu.memory_space<vmem>>, vector<16xi32>,
      %parallel_loop3A_311 = arith.constant 5 : i32
      %parallel_loop3A_312 = arith.index_cast %parallel_loop3A_311 : i32 to index
      %parallel_loop3A_313 = arith.index_cast %parallel_loop3A_26 : i32 to index
      %parallel_loop3A_314 = tpu.vector_load %arg9[%parallel_loop3A_312, %parallel_loop3A_313] {strides = array<i32>} : memref<8x256xf32, #tpu.memory_space<vmem>>, vector<16xf32>,
      tpu.vector_store %arg9[%parallel_loop3A_312, %parallel_loop3A_313], %parallel_loop3A_305 {strides = array<i32>} : memref<8x256xf32, #tpu.memory_space<vmem>>, vector<16xf32>,
      tpu.vector_store_idx %arg6[%parallel_loop3A_283#6, %parallel_loop3A_38], %broadcast_in_dim3A_3 : memref<64x256xf32, #tpu.memory_space<vmem>>[vector<16xi32>, vector<16xi32>], vector<16xf32>,
      %parallel_loop3A_315 = tpu.vector_load_idx %arg6[%parallel_loop3A_283#7, %parallel_loop3A_40] : memref<64x256xf32, #tpu.memory_space<vmem>>[vector<16xi32>, vector<16xi32>], vector<16xf32>,
      %parallel_loop3A_316 = arith.addf %parallel_loop3A_270, %parallel_loop3A_315 : vector<16xf32>
      %parallel_loop3A_317 = arith.constant 5 : i32
      %parallel_loop3A_318 = arith.index_cast %parallel_loop3A_317 : i32 to index
      %parallel_loop3A_319 = arith.index_cast %parallel_loop3A_32 : i32 to index
      %parallel_loop3A_320 = tpu.vector_load %arg8[%parallel_loop3A_318, %parallel_loop3A_319] {strides = array<i32>} : memref<8x256xi32, #tpu.memory_space<vmem>>, vector<16xi32>,
      tpu.vector_store %arg8[%parallel_loop3A_318, %parallel_loop3A_319], %parallel_loop3A_283#7 {strides = array<i32>} : memref<8x256xi32, #tpu.memory_space<vmem>>, vector<16xi32>,
      %parallel_loop3A_321 = arith.constant 5 : i32
      %parallel_loop3A_322 = arith.index_cast %parallel_loop3A_321 : i32 to index
      %parallel_loop3A_323 = arith.index_cast %parallel_loop3A_32 : i32 to index
      %parallel_loop3A_324 = tpu.vector_load %arg9[%parallel_loop3A_322, %parallel_loop3A_323] {strides = array<i32>} : memref<8x256xf32, #tpu.memory_space<vmem>>, vector<16xf32>,
      tpu.vector_store %arg9[%parallel_loop3A_322, %parallel_loop3A_323], %parallel_loop3A_315 {strides = array<i32>} : memref<8x256xf32, #tpu.memory_space<vmem>>, vector<16xf32>,
      tpu.vector_store_idx %arg6[%parallel_loop3A_283#7, %parallel_loop3A_40], %broadcast_in_dim3A_3 : memref<64x256xf32, #tpu.memory_space<vmem>>[vector<16xi32>, vector<16xi32>], vector<16xf32>,
      %parallel_loop3A_325 = arith.constant 0 : i32
      %parallel_loop3A_326 = arith.constant 16 : i32
      %parallel_loop3A_327 = arith.addi %parallel_loop3A_325, %parallel_loop3A_326 : i32
      %parallel_loop3A_328 = arith.constant 1 : i32
      %parallel_loop3A_329:8 = scf.for %scan3A = %parallel_loop3A_325 to %parallel_loop3A_327 step %parallel_loop3A_328 iter_args(%scan3A_717 = %broadcast_in_dim3A_3, %scan3A_718 = %broadcast_in_dim3A_3, %scan3A_719 = %broadcast_in_dim3A_3, %scan3A_720 = %broadcast_in_dim3A_3, %scan3A_721 = %broadcast_in_dim3A_5, %scan3A_722 = %broadcast_in_dim3A_5, %scan3A_723 = %broadcast_in_dim3A_5, %scan3A_724 = %broadcast_in_dim3A_5) -> (vector<16xf32>, vector<16xf32>, vector<16xf32>, vector<16xf32>, vector<16xi32>, vector<16xi32>, vector<16xi32>, vector<16xi32>)  : i32 {
        %parallel_loop3A_725 = arith.constant 4 : i32
        %parallel_loop3A_726 = arith.muli %scan3A, %parallel_loop3A_725 : i32
        %parallel_loop3A_727 = arith.constant 0 : i32
        %parallel_loop3A_728 = arith.addi %parallel_loop3A_726, %parallel_loop3A_727 : i32
        %parallel_loop3A_729 = vector.broadcast %parallel_loop3A_728 : i32 to vector<16xi32>
        %parallel_loop3A_730 = tpu.vector_load_idx %arg7[%parallel_loop3A_729] : memref<64xf32, #tpu.memory_space<vmem>>[vector<16xi32>], vector<16xf32>,
        %parallel_loop3A_731 = arith.index_cast %parallel_loop3A_728 : i32 to index
        %parallel_loop3A_732 = arith.index_cast %parallel_loop3A_14 : i32 to index
        %parallel_loop3A_733 = tpu.vector_load %arg6[%parallel_loop3A_731, %parallel_loop3A_732] {strides = array<i32>} : memref<64x256xf32, #tpu.memory_space<vmem>>, vector<16xf32>,
        %parallel_loop3A_734 = arith.addf %parallel_loop3A_733, %parallel_loop3A_730 : vector<16xf32>
        %parallel_loop3A_735 = arith.cmpf olt, %parallel_loop3A_734, %scan3A_717 : vector<16xf32>
        %parallel_loop3A_736 = arith.select %parallel_loop3A_735, %parallel_loop3A_734, %scan3A_717 : vector<16xi1>, vector<16xf32>
        %parallel_loop3A_737 = arith.select %parallel_loop3A_735, %parallel_loop3A_729, %scan3A_721 : vector<16xi1>, vector<16xi32>
        %parallel_loop3A_738 = arith.index_cast %parallel_loop3A_728 : i32 to index
        %parallel_loop3A_739 = arith.index_cast %parallel_loop3A_20 : i32 to index
        %parallel_loop3A_740 = tpu.vector_load %arg6[%parallel_loop3A_738, %parallel_loop3A_739] {strides = array<i32>} : memref<64x256xf32, #tpu.memory_space<vmem>>, vector<16xf32>,
        %parallel_loop3A_741 = arith.addf %parallel_loop3A_740, %parallel_loop3A_730 : vector<16xf32>
        %parallel_loop3A_742 = arith.cmpf olt, %parallel_loop3A_741, %scan3A_718 : vector<16xf32>
        %parallel_loop3A_743 = arith.select %parallel_loop3A_742, %parallel_loop3A_741, %scan3A_718 : vector<16xi1>, vector<16xf32>
        %parallel_loop3A_744 = arith.select %parallel_loop3A_742, %parallel_loop3A_729, %scan3A_722 : vector<16xi1>, vector<16xi32>
        %parallel_loop3A_745 = arith.index_cast %parallel_loop3A_728 : i32 to index
        %parallel_loop3A_746 = arith.index_cast %parallel_loop3A_26 : i32 to index
        %parallel_loop3A_747 = tpu.vector_load %arg6[%parallel_loop3A_745, %parallel_loop3A_746] {strides = array<i32>} : memref<64x256xf32, #tpu.memory_space<vmem>>, vector<16xf32>,
        %parallel_loop3A_748 = arith.addf %parallel_loop3A_747, %parallel_loop3A_730 : vector<16xf32>
        %parallel_loop3A_749 = arith.cmpf olt, %parallel_loop3A_748, %scan3A_719 : vector<16xf32>
        %parallel_loop3A_750 = arith.select %parallel_loop3A_749, %parallel_loop3A_748, %scan3A_719 : vector<16xi1>, vector<16xf32>
        %parallel_loop3A_751 = arith.select %parallel_loop3A_749, %parallel_loop3A_729, %scan3A_723 : vector<16xi1>, vector<16xi32>
        %parallel_loop3A_752 = arith.index_cast %parallel_loop3A_728 : i32 to index
        %parallel_loop3A_753 = arith.index_cast %parallel_loop3A_32 : i32 to index
        %parallel_loop3A_754 = tpu.vector_load %arg6[%parallel_loop3A_752, %parallel_loop3A_753] {strides = array<i32>} : memref<64x256xf32, #tpu.memory_space<vmem>>, vector<16xf32>,
        %parallel_loop3A_755 = arith.addf %parallel_loop3A_754, %parallel_loop3A_730 : vector<16xf32>
        %parallel_loop3A_756 = arith.cmpf olt, %parallel_loop3A_755, %scan3A_720 : vector<16xf32>
        %parallel_loop3A_757 = arith.select %parallel_loop3A_756, %parallel_loop3A_755, %scan3A_720 : vector<16xi1>, vector<16xf32>
        %parallel_loop3A_758 = arith.select %parallel_loop3A_756, %parallel_loop3A_729, %scan3A_724 : vector<16xi1>, vector<16xi32>
        %parallel_loop3A_759 = arith.constant 4 : i32
        %parallel_loop3A_760 = arith.muli %scan3A, %parallel_loop3A_759 : i32
        %parallel_loop3A_761 = arith.constant 1 : i32
        %parallel_loop3A_762 = arith.addi %parallel_loop3A_760, %parallel_loop3A_761 : i32
        %parallel_loop3A_763 = vector.broadcast %parallel_loop3A_762 : i32 to vector<16xi32>
        %parallel_loop3A_764 = tpu.vector_load_idx %arg7[%parallel_loop3A_763] : memref<64xf32, #tpu.memory_space<vmem>>[vector<16xi32>], vector<16xf32>,
        %parallel_loop3A_765 = arith.index_cast %parallel_loop3A_762 : i32 to index
        %parallel_loop3A_766 = arith.index_cast %parallel_loop3A_14 : i32 to index
        %parallel_loop3A_767 = tpu.vector_load %arg6[%parallel_loop3A_765, %parallel_loop3A_766] {strides = array<i32>} : memref<64x256xf32, #tpu.memory_space<vmem>>, vector<16xf32>,
        %parallel_loop3A_768 = arith.addf %parallel_loop3A_767, %parallel_loop3A_764 : vector<16xf32>
        %parallel_loop3A_769 = arith.cmpf olt, %parallel_loop3A_768, %parallel_loop3A_736 : vector<16xf32>
        %parallel_loop3A_770 = arith.select %parallel_loop3A_769, %parallel_loop3A_768, %parallel_loop3A_736 : vector<16xi1>, vector<16xf32>
        %parallel_loop3A_771 = arith.select %parallel_loop3A_769, %parallel_loop3A_763, %parallel_loop3A_737 : vector<16xi1>, vector<16xi32>
        %parallel_loop3A_772 = arith.index_cast %parallel_loop3A_762 : i32 to index
        %parallel_loop3A_773 = arith.index_cast %parallel_loop3A_20 : i32 to index
        %parallel_loop3A_774 = tpu.vector_load %arg6[%parallel_loop3A_772, %parallel_loop3A_773] {strides = array<i32>} : memref<64x256xf32, #tpu.memory_space<vmem>>, vector<16xf32>,
        %parallel_loop3A_775 = arith.addf %parallel_loop3A_774, %parallel_loop3A_764 : vector<16xf32>
        %parallel_loop3A_776 = arith.cmpf olt, %parallel_loop3A_775, %parallel_loop3A_743 : vector<16xf32>
        %parallel_loop3A_777 = arith.select %parallel_loop3A_776, %parallel_loop3A_775, %parallel_loop3A_743 : vector<16xi1>, vector<16xf32>
        %parallel_loop3A_778 = arith.select %parallel_loop3A_776, %parallel_loop3A_763, %parallel_loop3A_744 : vector<16xi1>, vector<16xi32>
        %parallel_loop3A_779 = arith.index_cast %parallel_loop3A_762 : i32 to index
        %parallel_loop3A_780 = arith.index_cast %parallel_loop3A_26 : i32 to index
        %parallel_loop3A_781 = tpu.vector_load %arg6[%parallel_loop3A_779, %parallel_loop3A_780] {strides = array<i32>} : memref<64x256xf32, #tpu.memory_space<vmem>>, vector<16xf32>,
        %parallel_loop3A_782 = arith.addf %parallel_loop3A_781, %parallel_loop3A_764 : vector<16xf32>
        %parallel_loop3A_783 = arith.cmpf olt, %parallel_loop3A_782, %parallel_loop3A_750 : vector<16xf32>
        %parallel_loop3A_784 = arith.select %parallel_loop3A_783, %parallel_loop3A_782, %parallel_loop3A_750 : vector<16xi1>, vector<16xf32>
        %parallel_loop3A_785 = arith.select %parallel_loop3A_783, %parallel_loop3A_763, %parallel_loop3A_751 : vector<16xi1>, vector<16xi32>
        %parallel_loop3A_786 = arith.index_cast %parallel_loop3A_762 : i32 to index
        %parallel_loop3A_787 = arith.index_cast %parallel_loop3A_32 : i32 to index
        %parallel_loop3A_788 = tpu.vector_load %arg6[%parallel_loop3A_786, %parallel_loop3A_787] {strides = array<i32>} : memref<64x256xf32, #tpu.memory_space<vmem>>, vector<16xf32>,
        %parallel_loop3A_789 = arith.addf %parallel_loop3A_788, %parallel_loop3A_764 : vector<16xf32>
        %parallel_loop3A_790 = arith.cmpf olt, %parallel_loop3A_789, %parallel_loop3A_757 : vector<16xf32>
        %parallel_loop3A_791 = arith.select %parallel_loop3A_790, %parallel_loop3A_789, %parallel_loop3A_757 : vector<16xi1>, vector<16xf32>
        %parallel_loop3A_792 = arith.select %parallel_loop3A_790, %parallel_loop3A_763, %parallel_loop3A_758 : vector<16xi1>, vector<16xi32>
        %parallel_loop3A_793 = arith.constant 4 : i32
        %parallel_loop3A_794 = arith.muli %scan3A, %parallel_loop3A_793 : i32
        %parallel_loop3A_795 = arith.constant 2 : i32
        %parallel_loop3A_796 = arith.addi %parallel_loop3A_794, %parallel_loop3A_795 : i32
        %parallel_loop3A_797 = vector.broadcast %parallel_loop3A_796 : i32 to vector<16xi32>
        %parallel_loop3A_798 = tpu.vector_load_idx %arg7[%parallel_loop3A_797] : memref<64xf32, #tpu.memory_space<vmem>>[vector<16xi32>], vector<16xf32>,
        %parallel_loop3A_799 = arith.index_cast %parallel_loop3A_796 : i32 to index
        %parallel_loop3A_800 = arith.index_cast %parallel_loop3A_14 : i32 to index
        %parallel_loop3A_801 = tpu.vector_load %arg6[%parallel_loop3A_799, %parallel_loop3A_800] {strides = array<i32>} : memref<64x256xf32, #tpu.memory_space<vmem>>, vector<16xf32>,
        %parallel_loop3A_802 = arith.addf %parallel_loop3A_801, %parallel_loop3A_798 : vector<16xf32>
        %parallel_loop3A_803 = arith.cmpf olt, %parallel_loop3A_802, %parallel_loop3A_770 : vector<16xf32>
        %parallel_loop3A_804 = arith.select %parallel_loop3A_803, %parallel_loop3A_802, %parallel_loop3A_770 : vector<16xi1>, vector<16xf32>
        %parallel_loop3A_805 = arith.select %parallel_loop3A_803, %parallel_loop3A_797, %parallel_loop3A_771 : vector<16xi1>, vector<16xi32>
        %parallel_loop3A_806 = arith.index_cast %parallel_loop3A_796 : i32 to index
        %parallel_loop3A_807 = arith.index_cast %parallel_loop3A_20 : i32 to index
        %parallel_loop3A_808 = tpu.vector_load %arg6[%parallel_loop3A_806, %parallel_loop3A_807] {strides = array<i32>} : memref<64x256xf32, #tpu.memory_space<vmem>>, vector<16xf32>,
        %parallel_loop3A_809 = arith.addf %parallel_loop3A_808, %parallel_loop3A_798 : vector<16xf32>
        %parallel_loop3A_810 = arith.cmpf olt, %parallel_loop3A_809, %parallel_loop3A_777 : vector<16xf32>
        %parallel_loop3A_811 = arith.select %parallel_loop3A_810, %parallel_loop3A_809, %parallel_loop3A_777 : vector<16xi1>, vector<16xf32>
        %parallel_loop3A_812 = arith.select %parallel_loop3A_810, %parallel_loop3A_797, %parallel_loop3A_778 : vector<16xi1>, vector<16xi32>
        %parallel_loop3A_813 = arith.index_cast %parallel_loop3A_796 : i32 to index
        %parallel_loop3A_814 = arith.index_cast %parallel_loop3A_26 : i32 to index
        %parallel_loop3A_815 = tpu.vector_load %arg6[%parallel_loop3A_813, %parallel_loop3A_814] {strides = array<i32>} : memref<64x256xf32, #tpu.memory_space<vmem>>, vector<16xf32>,
        %parallel_loop3A_816 = arith.addf %parallel_loop3A_815, %parallel_loop3A_798 : vector<16xf32>
        %parallel_loop3A_817 = arith.cmpf olt, %parallel_loop3A_816, %parallel_loop3A_784 : vector<16xf32>
        %parallel_loop3A_818 = arith.select %parallel_loop3A_817, %parallel_loop3A_816, %parallel_loop3A_784 : vector<16xi1>, vector<16xf32>
        %parallel_loop3A_819 = arith.select %parallel_loop3A_817, %parallel_loop3A_797, %parallel_loop3A_785 : vector<16xi1>, vector<16xi32>
        %parallel_loop3A_820 = arith.index_cast %parallel_loop3A_796 : i32 to index
        %parallel_loop3A_821 = arith.index_cast %parallel_loop3A_32 : i32 to index
        %parallel_loop3A_822 = tpu.vector_load %arg6[%parallel_loop3A_820, %parallel_loop3A_821] {strides = array<i32>} : memref<64x256xf32, #tpu.memory_space<vmem>>, vector<16xf32>,
        %parallel_loop3A_823 = arith.addf %parallel_loop3A_822, %parallel_loop3A_798 : vector<16xf32>
        %parallel_loop3A_824 = arith.cmpf olt, %parallel_loop3A_823, %parallel_loop3A_791 : vector<16xf32>
        %parallel_loop3A_825 = arith.select %parallel_loop3A_824, %parallel_loop3A_823, %parallel_loop3A_791 : vector<16xi1>, vector<16xf32>
        %parallel_loop3A_826 = arith.select %parallel_loop3A_824, %parallel_loop3A_797, %parallel_loop3A_792 : vector<16xi1>, vector<16xi32>
        %parallel_loop3A_827 = arith.constant 4 : i32
        %parallel_loop3A_828 = arith.muli %scan3A, %parallel_loop3A_827 : i32
        %parallel_loop3A_829 = arith.constant 3 : i32
        %parallel_loop3A_830 = arith.addi %parallel_loop3A_828, %parallel_loop3A_829 : i32
        %parallel_loop3A_831 = vector.broadcast %parallel_loop3A_830 : i32 to vector<16xi32>
        %parallel_loop3A_832 = tpu.vector_load_idx %arg7[%parallel_loop3A_831] : memref<64xf32, #tpu.memory_space<vmem>>[vector<16xi32>], vector<16xf32>,
        %parallel_loop3A_833 = arith.index_cast %parallel_loop3A_830 : i32 to index
        %parallel_loop3A_834 = arith.index_cast %parallel_loop3A_14 : i32 to index
        %parallel_loop3A_835 = tpu.vector_load %arg6[%parallel_loop3A_833, %parallel_loop3A_834] {strides = array<i32>} : memref<64x256xf32, #tpu.memory_space<vmem>>, vector<16xf32>,
        %parallel_loop3A_836 = arith.addf %parallel_loop3A_835, %parallel_loop3A_832 : vector<16xf32>
        %parallel_loop3A_837 = arith.cmpf olt, %parallel_loop3A_836, %parallel_loop3A_804 : vector<16xf32>
        %parallel_loop3A_838 = arith.select %parallel_loop3A_837, %parallel_loop3A_836, %parallel_loop3A_804 : vector<16xi1>, vector<16xf32>
        %parallel_loop3A_839 = arith.select %parallel_loop3A_837, %parallel_loop3A_831, %parallel_loop3A_805 : vector<16xi1>, vector<16xi32>
        %parallel_loop3A_840 = arith.index_cast %parallel_loop3A_830 : i32 to index
        %parallel_loop3A_841 = arith.index_cast %parallel_loop3A_20 : i32 to index
        %parallel_loop3A_842 = tpu.vector_load %arg6[%parallel_loop3A_840, %parallel_loop3A_841] {strides = array<i32>} : memref<64x256xf32, #tpu.memory_space<vmem>>, vector<16xf32>,
        %parallel_loop3A_843 = arith.addf %parallel_loop3A_842, %parallel_loop3A_832 : vector<16xf32>
        %parallel_loop3A_844 = arith.cmpf olt, %parallel_loop3A_843, %parallel_loop3A_811 : vector<16xf32>
        %parallel_loop3A_845 = arith.select %parallel_loop3A_844, %parallel_loop3A_843, %parallel_loop3A_811 : vector<16xi1>, vector<16xf32>
        %parallel_loop3A_846 = arith.select %parallel_loop3A_844, %parallel_loop3A_831, %parallel_loop3A_812 : vector<16xi1>, vector<16xi32>
        %parallel_loop3A_847 = arith.index_cast %parallel_loop3A_830 : i32 to index
        %parallel_loop3A_848 = arith.index_cast %parallel_loop3A_26 : i32 to index
        %parallel_loop3A_849 = tpu.vector_load %arg6[%parallel_loop3A_847, %parallel_loop3A_848] {strides = array<i32>} : memref<64x256xf32, #tpu.memory_space<vmem>>, vector<16xf32>,
        %parallel_loop3A_850 = arith.addf %parallel_loop3A_849, %parallel_loop3A_832 : vector<16xf32>
        %parallel_loop3A_851 = arith.cmpf olt, %parallel_loop3A_850, %parallel_loop3A_818 : vector<16xf32>
        %parallel_loop3A_852 = arith.select %parallel_loop3A_851, %parallel_loop3A_850, %parallel_loop3A_818 : vector<16xi1>, vector<16xf32>
        %parallel_loop3A_853 = arith.select %parallel_loop3A_851, %parallel_loop3A_831, %parallel_loop3A_819 : vector<16xi1>, vector<16xi32>
        %parallel_loop3A_854 = arith.index_cast %parallel_loop3A_830 : i32 to index
        %parallel_loop3A_855 = arith.index_cast %parallel_loop3A_32 : i32 to index
        %parallel_loop3A_856 = tpu.vector_load %arg6[%parallel_loop3A_854, %parallel_loop3A_855] {strides = array<i32>} : memref<64x256xf32, #tpu.memory_space<vmem>>, vector<16xf32>,
        %parallel_loop3A_857 = arith.addf %parallel_loop3A_856, %parallel_loop3A_832 : vector<16xf32>
        %parallel_loop3A_858 = arith.cmpf olt, %parallel_loop3A_857, %parallel_loop3A_825 : vector<16xf32>
        %parallel_loop3A_859 = arith.select %parallel_loop3A_858, %parallel_loop3A_857, %parallel_loop3A_825 : vector<16xi1>, vector<16xf32>
        %parallel_loop3A_860 = arith.select %parallel_loop3A_858, %parallel_loop3A_831, %parallel_loop3A_826 : vector<16xi1>, vector<16xi32>
        scf.yield %parallel_loop3A_838, %parallel_loop3A_845, %parallel_loop3A_852, %parallel_loop3A_859, %parallel_loop3A_839, %parallel_loop3A_846, %parallel_loop3A_853, %parallel_loop3A_860 : vector<16xf32>, vector<16xf32>, vector<16xf32>, vector<16xf32>, vector<16xi32>, vector<16xi32>, vector<16xi32>, vector<16xi32>
      }
      %parallel_loop3A_330 = arith.constant 16 : i32
      %parallel_loop3A_331 = tpu.vector_load_idx %arg6[%parallel_loop3A_329#4, %parallel_loop3A_34] : memref<64x256xf32, #tpu.memory_space<vmem>>[vector<16xi32>, vector<16xi32>], vector<16xf32>,
      %parallel_loop3A_332 = arith.addf %parallel_loop3A_286, %parallel_loop3A_331 : vector<16xf32>
      %parallel_loop3A_333 = arith.constant 6 : i32
      %parallel_loop3A_334 = arith.index_cast %parallel_loop3A_333 : i32 to index
      %parallel_loop3A_335 = arith.index_cast %parallel_loop3A_14 : i32 to index
      %parallel_loop3A_336 = tpu.vector_load %arg8[%parallel_loop3A_334, %parallel_loop3A_335] {strides = array<i32>} : memref<8x256xi32, #tpu.memory_space<vmem>>, vector<16xi32>,
      tpu.vector_store %arg8[%parallel_loop3A_334, %parallel_loop3A_335], %parallel_loop3A_329#4 {strides = array<i32>} : memref<8x256xi32, #tpu.memory_space<vmem>>, vector<16xi32>,
      %parallel_loop3A_337 = arith.constant 6 : i32
      %parallel_loop3A_338 = arith.index_cast %parallel_loop3A_337 : i32 to index
      %parallel_loop3A_339 = arith.index_cast %parallel_loop3A_14 : i32 to index
      %parallel_loop3A_340 = tpu.vector_load %arg9[%parallel_loop3A_338, %parallel_loop3A_339] {strides = array<i32>} : memref<8x256xf32, #tpu.memory_space<vmem>>, vector<16xf32>,
      tpu.vector_store %arg9[%parallel_loop3A_338, %parallel_loop3A_339], %parallel_loop3A_331 {strides = array<i32>} : memref<8x256xf32, #tpu.memory_space<vmem>>, vector<16xf32>,
      tpu.vector_store_idx %arg6[%parallel_loop3A_329#4, %parallel_loop3A_34], %broadcast_in_dim3A_3 : memref<64x256xf32, #tpu.memory_space<vmem>>[vector<16xi32>, vector<16xi32>], vector<16xf32>,
      %parallel_loop3A_341 = tpu.vector_load_idx %arg6[%parallel_loop3A_329#5, %parallel_loop3A_36] : memref<64x256xf32, #tpu.memory_space<vmem>>[vector<16xi32>, vector<16xi32>], vector<16xf32>,
      %parallel_loop3A_342 = arith.addf %parallel_loop3A_296, %parallel_loop3A_341 : vector<16xf32>
      %parallel_loop3A_343 = arith.constant 6 : i32
      %parallel_loop3A_344 = arith.index_cast %parallel_loop3A_343 : i32 to index
      %parallel_loop3A_345 = arith.index_cast %parallel_loop3A_20 : i32 to index
      %parallel_loop3A_346 = tpu.vector_load %arg8[%parallel_loop3A_344, %parallel_loop3A_345] {strides = array<i32>} : memref<8x256xi32, #tpu.memory_space<vmem>>, vector<16xi32>,
      tpu.vector_store %arg8[%parallel_loop3A_344, %parallel_loop3A_345], %parallel_loop3A_329#5 {strides = array<i32>} : memref<8x256xi32, #tpu.memory_space<vmem>>, vector<16xi32>,
      %parallel_loop3A_347 = arith.constant 6 : i32
      %parallel_loop3A_348 = arith.index_cast %parallel_loop3A_347 : i32 to index
      %parallel_loop3A_349 = arith.index_cast %parallel_loop3A_20 : i32 to index
      %parallel_loop3A_350 = tpu.vector_load %arg9[%parallel_loop3A_348, %parallel_loop3A_349] {strides = array<i32>} : memref<8x256xf32, #tpu.memory_space<vmem>>, vector<16xf32>,
      tpu.vector_store %arg9[%parallel_loop3A_348, %parallel_loop3A_349], %parallel_loop3A_341 {strides = array<i32>} : memref<8x256xf32, #tpu.memory_space<vmem>>, vector<16xf32>,
      tpu.vector_store_idx %arg6[%parallel_loop3A_329#5, %parallel_loop3A_36], %broadcast_in_dim3A_3 : memref<64x256xf32, #tpu.memory_space<vmem>>[vector<16xi32>, vector<16xi32>], vector<16xf32>,
      %parallel_loop3A_351 = tpu.vector_load_idx %arg6[%parallel_loop3A_329#6, %parallel_loop3A_38] : memref<64x256xf32, #tpu.memory_space<vmem>>[vector<16xi32>, vector<16xi32>], vector<16xf32>,
      %parallel_loop3A_352 = arith.addf %parallel_loop3A_306, %parallel_loop3A_351 : vector<16xf32>
      %parallel_loop3A_353 = arith.constant 6 : i32
      %parallel_loop3A_354 = arith.index_cast %parallel_loop3A_353 : i32 to index
      %parallel_loop3A_355 = arith.index_cast %parallel_loop3A_26 : i32 to index
      %parallel_loop3A_356 = tpu.vector_load %arg8[%parallel_loop3A_354, %parallel_loop3A_355] {strides = array<i32>} : memref<8x256xi32, #tpu.memory_space<vmem>>, vector<16xi32>,
      tpu.vector_store %arg8[%parallel_loop3A_354, %parallel_loop3A_355], %parallel_loop3A_329#6 {strides = array<i32>} : memref<8x256xi32, #tpu.memory_space<vmem>>, vector<16xi32>,
      %parallel_loop3A_357 = arith.constant 6 : i32
      %parallel_loop3A_358 = arith.index_cast %parallel_loop3A_357 : i32 to index
      %parallel_loop3A_359 = arith.index_cast %parallel_loop3A_26 : i32 to index
      %parallel_loop3A_360 = tpu.vector_load %arg9[%parallel_loop3A_358, %parallel_loop3A_359] {strides = array<i32>} : memref<8x256xf32, #tpu.memory_space<vmem>>, vector<16xf32>,
      tpu.vector_store %arg9[%parallel_loop3A_358, %parallel_loop3A_359], %parallel_loop3A_351 {strides = array<i32>} : memref<8x256xf32, #tpu.memory_space<vmem>>, vector<16xf32>,
      tpu.vector_store_idx %arg6[%parallel_loop3A_329#6, %parallel_loop3A_38], %broadcast_in_dim3A_3 : memref<64x256xf32, #tpu.memory_space<vmem>>[vector<16xi32>, vector<16xi32>], vector<16xf32>,
      %parallel_loop3A_361 = tpu.vector_load_idx %arg6[%parallel_loop3A_329#7, %parallel_loop3A_40] : memref<64x256xf32, #tpu.memory_space<vmem>>[vector<16xi32>, vector<16xi32>], vector<16xf32>,
      %parallel_loop3A_362 = arith.addf %parallel_loop3A_316, %parallel_loop3A_361 : vector<16xf32>
      %parallel_loop3A_363 = arith.constant 6 : i32
      %parallel_loop3A_364 = arith.index_cast %parallel_loop3A_363 : i32 to index
      %parallel_loop3A_365 = arith.index_cast %parallel_loop3A_32 : i32 to index
      %parallel_loop3A_366 = tpu.vector_load %arg8[%parallel_loop3A_364, %parallel_loop3A_365] {strides = array<i32>} : memref<8x256xi32, #tpu.memory_space<vmem>>, vector<16xi32>,
      tpu.vector_store %arg8[%parallel_loop3A_364, %parallel_loop3A_365], %parallel_loop3A_329#7 {strides = array<i32>} : memref<8x256xi32, #tpu.memory_space<vmem>>, vector<16xi32>,
      %parallel_loop3A_367 = arith.constant 6 : i32
      %parallel_loop3A_368 = arith.index_cast %parallel_loop3A_367 : i32 to index
      %parallel_loop3A_369 = arith.index_cast %parallel_loop3A_32 : i32 to index
      %parallel_loop3A_370 = tpu.vector_load %arg9[%parallel_loop3A_368, %parallel_loop3A_369] {strides = array<i32>} : memref<8x256xf32, #tpu.memory_space<vmem>>, vector<16xf32>,
      tpu.vector_store %arg9[%parallel_loop3A_368, %parallel_loop3A_369], %parallel_loop3A_361 {strides = array<i32>} : memref<8x256xf32, #tpu.memory_space<vmem>>, vector<16xf32>,
      tpu.vector_store_idx %arg6[%parallel_loop3A_329#7, %parallel_loop3A_40], %broadcast_in_dim3A_3 : memref<64x256xf32, #tpu.memory_space<vmem>>[vector<16xi32>, vector<16xi32>], vector<16xf32>,
      %parallel_loop3A_371 = arith.constant 0 : i32
      %parallel_loop3A_372 = arith.constant 16 : i32
      %parallel_loop3A_373 = arith.addi %parallel_loop3A_371, %parallel_loop3A_372 : i32
      %parallel_loop3A_374 = arith.constant 1 : i32
      %parallel_loop3A_375:8 = scf.for %scan3A = %parallel_loop3A_371 to %parallel_loop3A_373 step %parallel_loop3A_374 iter_args(%scan3A_717 = %broadcast_in_dim3A_3, %scan3A_718 = %broadcast_in_dim3A_3, %scan3A_719 = %broadcast_in_dim3A_3, %scan3A_720 = %broadcast_in_dim3A_3, %scan3A_721 = %broadcast_in_dim3A_5, %scan3A_722 = %broadcast_in_dim3A_5, %scan3A_723 = %broadcast_in_dim3A_5, %scan3A_724 = %broadcast_in_dim3A_5) -> (vector<16xf32>, vector<16xf32>, vector<16xf32>, vector<16xf32>, vector<16xi32>, vector<16xi32>, vector<16xi32>, vector<16xi32>)  : i32 {
        %parallel_loop3A_725 = arith.constant 4 : i32
        %parallel_loop3A_726 = arith.muli %scan3A, %parallel_loop3A_725 : i32
        %parallel_loop3A_727 = arith.constant 0 : i32
        %parallel_loop3A_728 = arith.addi %parallel_loop3A_726, %parallel_loop3A_727 : i32
        %parallel_loop3A_729 = vector.broadcast %parallel_loop3A_728 : i32 to vector<16xi32>
        %parallel_loop3A_730 = tpu.vector_load_idx %arg7[%parallel_loop3A_729] : memref<64xf32, #tpu.memory_space<vmem>>[vector<16xi32>], vector<16xf32>,
        %parallel_loop3A_731 = arith.index_cast %parallel_loop3A_728 : i32 to index
        %parallel_loop3A_732 = arith.index_cast %parallel_loop3A_14 : i32 to index
        %parallel_loop3A_733 = tpu.vector_load %arg6[%parallel_loop3A_731, %parallel_loop3A_732] {strides = array<i32>} : memref<64x256xf32, #tpu.memory_space<vmem>>, vector<16xf32>,
        %parallel_loop3A_734 = arith.addf %parallel_loop3A_733, %parallel_loop3A_730 : vector<16xf32>
        %parallel_loop3A_735 = arith.cmpf olt, %parallel_loop3A_734, %scan3A_717 : vector<16xf32>
        %parallel_loop3A_736 = arith.select %parallel_loop3A_735, %parallel_loop3A_734, %scan3A_717 : vector<16xi1>, vector<16xf32>
        %parallel_loop3A_737 = arith.select %parallel_loop3A_735, %parallel_loop3A_729, %scan3A_721 : vector<16xi1>, vector<16xi32>
        %parallel_loop3A_738 = arith.index_cast %parallel_loop3A_728 : i32 to index
        %parallel_loop3A_739 = arith.index_cast %parallel_loop3A_20 : i32 to index
        %parallel_loop3A_740 = tpu.vector_load %arg6[%parallel_loop3A_738, %parallel_loop3A_739] {strides = array<i32>} : memref<64x256xf32, #tpu.memory_space<vmem>>, vector<16xf32>,
        %parallel_loop3A_741 = arith.addf %parallel_loop3A_740, %parallel_loop3A_730 : vector<16xf32>
        %parallel_loop3A_742 = arith.cmpf olt, %parallel_loop3A_741, %scan3A_718 : vector<16xf32>
        %parallel_loop3A_743 = arith.select %parallel_loop3A_742, %parallel_loop3A_741, %scan3A_718 : vector<16xi1>, vector<16xf32>
        %parallel_loop3A_744 = arith.select %parallel_loop3A_742, %parallel_loop3A_729, %scan3A_722 : vector<16xi1>, vector<16xi32>
        %parallel_loop3A_745 = arith.index_cast %parallel_loop3A_728 : i32 to index
        %parallel_loop3A_746 = arith.index_cast %parallel_loop3A_26 : i32 to index
        %parallel_loop3A_747 = tpu.vector_load %arg6[%parallel_loop3A_745, %parallel_loop3A_746] {strides = array<i32>} : memref<64x256xf32, #tpu.memory_space<vmem>>, vector<16xf32>,
        %parallel_loop3A_748 = arith.addf %parallel_loop3A_747, %parallel_loop3A_730 : vector<16xf32>
        %parallel_loop3A_749 = arith.cmpf olt, %parallel_loop3A_748, %scan3A_719 : vector<16xf32>
        %parallel_loop3A_750 = arith.select %parallel_loop3A_749, %parallel_loop3A_748, %scan3A_719 : vector<16xi1>, vector<16xf32>
        %parallel_loop3A_751 = arith.select %parallel_loop3A_749, %parallel_loop3A_729, %scan3A_723 : vector<16xi1>, vector<16xi32>
        %parallel_loop3A_752 = arith.index_cast %parallel_loop3A_728 : i32 to index
        %parallel_loop3A_753 = arith.index_cast %parallel_loop3A_32 : i32 to index
        %parallel_loop3A_754 = tpu.vector_load %arg6[%parallel_loop3A_752, %parallel_loop3A_753] {strides = array<i32>} : memref<64x256xf32, #tpu.memory_space<vmem>>, vector<16xf32>,
        %parallel_loop3A_755 = arith.addf %parallel_loop3A_754, %parallel_loop3A_730 : vector<16xf32>
        %parallel_loop3A_756 = arith.cmpf olt, %parallel_loop3A_755, %scan3A_720 : vector<16xf32>
        %parallel_loop3A_757 = arith.select %parallel_loop3A_756, %parallel_loop3A_755, %scan3A_720 : vector<16xi1>, vector<16xf32>
        %parallel_loop3A_758 = arith.select %parallel_loop3A_756, %parallel_loop3A_729, %scan3A_724 : vector<16xi1>, vector<16xi32>
        %parallel_loop3A_759 = arith.constant 4 : i32
        %parallel_loop3A_760 = arith.muli %scan3A, %parallel_loop3A_759 : i32
        %parallel_loop3A_761 = arith.constant 1 : i32
        %parallel_loop3A_762 = arith.addi %parallel_loop3A_760, %parallel_loop3A_761 : i32
        %parallel_loop3A_763 = vector.broadcast %parallel_loop3A_762 : i32 to vector<16xi32>
        %parallel_loop3A_764 = tpu.vector_load_idx %arg7[%parallel_loop3A_763] : memref<64xf32, #tpu.memory_space<vmem>>[vector<16xi32>], vector<16xf32>,
        %parallel_loop3A_765 = arith.index_cast %parallel_loop3A_762 : i32 to index
        %parallel_loop3A_766 = arith.index_cast %parallel_loop3A_14 : i32 to index
        %parallel_loop3A_767 = tpu.vector_load %arg6[%parallel_loop3A_765, %parallel_loop3A_766] {strides = array<i32>} : memref<64x256xf32, #tpu.memory_space<vmem>>, vector<16xf32>,
        %parallel_loop3A_768 = arith.addf %parallel_loop3A_767, %parallel_loop3A_764 : vector<16xf32>
        %parallel_loop3A_769 = arith.cmpf olt, %parallel_loop3A_768, %parallel_loop3A_736 : vector<16xf32>
        %parallel_loop3A_770 = arith.select %parallel_loop3A_769, %parallel_loop3A_768, %parallel_loop3A_736 : vector<16xi1>, vector<16xf32>
        %parallel_loop3A_771 = arith.select %parallel_loop3A_769, %parallel_loop3A_763, %parallel_loop3A_737 : vector<16xi1>, vector<16xi32>
        %parallel_loop3A_772 = arith.index_cast %parallel_loop3A_762 : i32 to index
        %parallel_loop3A_773 = arith.index_cast %parallel_loop3A_20 : i32 to index
        %parallel_loop3A_774 = tpu.vector_load %arg6[%parallel_loop3A_772, %parallel_loop3A_773] {strides = array<i32>} : memref<64x256xf32, #tpu.memory_space<vmem>>, vector<16xf32>,
        %parallel_loop3A_775 = arith.addf %parallel_loop3A_774, %parallel_loop3A_764 : vector<16xf32>
        %parallel_loop3A_776 = arith.cmpf olt, %parallel_loop3A_775, %parallel_loop3A_743 : vector<16xf32>
        %parallel_loop3A_777 = arith.select %parallel_loop3A_776, %parallel_loop3A_775, %parallel_loop3A_743 : vector<16xi1>, vector<16xf32>
        %parallel_loop3A_778 = arith.select %parallel_loop3A_776, %parallel_loop3A_763, %parallel_loop3A_744 : vector<16xi1>, vector<16xi32>
        %parallel_loop3A_779 = arith.index_cast %parallel_loop3A_762 : i32 to index
        %parallel_loop3A_780 = arith.index_cast %parallel_loop3A_26 : i32 to index
        %parallel_loop3A_781 = tpu.vector_load %arg6[%parallel_loop3A_779, %parallel_loop3A_780] {strides = array<i32>} : memref<64x256xf32, #tpu.memory_space<vmem>>, vector<16xf32>,
        %parallel_loop3A_782 = arith.addf %parallel_loop3A_781, %parallel_loop3A_764 : vector<16xf32>
        %parallel_loop3A_783 = arith.cmpf olt, %parallel_loop3A_782, %parallel_loop3A_750 : vector<16xf32>
        %parallel_loop3A_784 = arith.select %parallel_loop3A_783, %parallel_loop3A_782, %parallel_loop3A_750 : vector<16xi1>, vector<16xf32>
        %parallel_loop3A_785 = arith.select %parallel_loop3A_783, %parallel_loop3A_763, %parallel_loop3A_751 : vector<16xi1>, vector<16xi32>
        %parallel_loop3A_786 = arith.index_cast %parallel_loop3A_762 : i32 to index
        %parallel_loop3A_787 = arith.index_cast %parallel_loop3A_32 : i32 to index
        %parallel_loop3A_788 = tpu.vector_load %arg6[%parallel_loop3A_786, %parallel_loop3A_787] {strides = array<i32>} : memref<64x256xf32, #tpu.memory_space<vmem>>, vector<16xf32>,
        %parallel_loop3A_789 = arith.addf %parallel_loop3A_788, %parallel_loop3A_764 : vector<16xf32>
        %parallel_loop3A_790 = arith.cmpf olt, %parallel_loop3A_789, %parallel_loop3A_757 : vector<16xf32>
        %parallel_loop3A_791 = arith.select %parallel_loop3A_790, %parallel_loop3A_789, %parallel_loop3A_757 : vector<16xi1>, vector<16xf32>
        %parallel_loop3A_792 = arith.select %parallel_loop3A_790, %parallel_loop3A_763, %parallel_loop3A_758 : vector<16xi1>, vector<16xi32>
        %parallel_loop3A_793 = arith.constant 4 : i32
        %parallel_loop3A_794 = arith.muli %scan3A, %parallel_loop3A_793 : i32
        %parallel_loop3A_795 = arith.constant 2 : i32
        %parallel_loop3A_796 = arith.addi %parallel_loop3A_794, %parallel_loop3A_795 : i32
        %parallel_loop3A_797 = vector.broadcast %parallel_loop3A_796 : i32 to vector<16xi32>
        %parallel_loop3A_798 = tpu.vector_load_idx %arg7[%parallel_loop3A_797] : memref<64xf32, #tpu.memory_space<vmem>>[vector<16xi32>], vector<16xf32>,
        %parallel_loop3A_799 = arith.index_cast %parallel_loop3A_796 : i32 to index
        %parallel_loop3A_800 = arith.index_cast %parallel_loop3A_14 : i32 to index
        %parallel_loop3A_801 = tpu.vector_load %arg6[%parallel_loop3A_799, %parallel_loop3A_800] {strides = array<i32>} : memref<64x256xf32, #tpu.memory_space<vmem>>, vector<16xf32>,
        %parallel_loop3A_802 = arith.addf %parallel_loop3A_801, %parallel_loop3A_798 : vector<16xf32>
        %parallel_loop3A_803 = arith.cmpf olt, %parallel_loop3A_802, %parallel_loop3A_770 : vector<16xf32>
        %parallel_loop3A_804 = arith.select %parallel_loop3A_803, %parallel_loop3A_802, %parallel_loop3A_770 : vector<16xi1>, vector<16xf32>
        %parallel_loop3A_805 = arith.select %parallel_loop3A_803, %parallel_loop3A_797, %parallel_loop3A_771 : vector<16xi1>, vector<16xi32>
        %parallel_loop3A_806 = arith.index_cast %parallel_loop3A_796 : i32 to index
        %parallel_loop3A_807 = arith.index_cast %parallel_loop3A_20 : i32 to index
        %parallel_loop3A_808 = tpu.vector_load %arg6[%parallel_loop3A_806, %parallel_loop3A_807] {strides = array<i32>} : memref<64x256xf32, #tpu.memory_space<vmem>>, vector<16xf32>,
        %parallel_loop3A_809 = arith.addf %parallel_loop3A_808, %parallel_loop3A_798 : vector<16xf32>
        %parallel_loop3A_810 = arith.cmpf olt, %parallel_loop3A_809, %parallel_loop3A_777 : vector<16xf32>
        %parallel_loop3A_811 = arith.select %parallel_loop3A_810, %parallel_loop3A_809, %parallel_loop3A_777 : vector<16xi1>, vector<16xf32>
        %parallel_loop3A_812 = arith.select %parallel_loop3A_810, %parallel_loop3A_797, %parallel_loop3A_778 : vector<16xi1>, vector<16xi32>
        %parallel_loop3A_813 = arith.index_cast %parallel_loop3A_796 : i32 to index
        %parallel_loop3A_814 = arith.index_cast %parallel_loop3A_26 : i32 to index
        %parallel_loop3A_815 = tpu.vector_load %arg6[%parallel_loop3A_813, %parallel_loop3A_814] {strides = array<i32>} : memref<64x256xf32, #tpu.memory_space<vmem>>, vector<16xf32>,
        %parallel_loop3A_816 = arith.addf %parallel_loop3A_815, %parallel_loop3A_798 : vector<16xf32>
        %parallel_loop3A_817 = arith.cmpf olt, %parallel_loop3A_816, %parallel_loop3A_784 : vector<16xf32>
        %parallel_loop3A_818 = arith.select %parallel_loop3A_817, %parallel_loop3A_816, %parallel_loop3A_784 : vector<16xi1>, vector<16xf32>
        %parallel_loop3A_819 = arith.select %parallel_loop3A_817, %parallel_loop3A_797, %parallel_loop3A_785 : vector<16xi1>, vector<16xi32>
        %parallel_loop3A_820 = arith.index_cast %parallel_loop3A_796 : i32 to index
        %parallel_loop3A_821 = arith.index_cast %parallel_loop3A_32 : i32 to index
        %parallel_loop3A_822 = tpu.vector_load %arg6[%parallel_loop3A_820, %parallel_loop3A_821] {strides = array<i32>} : memref<64x256xf32, #tpu.memory_space<vmem>>, vector<16xf32>,
        %parallel_loop3A_823 = arith.addf %parallel_loop3A_822, %parallel_loop3A_798 : vector<16xf32>
        %parallel_loop3A_824 = arith.cmpf olt, %parallel_loop3A_823, %parallel_loop3A_791 : vector<16xf32>
        %parallel_loop3A_825 = arith.select %parallel_loop3A_824, %parallel_loop3A_823, %parallel_loop3A_791 : vector<16xi1>, vector<16xf32>
        %parallel_loop3A_826 = arith.select %parallel_loop3A_824, %parallel_loop3A_797, %parallel_loop3A_792 : vector<16xi1>, vector<16xi32>
        %parallel_loop3A_827 = arith.constant 4 : i32
        %parallel_loop3A_828 = arith.muli %scan3A, %parallel_loop3A_827 : i32
        %parallel_loop3A_829 = arith.constant 3 : i32
        %parallel_loop3A_830 = arith.addi %parallel_loop3A_828, %parallel_loop3A_829 : i32
        %parallel_loop3A_831 = vector.broadcast %parallel_loop3A_830 : i32 to vector<16xi32>
        %parallel_loop3A_832 = tpu.vector_load_idx %arg7[%parallel_loop3A_831] : memref<64xf32, #tpu.memory_space<vmem>>[vector<16xi32>], vector<16xf32>,
        %parallel_loop3A_833 = arith.index_cast %parallel_loop3A_830 : i32 to index
        %parallel_loop3A_834 = arith.index_cast %parallel_loop3A_14 : i32 to index
        %parallel_loop3A_835 = tpu.vector_load %arg6[%parallel_loop3A_833, %parallel_loop3A_834] {strides = array<i32>} : memref<64x256xf32, #tpu.memory_space<vmem>>, vector<16xf32>,
        %parallel_loop3A_836 = arith.addf %parallel_loop3A_835, %parallel_loop3A_832 : vector<16xf32>
        %parallel_loop3A_837 = arith.cmpf olt, %parallel_loop3A_836, %parallel_loop3A_804 : vector<16xf32>
        %parallel_loop3A_838 = arith.select %parallel_loop3A_837, %parallel_loop3A_836, %parallel_loop3A_804 : vector<16xi1>, vector<16xf32>
        %parallel_loop3A_839 = arith.select %parallel_loop3A_837, %parallel_loop3A_831, %parallel_loop3A_805 : vector<16xi1>, vector<16xi32>
        %parallel_loop3A_840 = arith.index_cast %parallel_loop3A_830 : i32 to index
        %parallel_loop3A_841 = arith.index_cast %parallel_loop3A_20 : i32 to index
        %parallel_loop3A_842 = tpu.vector_load %arg6[%parallel_loop3A_840, %parallel_loop3A_841] {strides = array<i32>} : memref<64x256xf32, #tpu.memory_space<vmem>>, vector<16xf32>,
        %parallel_loop3A_843 = arith.addf %parallel_loop3A_842, %parallel_loop3A_832 : vector<16xf32>
        %parallel_loop3A_844 = arith.cmpf olt, %parallel_loop3A_843, %parallel_loop3A_811 : vector<16xf32>
        %parallel_loop3A_845 = arith.select %parallel_loop3A_844, %parallel_loop3A_843, %parallel_loop3A_811 : vector<16xi1>, vector<16xf32>
        %parallel_loop3A_846 = arith.select %parallel_loop3A_844, %parallel_loop3A_831, %parallel_loop3A_812 : vector<16xi1>, vector<16xi32>
        %parallel_loop3A_847 = arith.index_cast %parallel_loop3A_830 : i32 to index
        %parallel_loop3A_848 = arith.index_cast %parallel_loop3A_26 : i32 to index
        %parallel_loop3A_849 = tpu.vector_load %arg6[%parallel_loop3A_847, %parallel_loop3A_848] {strides = array<i32>} : memref<64x256xf32, #tpu.memory_space<vmem>>, vector<16xf32>,
        %parallel_loop3A_850 = arith.addf %parallel_loop3A_849, %parallel_loop3A_832 : vector<16xf32>
        %parallel_loop3A_851 = arith.cmpf olt, %parallel_loop3A_850, %parallel_loop3A_818 : vector<16xf32>
        %parallel_loop3A_852 = arith.select %parallel_loop3A_851, %parallel_loop3A_850, %parallel_loop3A_818 : vector<16xi1>, vector<16xf32>
        %parallel_loop3A_853 = arith.select %parallel_loop3A_851, %parallel_loop3A_831, %parallel_loop3A_819 : vector<16xi1>, vector<16xi32>
        %parallel_loop3A_854 = arith.index_cast %parallel_loop3A_830 : i32 to index
        %parallel_loop3A_855 = arith.index_cast %parallel_loop3A_32 : i32 to index
        %parallel_loop3A_856 = tpu.vector_load %arg6[%parallel_loop3A_854, %parallel_loop3A_855] {strides = array<i32>} : memref<64x256xf32, #tpu.memory_space<vmem>>, vector<16xf32>,
        %parallel_loop3A_857 = arith.addf %parallel_loop3A_856, %parallel_loop3A_832 : vector<16xf32>
        %parallel_loop3A_858 = arith.cmpf olt, %parallel_loop3A_857, %parallel_loop3A_825 : vector<16xf32>
        %parallel_loop3A_859 = arith.select %parallel_loop3A_858, %parallel_loop3A_857, %parallel_loop3A_825 : vector<16xi1>, vector<16xf32>
        %parallel_loop3A_860 = arith.select %parallel_loop3A_858, %parallel_loop3A_831, %parallel_loop3A_826 : vector<16xi1>, vector<16xi32>
        scf.yield %parallel_loop3A_838, %parallel_loop3A_845, %parallel_loop3A_852, %parallel_loop3A_859, %parallel_loop3A_839, %parallel_loop3A_846, %parallel_loop3A_853, %parallel_loop3A_860 : vector<16xf32>, vector<16xf32>, vector<16xf32>, vector<16xf32>, vector<16xi32>, vector<16xi32>, vector<16xi32>, vector<16xi32>
      }
      %parallel_loop3A_376 = arith.constant 16 : i32
      %parallel_loop3A_377 = tpu.vector_load_idx %arg6[%parallel_loop3A_375#4, %parallel_loop3A_34] : memref<64x256xf32, #tpu.memory_space<vmem>>[vector<16xi32>, vector<16xi32>], vector<16xf32>,
      %parallel_loop3A_378 = arith.addf %parallel_loop3A_332, %parallel_loop3A_377 : vector<16xf32>
      %parallel_loop3A_379 = arith.constant 7 : i32
      %parallel_loop3A_380 = arith.index_cast %parallel_loop3A_379 : i32 to index
      %parallel_loop3A_381 = arith.index_cast %parallel_loop3A_14 : i32 to index
      %parallel_loop3A_382 = tpu.vector_load %arg8[%parallel_loop3A_380, %parallel_loop3A_381] {strides = array<i32>} : memref<8x256xi32, #tpu.memory_space<vmem>>, vector<16xi32>,
      tpu.vector_store %arg8[%parallel_loop3A_380, %parallel_loop3A_381], %parallel_loop3A_375#4 {strides = array<i32>} : memref<8x256xi32, #tpu.memory_space<vmem>>, vector<16xi32>,
      %parallel_loop3A_383 = arith.constant 7 : i32
      %parallel_loop3A_384 = arith.index_cast %parallel_loop3A_383 : i32 to index
      %parallel_loop3A_385 = arith.index_cast %parallel_loop3A_14 : i32 to index
      %parallel_loop3A_386 = tpu.vector_load %arg9[%parallel_loop3A_384, %parallel_loop3A_385] {strides = array<i32>} : memref<8x256xf32, #tpu.memory_space<vmem>>, vector<16xf32>,
      tpu.vector_store %arg9[%parallel_loop3A_384, %parallel_loop3A_385], %parallel_loop3A_377 {strides = array<i32>} : memref<8x256xf32, #tpu.memory_space<vmem>>, vector<16xf32>,
      tpu.vector_store_idx %arg6[%parallel_loop3A_375#4, %parallel_loop3A_34], %broadcast_in_dim3A_3 : memref<64x256xf32, #tpu.memory_space<vmem>>[vector<16xi32>, vector<16xi32>], vector<16xf32>,
      %parallel_loop3A_387 = tpu.vector_load_idx %arg6[%parallel_loop3A_375#5, %parallel_loop3A_36] : memref<64x256xf32, #tpu.memory_space<vmem>>[vector<16xi32>, vector<16xi32>], vector<16xf32>,
      %parallel_loop3A_388 = arith.addf %parallel_loop3A_342, %parallel_loop3A_387 : vector<16xf32>
      %parallel_loop3A_389 = arith.constant 7 : i32
      %parallel_loop3A_390 = arith.index_cast %parallel_loop3A_389 : i32 to index
      %parallel_loop3A_391 = arith.index_cast %parallel_loop3A_20 : i32 to index
      %parallel_loop3A_392 = tpu.vector_load %arg8[%parallel_loop3A_390, %parallel_loop3A_391] {strides = array<i32>} : memref<8x256xi32, #tpu.memory_space<vmem>>, vector<16xi32>,
      tpu.vector_store %arg8[%parallel_loop3A_390, %parallel_loop3A_391], %parallel_loop3A_375#5 {strides = array<i32>} : memref<8x256xi32, #tpu.memory_space<vmem>>, vector<16xi32>,
      %parallel_loop3A_393 = arith.constant 7 : i32
      %parallel_loop3A_394 = arith.index_cast %parallel_loop3A_393 : i32 to index
      %parallel_loop3A_395 = arith.index_cast %parallel_loop3A_20 : i32 to index
      %parallel_loop3A_396 = tpu.vector_load %arg9[%parallel_loop3A_394, %parallel_loop3A_395] {strides = array<i32>} : memref<8x256xf32, #tpu.memory_space<vmem>>, vector<16xf32>,
      tpu.vector_store %arg9[%parallel_loop3A_394, %parallel_loop3A_395], %parallel_loop3A_387 {strides = array<i32>} : memref<8x256xf32, #tpu.memory_space<vmem>>, vector<16xf32>,
      tpu.vector_store_idx %arg6[%parallel_loop3A_375#5, %parallel_loop3A_36], %broadcast_in_dim3A_3 : memref<64x256xf32, #tpu.memory_space<vmem>>[vector<16xi32>, vector<16xi32>], vector<16xf32>,
      %parallel_loop3A_397 = tpu.vector_load_idx %arg6[%parallel_loop3A_375#6, %parallel_loop3A_38] : memref<64x256xf32, #tpu.memory_space<vmem>>[vector<16xi32>, vector<16xi32>], vector<16xf32>,
      %parallel_loop3A_398 = arith.addf %parallel_loop3A_352, %parallel_loop3A_397 : vector<16xf32>
      %parallel_loop3A_399 = arith.constant 7 : i32
      %parallel_loop3A_400 = arith.index_cast %parallel_loop3A_399 : i32 to index
      %parallel_loop3A_401 = arith.index_cast %parallel_loop3A_26 : i32 to index
      %parallel_loop3A_402 = tpu.vector_load %arg8[%parallel_loop3A_400, %parallel_loop3A_401] {strides = array<i32>} : memref<8x256xi32, #tpu.memory_space<vmem>>, vector<16xi32>,
      tpu.vector_store %arg8[%parallel_loop3A_400, %parallel_loop3A_401], %parallel_loop3A_375#6 {strides = array<i32>} : memref<8x256xi32, #tpu.memory_space<vmem>>, vector<16xi32>,
      %parallel_loop3A_403 = arith.constant 7 : i32
      %parallel_loop3A_404 = arith.index_cast %parallel_loop3A_403 : i32 to index
      %parallel_loop3A_405 = arith.index_cast %parallel_loop3A_26 : i32 to index
      %parallel_loop3A_406 = tpu.vector_load %arg9[%parallel_loop3A_404, %parallel_loop3A_405] {strides = array<i32>} : memref<8x256xf32, #tpu.memory_space<vmem>>, vector<16xf32>,
      tpu.vector_store %arg9[%parallel_loop3A_404, %parallel_loop3A_405], %parallel_loop3A_397 {strides = array<i32>} : memref<8x256xf32, #tpu.memory_space<vmem>>, vector<16xf32>,
      tpu.vector_store_idx %arg6[%parallel_loop3A_375#6, %parallel_loop3A_38], %broadcast_in_dim3A_3 : memref<64x256xf32, #tpu.memory_space<vmem>>[vector<16xi32>, vector<16xi32>], vector<16xf32>,
      %parallel_loop3A_407 = tpu.vector_load_idx %arg6[%parallel_loop3A_375#7, %parallel_loop3A_40] : memref<64x256xf32, #tpu.memory_space<vmem>>[vector<16xi32>, vector<16xi32>], vector<16xf32>,
      %parallel_loop3A_408 = arith.addf %parallel_loop3A_362, %parallel_loop3A_407 : vector<16xf32>
      %parallel_loop3A_409 = arith.constant 7 : i32
      %parallel_loop3A_410 = arith.index_cast %parallel_loop3A_409 : i32 to index
      %parallel_loop3A_411 = arith.index_cast %parallel_loop3A_32 : i32 to index
      %parallel_loop3A_412 = tpu.vector_load %arg8[%parallel_loop3A_410, %parallel_loop3A_411] {strides = array<i32>} : memref<8x256xi32, #tpu.memory_space<vmem>>, vector<16xi32>,
      tpu.vector_store %arg8[%parallel_loop3A_410, %parallel_loop3A_411], %parallel_loop3A_375#7 {strides = array<i32>} : memref<8x256xi32, #tpu.memory_space<vmem>>, vector<16xi32>,
      %parallel_loop3A_413 = arith.constant 7 : i32
      %parallel_loop3A_414 = arith.index_cast %parallel_loop3A_413 : i32 to index
      %parallel_loop3A_415 = arith.index_cast %parallel_loop3A_32 : i32 to index
      %parallel_loop3A_416 = tpu.vector_load %arg9[%parallel_loop3A_414, %parallel_loop3A_415] {strides = array<i32>} : memref<8x256xf32, #tpu.memory_space<vmem>>, vector<16xf32>,
      tpu.vector_store %arg9[%parallel_loop3A_414, %parallel_loop3A_415], %parallel_loop3A_407 {strides = array<i32>} : memref<8x256xf32, #tpu.memory_space<vmem>>, vector<16xf32>,
      tpu.vector_store_idx %arg6[%parallel_loop3A_375#7, %parallel_loop3A_40], %broadcast_in_dim3A_3 : memref<64x256xf32, #tpu.memory_space<vmem>>[vector<16xi32>, vector<16xi32>], vector<16xf32>,
      %parallel_loop3A_417 = arith.constant 1.000000e+00 : f32
      %parallel_loop3A_418 = vector.broadcast %parallel_loop3A_417 : f32 to vector<16xf32>
      %parallel_loop3A_419 = arith.divf %parallel_loop3A_418, %parallel_loop3A_378 : vector<16xf32>
      %parallel_loop3A_420 = arith.constant 1.000000e+00 : f32
      %parallel_loop3A_421 = vector.broadcast %parallel_loop3A_420 : f32 to vector<16xf32>
      %parallel_loop3A_422 = arith.divf %parallel_loop3A_421, %parallel_loop3A_388 : vector<16xf32>
      %parallel_loop3A_423 = arith.constant 1.000000e+00 : f32
      %parallel_loop3A_424 = vector.broadcast %parallel_loop3A_423 : f32 to vector<16xf32>
      %parallel_loop3A_425 = arith.divf %parallel_loop3A_424, %parallel_loop3A_398 : vector<16xf32>
      %parallel_loop3A_426 = arith.constant 1.000000e+00 : f32
      %parallel_loop3A_427 = vector.broadcast %parallel_loop3A_426 : f32 to vector<16xf32>
      %parallel_loop3A_428 = arith.divf %parallel_loop3A_427, %parallel_loop3A_408 : vector<16xf32>
      %parallel_loop3A_429 = arith.constant 0 : i32
      %parallel_loop3A_430 = arith.index_cast %parallel_loop3A_429 : i32 to index
      %parallel_loop3A_431 = arith.index_cast %parallel_loop3A_14 : i32 to index
      %parallel_loop3A_432 = tpu.vector_load %arg9[%parallel_loop3A_430, %parallel_loop3A_431] {strides = array<i32>} : memref<8x256xf32, #tpu.memory_space<vmem>>, vector<16xf32>,
      %parallel_loop3A_433 = arith.mulf %parallel_loop3A_432, %parallel_loop3A_419 : vector<16xf32>
      %parallel_loop3A_434 = arith.constant 0 : i32
      %parallel_loop3A_435 = arith.index_cast %parallel_loop3A_434 : i32 to index
      %parallel_loop3A_436 = arith.index_cast %parallel_loop3A_14 : i32 to index
      %parallel_loop3A_437 = tpu.vector_load %arg9[%parallel_loop3A_435, %parallel_loop3A_436] {strides = array<i32>} : memref<8x256xf32, #tpu.memory_space<vmem>>, vector<16xf32>,
      tpu.vector_store %arg9[%parallel_loop3A_435, %parallel_loop3A_436], %parallel_loop3A_433 {strides = array<i32>} : memref<8x256xf32, #tpu.memory_space<vmem>>, vector<16xf32>,
      %parallel_loop3A_438 = arith.constant 0 : i32
      %parallel_loop3A_439 = arith.index_cast %parallel_loop3A_438 : i32 to index
      %parallel_loop3A_440 = arith.index_cast %parallel_loop3A_20 : i32 to index
      %parallel_loop3A_441 = tpu.vector_load %arg9[%parallel_loop3A_439, %parallel_loop3A_440] {strides = array<i32>} : memref<8x256xf32, #tpu.memory_space<vmem>>, vector<16xf32>,
      %parallel_loop3A_442 = arith.mulf %parallel_loop3A_441, %parallel_loop3A_422 : vector<16xf32>
      %parallel_loop3A_443 = arith.constant 0 : i32
      %parallel_loop3A_444 = arith.index_cast %parallel_loop3A_443 : i32 to index
      %parallel_loop3A_445 = arith.index_cast %parallel_loop3A_20 : i32 to index
      %parallel_loop3A_446 = tpu.vector_load %arg9[%parallel_loop3A_444, %parallel_loop3A_445] {strides = array<i32>} : memref<8x256xf32, #tpu.memory_space<vmem>>, vector<16xf32>,
      tpu.vector_store %arg9[%parallel_loop3A_444, %parallel_loop3A_445], %parallel_loop3A_442 {strides = array<i32>} : memref<8x256xf32, #tpu.memory_space<vmem>>, vector<16xf32>,
      %parallel_loop3A_447 = arith.constant 0 : i32
      %parallel_loop3A_448 = arith.index_cast %parallel_loop3A_447 : i32 to index
      %parallel_loop3A_449 = arith.index_cast %parallel_loop3A_26 : i32 to index
      %parallel_loop3A_450 = tpu.vector_load %arg9[%parallel_loop3A_448, %parallel_loop3A_449] {strides = array<i32>} : memref<8x256xf32, #tpu.memory_space<vmem>>, vector<16xf32>,
      %parallel_loop3A_451 = arith.mulf %parallel_loop3A_450, %parallel_loop3A_425 : vector<16xf32>
      %parallel_loop3A_452 = arith.constant 0 : i32
      %parallel_loop3A_453 = arith.index_cast %parallel_loop3A_452 : i32 to index
      %parallel_loop3A_454 = arith.index_cast %parallel_loop3A_26 : i32 to index
      %parallel_loop3A_455 = tpu.vector_load %arg9[%parallel_loop3A_453, %parallel_loop3A_454] {strides = array<i32>} : memref<8x256xf32, #tpu.memory_space<vmem>>, vector<16xf32>,
      tpu.vector_store %arg9[%parallel_loop3A_453, %parallel_loop3A_454], %parallel_loop3A_451 {strides = array<i32>} : memref<8x256xf32, #tpu.memory_space<vmem>>, vector<16xf32>,
      %parallel_loop3A_456 = arith.constant 0 : i32
      %parallel_loop3A_457 = arith.index_cast %parallel_loop3A_456 : i32 to index
      %parallel_loop3A_458 = arith.index_cast %parallel_loop3A_32 : i32 to index
      %parallel_loop3A_459 = tpu.vector_load %arg9[%parallel_loop3A_457, %parallel_loop3A_458] {strides = array<i32>} : memref<8x256xf32, #tpu.memory_space<vmem>>, vector<16xf32>,
      %parallel_loop3A_460 = arith.mulf %parallel_loop3A_459, %parallel_loop3A_428 : vector<16xf32>
      %parallel_loop3A_461 = arith.constant 0 : i32
      %parallel_loop3A_462 = arith.index_cast %parallel_loop3A_461 : i32 to index
      %parallel_loop3A_463 = arith.index_cast %parallel_loop3A_32 : i32 to index
      %parallel_loop3A_464 = tpu.vector_load %arg9[%parallel_loop3A_462, %parallel_loop3A_463] {strides = array<i32>} : memref<8x256xf32, #tpu.memory_space<vmem>>, vector<16xf32>,
      tpu.vector_store %arg9[%parallel_loop3A_462, %parallel_loop3A_463], %parallel_loop3A_460 {strides = array<i32>} : memref<8x256xf32, #tpu.memory_space<vmem>>, vector<16xf32>,
      %parallel_loop3A_465 = arith.constant 1 : i32
      %parallel_loop3A_466 = arith.index_cast %parallel_loop3A_465 : i32 to index
      %parallel_loop3A_467 = arith.index_cast %parallel_loop3A_14 : i32 to index
      %parallel_loop3A_468 = tpu.vector_load %arg9[%parallel_loop3A_466, %parallel_loop3A_467] {strides = array<i32>} : memref<8x256xf32, #tpu.memory_space<vmem>>, vector<16xf32>,
      %parallel_loop3A_469 = arith.mulf %parallel_loop3A_468, %parallel_loop3A_419 : vector<16xf32>
      %parallel_loop3A_470 = arith.constant 1 : i32
      %parallel_loop3A_471 = arith.index_cast %parallel_loop3A_470 : i32 to index
      %parallel_loop3A_472 = arith.index_cast %parallel_loop3A_14 : i32 to index
      %parallel_loop3A_473 = tpu.vector_load %arg9[%parallel_loop3A_471, %parallel_loop3A_472] {strides = array<i32>} : memref<8x256xf32, #tpu.memory_space<vmem>>, vector<16xf32>,
      tpu.vector_store %arg9[%parallel_loop3A_471, %parallel_loop3A_472], %parallel_loop3A_469 {strides = array<i32>} : memref<8x256xf32, #tpu.memory_space<vmem>>, vector<16xf32>,
      %parallel_loop3A_474 = arith.constant 1 : i32
      %parallel_loop3A_475 = arith.index_cast %parallel_loop3A_474 : i32 to index
      %parallel_loop3A_476 = arith.index_cast %parallel_loop3A_20 : i32 to index
      %parallel_loop3A_477 = tpu.vector_load %arg9[%parallel_loop3A_475, %parallel_loop3A_476] {strides = array<i32>} : memref<8x256xf32, #tpu.memory_space<vmem>>, vector<16xf32>,
      %parallel_loop3A_478 = arith.mulf %parallel_loop3A_477, %parallel_loop3A_422 : vector<16xf32>
      %parallel_loop3A_479 = arith.constant 1 : i32
      %parallel_loop3A_480 = arith.index_cast %parallel_loop3A_479 : i32 to index
      %parallel_loop3A_481 = arith.index_cast %parallel_loop3A_20 : i32 to index
      %parallel_loop3A_482 = tpu.vector_load %arg9[%parallel_loop3A_480, %parallel_loop3A_481] {strides = array<i32>} : memref<8x256xf32, #tpu.memory_space<vmem>>, vector<16xf32>,
      tpu.vector_store %arg9[%parallel_loop3A_480, %parallel_loop3A_481], %parallel_loop3A_478 {strides = array<i32>} : memref<8x256xf32, #tpu.memory_space<vmem>>, vector<16xf32>,
      %parallel_loop3A_483 = arith.constant 1 : i32
      %parallel_loop3A_484 = arith.index_cast %parallel_loop3A_483 : i32 to index
      %parallel_loop3A_485 = arith.index_cast %parallel_loop3A_26 : i32 to index
      %parallel_loop3A_486 = tpu.vector_load %arg9[%parallel_loop3A_484, %parallel_loop3A_485] {strides = array<i32>} : memref<8x256xf32, #tpu.memory_space<vmem>>, vector<16xf32>,
      %parallel_loop3A_487 = arith.mulf %parallel_loop3A_486, %parallel_loop3A_425 : vector<16xf32>
      %parallel_loop3A_488 = arith.constant 1 : i32
      %parallel_loop3A_489 = arith.index_cast %parallel_loop3A_488 : i32 to index
      %parallel_loop3A_490 = arith.index_cast %parallel_loop3A_26 : i32 to index
      %parallel_loop3A_491 = tpu.vector_load %arg9[%parallel_loop3A_489, %parallel_loop3A_490] {strides = array<i32>} : memref<8x256xf32, #tpu.memory_space<vmem>>, vector<16xf32>,
      tpu.vector_store %arg9[%parallel_loop3A_489, %parallel_loop3A_490], %parallel_loop3A_487 {strides = array<i32>} : memref<8x256xf32, #tpu.memory_space<vmem>>, vector<16xf32>,
      %parallel_loop3A_492 = arith.constant 1 : i32
      %parallel_loop3A_493 = arith.index_cast %parallel_loop3A_492 : i32 to index
      %parallel_loop3A_494 = arith.index_cast %parallel_loop3A_32 : i32 to index
      %parallel_loop3A_495 = tpu.vector_load %arg9[%parallel_loop3A_493, %parallel_loop3A_494] {strides = array<i32>} : memref<8x256xf32, #tpu.memory_space<vmem>>, vector<16xf32>,
      %parallel_loop3A_496 = arith.mulf %parallel_loop3A_495, %parallel_loop3A_428 : vector<16xf32>
      %parallel_loop3A_497 = arith.constant 1 : i32
      %parallel_loop3A_498 = arith.index_cast %parallel_loop3A_497 : i32 to index
      %parallel_loop3A_499 = arith.index_cast %parallel_loop3A_32 : i32 to index
      %parallel_loop3A_500 = tpu.vector_load %arg9[%parallel_loop3A_498, %parallel_loop3A_499] {strides = array<i32>} : memref<8x256xf32, #tpu.memory_space<vmem>>, vector<16xf32>,
      tpu.vector_store %arg9[%parallel_loop3A_498, %parallel_loop3A_499], %parallel_loop3A_496 {strides = array<i32>} : memref<8x256xf32, #tpu.memory_space<vmem>>, vector<16xf32>,
      %parallel_loop3A_501 = arith.constant 2 : i32
      %parallel_loop3A_502 = arith.index_cast %parallel_loop3A_501 : i32 to index
      %parallel_loop3A_503 = arith.index_cast %parallel_loop3A_14 : i32 to index
      %parallel_loop3A_504 = tpu.vector_load %arg9[%parallel_loop3A_502, %parallel_loop3A_503] {strides = array<i32>} : memref<8x256xf32, #tpu.memory_space<vmem>>, vector<16xf32>,
      %parallel_loop3A_505 = arith.mulf %parallel_loop3A_504, %parallel_loop3A_419 : vector<16xf32>
      %parallel_loop3A_506 = arith.constant 2 : i32
      %parallel_loop3A_507 = arith.index_cast %parallel_loop3A_506 : i32 to index
      %parallel_loop3A_508 = arith.index_cast %parallel_loop3A_14 : i32 to index
      %parallel_loop3A_509 = tpu.vector_load %arg9[%parallel_loop3A_507, %parallel_loop3A_508] {strides = array<i32>} : memref<8x256xf32, #tpu.memory_space<vmem>>, vector<16xf32>,
      tpu.vector_store %arg9[%parallel_loop3A_507, %parallel_loop3A_508], %parallel_loop3A_505 {strides = array<i32>} : memref<8x256xf32, #tpu.memory_space<vmem>>, vector<16xf32>,
      %parallel_loop3A_510 = arith.constant 2 : i32
      %parallel_loop3A_511 = arith.index_cast %parallel_loop3A_510 : i32 to index
      %parallel_loop3A_512 = arith.index_cast %parallel_loop3A_20 : i32 to index
      %parallel_loop3A_513 = tpu.vector_load %arg9[%parallel_loop3A_511, %parallel_loop3A_512] {strides = array<i32>} : memref<8x256xf32, #tpu.memory_space<vmem>>, vector<16xf32>,
      %parallel_loop3A_514 = arith.mulf %parallel_loop3A_513, %parallel_loop3A_422 : vector<16xf32>
      %parallel_loop3A_515 = arith.constant 2 : i32
      %parallel_loop3A_516 = arith.index_cast %parallel_loop3A_515 : i32 to index
      %parallel_loop3A_517 = arith.index_cast %parallel_loop3A_20 : i32 to index
      %parallel_loop3A_518 = tpu.vector_load %arg9[%parallel_loop3A_516, %parallel_loop3A_517] {strides = array<i32>} : memref<8x256xf32, #tpu.memory_space<vmem>>, vector<16xf32>,
      tpu.vector_store %arg9[%parallel_loop3A_516, %parallel_loop3A_517], %parallel_loop3A_514 {strides = array<i32>} : memref<8x256xf32, #tpu.memory_space<vmem>>, vector<16xf32>,
      %parallel_loop3A_519 = arith.constant 2 : i32
      %parallel_loop3A_520 = arith.index_cast %parallel_loop3A_519 : i32 to index
      %parallel_loop3A_521 = arith.index_cast %parallel_loop3A_26 : i32 to index
      %parallel_loop3A_522 = tpu.vector_load %arg9[%parallel_loop3A_520, %parallel_loop3A_521] {strides = array<i32>} : memref<8x256xf32, #tpu.memory_space<vmem>>, vector<16xf32>,
      %parallel_loop3A_523 = arith.mulf %parallel_loop3A_522, %parallel_loop3A_425 : vector<16xf32>
      %parallel_loop3A_524 = arith.constant 2 : i32
      %parallel_loop3A_525 = arith.index_cast %parallel_loop3A_524 : i32 to index
      %parallel_loop3A_526 = arith.index_cast %parallel_loop3A_26 : i32 to index
      %parallel_loop3A_527 = tpu.vector_load %arg9[%parallel_loop3A_525, %parallel_loop3A_526] {strides = array<i32>} : memref<8x256xf32, #tpu.memory_space<vmem>>, vector<16xf32>,
      tpu.vector_store %arg9[%parallel_loop3A_525, %parallel_loop3A_526], %parallel_loop3A_523 {strides = array<i32>} : memref<8x256xf32, #tpu.memory_space<vmem>>, vector<16xf32>,
      %parallel_loop3A_528 = arith.constant 2 : i32
      %parallel_loop3A_529 = arith.index_cast %parallel_loop3A_528 : i32 to index
      %parallel_loop3A_530 = arith.index_cast %parallel_loop3A_32 : i32 to index
      %parallel_loop3A_531 = tpu.vector_load %arg9[%parallel_loop3A_529, %parallel_loop3A_530] {strides = array<i32>} : memref<8x256xf32, #tpu.memory_space<vmem>>, vector<16xf32>,
      %parallel_loop3A_532 = arith.mulf %parallel_loop3A_531, %parallel_loop3A_428 : vector<16xf32>
      %parallel_loop3A_533 = arith.constant 2 : i32
      %parallel_loop3A_534 = arith.index_cast %parallel_loop3A_533 : i32 to index
      %parallel_loop3A_535 = arith.index_cast %parallel_loop3A_32 : i32 to index
      %parallel_loop3A_536 = tpu.vector_load %arg9[%parallel_loop3A_534, %parallel_loop3A_535] {strides = array<i32>} : memref<8x256xf32, #tpu.memory_space<vmem>>, vector<16xf32>,
      tpu.vector_store %arg9[%parallel_loop3A_534, %parallel_loop3A_535], %parallel_loop3A_532 {strides = array<i32>} : memref<8x256xf32, #tpu.memory_space<vmem>>, vector<16xf32>,
      %parallel_loop3A_537 = arith.constant 3 : i32
      %parallel_loop3A_538 = arith.index_cast %parallel_loop3A_537 : i32 to index
      %parallel_loop3A_539 = arith.index_cast %parallel_loop3A_14 : i32 to index
      %parallel_loop3A_540 = tpu.vector_load %arg9[%parallel_loop3A_538, %parallel_loop3A_539] {strides = array<i32>} : memref<8x256xf32, #tpu.memory_space<vmem>>, vector<16xf32>,
      %parallel_loop3A_541 = arith.mulf %parallel_loop3A_540, %parallel_loop3A_419 : vector<16xf32>
      %parallel_loop3A_542 = arith.constant 3 : i32
      %parallel_loop3A_543 = arith.index_cast %parallel_loop3A_542 : i32 to index
      %parallel_loop3A_544 = arith.index_cast %parallel_loop3A_14 : i32 to index
      %parallel_loop3A_545 = tpu.vector_load %arg9[%parallel_loop3A_543, %parallel_loop3A_544] {strides = array<i32>} : memref<8x256xf32, #tpu.memory_space<vmem>>, vector<16xf32>,
      tpu.vector_store %arg9[%parallel_loop3A_543, %parallel_loop3A_544], %parallel_loop3A_541 {strides = array<i32>} : memref<8x256xf32, #tpu.memory_space<vmem>>, vector<16xf32>,
      %parallel_loop3A_546 = arith.constant 3 : i32
      %parallel_loop3A_547 = arith.index_cast %parallel_loop3A_546 : i32 to index
      %parallel_loop3A_548 = arith.index_cast %parallel_loop3A_20 : i32 to index
      %parallel_loop3A_549 = tpu.vector_load %arg9[%parallel_loop3A_547, %parallel_loop3A_548] {strides = array<i32>} : memref<8x256xf32, #tpu.memory_space<vmem>>, vector<16xf32>,
      %parallel_loop3A_550 = arith.mulf %parallel_loop3A_549, %parallel_loop3A_422 : vector<16xf32>
      %parallel_loop3A_551 = arith.constant 3 : i32
      %parallel_loop3A_552 = arith.index_cast %parallel_loop3A_551 : i32 to index
      %parallel_loop3A_553 = arith.index_cast %parallel_loop3A_20 : i32 to index
      %parallel_loop3A_554 = tpu.vector_load %arg9[%parallel_loop3A_552, %parallel_loop3A_553] {strides = array<i32>} : memref<8x256xf32, #tpu.memory_space<vmem>>, vector<16xf32>,
      tpu.vector_store %arg9[%parallel_loop3A_552, %parallel_loop3A_553], %parallel_loop3A_550 {strides = array<i32>} : memref<8x256xf32, #tpu.memory_space<vmem>>, vector<16xf32>,
      %parallel_loop3A_555 = arith.constant 3 : i32
      %parallel_loop3A_556 = arith.index_cast %parallel_loop3A_555 : i32 to index
      %parallel_loop3A_557 = arith.index_cast %parallel_loop3A_26 : i32 to index
      %parallel_loop3A_558 = tpu.vector_load %arg9[%parallel_loop3A_556, %parallel_loop3A_557] {strides = array<i32>} : memref<8x256xf32, #tpu.memory_space<vmem>>, vector<16xf32>,
      %parallel_loop3A_559 = arith.mulf %parallel_loop3A_558, %parallel_loop3A_425 : vector<16xf32>
      %parallel_loop3A_560 = arith.constant 3 : i32
      %parallel_loop3A_561 = arith.index_cast %parallel_loop3A_560 : i32 to index
      %parallel_loop3A_562 = arith.index_cast %parallel_loop3A_26 : i32 to index
      %parallel_loop3A_563 = tpu.vector_load %arg9[%parallel_loop3A_561, %parallel_loop3A_562] {strides = array<i32>} : memref<8x256xf32, #tpu.memory_space<vmem>>, vector<16xf32>,
      tpu.vector_store %arg9[%parallel_loop3A_561, %parallel_loop3A_562], %parallel_loop3A_559 {strides = array<i32>} : memref<8x256xf32, #tpu.memory_space<vmem>>, vector<16xf32>,
      %parallel_loop3A_564 = arith.constant 3 : i32
      %parallel_loop3A_565 = arith.index_cast %parallel_loop3A_564 : i32 to index
      %parallel_loop3A_566 = arith.index_cast %parallel_loop3A_32 : i32 to index
      %parallel_loop3A_567 = tpu.vector_load %arg9[%parallel_loop3A_565, %parallel_loop3A_566] {strides = array<i32>} : memref<8x256xf32, #tpu.memory_space<vmem>>, vector<16xf32>,
      %parallel_loop3A_568 = arith.mulf %parallel_loop3A_567, %parallel_loop3A_428 : vector<16xf32>
      %parallel_loop3A_569 = arith.constant 3 : i32
      %parallel_loop3A_570 = arith.index_cast %parallel_loop3A_569 : i32 to index
      %parallel_loop3A_571 = arith.index_cast %parallel_loop3A_32 : i32 to index
      %parallel_loop3A_572 = tpu.vector_load %arg9[%parallel_loop3A_570, %parallel_loop3A_571] {strides = array<i32>} : memref<8x256xf32, #tpu.memory_space<vmem>>, vector<16xf32>,
      tpu.vector_store %arg9[%parallel_loop3A_570, %parallel_loop3A_571], %parallel_loop3A_568 {strides = array<i32>} : memref<8x256xf32, #tpu.memory_space<vmem>>, vector<16xf32>,
      %parallel_loop3A_573 = arith.constant 4 : i32
      %parallel_loop3A_574 = arith.index_cast %parallel_loop3A_573 : i32 to index
      %parallel_loop3A_575 = arith.index_cast %parallel_loop3A_14 : i32 to index
      %parallel_loop3A_576 = tpu.vector_load %arg9[%parallel_loop3A_574, %parallel_loop3A_575] {strides = array<i32>} : memref<8x256xf32, #tpu.memory_space<vmem>>, vector<16xf32>,
      %parallel_loop3A_577 = arith.mulf %parallel_loop3A_576, %parallel_loop3A_419 : vector<16xf32>
      %parallel_loop3A_578 = arith.constant 4 : i32
      %parallel_loop3A_579 = arith.index_cast %parallel_loop3A_578 : i32 to index
      %parallel_loop3A_580 = arith.index_cast %parallel_loop3A_14 : i32 to index
      %parallel_loop3A_581 = tpu.vector_load %arg9[%parallel_loop3A_579, %parallel_loop3A_580] {strides = array<i32>} : memref<8x256xf32, #tpu.memory_space<vmem>>, vector<16xf32>,
      tpu.vector_store %arg9[%parallel_loop3A_579, %parallel_loop3A_580], %parallel_loop3A_577 {strides = array<i32>} : memref<8x256xf32, #tpu.memory_space<vmem>>, vector<16xf32>,
      %parallel_loop3A_582 = arith.constant 4 : i32
      %parallel_loop3A_583 = arith.index_cast %parallel_loop3A_582 : i32 to index
      %parallel_loop3A_584 = arith.index_cast %parallel_loop3A_20 : i32 to index
      %parallel_loop3A_585 = tpu.vector_load %arg9[%parallel_loop3A_583, %parallel_loop3A_584] {strides = array<i32>} : memref<8x256xf32, #tpu.memory_space<vmem>>, vector<16xf32>,
      %parallel_loop3A_586 = arith.mulf %parallel_loop3A_585, %parallel_loop3A_422 : vector<16xf32>
      %parallel_loop3A_587 = arith.constant 4 : i32
      %parallel_loop3A_588 = arith.index_cast %parallel_loop3A_587 : i32 to index
      %parallel_loop3A_589 = arith.index_cast %parallel_loop3A_20 : i32 to index
      %parallel_loop3A_590 = tpu.vector_load %arg9[%parallel_loop3A_588, %parallel_loop3A_589] {strides = array<i32>} : memref<8x256xf32, #tpu.memory_space<vmem>>, vector<16xf32>,
      tpu.vector_store %arg9[%parallel_loop3A_588, %parallel_loop3A_589], %parallel_loop3A_586 {strides = array<i32>} : memref<8x256xf32, #tpu.memory_space<vmem>>, vector<16xf32>,
      %parallel_loop3A_591 = arith.constant 4 : i32
      %parallel_loop3A_592 = arith.index_cast %parallel_loop3A_591 : i32 to index
      %parallel_loop3A_593 = arith.index_cast %parallel_loop3A_26 : i32 to index
      %parallel_loop3A_594 = tpu.vector_load %arg9[%parallel_loop3A_592, %parallel_loop3A_593] {strides = array<i32>} : memref<8x256xf32, #tpu.memory_space<vmem>>, vector<16xf32>,
      %parallel_loop3A_595 = arith.mulf %parallel_loop3A_594, %parallel_loop3A_425 : vector<16xf32>
      %parallel_loop3A_596 = arith.constant 4 : i32
      %parallel_loop3A_597 = arith.index_cast %parallel_loop3A_596 : i32 to index
      %parallel_loop3A_598 = arith.index_cast %parallel_loop3A_26 : i32 to index
      %parallel_loop3A_599 = tpu.vector_load %arg9[%parallel_loop3A_597, %parallel_loop3A_598] {strides = array<i32>} : memref<8x256xf32, #tpu.memory_space<vmem>>, vector<16xf32>,
      tpu.vector_store %arg9[%parallel_loop3A_597, %parallel_loop3A_598], %parallel_loop3A_595 {strides = array<i32>} : memref<8x256xf32, #tpu.memory_space<vmem>>, vector<16xf32>,
      %parallel_loop3A_600 = arith.constant 4 : i32
      %parallel_loop3A_601 = arith.index_cast %parallel_loop3A_600 : i32 to index
      %parallel_loop3A_602 = arith.index_cast %parallel_loop3A_32 : i32 to index
      %parallel_loop3A_603 = tpu.vector_load %arg9[%parallel_loop3A_601, %parallel_loop3A_602] {strides = array<i32>} : memref<8x256xf32, #tpu.memory_space<vmem>>, vector<16xf32>,
      %parallel_loop3A_604 = arith.mulf %parallel_loop3A_603, %parallel_loop3A_428 : vector<16xf32>
      %parallel_loop3A_605 = arith.constant 4 : i32
      %parallel_loop3A_606 = arith.index_cast %parallel_loop3A_605 : i32 to index
      %parallel_loop3A_607 = arith.index_cast %parallel_loop3A_32 : i32 to index
      %parallel_loop3A_608 = tpu.vector_load %arg9[%parallel_loop3A_606, %parallel_loop3A_607] {strides = array<i32>} : memref<8x256xf32, #tpu.memory_space<vmem>>, vector<16xf32>,
      tpu.vector_store %arg9[%parallel_loop3A_606, %parallel_loop3A_607], %parallel_loop3A_604 {strides = array<i32>} : memref<8x256xf32, #tpu.memory_space<vmem>>, vector<16xf32>,
      %parallel_loop3A_609 = arith.constant 5 : i32
      %parallel_loop3A_610 = arith.index_cast %parallel_loop3A_609 : i32 to index
      %parallel_loop3A_611 = arith.index_cast %parallel_loop3A_14 : i32 to index
      %parallel_loop3A_612 = tpu.vector_load %arg9[%parallel_loop3A_610, %parallel_loop3A_611] {strides = array<i32>} : memref<8x256xf32, #tpu.memory_space<vmem>>, vector<16xf32>,
      %parallel_loop3A_613 = arith.mulf %parallel_loop3A_612, %parallel_loop3A_419 : vector<16xf32>
      %parallel_loop3A_614 = arith.constant 5 : i32
      %parallel_loop3A_615 = arith.index_cast %parallel_loop3A_614 : i32 to index
      %parallel_loop3A_616 = arith.index_cast %parallel_loop3A_14 : i32 to index
      %parallel_loop3A_617 = tpu.vector_load %arg9[%parallel_loop3A_615, %parallel_loop3A_616] {strides = array<i32>} : memref<8x256xf32, #tpu.memory_space<vmem>>, vector<16xf32>,
      tpu.vector_store %arg9[%parallel_loop3A_615, %parallel_loop3A_616], %parallel_loop3A_613 {strides = array<i32>} : memref<8x256xf32, #tpu.memory_space<vmem>>, vector<16xf32>,
      %parallel_loop3A_618 = arith.constant 5 : i32
      %parallel_loop3A_619 = arith.index_cast %parallel_loop3A_618 : i32 to index
      %parallel_loop3A_620 = arith.index_cast %parallel_loop3A_20 : i32 to index
      %parallel_loop3A_621 = tpu.vector_load %arg9[%parallel_loop3A_619, %parallel_loop3A_620] {strides = array<i32>} : memref<8x256xf32, #tpu.memory_space<vmem>>, vector<16xf32>,
      %parallel_loop3A_622 = arith.mulf %parallel_loop3A_621, %parallel_loop3A_422 : vector<16xf32>
      %parallel_loop3A_623 = arith.constant 5 : i32
      %parallel_loop3A_624 = arith.index_cast %parallel_loop3A_623 : i32 to index
      %parallel_loop3A_625 = arith.index_cast %parallel_loop3A_20 : i32 to index
      %parallel_loop3A_626 = tpu.vector_load %arg9[%parallel_loop3A_624, %parallel_loop3A_625] {strides = array<i32>} : memref<8x256xf32, #tpu.memory_space<vmem>>, vector<16xf32>,
      tpu.vector_store %arg9[%parallel_loop3A_624, %parallel_loop3A_625], %parallel_loop3A_622 {strides = array<i32>} : memref<8x256xf32, #tpu.memory_space<vmem>>, vector<16xf32>,
      %parallel_loop3A_627 = arith.constant 5 : i32
      %parallel_loop3A_628 = arith.index_cast %parallel_loop3A_627 : i32 to index
      %parallel_loop3A_629 = arith.index_cast %parallel_loop3A_26 : i32 to index
      %parallel_loop3A_630 = tpu.vector_load %arg9[%parallel_loop3A_628, %parallel_loop3A_629] {strides = array<i32>} : memref<8x256xf32, #tpu.memory_space<vmem>>, vector<16xf32>,
      %parallel_loop3A_631 = arith.mulf %parallel_loop3A_630, %parallel_loop3A_425 : vector<16xf32>
      %parallel_loop3A_632 = arith.constant 5 : i32
      %parallel_loop3A_633 = arith.index_cast %parallel_loop3A_632 : i32 to index
      %parallel_loop3A_634 = arith.index_cast %parallel_loop3A_26 : i32 to index
      %parallel_loop3A_635 = tpu.vector_load %arg9[%parallel_loop3A_633, %parallel_loop3A_634] {strides = array<i32>} : memref<8x256xf32, #tpu.memory_space<vmem>>, vector<16xf32>,
      tpu.vector_store %arg9[%parallel_loop3A_633, %parallel_loop3A_634], %parallel_loop3A_631 {strides = array<i32>} : memref<8x256xf32, #tpu.memory_space<vmem>>, vector<16xf32>,
      %parallel_loop3A_636 = arith.constant 5 : i32
      %parallel_loop3A_637 = arith.index_cast %parallel_loop3A_636 : i32 to index
      %parallel_loop3A_638 = arith.index_cast %parallel_loop3A_32 : i32 to index
      %parallel_loop3A_639 = tpu.vector_load %arg9[%parallel_loop3A_637, %parallel_loop3A_638] {strides = array<i32>} : memref<8x256xf32, #tpu.memory_space<vmem>>, vector<16xf32>,
      %parallel_loop3A_640 = arith.mulf %parallel_loop3A_639, %parallel_loop3A_428 : vector<16xf32>
      %parallel_loop3A_641 = arith.constant 5 : i32
      %parallel_loop3A_642 = arith.index_cast %parallel_loop3A_641 : i32 to index
      %parallel_loop3A_643 = arith.index_cast %parallel_loop3A_32 : i32 to index
      %parallel_loop3A_644 = tpu.vector_load %arg9[%parallel_loop3A_642, %parallel_loop3A_643] {strides = array<i32>} : memref<8x256xf32, #tpu.memory_space<vmem>>, vector<16xf32>,
      tpu.vector_store %arg9[%parallel_loop3A_642, %parallel_loop3A_643], %parallel_loop3A_640 {strides = array<i32>} : memref<8x256xf32, #tpu.memory_space<vmem>>, vector<16xf32>,
      %parallel_loop3A_645 = arith.constant 6 : i32
      %parallel_loop3A_646 = arith.index_cast %parallel_loop3A_645 : i32 to index
      %parallel_loop3A_647 = arith.index_cast %parallel_loop3A_14 : i32 to index
      %parallel_loop3A_648 = tpu.vector_load %arg9[%parallel_loop3A_646, %parallel_loop3A_647] {strides = array<i32>} : memref<8x256xf32, #tpu.memory_space<vmem>>, vector<16xf32>,
      %parallel_loop3A_649 = arith.mulf %parallel_loop3A_648, %parallel_loop3A_419 : vector<16xf32>
      %parallel_loop3A_650 = arith.constant 6 : i32
      %parallel_loop3A_651 = arith.index_cast %parallel_loop3A_650 : i32 to index
      %parallel_loop3A_652 = arith.index_cast %parallel_loop3A_14 : i32 to index
      %parallel_loop3A_653 = tpu.vector_load %arg9[%parallel_loop3A_651, %parallel_loop3A_652] {strides = array<i32>} : memref<8x256xf32, #tpu.memory_space<vmem>>, vector<16xf32>,
      tpu.vector_store %arg9[%parallel_loop3A_651, %parallel_loop3A_652], %parallel_loop3A_649 {strides = array<i32>} : memref<8x256xf32, #tpu.memory_space<vmem>>, vector<16xf32>,
      %parallel_loop3A_654 = arith.constant 6 : i32
      %parallel_loop3A_655 = arith.index_cast %parallel_loop3A_654 : i32 to index
      %parallel_loop3A_656 = arith.index_cast %parallel_loop3A_20 : i32 to index
      %parallel_loop3A_657 = tpu.vector_load %arg9[%parallel_loop3A_655, %parallel_loop3A_656] {strides = array<i32>} : memref<8x256xf32, #tpu.memory_space<vmem>>, vector<16xf32>,
      %parallel_loop3A_658 = arith.mulf %parallel_loop3A_657, %parallel_loop3A_422 : vector<16xf32>
      %parallel_loop3A_659 = arith.constant 6 : i32
      %parallel_loop3A_660 = arith.index_cast %parallel_loop3A_659 : i32 to index
      %parallel_loop3A_661 = arith.index_cast %parallel_loop3A_20 : i32 to index
      %parallel_loop3A_662 = tpu.vector_load %arg9[%parallel_loop3A_660, %parallel_loop3A_661] {strides = array<i32>} : memref<8x256xf32, #tpu.memory_space<vmem>>, vector<16xf32>,
      tpu.vector_store %arg9[%parallel_loop3A_660, %parallel_loop3A_661], %parallel_loop3A_658 {strides = array<i32>} : memref<8x256xf32, #tpu.memory_space<vmem>>, vector<16xf32>,
      %parallel_loop3A_663 = arith.constant 6 : i32
      %parallel_loop3A_664 = arith.index_cast %parallel_loop3A_663 : i32 to index
      %parallel_loop3A_665 = arith.index_cast %parallel_loop3A_26 : i32 to index
      %parallel_loop3A_666 = tpu.vector_load %arg9[%parallel_loop3A_664, %parallel_loop3A_665] {strides = array<i32>} : memref<8x256xf32, #tpu.memory_space<vmem>>, vector<16xf32>,
      %parallel_loop3A_667 = arith.mulf %parallel_loop3A_666, %parallel_loop3A_425 : vector<16xf32>
      %parallel_loop3A_668 = arith.constant 6 : i32
      %parallel_loop3A_669 = arith.index_cast %parallel_loop3A_668 : i32 to index
      %parallel_loop3A_670 = arith.index_cast %parallel_loop3A_26 : i32 to index
      %parallel_loop3A_671 = tpu.vector_load %arg9[%parallel_loop3A_669, %parallel_loop3A_670] {strides = array<i32>} : memref<8x256xf32, #tpu.memory_space<vmem>>, vector<16xf32>,
      tpu.vector_store %arg9[%parallel_loop3A_669, %parallel_loop3A_670], %parallel_loop3A_667 {strides = array<i32>} : memref<8x256xf32, #tpu.memory_space<vmem>>, vector<16xf32>,
      %parallel_loop3A_672 = arith.constant 6 : i32
      %parallel_loop3A_673 = arith.index_cast %parallel_loop3A_672 : i32 to index
      %parallel_loop3A_674 = arith.index_cast %parallel_loop3A_32 : i32 to index
      %parallel_loop3A_675 = tpu.vector_load %arg9[%parallel_loop3A_673, %parallel_loop3A_674] {strides = array<i32>} : memref<8x256xf32, #tpu.memory_space<vmem>>, vector<16xf32>,
      %parallel_loop3A_676 = arith.mulf %parallel_loop3A_675, %parallel_loop3A_428 : vector<16xf32>
      %parallel_loop3A_677 = arith.constant 6 : i32
      %parallel_loop3A_678 = arith.index_cast %parallel_loop3A_677 : i32 to index
      %parallel_loop3A_679 = arith.index_cast %parallel_loop3A_32 : i32 to index
      %parallel_loop3A_680 = tpu.vector_load %arg9[%parallel_loop3A_678, %parallel_loop3A_679] {strides = array<i32>} : memref<8x256xf32, #tpu.memory_space<vmem>>, vector<16xf32>,
      tpu.vector_store %arg9[%parallel_loop3A_678, %parallel_loop3A_679], %parallel_loop3A_676 {strides = array<i32>} : memref<8x256xf32, #tpu.memory_space<vmem>>, vector<16xf32>,
      %parallel_loop3A_681 = arith.constant 7 : i32
      %parallel_loop3A_682 = arith.index_cast %parallel_loop3A_681 : i32 to index
      %parallel_loop3A_683 = arith.index_cast %parallel_loop3A_14 : i32 to index
      %parallel_loop3A_684 = tpu.vector_load %arg9[%parallel_loop3A_682, %parallel_loop3A_683] {strides = array<i32>} : memref<8x256xf32, #tpu.memory_space<vmem>>, vector<16xf32>,
      %parallel_loop3A_685 = arith.mulf %parallel_loop3A_684, %parallel_loop3A_419 : vector<16xf32>
      %parallel_loop3A_686 = arith.constant 7 : i32
      %parallel_loop3A_687 = arith.index_cast %parallel_loop3A_686 : i32 to index
      %parallel_loop3A_688 = arith.index_cast %parallel_loop3A_14 : i32 to index
      %parallel_loop3A_689 = tpu.vector_load %arg9[%parallel_loop3A_687, %parallel_loop3A_688] {strides = array<i32>} : memref<8x256xf32, #tpu.memory_space<vmem>>, vector<16xf32>,
      tpu.vector_store %arg9[%parallel_loop3A_687, %parallel_loop3A_688], %parallel_loop3A_685 {strides = array<i32>} : memref<8x256xf32, #tpu.memory_space<vmem>>, vector<16xf32>,
      %parallel_loop3A_690 = arith.constant 7 : i32
      %parallel_loop3A_691 = arith.index_cast %parallel_loop3A_690 : i32 to index
      %parallel_loop3A_692 = arith.index_cast %parallel_loop3A_20 : i32 to index
      %parallel_loop3A_693 = tpu.vector_load %arg9[%parallel_loop3A_691, %parallel_loop3A_692] {strides = array<i32>} : memref<8x256xf32, #tpu.memory_space<vmem>>, vector<16xf32>,
      %parallel_loop3A_694 = arith.mulf %parallel_loop3A_693, %parallel_loop3A_422 : vector<16xf32>
      %parallel_loop3A_695 = arith.constant 7 : i32
      %parallel_loop3A_696 = arith.index_cast %parallel_loop3A_695 : i32 to index
      %parallel_loop3A_697 = arith.index_cast %parallel_loop3A_20 : i32 to index
      %parallel_loop3A_698 = tpu.vector_load %arg9[%parallel_loop3A_696, %parallel_loop3A_697] {strides = array<i32>} : memref<8x256xf32, #tpu.memory_space<vmem>>, vector<16xf32>,
      tpu.vector_store %arg9[%parallel_loop3A_696, %parallel_loop3A_697], %parallel_loop3A_694 {strides = array<i32>} : memref<8x256xf32, #tpu.memory_space<vmem>>, vector<16xf32>,
      %parallel_loop3A_699 = arith.constant 7 : i32
      %parallel_loop3A_700 = arith.index_cast %parallel_loop3A_699 : i32 to index
      %parallel_loop3A_701 = arith.index_cast %parallel_loop3A_26 : i32 to index
      %parallel_loop3A_702 = tpu.vector_load %arg9[%parallel_loop3A_700, %parallel_loop3A_701] {strides = array<i32>} : memref<8x256xf32, #tpu.memory_space<vmem>>, vector<16xf32>,
      %parallel_loop3A_703 = arith.mulf %parallel_loop3A_702, %parallel_loop3A_425 : vector<16xf32>
      %parallel_loop3A_704 = arith.constant 7 : i32
      %parallel_loop3A_705 = arith.index_cast %parallel_loop3A_704 : i32 to index
      %parallel_loop3A_706 = arith.index_cast %parallel_loop3A_26 : i32 to index
      %parallel_loop3A_707 = tpu.vector_load %arg9[%parallel_loop3A_705, %parallel_loop3A_706] {strides = array<i32>} : memref<8x256xf32, #tpu.memory_space<vmem>>, vector<16xf32>,
      tpu.vector_store %arg9[%parallel_loop3A_705, %parallel_loop3A_706], %parallel_loop3A_703 {strides = array<i32>} : memref<8x256xf32, #tpu.memory_space<vmem>>, vector<16xf32>,
      %parallel_loop3A_708 = arith.constant 7 : i32
      %parallel_loop3A_709 = arith.index_cast %parallel_loop3A_708 : i32 to index
      %parallel_loop3A_710 = arith.index_cast %parallel_loop3A_32 : i32 to index
      %parallel_loop3A_711 = tpu.vector_load %arg9[%parallel_loop3A_709, %parallel_loop3A_710] {strides = array<i32>} : memref<8x256xf32, #tpu.memory_space<vmem>>, vector<16xf32>,
      %parallel_loop3A_712 = arith.mulf %parallel_loop3A_711, %parallel_loop3A_428 : vector<16xf32>
      %parallel_loop3A_713 = arith.constant 7 : i32
      %parallel_loop3A_714 = arith.index_cast %parallel_loop3A_713 : i32 to index
      %parallel_loop3A_715 = arith.index_cast %parallel_loop3A_32 : i32 to index
      %parallel_loop3A_716 = tpu.vector_load %arg9[%parallel_loop3A_714, %parallel_loop3A_715] {strides = array<i32>} : memref<8x256xf32, #tpu.memory_space<vmem>>, vector<16xf32>,
      tpu.vector_store %arg9[%parallel_loop3A_714, %parallel_loop3A_715], %parallel_loop3A_712 {strides = array<i32>} : memref<8x256xf32, #tpu.memory_space<vmem>>, vector<16xf32>,
    } {sc.loop_unroll_factor = 1 : i64, sc.parallel_access}
    "tpu.region"() ({
      %run_scoped3A = tpu.sem_alloc : memref<!tpu.dma_semaphore, #tpu.memory_space<semaphore_mem>>
      %dma_start3A = arith.constant 0 : i32
      %dma_start3A_8 = tpu.memref_slice %arg4[%dma_start3A, %mul3A_2] : memref<8x8192xi32, #tpu.memory_space<hbm>> -> memref<8x256xi32, #tpu.memory_space<hbm>>
      %dma_start3A_9 = arith.constant 0 : i32
      %dma_start3A_10 = tpu.memref_slice %arg4[%dma_start3A_9, %mul3A_2] : memref<8x8192xi32, #tpu.memory_space<hbm>> -> memref<8x256xi32, #tpu.memory_space<hbm>>
      tpu.enqueue_dma source(%arg8 : memref<8x256xi32, #tpu.memory_space<vmem>>) target(%dma_start3A_10 : memref<8x256xi32, #tpu.memory_space<hbm>>) target_semaphore(%run_scoped3A : memref<!tpu.dma_semaphore, #tpu.memory_space<semaphore_mem>>)
      %dma_wait3A = arith.constant 0 : i32
      %dma_wait3A_11 = tpu.memref_slice %arg4[%dma_wait3A, %mul3A_2] : memref<8x8192xi32, #tpu.memory_space<hbm>> -> memref<8x256xi32, #tpu.memory_space<hbm>>
      %dma_wait3A_12 = arith.constant 0 : i32
      %dma_wait3A_13 = tpu.memref_slice %arg4[%dma_wait3A_12, %mul3A_2] : memref<8x8192xi32, #tpu.memory_space<hbm>> -> memref<8x256xi32, #tpu.memory_space<hbm>>
      tpu.wait_dma2 semaphore(%run_scoped3A : memref<!tpu.dma_semaphore, #tpu.memory_space<semaphore_mem>>) src(%arg8 : memref<8x256xi32, #tpu.memory_space<vmem>>) dst(%dma_wait3A_13 : memref<8x256xi32, #tpu.memory_space<hbm>>)
      tpu.yield
    }) : () -> ()
    "tpu.region"() ({
      %run_scoped3A = tpu.sem_alloc : memref<!tpu.dma_semaphore, #tpu.memory_space<semaphore_mem>>
      %dma_start3A = arith.constant 0 : i32
      %dma_start3A_8 = tpu.memref_slice %arg5[%dma_start3A, %mul3A_2] : memref<8x8192xf32, #tpu.memory_space<hbm>> -> memref<8x256xf32, #tpu.memory_space<hbm>>
      %dma_start3A_9 = arith.constant 0 : i32
      %dma_start3A_10 = tpu.memref_slice %arg5[%dma_start3A_9, %mul3A_2] : memref<8x8192xf32, #tpu.memory_space<hbm>> -> memref<8x256xf32, #tpu.memory_space<hbm>>
      tpu.enqueue_dma source(%arg9 : memref<8x256xf32, #tpu.memory_space<vmem>>) target(%dma_start3A_10 : memref<8x256xf32, #tpu.memory_space<hbm>>) target_semaphore(%run_scoped3A : memref<!tpu.dma_semaphore, #tpu.memory_space<semaphore_mem>>)
      %dma_wait3A = arith.constant 0 : i32
      %dma_wait3A_11 = tpu.memref_slice %arg5[%dma_wait3A, %mul3A_2] : memref<8x8192xf32, #tpu.memory_space<hbm>> -> memref<8x256xf32, #tpu.memory_space<hbm>>
      %dma_wait3A_12 = arith.constant 0 : i32
      %dma_wait3A_13 = tpu.memref_slice %arg5[%dma_wait3A_12, %mul3A_2] : memref<8x8192xf32, #tpu.memory_space<hbm>> -> memref<8x256xf32, #tpu.memory_space<hbm>>
      tpu.wait_dma2 semaphore(%run_scoped3A : memref<!tpu.dma_semaphore, #tpu.memory_space<semaphore_mem>>) src(%arg9 : memref<8x256xf32, #tpu.memory_space<vmem>>) dst(%dma_wait3A_13 : memref<8x256xf32, #tpu.memory_space<hbm>>)
      tpu.yield
    }) : () -> ()
    return
  }
}

module attributes {stable_mosaic.version = 14 : i64} {
  func.func @body(%arg0: i32, %arg1: memref<64x2048xf32, #tpu.memory_space<vmem>>, %arg2: memref<1024x2048xf32, #tpu.memory_space<vmem>>, %arg3: memref<64x1024xf32, #tpu.memory_space<vmem>>) attributes {dimension_semantics = [#tpu.dimension_semantics<arbitrary>], iteration_bounds = array<i64: 8>, scalar_prefetch = 0 : i64, scratch_operands = 0 : i64, tpu.core_type = #tpu.core_type<tc>, window_params = [{pipeline_mode = #tpu.pipeline_mode<synchronous>, transform_indices = @transform_0, window_bounds = array<i64: 64, 2048>}, {transform_indices = @transform_1, window_bounds = array<i64: 1024, 2048>}, {transform_indices = @transform_2, window_bounds = array<i64: 64, 1024>}]} {
    %get3A = arith.constant 0 : index
    %get3A_0 = arith.constant 0 : index
    %get3A_1 = vector.load %arg1[%get3A, %get3A_0] : memref<64x2048xf32, #tpu.memory_space<vmem>>, vector<64x2048xf32>
    %get3A_2 = arith.constant 0 : index
    %get3A_3 = arith.constant 0 : index
    %get3A_4 = vector.load %arg2[%get3A_2, %get3A_3] : memref<1024x2048xf32, #tpu.memory_space<vmem>>, vector<1024x2048xf32>
    %dot_general3A = arith.constant dense<0.000000e+00> : vector<64x1024xf32>
    %dot_general3A_5 = tpu.matmul %get3A_1, %get3A_4, %dot_general3A {dimension_numbers = #tpu.dot_dimension_numbers<[1], [1], [0], [0], [0, 0, 1, 0], [], []>, transpose_lhs_hint = false} : vector<64x2048xf32>, vector<1024x2048xf32>, vector<64x1024xf32> -> vector<64x1024xf32>
    %neg3A = arith.constant 0.000000e+00 : f32
    %neg3A_6 = vector.broadcast %neg3A : f32 to vector<64x1024xf32>
    %neg3A_7 = arith.subf %neg3A_6, %dot_general3A_5 : vector<64x1024xf32>
    %exp3A = math.exp %neg3A_7 : vector<64x1024xf32>
    %add3A = arith.constant 1.000000e+00 : f32
    %add3A_8 = vector.broadcast %add3A : f32 to vector<64x1024xf32>
    %add3A_9 = arith.addf %add3A_8, %exp3A : vector<64x1024xf32>
    %div3A = arith.constant 1.000000e+00 : f32
    %div3A_10 = vector.broadcast %div3A : f32 to vector<64x1024xf32>
    %div3A_11 = arith.divf %div3A_10, %add3A_9 : vector<64x1024xf32>
    %swap3A = arith.constant 0 : index
    %swap3A_12 = arith.constant 0 : index
    %swap3A_13 = vector.load %arg3[%swap3A, %swap3A_12] : memref<64x1024xf32, #tpu.memory_space<vmem>>, vector<64x1024xf32>
    tpu.vector_store %arg3[%swap3A, %swap3A_12], %div3A_11 {strides = array<i32>} : memref<64x1024xf32, #tpu.memory_space<vmem>>, vector<64x1024xf32>,
    return
  }
  func.func @transform_0(%arg0: i32) -> (i32, i32) {
    %c0_i32 = arith.constant 0 : i32
    %c0_i32_0 = arith.constant 0 : i32
    %c0_i32_1 = arith.constant 0 : i32
    return %c0_i32, %c0_i32_0 : i32, i32
  }
  func.func @transform_1(%arg0: i32) -> (i32, i32) {
    %add3A = arith.constant 0 : i32
    %add3A_0 = arith.addi %add3A, %arg0 : i32
    %c0_i32 = arith.constant 0 : i32
    %c0_i32_1 = arith.constant 0 : i32
    return %add3A_0, %c0_i32 : i32, i32
  }
  func.func @transform_2(%arg0: i32) -> (i32, i32) {
    %c0_i32 = arith.constant 0 : i32
    %c0_i32_0 = arith.constant 0 : i32
    return %c0_i32, %arg0 : i32, i32
  }
}

</mosaic_0001>

<sc_bundles>
// kernel: kernel.4.cloned.1.call-start
scs
__scs_entry_jumppad:
0x0: {  	(pc) =	sbr.rel $0x88, $3  }
0x1: {  	(tag) =	ssettag $0x0;
	lr =	simm.s32 $0x1  }
0x2: {  	[smem:$0x3F9E] =	sst lr;
	_ =	strace $0xD0000000  }
0x3: {  	_ = 	snop  }
0x4: {  	_ = 	snop  }
0x5: {  	_ = 	snop  }
0x6: {  	_ = 	snop  }
0x7: {  	_ = 	snop  }
__scs_overlays_trampoline_lowered:
0x8: {  	[smem:$0x3FAD] =	sst s0  }
0x9: {  	[smem:$0x3FAE] =	sst s1  }
0xa: {  	[smem:$0x3FAF] =	sst s2  }
0xb: {  	[smem:$0x3FB0] =	sst s3  }
0xc: {  	[smem:$0x3FB1] =	sst s4  }
0xd: {  	[smem:$0x3FB2] =	sst s5  }
0xe: {  	[smem:$0x3FB3] =	sst s6  }
0xf: {  	[smem:$0x3FB4] =	sst s7  }
0x10: {  	[smem:$0x3FB5] =	sst s8  }
0x11: {  	[smem:$0x3FB6] =	sst s9;
	s0 =	simm.s32 @!p0 $0x0  }
0x12: {  	s1 =	sld [smem:$0x3F9C];
	s0 =	simm.s32 @p0 $0x1  }
0x13: {  	[smem:$0x3FB7] =	sst s0;
	s0 =	simm.s32 @!p1 $0x0  }
0x14: {  	s2 =	sld [smem:$0x3F9B];
	s0 =	simm.s32 @p1 $0x1  }
0x15: {  	[smem:$0x3FB8] =	sst s0;
	s0 =	simm.s32 @!p2 $0x0  }
0x16: {  	s3 =	sld [smem:$0x3FDB];
	s0 =	simm.s32 @p2 $0x1  }
0x17: {  	s4 =	simm.s32 $0x1BF5;
	[smem:$0x3FBA] =	sst s0  }
0x18: {  	s0 =	sld [smem:$0x3F9D];
	_ =	swait.ge [sflag:s4], $0x0  }
0x19: {  	s7 =	sld [smem:$0x3F9E]  }
0x1a: {  	s8 =	sadd.s32 $0xFFFFE003, lr  }
0x1b: {  	s9 =	sadd.s32 $0xFFFFFEF7, lr;
	s5 =	simm.s32 $0xFFFFFFFF;
	p2 =	slt.u32 s8, $0xFFFFF086  }
0x1c: {  	p1 =	slt.u32 s9, $0xF7A;
	s5 =	simm.s32 @!p2 $0x0  }
0x1d: {  	s5 =	simm.s32 @p1 $0x1;
	p0 =	seq.s32 s7, s2  }
0x1e: {  	s7 =	smul.u32 @!p0 $0xF7A, s2;
	p2 =	seq.s32 @!p0 s5, $0x0  }
0x1f: {  	s9 =	smul.u32 $0xF7A, s1;
	s8 =	simm.s32 @!p0 $0x1BF5;
	p2 =	por !p2, p0  }
0x20: {  	[sflag:s8] =	ssyncset.s32 @!p0 $0xFFFFF086;
	s6 =	sadd.s32 @!p0 s3, s7;
	s7 =	simm.s32 @!p0 $0x108  }
0x21: {  	s3 =	sadd.s32 s3, s9;
	s6 =	sadd.s32 @!p0 $0x88, s6;
	s7 =	simm.s32 @p2 $0x1082  }
0x22: {  	[simem:s7], [sflag:s8] =	dma.local @!p0 [hbm:s6], $0xF7A  }
0x23: {  	s9 =	sor.u32 $0xD0000000, s2;
	s6 =	simm.s32 $0x108;
	_ =	swait.ge @!p0 [sflag:s8], $0x0  }
0x24: {  	s3 =	sadd.s32 $0x88, s3;
	s6 =	simm.s32 @!p1 $0x1082;
	[sflag:s4] =	ssyncset.s32 $0xFFFFF086  }
0x25: {  	[simem:s6], [sflag:s4] =	dma.local [hbm:s3], $0xF7A  }
0x26: {  	[smem:$0x3F9E] =	sst s1;
	(tag) =	ssettag s2;
	_ =	strace s9  }
0x27: {  	s1 =	sld [smem:$0x3FAE]  }
0x28: {  	s2 =	sld [smem:$0x3FAF]  }
0x29: {  	s4 =	sld [smem:$0x3FB1]  }
0x2a: {  	p0 =	seq.s32 s5, $0x0;
	s5 =	sld [smem:$0x3FB2]  }
0x2b: {  	s6 =	sld [smem:$0x3FB3]  }
0x2c: {  	s7 =	sld [smem:$0x3FB4]  }
0x2d: {  	s3 =	simm.s32 $0x108;
	s8 =	sld [smem:$0x3FB5]  }
0x2e: {  	s3 =	simm.s32 @!p0 $0x1082;
	s9 =	sld [smem:$0x3FB6]  }
0x2f: {  	lr =	sadd.s32 s0, s3;
	s0 =	sld [smem:$0x3FAD]  }
0x30: {  	s3 =	sld [smem:$0x3FB0]  }
0x31: {  	[smem:$0x3FB9] =	sst s10  }
0x32: {  	s10 =	sld [smem:$0x3FB7];
	_ =	sdelay $0x3  }
0x33: {  	p0 =	seq.s32 s10, $0x1;
	s10 =	sld [smem:$0x3FB9];
	_ =	sdelay $0x3  }
0x34: {  	[smem:$0x3FB9] =	sst s10  }
0x35: {  	s10 =	sld [smem:$0x3FB8];
	_ =	sdelay $0x3  }
0x36: {  	p1 =	seq.s32 s10, $0x1;
	s10 =	sld [smem:$0x3FB9];
	_ =	sdelay $0x3  }
0x37: {  	[smem:$0x3FB9] =	sst s10  }
0x38: {  	s10 =	sld [smem:$0x3FBA]  }
0x39: {  	_ = 	snop;
	(pc) =	sbr.ind lr, $3  }
0x3a: {  	_ = 	snop  }
0x3b: {  	_ = 	snop  }
0x3c: {  	p2 =	seq.s32 s10, $0x1;
	s10 =	sld [smem:$0x3FB9]  }
0x3d: {  	_ =	shalt  }
0x3e: {  	_ =	shalt  }
0x3f: {  	_ =	shalt  }
0x40: {  	_ =	shalt  }
0x41: {  	_ =	shalt  }
0x42: {  	_ =	shalt  }
0x43: {  	_ =	shalt  }
0x44: {  	_ =	shalt  }
0x45: {  	_ =	shalt  }
0x46: {  	_ =	shalt  }
0x47: {  	_ =	shalt  }
0x48: {  	_ =	shalt  }
0x49: {  	_ =	shalt  }
0x4a: {  	_ =	shalt  }
0x4b: {  	_ =	shalt  }
0x4c: {  	_ =	shalt  }
0x4d: {  	_ =	shalt  }
0x4e: {  	_ =	shalt  }
0x4f: {  	_ =	shalt  }
0x50: {  	_ =	shalt  }
0x51: {  	_ =	shalt  }
0x52: {  	_ =	shalt  }
0x53: {  	_ =	shalt  }
0x54: {  	_ =	shalt  }
0x55: {  	_ =	shalt  }
0x56: {  	_ =	shalt  }
0x57: {  	_ =	shalt  }
0x58: {  	_ =	shalt  }
0x59: {  	_ =	shalt  }
0x5a: {  	_ =	shalt  }
0x5b: {  	_ =	shalt  }
0x5c: {  	_ =	shalt  }
0x5d: {  	_ =	shalt  }
0x5e: {  	_ =	shalt  }
0x5f: {  	_ =	shalt  }
0x60: {  	_ =	shalt  }
0x61: {  	_ =	shalt  }
0x62: {  	_ =	shalt  }
0x63: {  	_ =	shalt  }
0x64: {  	_ =	shalt  }
0x65: {  	_ =	shalt  }
0x66: {  	_ =	shalt  }
0x67: {  	_ =	shalt  }
0x68: {  	_ =	shalt  }
0x69: {  	_ =	shalt  }
0x6a: {  	_ =	shalt  }
0x6b: {  	_ =	shalt  }
0x6c: {  	_ =	shalt  }
0x6d: {  	_ =	shalt  }
0x6e: {  	_ =	shalt  }
0x6f: {  	_ =	shalt  }
0x70: {  	_ =	shalt  }
0x71: {  	_ =	shalt  }
0x72: {  	_ =	shalt  }
0x73: {  	_ =	shalt  }
0x74: {  	_ =	shalt  }
0x75: {  	_ =	shalt  }
0x76: {  	_ =	shalt  }
0x77: {  	_ =	shalt  }
0x78: {  	_ =	shalt  }
0x79: {  	_ =	shalt  }
0x7a: {  	_ =	shalt  }
0x7b: {  	_ =	shalt  }
0x7c: {  	_ =	shalt  }
0x7d: {  	_ =	shalt  }
0x7e: {  	_ =	shalt  }
0x7f: {  	_ =	shalt  }
0x80: {  	_ =	shalt  }
0x81: {  	_ =	shalt  }
0x82: {  	_ =	shalt  }
0x83: {  	_ =	shalt  }
0x84: {  	_ =	shalt  }
0x85: {  	_ =	shalt  }
0x86: {  	_ =	shalt  }
0x87: {  	_ =	shalt  }
.Lfunc_end0:
.L_simem_size_0:
called_computation_lowered:
.L_overlay_start_0:
0x88: {  	s2 =	sld [smem:$0x3FD9]  }
0x89: {  	s3 =	sld [smem:$0x3FFE];
	_ =	sdelay $0x1  }
0x8a: {  	s1 =	srdreg.scid  }
0x8b: {  	s0 =	sand.u32 $0x1, s1  }
0x8c: {  	s14 =	sshll.u32 s0, $0xA;
	s2 =	sadd.s32 s3, s2  }
0x8d: {  	s2 =	sadd.s32 s2, s14  }
0x8e: {  	[smem:$0x3FC5] =	sst s2  }
0x8f: {  	_ = 	snop  }
0x90: {  	s2 =	sld [smem:$0x3FD0];
	_ =	sdelay $0x2  }
0x91: {  	s4 =	simm.s32 $0xA;
	s5 =	simm.s32 $0x10;
	s15 =	sld [smem:$0x3FC7]  }
0x92: {  	[smem:s5], [sflag:s4] =	dma.local [hbm:s2], $0x1  }
0x93: {  	_ =	swait.eq [sflag:s4], $0x1  }
0x94: {  	[sflag:s4] =	ssyncset.done $0x0  }
0x95: {  	[sflag:s4] =	ssyncadd.s32 $0xFFFFFFFF  }
0x96: {  	s16 =	sld [smem:$0x11];
	(tm) =	ssettm $0x1  }
0x97: {  	s17 =	sld [smem:$0x3FFB];
	_ =	sdelay $0x3  }
0x98: {  	_ =	strace s17  }
0x99: {  	s4 =	sld [smem:$0x3FFC];
	_ =	sdelay $0x3  }
0x9a: {  	_ =	strace s4  }
0x9b: {  	s4 =	sld [smem:$0x3FFD];
	_ =	sdelay $0x3  }
0x9c: {  	_ =	strace s4  }
0x9d: {  	_ =	strace $0x8FFFFFFF  }
0x9e: {  	s18 =	sld [smem:$0x3FDB];
	_ =	sdelay $0x1  }
0x9f: {  	s19 =	simm.s32 $_scs_section_size  }
0xa0: {  	s6 =	simm.s32 $_size__tile_overlayer_lowered;
	s7 =	simm.s32 $_tile_overlayer_lowered  }
0xa1: {  	s22 =	simm.s32 $0x1BFF;
	s21 =	sshll.u32 s7, $0x1;
	s4 =	sadd.s32 s19, s18  }
0xa2: {  	s8 =	simm.s32 $0x0;
	s20 =	sshll.u32 s6, $0x1;
	s6 =	sadd.s32 s21, s4  }
0xa3: {  	[timem:s8], [sflag:s22] =	dma.local [hbm:s6], s20  }
0xa4: {  	_ =	swait.ge [sflag:s22], s20  }
0xa5: {  	s5 =	ssub.s32 $0x0, s20;
	[sflag:s22] =	ssyncset.done $0x0  }
0xa6: {  	[sflag:s22] =	ssyncadd.s32 s5;
	_ =	sdelay $0x1  }
0xa7: {  	s23 =	simm.s32 $0x1B8B  }
0xa8: {  	_ =	swait.ge [sflag:s23], $0x1  }
0xa9: {  	[sflag:s23] =	ssyncset.done $0x0  }
0xaa: {  	s25 =	simm.s32 $0x1B8E;
	s24 =	sld [smem:$0x3FFE];
	[sflag:s23] =	ssyncadd.s32 $0xFFFFFFFF  }
0xab: {  	s26 =	simm.s32 $execute0_lowered;
	[smem:$0x3FD2] =	sst s25  }
0xac: {  	s6 =	sshll.u32 s26, $0x1;
	_ =	strace $0x80000046;
	[dreg:$0x1] =	wrdreg $0xFFFFFFFF  }
0xad: {  	s28 =	simm.s32 $_size_execute0_lowered;
	s4 =	sadd.s32 s4, s6;
	[dreg:$0x0] =	wrdreg $0x0  }
0xae: {  	s6 =	sshll.u32 s28, $0x1;
	[dreg:$0x2] =	wrdreg s4  }
0xaf: {  	[dreg:$0x3] =	wrdreg s6  }
0xb0: {  	[dreg:$0x4] =	wrdreg $0xC0  }
0xb1: {  	_ =	task [dreg:s8], $0x5FFFF  }
0xb2: {  	[dreg:$0x1] =	wrdreg $0xFFFFFFFF  }
0xb3: {  	[dreg:$0x0] =	wrdreg $0x60  }
0xb4: {  	[dreg:$0x2] =	wrdreg s24  }
0xb5: {  	[dreg:$0x3] =	wrdreg s15  }
0xb6: {  	[dreg:$0x4] =	wrdreg s16  }
0xb7: {  	[dreg:$0x5] =	wrdreg $0x9  }
0xb8: {  	_ =	task.clear_ibuf [dreg:s8], $0x6FFFF;
	_ =	strace $0x90000046  }
0xb9: {  	s29 =	simm.s32 $0x9;
	_ =	strace $0x80000048  }
0xba: {  	_ =	swait.ge [sflag:s29], $0x1  }
0xbb: {  	[sflag:s29] =	ssyncadd.s32 $0xFFFFFFFF  }
0xbc: {  	_ =	strace $0x90000048  }
0xbd: {  	_ =	sfence  }
0xbe: {  	s30 =	sld [smem:$0x0];
	_ =	sdelay $0x2  }
0xbf: {  	s31 =	sshll.u32 s1, $0xD;
	s1 =	sshrl.u32 s1, $0x2  }
0xc0: {  	s3 =	sand.u32 $0x4000, s31;
	s1 =	sadd.s32 s1, s30  }
0xc1: {  	s0 =	sor.u32 s3, s0;
	s1 =	sshll.u32 s1, $0x11  }
0xc2: {  	s0 =	sor.u32 s1, s0  }
0xc3: {  	s0 =	sadd.s32 $0x8F2B, s0  }
0xc4: {  	[sflag:s0] =	ssyncadd.remote.s32 $0x1  }
0xc5: {  	_ =	sfence.sel $0xFFFF  }
0xc6: {  	[dreg:$0x0] =	wrdreg $0xFFFFFFFF;
	(pc) =	sbr.abs _section_cstart, $3  }
0xc7: {  	[dreg:$0x1] =	wrdreg $0xFFFFFFFF  }
0xc8: {  	_ =	task.clear_ibuf [dreg:s8], $0x2FFFF;
	_ =	strace $0x9FFFFFFF  }
0xc9: {  	(tm) =	ssettm $0x7FFFFFFF  }
tec
execute0_lowered:
.L_overlay_start_1:
0x0: {  	(tag) =	ssettag $0x1  }
0x1: {  	s0 =	rddreg [dreg:$0x0]  }
0x2: {  	s1 =	rddreg [dreg:$0x2]  }
0x3: {  	s2 =	srdreg.scid;
	s3 =	stileid.u32  }
0x4: {  	s5 =	simm.s32 $0x0;
	s8 =	simm.s32 $0x4000;
	s2 =	sand.u32 $0x1, s2  }
0x5: {  	s3 =	sshll.u32 s3, $0x6;
	[smem:$0x7FF] =	sst s5;
	s4 =	sshll.u32 s2, $0x5  }
0x6: {  	s2 =	ssub.s32 $0x2, s2;
	_ =	strace $0x80000047;
	s3 =	sor.u32 s4, s3  }
0x7: {  	s29 =	sshrl.u32 s2, $0x1;
	s0 =	sadd.s32 s3, s0;
	s1 =	sadd.s32 s1, s3  }
0x8: {  	s4 =	simm.s32 $0x2000;
	s30 =	sadd.s32 $0xA00, s0;
	[dreg:$0x5] =	wrdreg s1  }
0x9: {  	v1 =	vlaneseq.u32;
	s2 =	ssub.s32 s2, s29;
	s0 =	sadd.s32 $0x10A00, s0;
	[dreg:$0x4] =	wrdreg s30  }
0xa: {  	v0 =	vshrl.u32 v1, $0x3;
	s3 =	simm.s32 $0x100;
	s31 =	smax.u32 s2, $0x1;
	[dreg:$0x6] =	wrdreg s0  }
0xb: {  	v1 =	vand.u32 $0x7, v1;
	v0 =	vmul.u32 $0x8, v0;
	s2 =	simm.s32 $0x1;
	s1 =	simm.s32 $0x0;
	[dreg:$0x7] =	wrdreg s31  }
.LBB2_1:
0xc: {  	[dreg:$0x8] =	wrdreg s1  }
0xd: {  	s0 =	rddreg [dreg:$0x1];
	s30 =	simm.s32 $0x0  }
0xe: {  	[tilespmem:s8], [sflag:$0x1] =	stream.linear.gather [hbm4b:s0+s30], $0x40, $0x38;
	[tilespmem:$0x5040] =	vst v63  }
0xf: {  	_ =	swait.ge [sflag:s2], $0x40  }
0x10: {  	[sflag:s2] =	ssyncset.done $0x0  }
0x11: {  	s31 =	rddreg [dreg:$0x4];
	[sflag:s2] =	ssyncadd.s32 $0xFFFFFFC0  }
0x12: {  	[tilespmem:s30], [sflag:$0x1] =	stream.strided.gather [hbm4b:s31+s3], $0x4000, s4, s3, $0x38;
	[tilespmem:$0x5040] =	vst v63  }
0x13: {  	_ =	swait.ge [sflag:s2], $0x4000  }
0x14: {  	[sflag:s2] =	ssyncset.done $0x0  }
0x15: {  	s15 =	simm.s32 $0x200;
	s16 =	simm.s32 $0x0;
	[sflag:s2] =	ssyncadd.s32 $0xFFFFC000  }
.LBB2_2:
0x16: {  	v4 =	vld [tilespmem:s15+$0x100]  }
0x17: {  	v5 =	vld [tilespmem:s15+$0x110]  }
0x18: {  	v6 =	vld [tilespmem:s15+$0x120];
	s6 =	simm.s32 $0x0  }
0x19: {  	v8 =	vld [tilespmem:s15+$0x0];
	v3 =	vmov s6  }
0x1a: {  	s9 =	simm.s32 $0x1;
	v10 =	vld [tilespmem:s15+$0xFFFFFE00]  }
0x1b: {  	s0 =	simm.s32 $0x3;
	v12 =	vld [tilespmem:s15+$0xFFFFFE10];
	v11 =	vmov s9  }
0x1c: {  	s7 =	simm.s32 $0x2;
	v13 =	vld [tilespmem:s15+$0xFFFFFE20];
	v9 =	vmov s0  }
0x1d: {  	v15 =	vld [tilespmem:s15+$0xFFFFFE30];
	v14 =	vmov s7  }
0x1e: {  	v16 =	vld.idx.msk [tilespmem:v3+s8+$0x0], $0xffff  }
0x1f: {  	v17 =	vld [tilespmem:s15+$0xFFFFFF00]  }
0x20: {  	v11 =	vld.idx.msk [tilespmem:v11+s8+$0x0], $0xffff  }
0x21: {  	v9 =	vld.idx.msk [tilespmem:v9+s8+$0x0], $0xffff  }
0x22: {  	v18 =	vimm.f32 $+Inf;
	s2 =	simm.s32 $0x4;
	v14 =	vld.idx.msk [tilespmem:v14+s8+$0x0], $0xffff  }
0x23: {  	v7 =	vld [tilespmem:s15+$0x130];
	s1 =	simm.s32 $0x7;
	v21 =	vimm.s32 $0x0;
	v22 =	vmov s2;
	v10 =	vadd.f32 v10, v16  }
0x24: {  	v19 =	vld [tilespmem:s15+$0x10];
	s4 =	simm.s32 $0x5;
	v23 =	vmov s1;
	v12 =	vadd.f32 v12, v16;
	v25 =	vadd.f32 v13, v16  }
0x25: {  	s3 =	simm.s32 $0x6;
	v20 =	vld [tilespmem:s15+$0x20];
	v24 =	vmov s4;
	v15 =	vadd.f32 v15, v16;
	v16 =	vadd.f32 v17, v11  }
0x26: {  	v27 =	vld [tilespmem:s15+$0xFFFFFF20];
	v3 =	vmov s3;
	v4 =	vadd.f32 v4, v9;
	v28 =	vadd.f32 v5, v9  }
0x27: {  	v17 =	vld [tilespmem:s15+$0xFFFFFF10];
	v8 =	vadd.f32 v8, v14;
	v29 =	vadd.f32 v6, v9;
	vm0 =	vlt.f32 v10, v18  }
0x28: {  	v5 =	vld [tilespmem:s15+$0xFFFFFF30];
	v9 =	vadd.f32 v7, v9;
	vm3 =	vlt.f32 v12, v18;
	v10 =	vsel vm0, v10, v18  }
0x29: {  	v13 =	vld [tilespmem:s15+$0x30];
	vm4 =	vlt.f32 v25, v18;
	v26 =	vsel vm0, s6, v21;
	vm0 =	vlt.f32 v16, v10  }
0x2a: {  	vm5 =	vlt.f32 v15, v18;
	v6 =	vsel vm0, v16, v10;
	v10 =	vsel vm0, s9, v26  }
0x2b: {  	s5 =	sadd.s32 $0x400, s15;
	v16 =	vadd.f32 v19, v14;
	v26 =	vadd.f32 v20, v14;
	vm0 =	vlt.f32 v8, v6  }
0x2c: {  	v7 =	vld [tilespmem:s5+$0x100];
	v17 =	vadd.f32 v17, v11;
	v19 =	vadd.f32 v27, v11;
	v8 =	vsel vm0, v8, v6  }
0x2d: {  	v11 =	vadd.f32 v5, v11;
	v5 =	vld [tilespmem:s5+$0x120];
	v10 =	vsel vm0, s7, v10;
	vm0 =	vlt.f32 v4, v8  }
0x2e: {  	v14 =	vadd.f32 v13, v14;
	v20 =	vld [tilespmem:s5+$0xFFFFFE00];
	v13 =	vsel vm0, v4, v8;
	v10 =	vsel vm0, s0, v10  }
0x2f: {  	v6 =	vld [tilespmem:s5+$0x110];
	v8 =	vsel vm3, v12, v18;
	v12 =	vsel vm4, v25, v18;
	v18 =	vsel vm5, v15, v18  }
0x30: {  	v4 =	vld [tilespmem:s5+$0x130];
	vm6 =	vlt.f32 v17, v8;
	vm7 =	vlt.f32 v19, v12;
	vm8 =	vlt.f32 v11, v18  }
0x31: {  	v15 =	vld [tilespmem:s5+$0x0];
	v8 =	vsel vm6, v17, v8;
	v12 =	vsel vm7, v19, v12;
	v11 =	vsel vm8, v11, v18  }
0x32: {  	v17 =	vld.idx.msk [tilespmem:v22+s8+$0x0], $0xffff;
	v22 =	vsel vm3, s6, v21;
	vm9 =	vlt.f32 v16, v8;
	vm10 =	vlt.f32 v26, v12  }
0x33: {  	v19 =	vld [tilespmem:s5+$0xFFFFFE10];
	vm11 =	vlt.f32 v14, v11;
	v22 =	vsel vm6, s9, v22;
	v8 =	vsel vm9, v16, v8  }
0x34: {  	v18 =	vld [tilespmem:s5+$0xFFFFFE20];
	v12 =	vsel vm10, v26, v12;
	v11 =	vsel vm11, v14, v11;
	vm2 =	vlt.f32 v28, v8  }
0x35: {  	v14 =	vld [tilespmem:s5+$0xFFFFFE30];
	vm1 =	vlt.f32 v29, v12;
	vm0 =	vlt.f32 v9, v11;
	v16 =	vsel vm2, v28, v8  }
0x36: {  	s17 =	sshll.u32 s16, $0x6;
	v9 =	vsel vm0, v9, v11;
	v11 =	vld.idx.msk [tilespmem:v23+s8+$0x0], $0xffff;
	v23 =	vsel vm4, s6, v21;
	v21 =	vsel vm5, s6, v21  }
0x37: {  	s20 =	sor.u32 $0x10, s17;
	v8 =	vsel vm1, v29, v12;
	v12 =	vld.idx.msk [tilespmem:v24+s8+$0x0], $0xffff;
	v25 =	vsel vm7, s9, v23;
	v21 =	vsel vm8, s9, v21  }
0x38: {  	s19 =	sor.u32 $0x20, s17;
	s18 =	sor.u32 $0x30, s17;
	s6 =	simm.s32 $0x8;
	v24 =	vsel vm9, s7, v22;
	v23 =	vld [tilespmem:s5+$0xFFFFFF00];
	v22 =	vsel vm10, s7, v25;
	v21 =	vsel vm11, s7, v21  }
.LBB2_3:
0x39: {  	p0 =	sne.s32 s6, $0x3C;
	v25 =	vld.idx.msk [tilespmem:v3+s8+$0x0], $0xffff;
	v24 =	vsel vm2, s0, v24;
	v22 =	vsel vm1, s0, v22;
	v21 =	vsel vm0, s0, v21;
	s0 =	smov.u32 s1;
	s1 =	sadd.s32 $0x3, s6  }
0x3a: {  	v26 =	vmov s6;
	s7 =	sadd.s32 $0x2, s6;
	v27 =	vmov s1;
	v28 =	vld [tilespmem:s5+$0x10]  }
0x3b: {  	s9 =	sadd.s32 $0x1, s6;
	v3 =	vmov s7;
	v20 =	vadd.f32 v20, v17;
	v19 =	vadd.f32 v19, v17;
	v29 =	vld [tilespmem:s5+$0x20]  }
0x3c: {  	v30 =	vmov s9;
	v18 =	vadd.f32 v18, v17;
	v14 =	vadd.f32 v14, v17;
	v17 =	vld [tilespmem:s5+$0x30]  }
0x3d: {  	v32 =	vadd.f32 v7, v11;
	vm0 =	vlt.f32 v20, v13;
	v23 =	vadd.f32 v23, v12;
	v31 =	vld [tilespmem:s5+$0xFFFFFF10]  }
0x3e: {  	v33 =	vadd.f32 v6, v11;
	v7 =	vsel vm0, v20, v13;
	v10 =	vsel vm0, s2, v10;
	v13 =	vld [tilespmem:s5+$0xFFFFFF20]  }
0x3f: {  	v34 =	vadd.f32 v5, v11;
	v6 =	vadd.f32 v15, v25;
	vm0 =	vlt.f32 v23, v7;
	v20 =	vld [tilespmem:s5+$0xFFFFFF30]  }
0x40: {  	v11 =	vadd.f32 v4, v11;
	v5 =	vsel vm0, v23, v7;
	v7 =	vsel vm0, s4, v10  }
0x41: {  	v23 =	vadd.f32 v28, v25;
	v28 =	vadd.f32 v29, v25;
	vm0 =	vlt.f32 v6, v5  }
0x42: {  	s5 =	sadd.s32 $0x400, s5;
	v17 =	vadd.f32 v17, v25;
	v4 =	vsel vm0, v6, v5;
	v5 =	vsel vm0, s3, v7  }
0x43: {  	v25 =	vadd.f32 v31, v12;
	v7 =	vld [tilespmem:s5+$0x100];
	v29 =	vadd.f32 v13, v12;
	vm0 =	vlt.f32 v32, v4  }
0x44: {  	v6 =	vld [tilespmem:s5+$0x110];
	v12 =	vadd.f32 v20, v12;
	v13 =	vsel vm0, v32, v4;
	v10 =	vsel vm0, s0, v5  }
0x45: {  	vm3 =	vlt.f32 v19, v16;
	vm4 =	vlt.f32 v18, v8;
	vm5 =	vlt.f32 v14, v9;
	v5 =	vld [tilespmem:s5+$0x120]  }
0x46: {  	v16 =	vsel vm3, v19, v16;
	v8 =	vsel vm4, v18, v8;
	v9 =	vsel vm5, v14, v9;
	v4 =	vld [tilespmem:s5+$0x130]  }
0x47: {  	vm6 =	vlt.f32 v25, v16;
	vm7 =	vlt.f32 v29, v8;
	vm8 =	vlt.f32 v12, v9;
	v15 =	vld [tilespmem:s5+$0x0]  }
0x48: {  	v14 =	vsel vm6, v25, v16;
	v8 =	vsel vm7, v29, v8;
	v9 =	vsel vm8, v12, v9;
	v20 =	vld [tilespmem:s5+$0xFFFFFE00]  }
0x49: {  	vm9 =	vlt.f32 v23, v14;
	vm10 =	vlt.f32 v28, v8;
	vm11 =	vlt.f32 v17, v9;
	v19 =	vld [tilespmem:s5+$0xFFFFFE10]  }
0x4a: {  	v12 =	vsel vm9, v23, v14;
	v8 =	vsel vm10, v28, v8;
	v9 =	vsel vm11, v17, v9;
	v18 =	vld [tilespmem:s5+$0xFFFFFE20]  }
.Ltmp0:
0x4b: {  	vm2 =	vlt.f32 v33, v12;
	vm1 =	vlt.f32 v34, v8;
	vm0 =	vlt.f32 v11, v9;
	v14 =	vld [tilespmem:s5+$0xFFFFFE30];
	(pc) =	sbr.rel @p0 .LBB2_3-.Ltmp0, $4  }
0x4c: {  	v16 =	vsel vm2, v33, v12;
	v8 =	vsel vm1, v34, v8;
	v9 =	vsel vm0, v11, v9;
	v17 =	vld.idx.msk [tilespmem:v26+s8+$0x0], $0xffff  }
0x4d: {  	v22 =	vsel vm4, s2, v22;
	v21 =	vsel vm5, s2, v21;
	v23 =	vsel vm3, s2, v24;
	s2 =	smov.u32 s6;
	v11 =	vld.idx.msk [tilespmem:v27+s8+$0x0], $0xffff  }
0x4e: {  	v22 =	vsel vm7, s4, v22;
	v21 =	vsel vm8, s4, v21;
	v24 =	vsel vm6, s4, v23;
	s4 =	smov.u32 s9;
	v12 =	vld.idx.msk [tilespmem:v30+s8+$0x0], $0xffff  }
0x4f: {  	s6 =	sadd.s32 $0x4, s6;
	v22 =	vsel vm10, s3, v22;
	v24 =	vsel vm9, s3, v24;
	v21 =	vsel vm11, s3, v21;
	s3 =	smov.u32 s7;
	v23 =	vld [tilespmem:s5+$0xFFFFFF00]  }
0x50: {  	_ =	sdelay $0x3  }
0x51: {  	v25 =	vld.idx.msk [tilespmem:v3+s8+$0x0], $0xffff  }
0x52: {  	v3 =	vadd.f32 v20, v17;
	_ =	sdelay $0x1  }
0x53: {  	vm3 =	vlt.f32 v3, v13;
	v20 =	vadd.f32 v23, v12  }
0x54: {  	v3 =	vsel vm3, v3, v13  }
0x55: {  	v13 =	vld [tilespmem:s5+$0xFFFFFF10];
	v15 =	vadd.f32 v15, v25;
	vm4 =	vlt.f32 v20, v3  }
0x56: {  	v3 =	vsel vm4, v20, v3  }
0x57: {  	v7 =	vadd.f32 v7, v11;
	v10 =	vsel vm3, s2, v10;
	v20 =	vld [tilespmem:s5+$0x10];
	vm3 =	vlt.f32 v15, v3  }
0x58: {  	v19 =	vadd.f32 v19, v17;
	v10 =	vsel vm4, s4, v10;
	v3 =	vsel vm3, v15, v3  }
0x59: {  	v10 =	vsel vm3, s3, v10;
	vm3 =	vlt.f32 v7, v3  }
0x5a: {  	v3 =	vadd.f32 v13, v12;
	v10 =	vsel vm3, s1, v10;
	vm3 =	vlt.f32 v19, v16  }
0x5b: {  	v7 =	vor.u32 s17, v0;
	v13 =	vsel vm3, v19, v16;
	v15 =	vshll.u32 v10, $0x8  }
0x5c: {  	v16 =	vld [tilespmem:s5+$0xFFFFFF20];
	v19 =	vadd.f32 v20, v25;
	vm14 =	vlt.f32 v3, v13;
	v15 =	vadd.s32 v7, v15  }
0x5d: {  	v20 =	vsel vm2, s0, v24;
	v3 =	vsel vm14, v3, v13;
	v13 =	vor.u32 v1, v15  }
0x5e: {  	v6 =	vadd.f32 v6, v11;
	v20 =	vsel vm3, s2, v20;
	v15 =	vld [tilespmem:s5+$0x20];
	vm2 =	vlt.f32 v19, v3  }
0x5f: {  	v18 =	vadd.f32 v18, v17;
	v3 =	vsel vm2, v19, v3;
	v19 =	vsel vm14, s4, v20  }
0x60: {  	vm3 =	vlt.f32 v6, v3;
	v3 =	vsel vm2, s3, v19  }
0x61: {  	s6 =	simm.s32 $0x0;
	v6 =	vadd.f32 v16, v12;
	vm2 =	vlt.f32 v18, v8;
	v16 =	vsel vm3, s1, v3  }
0x62: {  	v18 =	vsel vm2, v18, v8;
	v8 =	vor.u32 s20, v0;
	v2 =	vld.idx.msk [tilespmem:v13+s6+$0x0], $0xffff;
	v19 =	vshll.u32 v16, $0x8  }
0x63: {  	v20 =	vld [tilespmem:s5+$0xFFFFFF30];
	v15 =	vadd.f32 v15, v25;
	vm3 =	vlt.f32 v6, v18;
	v19 =	vadd.s32 v8, v19  }
0x64: {  	v22 =	vsel vm1, s0, v22;
	v6 =	vsel vm3, v6, v18;
	v18 =	vor.u32 v1, v19  }
0x65: {  	v5 =	vadd.f32 v5, v11;
	v22 =	vsel vm2, s2, v22;
	v19 =	vld [tilespmem:s5+$0x30];
	vm1 =	vlt.f32 v15, v6  }
0x66: {  	v14 =	vadd.f32 v14, v17;
	[tilespmem:s17+$0x4040] =	vst v10;
	v6 =	vsel vm1, v15, v6;
	v15 =	vsel vm3, s4, v22  }
0x67: {  	vm2 =	vlt.f32 v5, v6;
	v5 =	vsel vm1, s3, v15;
	v15 =	vimm.f32 $+Inf;
	[tilespmem:s17+$0x4840] =	vst v2  }
0x68: {  	v6 =	vadd.f32 v20, v12;
	vm1 =	vlt.f32 v14, v9;
	v12 =	vsel vm2, s1, v5;
	[tilespmem:v13+s6+$0x0] =	vst.idx.msk $0xffff, v15  }
0x69: {  	v10 =	vor.u32 s19, v0;
	v9 =	vsel vm1, v14, v9;
	v13 =	vshll.u32 v12, $0x8;
	v5 =	vld.idx.msk [tilespmem:v18+s6+$0x0], $0xffff  }
0x6a: {  	vm2 =	vlt.f32 v6, v9;
	v14 =	vadd.f32 v19, v25;
	v13 =	vadd.s32 v10, v13  }
0x6b: {  	v17 =	vsel vm0, s0, v21;
	v6 =	vsel vm2, v6, v9;
	v13 =	vor.u32 v1, v13  }
0x6c: {  	v4 =	vadd.f32 v4, v11;
	v9 =	vsel vm1, s2, v17;
	vm0 =	vlt.f32 v14, v6  }
0x6d: {  	[tilespmem:s20+$0x4040] =	vst v16;
	v9 =	vsel vm2, s4, v9;
	v6 =	vsel vm0, v14, v6  }
0x6e: {  	vm1 =	vlt.f32 v4, v6;
	v4 =	vsel vm0, s3, v9;
	[tilespmem:s20+$0x4840] =	vst v5  }
0x6f: {  	v11 =	vsel vm1, s1, v4;
	[tilespmem:v18+s6+$0x0] =	vst.idx.msk $0xffff, v15  }
0x70: {  	v9 =	vor.u32 s18, v0;
	v4 =	vshll.u32 v11, $0x8;
	v6 =	vld.idx.msk [tilespmem:v13+s6+$0x0], $0xffff  }
0x71: {  	v4 =	vadd.s32 v9, v4  }
0x72: {  	v14 =	vor.u32 v1, v4;
	_ =	sdelay $0x1  }
0x73: {  	[tilespmem:s19+$0x4040] =	vst v12  }
0x74: {  	[tilespmem:s19+$0x4840] =	vst v6  }
0x75: {  	[tilespmem:v13+s6+$0x0] =	vst.idx.msk $0xffff, v15  }
0x76: {  	[tilespmem:$0x1FFE0] =	vst v2;
	v2 =	vld.idx.msk [tilespmem:v14+s6+$0x0], $0xffff;
	_ =	sdelay $0x3  }
0x77: {  	[tilespmem:s18+$0x4040] =	vst v11  }
0x78: {  	[tilespmem:s18+$0x4840] =	vst v2  }
0x79: {  	[tilespmem:v14+s6+$0x0] =	vst.idx.msk $0xffff, v15  }
0x7a: {  	v12 =	vld [tilespmem:s15+$0x100]  }
0x7b: {  	v13 =	vld [tilespmem:s15+$0x110]  }
0x7c: {  	v14 =	vld [tilespmem:s15+$0x120]  }
0x7d: {  	s0 =	simm.s32 $0x3;
	v11 =	vmov s6;
	v17 =	vld [tilespmem:s15+$0x0]  }
0x7e: {  	s9 =	simm.s32 $0x1;
	v18 =	vmov s0;
	v19 =	vld [tilespmem:s15+$0xFFFFFE00]  }
0x7f: {  	v20 =	vmov s9;
	v21 =	vld [tilespmem:s15+$0xFFFFFE10]  }
0x80: {  	s7 =	simm.s32 $0x2;
	v22 =	vld [tilespmem:s15+$0xFFFFFE20]  }
0x81: {  	v23 =	vmov s7;
	v24 =	vld [tilespmem:s15+$0xFFFFFE30]  }
0x82: {  	v25 =	vld.idx.msk [tilespmem:v11+s8+$0x0], $0xffff  }
0x83: {  	v18 =	vld.idx.msk [tilespmem:v18+s8+$0x0], $0xffff  }
0x84: {  	v20 =	vld.idx.msk [tilespmem:v20+s8+$0x0], $0xffff  }
0x85: {  	v26 =	vld [tilespmem:s15+$0xFFFFFF00]  }
0x86: {  	v23 =	vld.idx.msk [tilespmem:v23+s8+$0x0], $0xffff  }
0x87: {  	v16 =	vld [tilespmem:s15+$0x130]  }
0x88: {  	v29 =	vimm.s32 $0x0;
	s2 =	simm.s32 $0x4;
	v27 =	vld [tilespmem:s15+$0x10];
	v19 =	vadd.f32 v19, v25;
	v28 =	vadd.f32 v21, v25  }
0x89: {  	v30 =	vmov s2;
	s4 =	simm.s32 $0x5;
	v33 =	vld [tilespmem:s15+$0xFFFFFF10];
	v22 =	vadd.f32 v22, v25;
	v24 =	vadd.f32 v24, v25  }
0x8a: {  	v32 =	vmov s4;
	s1 =	simm.s32 $0x7;
	v35 =	vld [tilespmem:s15+$0xFFFFFF20];
	v26 =	vadd.f32 v26, v20;
	v12 =	vadd.f32 v12, v18  }
0x8b: {  	s3 =	simm.s32 $0x6;
	v31 =	vmov s1;
	v21 =	vld [tilespmem:s15+$0x20];
	v36 =	vadd.f32 v13, v18;
	v17 =	vadd.f32 v17, v23  }
0x8c: {  	v11 =	vmov s3;
	v25 =	vld [tilespmem:s15+$0x30];
	v37 =	vadd.f32 v14, v18;
	v62 =	vadd.f32 v16, v18  }
0x8d: {  	v13 =	vld [tilespmem:s15+$0xFFFFFF30];
	v18 =	vadd.f32 v27, v23;
	vm0 =	vlt.f32 v19, v15;
	vm3 =	vlt.f32 v28, v15  }
0x8e: {  	vm15 =	vlt.f32 v22, v15;
	vm5 =	vlt.f32 v24, v15;
	v19 =	vsel vm0, v19, v15  }
0x8f: {  	v34 =	vsel vm0, s6, v29;
	v27 =	vsel vm15, v22, v15;
	vm0 =	vlt.f32 v26, v19  }
0x90: {  	s5 =	sadd.s32 $0x400, s15;
	v14 =	vsel vm0, v26, v19;
	v19 =	vsel vm0, s9, v34;
	v38 =	vadd.f32 v21, v23  }
0x91: {  	v16 =	vld [tilespmem:s5+$0x100];
	v23 =	vadd.f32 v25, v23;
	v26 =	vadd.f32 v35, v20;
	vm0 =	vlt.f32 v17, v14  }
0x92: {  	v22 =	vld [tilespmem:s5+$0x0];
	v25 =	vadd.f32 v33, v20;
	v20 =	vadd.f32 v13, v20;
	v17 =	vsel vm0, v17, v14  }
0x93: {  	v13 =	vld [tilespmem:s5+$0x120];
	v19 =	vsel vm0, s7, v19;
	vm7 =	vlt.f32 v26, v27;
	vm0 =	vlt.f32 v12, v17  }
0x94: {  	v14 =	vld [tilespmem:s5+$0x110];
	v21 =	vsel vm0, v12, v17;
	v19 =	vsel vm0, s0, v19;
	v17 =	vsel vm3, v28, v15  }
0x95: {  	v12 =	vld [tilespmem:s5+$0x130];
	v15 =	vsel vm5, v24, v15;
	v24 =	vsel vm7, v26, v27;
	vm6 =	vlt.f32 v25, v17  }
0x96: {  	v28 =	vld [tilespmem:s5+$0xFFFFFE00];
	vm8 =	vlt.f32 v20, v15;
	vm10 =	vlt.f32 v38, v24;
	v17 =	vsel vm6, v25, v17  }
0x97: {  	v15 =	vsel vm8, v20, v15;
	v25 =	vld.idx.msk [tilespmem:v30+s8+$0x0], $0xffff;
	v30 =	vsel vm3, s6, v29;
	vm9 =	vlt.f32 v18, v17  }
0x98: {  	v27 =	vld [tilespmem:s5+$0xFFFFFE10];
	vm11 =	vlt.f32 v23, v15;
	v30 =	vsel vm6, s9, v30;
	v17 =	vsel vm9, v18, v17  }
0x99: {  	v20 =	vld.idx.msk [tilespmem:v32+s8+$0x0], $0xffff;
	v18 =	vsel vm10, v38, v24;
	v15 =	vsel vm11, v23, v15;
	v32 =	vsel vm9, s7, v30  }
0x9a: {  	v26 =	vld [tilespmem:s5+$0xFFFFFE20];
	vm2 =	vlt.f32 v36, v17;
	vm1 =	vlt.f32 v37, v18;
	vm0 =	vlt.f32 v62, v15  }
0x9b: {  	v24 =	vsel vm2, v36, v17;
	v17 =	vld.idx.msk [tilespmem:v31+s8+$0x0], $0xffff;
	v31 =	vsel vm15, s6, v29;
	v29 =	vsel vm5, s6, v29  }
0x9c: {  	v23 =	vld [tilespmem:s5+$0xFFFFFE30];
	v18 =	vsel vm1, v37, v18;
	v63 =	vsel vm7, s9, v31;
	v29 =	vsel vm8, s9, v29  }
0x9d: {  	[tilespmem:$0x1FFF0] =	vst v2;
	v15 =	vsel vm0, v62, v15;
	s6 =	simm.s32 $0x8;
	v31 =	vld [tilespmem:s5+$0xFFFFFF00];
	v30 =	vsel vm10, s7, v63;
	v29 =	vsel vm11, s7, v29  }
.LBB2_5:
0x9e: {  	p0 =	sne.s32 s6, $0x3C;
	v33 =	vld.idx.msk [tilespmem:v11+s8+$0x0], $0xffff;
	v32 =	vsel vm2, s0, v32;
	v30 =	vsel vm1, s0, v30;
	v29 =	vsel vm0, s0, v29;
	s0 =	smov.u32 s1;
	s1 =	sadd.s32 $0x3, s6  }
0x9f: {  	v34 =	vmov s6;
	s7 =	sadd.s32 $0x2, s6;
	v35 =	vmov s1;
	v36 =	vld [tilespmem:s5+$0x10]  }
0xa0: {  	s9 =	sadd.s32 $0x1, s6;
	v11 =	vmov s7;
	v28 =	vadd.f32 v28, v25;
	v27 =	vadd.f32 v27, v25;
	v37 =	vld [tilespmem:s5+$0x20]  }
0xa1: {  	v38 =	vmov s9;
	v26 =	vadd.f32 v26, v25;
	v23 =	vadd.f32 v23, v25;
	v25 =	vld [tilespmem:s5+$0x30]  }
0xa2: {  	v40 =	vadd.f32 v16, v17;
	vm0 =	vlt.f32 v28, v21;
	v31 =	vadd.f32 v31, v20;
	v39 =	vld [tilespmem:s5+$0xFFFFFF10]  }
0xa3: {  	v41 =	vadd.f32 v14, v17;
	v16 =	vsel vm0, v28, v21;
	v19 =	vsel vm0, s2, v19;
	v21 =	vld [tilespmem:s5+$0xFFFFFF20]  }
0xa4: {  	v42 =	vadd.f32 v13, v17;
	v14 =	vadd.f32 v22, v33;
	vm0 =	vlt.f32 v31, v16;
	v28 =	vld [tilespmem:s5+$0xFFFFFF30]  }
0xa5: {  	v17 =	vadd.f32 v12, v17;
	v13 =	vsel vm0, v31, v16;
	v16 =	vsel vm0, s4, v19  }
0xa6: {  	v31 =	vadd.f32 v36, v33;
	v36 =	vadd.f32 v37, v33;
	vm0 =	vlt.f32 v14, v13  }
0xa7: {  	s5 =	sadd.s32 $0x400, s5;
	v25 =	vadd.f32 v25, v33;
	v12 =	vsel vm0, v14, v13;
	v13 =	vsel vm0, s3, v16  }
0xa8: {  	v33 =	vadd.f32 v39, v20;
	v16 =	vld [tilespmem:s5+$0x100];
	v37 =	vadd.f32 v21, v20;
	vm0 =	vlt.f32 v40, v12  }
0xa9: {  	v14 =	vld [tilespmem:s5+$0x110];
	v20 =	vadd.f32 v28, v20;
	v21 =	vsel vm0, v40, v12;
	v19 =	vsel vm0, s0, v13  }
0xaa: {  	vm3 =	vlt.f32 v27, v24;
	vm4 =	vlt.f32 v26, v18;
	vm5 =	vlt.f32 v23, v15;
	v13 =	vld [tilespmem:s5+$0x120]  }
0xab: {  	v24 =	vsel vm3, v27, v24;
	v18 =	vsel vm4, v26, v18;
	v15 =	vsel vm5, v23, v15;
	v12 =	vld [tilespmem:s5+$0x130]  }
0xac: {  	vm6 =	vlt.f32 v33, v24;
	vm7 =	vlt.f32 v37, v18;
	vm8 =	vlt.f32 v20, v15;
	v22 =	vld [tilespmem:s5+$0x0]  }
0xad: {  	v23 =	vsel vm6, v33, v24;
	v18 =	vsel vm7, v37, v18;
	v15 =	vsel vm8, v20, v15;
	v28 =	vld [tilespmem:s5+$0xFFFFFE00]  }
0xae: {  	vm9 =	vlt.f32 v31, v23;
	vm10 =	vlt.f32 v36, v18;
	vm11 =	vlt.f32 v25, v15;
	v27 =	vld [tilespmem:s5+$0xFFFFFE10]  }
0xaf: {  	v20 =	vsel vm9, v31, v23;
	v18 =	vsel vm10, v36, v18;
	v15 =	vsel vm11, v25, v15;
	v26 =	vld [tilespmem:s5+$0xFFFFFE20]  }
.Ltmp1:
0xb0: {  	vm2 =	vlt.f32 v41, v20;
	vm1 =	vlt.f32 v42, v18;
	vm0 =	vlt.f32 v17, v15;
	v23 =	vld [tilespmem:s5+$0xFFFFFE30];
	(pc) =	sbr.rel @p0 .LBB2_5-.Ltmp1, $4  }
0xb1: {  	v24 =	vsel vm2, v41, v20;
	v18 =	vsel vm1, v42, v18;
	v15 =	vsel vm0, v17, v15;
	v25 =	vld.idx.msk [tilespmem:v34+s8+$0x0], $0xffff  }
0xb2: {  	v30 =	vsel vm4, s2, v30;
	v29 =	vsel vm5, s2, v29;
	v31 =	vsel vm3, s2, v32;
	s2 =	smov.u32 s6;
	v17 =	vld.idx.msk [tilespmem:v35+s8+$0x0], $0xffff  }
0xb3: {  	v30 =	vsel vm7, s4, v30;
	v29 =	vsel vm8, s4, v29;
	v32 =	vsel vm6, s4, v31;
	s4 =	smov.u32 s9;
	v20 =	vld.idx.msk [tilespmem:v38+s8+$0x0], $0xffff  }
0xb4: {  	s6 =	sadd.s32 $0x4, s6;
	v30 =	vsel vm10, s3, v30;
	v32 =	vsel vm9, s3, v32;
	v29 =	vsel vm11, s3, v29;
	s3 =	smov.u32 s7;
	v31 =	vld [tilespmem:s5+$0xFFFFFF00]  }
0xb5: {  	_ =	sdelay $0x3  }
0xb6: {  	v33 =	vld.idx.msk [tilespmem:v11+s8+$0x0], $0xffff  }
0xb7: {  	v11 =	vadd.f32 v28, v25;
	_ =	sdelay $0x1  }
0xb8: {  	vm3 =	vlt.f32 v11, v21;
	v28 =	vadd.f32 v31, v20  }
0xb9: {  	v11 =	vsel vm3, v11, v21  }
0xba: {  	v21 =	vld [tilespmem:s5+$0xFFFFFF10];
	v22 =	vadd.f32 v22, v33;
	vm4 =	vlt.f32 v28, v11  }
0xbb: {  	v11 =	vsel vm4, v28, v11  }
0xbc: {  	v16 =	vadd.f32 v16, v17;
	v19 =	vsel vm3, s2, v19;
	v28 =	vld [tilespmem:s5+$0x10];
	vm3 =	vlt.f32 v22, v11  }
0xbd: {  	v27 =	vadd.f32 v27, v25;
	v19 =	vsel vm4, s4, v19;
	v11 =	vsel vm3, v22, v11  }
0xbe: {  	v19 =	vsel vm3, s3, v19;
	vm3 =	vlt.f32 v16, v11  }
0xbf: {  	v11 =	vadd.f32 v21, v20;
	v16 =	vsel vm3, s1, v19;
	vm3 =	vlt.f32 v27, v24  }
0xc0: {  	v19 =	vsel vm3, v27, v24;
	v21 =	vshll.u32 v16, $0x8  }
0xc1: {  	v22 =	vld [tilespmem:s5+$0xFFFFFF20];
	v24 =	vadd.f32 v28, v33;
	vm14 =	vlt.f32 v11, v19;
	v21 =	vadd.s32 v7, v21  }
0xc2: {  	v27 =	vsel vm2, s0, v32;
	v11 =	vsel vm14, v11, v19;
	v19 =	vor.u32 v1, v21  }
0xc3: {  	v14 =	vadd.f32 v14, v17;
	v27 =	vsel vm3, s2, v27;
	v21 =	vld [tilespmem:s5+$0x20];
	vm2 =	vlt.f32 v24, v11  }
0xc4: {  	v26 =	vadd.f32 v26, v25;
	v11 =	vsel vm2, v24, v11;
	v24 =	vsel vm14, s4, v27  }
0xc5: {  	vm3 =	vlt.f32 v14, v11;
	v11 =	vsel vm2, s3, v24  }
0xc6: {  	s6 =	simm.s32 $0x0;
	v14 =	vadd.f32 v22, v20;
	vm2 =	vlt.f32 v26, v18;
	v22 =	vsel vm3, s1, v11  }
0xc7: {  	v18 =	vsel vm2, v26, v18;
	v11 =	vld.idx.msk [tilespmem:v19+s6+$0x0], $0xffff;
	v24 =	vshll.u32 v22, $0x8  }
0xc8: {  	v26 =	vld [tilespmem:s5+$0xFFFFFF30];
	v21 =	vadd.f32 v21, v33;
	vm3 =	vlt.f32 v14, v18;
	v24 =	vadd.s32 v8, v24  }
0xc9: {  	v27 =	vsel vm1, s0, v30;
	v14 =	vsel vm3, v14, v18;
	v18 =	vor.u32 v1, v24  }
0xca: {  	v13 =	vadd.f32 v13, v17;
	v27 =	vsel vm2, s2, v27;
	v24 =	vld [tilespmem:s5+$0x30];
	vm1 =	vlt.f32 v21, v14  }
0xcb: {  	v23 =	vadd.f32 v23, v25;
	[tilespmem:s17+$0x4140] =	vst v16;
	v14 =	vsel vm1, v21, v14;
	v21 =	vsel vm3, s4, v27  }
0xcc: {  	vm2 =	vlt.f32 v13, v14;
	v13 =	vsel vm1, s3, v21;
	v21 =	vimm.f32 $+Inf;
	[tilespmem:s17+$0x4940] =	vst v11  }
0xcd: {  	v14 =	vadd.f32 v26, v20;
	vm1 =	vlt.f32 v23, v15;
	v16 =	vsel vm2, s1, v13;
	[tilespmem:v19+s6+$0x0] =	vst.idx.msk $0xffff, v21  }
0xce: {  	v15 =	vsel vm1, v23, v15;
	v19 =	vshll.u32 v16, $0x8;
	v13 =	vld.idx.msk [tilespmem:v18+s6+$0x0], $0xffff  }
0xcf: {  	vm2 =	vlt.f32 v14, v15;
	v20 =	vadd.f32 v24, v33;
	v19 =	vadd.s32 v10, v19  }
0xd0: {  	v23 =	vsel vm0, s0, v29;
	v14 =	vsel vm2, v14, v15;
	v15 =	vor.u32 v1, v19  }
0xd1: {  	v12 =	vadd.f32 v12, v17;
	v17 =	vsel vm1, s2, v23;
	vm0 =	vlt.f32 v20, v14  }
0xd2: {  	v17 =	vsel vm2, s4, v17;
	[tilespmem:s17+$0x4150] =	vst v22;
	v14 =	vsel vm0, v20, v14  }
0xd3: {  	vm1 =	vlt.f32 v12, v14;
	v12 =	vsel vm0, s3, v17;
	[tilespmem:s17+$0x4950] =	vst v13  }
0xd4: {  	v17 =	vsel vm1, s1, v12;
	[tilespmem:v18+s6+$0x0] =	vst.idx.msk $0xffff, v21  }
0xd5: {  	v12 =	vshll.u32 v17, $0x8;
	v14 =	vld.idx.msk [tilespmem:v15+s6+$0x0], $0xffff  }
0xd6: {  	v12 =	vadd.s32 v9, v12  }
0xd7: {  	v18 =	vor.u32 v1, v12;
	_ =	sdelay $0x1  }
0xd8: {  	[tilespmem:s17+$0x4160] =	vst v16  }
0xd9: {  	[tilespmem:s17+$0x4960] =	vst v14  }
0xda: {  	[tilespmem:v15+s6+$0x0] =	vst.idx.msk $0xffff, v21  }
0xdb: {  	v12 =	vld.idx.msk [tilespmem:v18+s6+$0x0], $0xffff;
	_ =	sdelay $0x3  }
0xdc: {  	[tilespmem:s17+$0x4170] =	vst v17  }
0xdd: {  	[tilespmem:s17+$0x4970] =	vst v12  }
0xde: {  	[tilespmem:v18+s6+$0x0] =	vst.idx.msk $0xffff, v21  }
0xdf: {  	v16 =	vld [tilespmem:s15+$0x100]  }
0xe0: {  	v17 =	vld [tilespmem:s15+$0x110]  }
0xe1: {  	v18 =	vld [tilespmem:s15+$0x120]  }
0xe2: {  	s0 =	simm.s32 $0x3;
	v15 =	vmov s6;
	v20 =	vld [tilespmem:s15+$0x0]  }
0xe3: {  	s9 =	simm.s32 $0x1;
	v22 =	vmov s0;
	v23 =	vld [tilespmem:s15+$0xFFFFFE00]  }
0xe4: {  	v24 =	vmov s9;
	v25 =	vld [tilespmem:s15+$0xFFFFFE10]  }
0xe5: {  	s7 =	simm.s32 $0x2;
	v26 =	vld [tilespmem:s15+$0xFFFFFE20]  }
0xe6: {  	v27 =	vmov s7;
	v28 =	vld [tilespmem:s15+$0xFFFFFE30]  }
0xe7: {  	v29 =	vld.idx.msk [tilespmem:v15+s8+$0x0], $0xffff  }
0xe8: {  	v22 =	vld.idx.msk [tilespmem:v22+s8+$0x0], $0xffff  }
0xe9: {  	v24 =	vld.idx.msk [tilespmem:v24+s8+$0x0], $0xffff  }
0xea: {  	v30 =	vld [tilespmem:s15+$0xFFFFFF00]  }
0xeb: {  	v27 =	vld.idx.msk [tilespmem:v27+s8+$0x0], $0xffff  }
0xec: {  	v19 =	vld [tilespmem:s15+$0x130]  }
0xed: {  	v57 =	vimm.s32 $0x0;
	s2 =	simm.s32 $0x4;
	v31 =	vld [tilespmem:s15+$0x10];
	v23 =	vadd.f32 v23, v29;
	v58 =	vadd.f32 v25, v29  }
0xee: {  	v34 =	vmov s2;
	s4 =	simm.s32 $0x5;
	v26 =	vadd.f32 v26, v29;
	v28 =	vadd.f32 v28, v29  }
0xef: {  	v36 =	vmov s4;
	s1 =	simm.s32 $0x7;
	v37 =	vld [tilespmem:s15+$0xFFFFFF10];
	v30 =	vadd.f32 v30, v24;
	v16 =	vadd.f32 v16, v22  }
0xf0: {  	s3 =	simm.s32 $0x6;
	v35 =	vmov s1;
	v39 =	vld [tilespmem:s15+$0xFFFFFF20];
	v40 =	vadd.f32 v17, v22;
	v20 =	vadd.f32 v20, v27  }
0xf1: {  	v15 =	vmov s3;
	v25 =	vld [tilespmem:s15+$0x20];
	v41 =	vadd.f32 v18, v22;
	v19 =	vadd.f32 v19, v22  }
0xf2: {  	v29 =	vld [tilespmem:s15+$0x30];
	v22 =	vadd.f32 v31, v27;
	vm0 =	vlt.f32 v23, v21;
	vm3 =	vlt.f32 v58, v21  }
0xf3: {  	v17 =	vld [tilespmem:s15+$0xFFFFFF30];
	vm15 =	vlt.f32 v26, v21;
	vm5 =	vlt.f32 v28, v21;
	v23 =	vsel vm0, v23, v21  }
0xf4: {  	v38 =	vsel vm0, s6, v57;
	v31 =	vsel vm3, v58, v21;
	v60 =	vsel vm15, v26, v21  }
0xf5: {  	s5 =	sadd.s32 $0x400, s15;
	v21 =	vsel vm5, v28, v21;
	v61 =	vsel vm3, s6, v57;
	vm0 =	vlt.f32 v30, v23  }
0xf6: {  	v32 =	vld [tilespmem:s5+$0xFFFFFE00];
	v62 =	vsel vm15, s6, v57;
	v18 =	vsel vm0, v30, v23;
	v59 =	vadd.f32 v25, v27  }
0xf7: {  	v26 =	vld [tilespmem:s5+$0x0];
	v23 =	vsel vm0, s9, v38;
	v27 =	vadd.f32 v29, v27;
	v29 =	vadd.f32 v37, v24  }
0xf8: {  	v30 =	vadd.f32 v39, v24;
	v24 =	vadd.f32 v17, v24;
	v17 =	vld [tilespmem:s5+$0x120];
	vm0 =	vlt.f32 v20, v18  }
0xf9: {  	v33 =	vsel vm5, s6, v57;
	v25 =	vsel vm0, v20, v18;
	v23 =	vsel vm0, s7, v23;
	v20 =	vld [tilespmem:s5+$0x100]  }
0xfa: {  	v18 =	vld [tilespmem:s5+$0x110];
	vm6 =	vlt.f32 v29, v31;
	vm7 =	vlt.f32 v30, v60;
	vm8 =	vlt.f32 v24, v21  }
0xfb: {  	vm0 =	vlt.f32 v16, v25;
	v28 =	vsel vm6, v29, v31;
	v29 =	vsel vm7, v30, v60;
	v31 =	vld [tilespmem:s5+$0xFFFFFE10]  }
0xfc: {  	v21 =	vsel vm8, v24, v21;
	v30 =	vld [tilespmem:s5+$0xFFFFFE20];
	v63 =	vsel vm7, s9, v62;
	v33 =	vsel vm8, s9, v33  }
0xfd: {  	v25 =	vsel vm0, v16, v25;
	v23 =	vsel vm0, s0, v23;
	v16 =	vld [tilespmem:s5+$0x130];
	vm11 =	vlt.f32 v27, v21  }
0xfe: {  	s28 =	sor.u32 $0x100, s17;
	vm9 =	vlt.f32 v22, v28;
	vm10 =	vlt.f32 v59, v29;
	v21 =	vsel vm11, v27, v21;
	v27 =	vld [tilespmem:s5+$0xFFFFFE30]  }
0xff: {  	s29 =	sor.u32 $0x110, s17;
	[dreg:$0xc] =	wrdreg s28;
	v22 =	vsel vm9, v22, v28;
	v24 =	vsel vm10, v59, v29;
	v29 =	vld.idx.msk [tilespmem:v34+s8+$0x0], $0xffff;
	vm0 =	vlt.f32 v19, v21  }
0x100: {  	s30 =	sor.u32 $0x120, s17;
	[dreg:$0xb] =	wrdreg s29;
	vm2 =	vlt.f32 v40, v22;
	vm1 =	vlt.f32 v41, v24;
	v19 =	vsel vm0, v19, v21;
	v21 =	vld.idx.msk [tilespmem:v35+s8+$0x0], $0xffff  }
0x101: {  	s31 =	sor.u32 $0x130, s17;
	[dreg:$0xa] =	wrdreg s30;
	v34 =	vsel vm6, s9, v61;
	v28 =	vsel vm2, v40, v22;
	v22 =	vsel vm1, v41, v24;
	v24 =	vld.idx.msk [tilespmem:v36+s8+$0x0], $0xffff  }
0x102: {  	[dreg:$0x9] =	wrdreg s31;
	s6 =	simm.s32 $0x8;
	v33 =	vsel vm11, s7, v33;
	v35 =	vld [tilespmem:s5+$0xFFFFFF00];
	v36 =	vsel vm9, s7, v34;
	v34 =	vsel vm10, s7, v63  }
.LBB2_7:
0x103: {  	p0 =	sne.s32 s6, $0x3C;
	v37 =	vld.idx.msk [tilespmem:v15+s8+$0x0], $0xffff;
	v36 =	vsel vm2, s0, v36;
	v34 =	vsel vm1, s0, v34;
	v33 =	vsel vm0, s0, v33;
	s0 =	smov.u32 s1;
	s1 =	sadd.s32 $0x3, s6  }
0x104: {  	v38 =	vmov s6;
	s7 =	sadd.s32 $0x2, s6;
	v39 =	vmov s1;
	v40 =	vld [tilespmem:s5+$0x10]  }
0x105: {  	s9 =	sadd.s32 $0x1, s6;
	v15 =	vmov s7;
	v32 =	vadd.f32 v32, v29;
	v31 =	vadd.f32 v31, v29;
	v41 =	vld [tilespmem:s5+$0x20]  }
0x106: {  	v42 =	vmov s9;
	v30 =	vadd.f32 v30, v29;
	v27 =	vadd.f32 v27, v29;
	v29 =	vld [tilespmem:s5+$0x30]  }
0x107: {  	v44 =	vadd.f32 v20, v21;
	vm0 =	vlt.f32 v32, v25;
	v35 =	vadd.f32 v35, v24;
	v43 =	vld [tilespmem:s5+$0xFFFFFF10]  }
0x108: {  	v45 =	vadd.f32 v18, v21;
	v20 =	vsel vm0, v32, v25;
	v23 =	vsel vm0, s2, v23;
	v25 =	vld [tilespmem:s5+$0xFFFFFF20]  }
0x109: {  	v46 =	vadd.f32 v17, v21;
	v18 =	vadd.f32 v26, v37;
	vm0 =	vlt.f32 v35, v20;
	v32 =	vld [tilespmem:s5+$0xFFFFFF30]  }
0x10a: {  	v21 =	vadd.f32 v16, v21;
	v17 =	vsel vm0, v35, v20;
	v20 =	vsel vm0, s4, v23  }
0x10b: {  	v35 =	vadd.f32 v40, v37;
	v40 =	vadd.f32 v41, v37;
	vm0 =	vlt.f32 v18, v17  }
0x10c: {  	s5 =	sadd.s32 $0x400, s5;
	v29 =	vadd.f32 v29, v37;
	v16 =	vsel vm0, v18, v17;
	v17 =	vsel vm0, s3, v20  }
0x10d: {  	v37 =	vadd.f32 v43, v24;
	v20 =	vld [tilespmem:s5+$0x100];
	v41 =	vadd.f32 v25, v24;
	vm0 =	vlt.f32 v44, v16  }
0x10e: {  	v18 =	vld [tilespmem:s5+$0x110];
	v24 =	vadd.f32 v32, v24;
	v25 =	vsel vm0, v44, v16;
	v23 =	vsel vm0, s0, v17  }
0x10f: {  	vm3 =	vlt.f32 v31, v28;
	vm4 =	vlt.f32 v30, v22;
	vm5 =	vlt.f32 v27, v19;
	v17 =	vld [tilespmem:s5+$0x120]  }
0x110: {  	v28 =	vsel vm3, v31, v28;
	v22 =	vsel vm4, v30, v22;
	v19 =	vsel vm5, v27, v19;
	v16 =	vld [tilespmem:s5+$0x130]  }
0x111: {  	vm6 =	vlt.f32 v37, v28;
	vm7 =	vlt.f32 v41, v22;
	vm8 =	vlt.f32 v24, v19;
	v26 =	vld [tilespmem:s5+$0x0]  }
0x112: {  	v27 =	vsel vm6, v37, v28;
	v22 =	vsel vm7, v41, v22;
	v19 =	vsel vm8, v24, v19;
	v32 =	vld [tilespmem:s5+$0xFFFFFE00]  }
0x113: {  	vm9 =	vlt.f32 v35, v27;
	vm10 =	vlt.f32 v40, v22;
	vm11 =	vlt.f32 v29, v19;
	v31 =	vld [tilespmem:s5+$0xFFFFFE10]  }
0x114: {  	v24 =	vsel vm9, v35, v27;
	v22 =	vsel vm10, v40, v22;
	v19 =	vsel vm11, v29, v19;
	v30 =	vld [tilespmem:s5+$0xFFFFFE20]  }
.Ltmp2:
0x115: {  	vm2 =	vlt.f32 v45, v24;
	vm1 =	vlt.f32 v46, v22;
	vm0 =	vlt.f32 v21, v19;
	v27 =	vld [tilespmem:s5+$0xFFFFFE30];
	(pc) =	sbr.rel @p0 .LBB2_7-.Ltmp2, $4  }
0x116: {  	v28 =	vsel vm2, v45, v24;
	v22 =	vsel vm1, v46, v22;
	v19 =	vsel vm0, v21, v19;
	v29 =	vld.idx.msk [tilespmem:v38+s8+$0x0], $0xffff  }
0x117: {  	v34 =	vsel vm4, s2, v34;
	v33 =	vsel vm5, s2, v33;
	v35 =	vsel vm3, s2, v36;
	s2 =	smov.u32 s6;
	v21 =	vld.idx.msk [tilespmem:v39+s8+$0x0], $0xffff  }
0x118: {  	v34 =	vsel vm7, s4, v34;
	v33 =	vsel vm8, s4, v33;
	v36 =	vsel vm6, s4, v35;
	s4 =	smov.u32 s9;
	v24 =	vld.idx.msk [tilespmem:v42+s8+$0x0], $0xffff  }
0x119: {  	s6 =	sadd.s32 $0x4, s6;
	v34 =	vsel vm10, s3, v34;
	v36 =	vsel vm9, s3, v36;
	v33 =	vsel vm11, s3, v33;
	s3 =	smov.u32 s7;
	v35 =	vld [tilespmem:s5+$0xFFFFFF00]  }
0x11a: {  	_ =	sdelay $0x3  }
0x11b: {  	v37 =	vld.idx.msk [tilespmem:v15+s8+$0x0], $0xffff  }
0x11c: {  	v15 =	vadd.f32 v32, v29;
	_ =	sdelay $0x1  }
0x11d: {  	vm3 =	vlt.f32 v15, v25;
	v45 =	vadd.f32 v35, v24  }
0x11e: {  	v15 =	vsel vm3, v15, v25  }
0x11f: {  	v25 =	vld [tilespmem:s5+$0xFFFFFF10];
	v26 =	vadd.f32 v26, v37;
	vm4 =	vlt.f32 v45, v15  }
0x120: {  	v15 =	vsel vm4, v45, v15  }
0x121: {  	v46 =	vld [tilespmem:s5+$0x10];
	v20 =	vadd.f32 v20, v21;
	v23 =	vsel vm3, s2, v23;
	vm3 =	vlt.f32 v26, v15  }
0x122: {  	v31 =	vadd.f32 v31, v29;
	v23 =	vsel vm4, s4, v23;
	v15 =	vsel vm3, v26, v15  }
0x123: {  	v23 =	vsel vm3, s3, v23;
	vm3 =	vlt.f32 v20, v15  }
0x124: {  	v15 =	vadd.f32 v25, v24;
	v20 =	vsel vm3, s1, v23;
	vm3 =	vlt.f32 v31, v28  }
0x125: {  	v23 =	vsel vm3, v31, v28;
	v25 =	vshll.u32 v20, $0x8  }
0x126: {  	v26 =	vld [tilespmem:s5+$0xFFFFFF20];
	v28 =	vadd.f32 v46, v37;
	vm14 =	vlt.f32 v15, v23;
	v25 =	vadd.s32 v7, v25  }
0x127: {  	v31 =	vsel vm2, s0, v36;
	v15 =	vsel vm14, v15, v23;
	v23 =	vor.u32 v1, v25  }
0x128: {  	v18 =	vadd.f32 v18, v21;
	v31 =	vsel vm3, s2, v31;
	v25 =	vld [tilespmem:s5+$0x20];
	vm2 =	vlt.f32 v28, v15  }
0x129: {  	v30 =	vadd.f32 v30, v29;
	v15 =	vsel vm2, v28, v15;
	v28 =	vsel vm14, s4, v31  }
0x12a: {  	vm3 =	vlt.f32 v18, v15;
	v15 =	vsel vm2, s3, v28  }
0x12b: {  	s6 =	simm.s32 $0x0;
	v18 =	vadd.f32 v26, v24;
	vm2 =	vlt.f32 v30, v22;
	v26 =	vsel vm3, s1, v15  }
0x12c: {  	v22 =	vsel vm2, v30, v22;
	v15 =	vld.idx.msk [tilespmem:v23+s6+$0x0], $0xffff;
	v28 =	vshll.u32 v26, $0x8  }
0x12d: {  	v30 =	vld [tilespmem:s5+$0xFFFFFF30];
	v25 =	vadd.f32 v25, v37;
	vm3 =	vlt.f32 v18, v22;
	v28 =	vadd.s32 v8, v28  }
0x12e: {  	v31 =	vsel vm1, s0, v34;
	v18 =	vsel vm3, v18, v22;
	v22 =	vor.u32 v1, v28  }
0x12f: {  	v17 =	vadd.f32 v17, v21;
	v31 =	vsel vm2, s2, v31;
	v28 =	vld [tilespmem:s5+$0x30];
	vm1 =	vlt.f32 v25, v18  }
0x130: {  	v27 =	vadd.f32 v27, v29;
	[tilespmem:s17+$0x4240] =	vst v20;
	v18 =	vsel vm1, v25, v18;
	v25 =	vsel vm3, s4, v31  }
0x131: {  	vm2 =	vlt.f32 v17, v18;
	v17 =	vsel vm1, s3, v25;
	v25 =	vimm.f32 $+Inf;
	[tilespmem:s17+$0x4A40] =	vst v15  }
0x132: {  	v18 =	vadd.f32 v30, v24;
	vm1 =	vlt.f32 v27, v19;
	v20 =	vsel vm2, s1, v17;
	[tilespmem:v23+s6+$0x0] =	vst.idx.msk $0xffff, v25  }
0x133: {  	v19 =	vsel vm1, v27, v19;
	v23 =	vshll.u32 v20, $0x8;
	v17 =	vld.idx.msk [tilespmem:v22+s6+$0x0], $0xffff  }
0x134: {  	vm2 =	vlt.f32 v18, v19;
	v24 =	vadd.f32 v28, v37;
	v23 =	vadd.s32 v10, v23  }
0x135: {  	v27 =	vsel vm0, s0, v33;
	v18 =	vsel vm2, v18, v19;
	v19 =	vor.u32 v1, v23  }
0x136: {  	v16 =	vadd.f32 v16, v21;
	v21 =	vsel vm1, s2, v27;
	vm0 =	vlt.f32 v24, v18  }
0x137: {  	v21 =	vsel vm2, s4, v21;
	[tilespmem:s17+$0x4250] =	vst v26;
	v18 =	vsel vm0, v24, v18  }
0x138: {  	vm1 =	vlt.f32 v16, v18;
	v16 =	vsel vm0, s3, v21;
	[tilespmem:s17+$0x4A50] =	vst v17  }
0x139: {  	v21 =	vsel vm1, s1, v16;
	[tilespmem:v22+s6+$0x0] =	vst.idx.msk $0xffff, v25  }
0x13a: {  	v16 =	vshll.u32 v21, $0x8;
	v18 =	vld.idx.msk [tilespmem:v19+s6+$0x0], $0xffff  }
0x13b: {  	v16 =	vadd.s32 v9, v16  }
0x13c: {  	v22 =	vor.u32 v1, v16;
	_ =	sdelay $0x1  }
0x13d: {  	[tilespmem:s17+$0x4260] =	vst v20  }
0x13e: {  	[tilespmem:s17+$0x4A60] =	vst v18  }
0x13f: {  	[tilespmem:v19+s6+$0x0] =	vst.idx.msk $0xffff, v25  }
0x140: {  	v16 =	vld.idx.msk [tilespmem:v22+s6+$0x0], $0xffff;
	_ =	sdelay $0x3  }
0x141: {  	[tilespmem:s17+$0x4270] =	vst v21  }
0x142: {  	[tilespmem:s17+$0x4A70] =	vst v16  }
0x143: {  	[tilespmem:v22+s6+$0x0] =	vst.idx.msk $0xffff, v25  }
0x144: {  	v19 =	vld [tilespmem:s15+$0x100]  }
0x145: {  	v21 =	vld [tilespmem:s15+$0x110]  }
0x146: {  	v22 =	vld [tilespmem:s15+$0x120]  }
0x147: {  	v23 =	vld [tilespmem:s15+$0x130]  }
0x148: {  	s0 =	simm.s32 $0x3;
	v20 =	vmov s6;
	v24 =	vld [tilespmem:s15+$0x0]  }
0x149: {  	s9 =	simm.s32 $0x1;
	v26 =	vmov s0;
	v27 =	vld [tilespmem:s15+$0xFFFFFE00]  }
0x14a: {  	v28 =	vmov s9;
	v29 =	vld [tilespmem:s15+$0xFFFFFE10]  }
0x14b: {  	s7 =	simm.s32 $0x2;
	v30 =	vld [tilespmem:s15+$0xFFFFFE20]  }
0x14c: {  	v31 =	vmov s7;
	v47 =	vld [tilespmem:s15+$0xFFFFFE30]  }
0x14d: {  	v48 =	vld.idx.msk [tilespmem:v20+s8+$0x0], $0xffff  }
0x14e: {  	v26 =	vld.idx.msk [tilespmem:v26+s8+$0x0], $0xffff  }
0x14f: {  	v28 =	vld.idx.msk [tilespmem:v28+s8+$0x0], $0xffff  }
0x150: {  	v49 =	vld [tilespmem:s15+$0xFFFFFF00]  }
0x151: {  	v31 =	vld.idx.msk [tilespmem:v31+s8+$0x0], $0xffff  }
0x152: {  	v51 =	vld [tilespmem:s15+$0x10]  }
0x153: {  	v41 =	vld [tilespmem:s15+$0xFFFFFF10];
	v27 =	vadd.f32 v27, v48  }
0x154: {  	v43 =	vld [tilespmem:s15+$0xFFFFFF20];
	v52 =	vadd.f32 v29, v48;
	v30 =	vadd.f32 v30, v48  }
0x155: {  	v50 =	vimm.s32 $0x0;
	s2 =	simm.s32 $0x4;
	v32 =	vadd.f32 v47, v48;
	v34 =	vadd.f32 v49, v28  }
0x156: {  	v38 =	vmov s2;
	s4 =	simm.s32 $0x5;
	v19 =	vadd.f32 v19, v26;
	v44 =	vadd.f32 v21, v26  }
0x157: {  	v40 =	vmov s4;
	s1 =	simm.s32 $0x7;
	v24 =	vadd.f32 v24, v31;
	v45 =	vadd.f32 v22, v26  }
0x158: {  	s3 =	simm.s32 $0x6;
	v39 =	vmov s1;
	v23 =	vadd.f32 v23, v26;
	v26 =	vadd.f32 v51, v31  }
0x159: {  	v20 =	vmov s3;
	v53 =	vld [tilespmem:s15+$0x30];
	v55 =	vadd.f32 v41, v28;
	v56 =	vadd.f32 v43, v28  }
0x15a: {  	v29 =	vld [tilespmem:s15+$0x20];
	vm0 =	vlt.f32 v27, v25;
	vm3 =	vlt.f32 v52, v25;
	vm15 =	vlt.f32 v30, v25  }
0x15b: {  	v21 =	vld [tilespmem:s15+$0xFFFFFF30];
	vm5 =	vlt.f32 v32, v25;
	v27 =	vsel vm0, v27, v25;
	v42 =	vsel vm0, s6, v50  }
0x15c: {  	s5 =	sadd.s32 $0x400, s15;
	v57 =	vsel vm3, v52, v25;
	v58 =	vsel vm15, v30, v25;
	v25 =	vsel vm5, v32, v25  }
0x15d: {  	v36 =	vld [tilespmem:s5+$0xFFFFFE00];
	v61 =	vsel vm3, s6, v50;
	v62 =	vsel vm15, s6, v50;
	v37 =	vsel vm5, s6, v50  }
0x15e: {  	v35 =	vld [tilespmem:s5+$0xFFFFFE10];
	vm0 =	vlt.f32 v34, v27;
	vm6 =	vlt.f32 v55, v57;
	vm7 =	vlt.f32 v56, v58  }
0x15f: {  	v33 =	vld.idx.msk [tilespmem:v38+s8+$0x0], $0xffff;
	v22 =	vsel vm0, v34, v27;
	v27 =	vsel vm0, s9, v42;
	v54 =	vadd.f32 v29, v31  }
0x160: {  	v30 =	vld [tilespmem:s5+$0x0];
	v31 =	vadd.f32 v53, v31;
	v28 =	vadd.f32 v21, v28;
	v59 =	vsel vm6, v55, v57  }
0x161: {  	v21 =	vld [tilespmem:s5+$0x120];
	v60 =	vsel vm7, v56, v58;
	v38 =	vsel vm6, s9, v61;
	vm0 =	vlt.f32 v24, v22  }
0x162: {  	v34 =	vld [tilespmem:s5+$0xFFFFFE20];
	vm9 =	vlt.f32 v26, v59;
	v29 =	vsel vm0, v24, v22;
	v27 =	vsel vm0, s7, v27  }
0x163: {  	v24 =	vld [tilespmem:s5+$0x100];
	vm8 =	vlt.f32 v28, v25;
	vm10 =	vlt.f32 v54, v60;
	v26 =	vsel vm9, v26, v59  }
0x164: {  	v22 =	vld [tilespmem:s5+$0x110];
	vm0 =	vlt.f32 v19, v29;
	v25 =	vsel vm8, v28, v25;
	v28 =	vsel vm10, v54, v60  }
0x165: {  	s28 =	sor.u32 $0x200, s17;
	vm2 =	vlt.f32 v44, v26;
	v29 =	vsel vm0, v19, v29;
	v19 =	vld [tilespmem:s5+$0x130];
	vm11 =	vlt.f32 v31, v25  }
0x166: {  	s29 =	sor.u32 $0x210, s17;
	[dreg:$0x10] =	wrdreg s28;
	v27 =	vsel vm0, s0, v27;
	vm1 =	vlt.f32 v45, v28;
	v25 =	vsel vm11, v31, v25;
	v31 =	vld [tilespmem:s5+$0xFFFFFE30]  }
0x167: {  	s30 =	sor.u32 $0x220, s17;
	[dreg:$0xf] =	wrdreg s29;
	v32 =	vsel vm2, v44, v26;
	v26 =	vsel vm1, v45, v28;
	v28 =	vld.idx.msk [tilespmem:v40+s8+$0x0], $0xffff;
	vm0 =	vlt.f32 v23, v25  }
0x168: {  	s31 =	sor.u32 $0x230, s17;
	[dreg:$0xe] =	wrdreg s30;
	v63 =	vsel vm7, s9, v62;
	v37 =	vsel vm8, s9, v37;
	v23 =	vsel vm0, v23, v25;
	v25 =	vld.idx.msk [tilespmem:v39+s8+$0x0], $0xffff  }
0x169: {  	[dreg:$0xd] =	wrdreg s31;
	s6 =	simm.s32 $0x8;
	v40 =	vsel vm9, s7, v38;
	v38 =	vsel vm10, s7, v63;
	v37 =	vsel vm11, s7, v37;
	v39 =	vld [tilespmem:s5+$0xFFFFFF00]  }
.LBB2_9:
0x16a: {  	p0 =	sne.s32 s6, $0x3C;
	v41 =	vld.idx.msk [tilespmem:v20+s8+$0x0], $0xffff;
	v40 =	vsel vm2, s0, v40;
	v38 =	vsel vm1, s0, v38;
	v37 =	vsel vm0, s0, v37;
	s0 =	smov.u32 s1;
	s1 =	sadd.s32 $0x3, s6  }
0x16b: {  	v42 =	vmov s6;
	s7 =	sadd.s32 $0x2, s6;
	v43 =	vmov s1;
	v44 =	vld [tilespmem:s5+$0x10]  }
0x16c: {  	s9 =	sadd.s32 $0x1, s6;
	v20 =	vmov s7;
	v36 =	vadd.f32 v36, v33;
	v35 =	vadd.f32 v35, v33;
	v45 =	vld [tilespmem:s5+$0x20]  }
0x16d: {  	v46 =	vmov s9;
	v34 =	vadd.f32 v34, v33;
	v31 =	vadd.f32 v31, v33;
	v33 =	vld [tilespmem:s5+$0x30]  }
0x16e: {  	v48 =	vadd.f32 v24, v25;
	vm0 =	vlt.f32 v36, v29;
	v39 =	vadd.f32 v39, v28;
	v47 =	vld [tilespmem:s5+$0xFFFFFF10]  }
0x16f: {  	v49 =	vadd.f32 v22, v25;
	v24 =	vsel vm0, v36, v29;
	v27 =	vsel vm0, s2, v27;
	v29 =	vld [tilespmem:s5+$0xFFFFFF20]  }
0x170: {  	v50 =	vadd.f32 v21, v25;
	v22 =	vadd.f32 v30, v41;
	vm0 =	vlt.f32 v39, v24;
	v36 =	vld [tilespmem:s5+$0xFFFFFF30]  }
0x171: {  	v25 =	vadd.f32 v19, v25;
	v21 =	vsel vm0, v39, v24;
	v24 =	vsel vm0, s4, v27  }
0x172: {  	v39 =	vadd.f32 v44, v41;
	v44 =	vadd.f32 v45, v41;
	vm0 =	vlt.f32 v22, v21  }
0x173: {  	s5 =	sadd.s32 $0x400, s5;
	v33 =	vadd.f32 v33, v41;
	v19 =	vsel vm0, v22, v21;
	v21 =	vsel vm0, s3, v24  }
0x174: {  	v41 =	vadd.f32 v47, v28;
	v24 =	vld [tilespmem:s5+$0x100];
	v45 =	vadd.f32 v29, v28;
	vm0 =	vlt.f32 v48, v19  }
0x175: {  	v22 =	vld [tilespmem:s5+$0x110];
	v28 =	vadd.f32 v36, v28;
	v29 =	vsel vm0, v48, v19;
	v27 =	vsel vm0, s0, v21  }
0x176: {  	vm3 =	vlt.f32 v35, v32;
	vm4 =	vlt.f32 v34, v26;
	vm5 =	vlt.f32 v31, v23;
	v21 =	vld [tilespmem:s5+$0x120]  }
0x177: {  	v32 =	vsel vm3, v35, v32;
	v26 =	vsel vm4, v34, v26;
	v23 =	vsel vm5, v31, v23;
	v19 =	vld [tilespmem:s5+$0x130]  }
0x178: {  	vm6 =	vlt.f32 v41, v32;
	vm7 =	vlt.f32 v45, v26;
	vm8 =	vlt.f32 v28, v23;
	v30 =	vld [tilespmem:s5+$0x0]  }
0x179: {  	v31 =	vsel vm6, v41, v32;
	v26 =	vsel vm7, v45, v26;
	v23 =	vsel vm8, v28, v23;
	v36 =	vld [tilespmem:s5+$0xFFFFFE00]  }
0x17a: {  	vm9 =	vlt.f32 v39, v31;
	vm10 =	vlt.f32 v44, v26;
	vm11 =	vlt.f32 v33, v23;
	v35 =	vld [tilespmem:s5+$0xFFFFFE10]  }
0x17b: {  	v28 =	vsel vm9, v39, v31;
	v26 =	vsel vm10, v44, v26;
	v23 =	vsel vm11, v33, v23;
	v34 =	vld [tilespmem:s5+$0xFFFFFE20]  }
.Ltmp3:
0x17c: {  	vm2 =	vlt.f32 v49, v28;
	vm1 =	vlt.f32 v50, v26;
	vm0 =	vlt.f32 v25, v23;
	v31 =	vld [tilespmem:s5+$0xFFFFFE30];
	(pc) =	sbr.rel @p0 .LBB2_9-.Ltmp3, $4  }
0x17d: {  	v32 =	vsel vm2, v49, v28;
	v26 =	vsel vm1, v50, v26;
	v23 =	vsel vm0, v25, v23;
	v33 =	vld.idx.msk [tilespmem:v42+s8+$0x0], $0xffff  }
0x17e: {  	v38 =	vsel vm4, s2, v38;
	v37 =	vsel vm5, s2, v37;
	v39 =	vsel vm3, s2, v40;
	s2 =	smov.u32 s6;
	v25 =	vld.idx.msk [tilespmem:v43+s8+$0x0], $0xffff  }
0x17f: {  	v38 =	vsel vm7, s4, v38;
	v37 =	vsel vm8, s4, v37;
	v40 =	vsel vm6, s4, v39;
	s4 =	smov.u32 s9;
	v28 =	vld.idx.msk [tilespmem:v46+s8+$0x0], $0xffff  }
0x180: {  	s6 =	sadd.s32 $0x4, s6;
	v38 =	vsel vm10, s3, v38;
	v40 =	vsel vm9, s3, v40;
	v37 =	vsel vm11, s3, v37;
	s3 =	smov.u32 s7;
	v39 =	vld [tilespmem:s5+$0xFFFFFF00]  }
0x181: {  	_ =	sdelay $0x3  }
0x182: {  	v41 =	vld.idx.msk [tilespmem:v20+s8+$0x0], $0xffff  }
0x183: {  	v20 =	vadd.f32 v36, v33;
	_ =	sdelay $0x1  }
0x184: {  	vm3 =	vlt.f32 v20, v29;
	v44 =	vadd.f32 v39, v28  }
0x185: {  	v20 =	vsel vm3, v20, v29  }
0x186: {  	v29 =	vld [tilespmem:s5+$0xFFFFFF10];
	v30 =	vadd.f32 v30, v41;
	vm4 =	vlt.f32 v44, v20  }
0x187: {  	v20 =	vsel vm4, v44, v20  }
0x188: {  	v45 =	vld [tilespmem:s5+$0x10];
	v24 =	vadd.f32 v24, v25;
	v27 =	vsel vm3, s2, v27;
	vm3 =	vlt.f32 v30, v20  }
0x189: {  	v35 =	vadd.f32 v35, v33;
	v27 =	vsel vm4, s4, v27;
	v20 =	vsel vm3, v30, v20  }
0x18a: {  	v27 =	vsel vm3, s3, v27;
	vm3 =	vlt.f32 v24, v20  }
0x18b: {  	v20 =	vadd.f32 v29, v28;
	v24 =	vsel vm3, s1, v27;
	vm3 =	vlt.f32 v35, v32  }
0x18c: {  	v27 =	vsel vm3, v35, v32;
	v29 =	vshll.u32 v24, $0x8  }
0x18d: {  	v46 =	vadd.f32 v45, v41;
	v30 =	vld [tilespmem:s5+$0xFFFFFF20];
	vm14 =	vlt.f32 v20, v27;
	v29 =	vadd.s32 v7, v29  }
0x18e: {  	v47 =	vsel vm2, s0, v40;
	v20 =	vsel vm14, v20, v27;
	v27 =	vor.u32 v1, v29  }
0x18f: {  	v22 =	vadd.f32 v22, v25;
	v35 =	vsel vm3, s2, v47;
	v29 =	vld [tilespmem:s5+$0x20];
	vm2 =	vlt.f32 v46, v20  }
0x190: {  	v34 =	vadd.f32 v34, v33;
	v48 =	vsel vm14, s4, v35;
	v20 =	vsel vm2, v46, v20  }
0x191: {  	vm3 =	vlt.f32 v22, v20;
	v20 =	vsel vm2, s3, v48  }
0x192: {  	s9 =	simm.s32 $0x0;
	v22 =	vadd.f32 v30, v28;
	vm2 =	vlt.f32 v34, v26;
	v30 =	vsel vm3, s1, v20  }
0x193: {  	v26 =	vsel vm2, v34, v26;
	v20 =	vld.idx.msk [tilespmem:v27+s9+$0x0], $0xffff;
	v49 =	vshll.u32 v30, $0x8  }
0x194: {  	v50 =	vld [tilespmem:s5+$0xFFFFFF30];
	v29 =	vadd.f32 v29, v41;
	vm3 =	vlt.f32 v22, v26;
	v32 =	vadd.s32 v8, v49  }
0x195: {  	v51 =	vsel vm1, s0, v38;
	v22 =	vsel vm3, v22, v26;
	v26 =	vor.u32 v1, v32  }
0x196: {  	v52 =	vld [tilespmem:s5+$0x30];
	v21 =	vadd.f32 v21, v25;
	v35 =	vsel vm2, s2, v51;
	vm1 =	vlt.f32 v29, v22  }
0x197: {  	v31 =	vadd.f32 v31, v33;
	[tilespmem:s17+$0x4340] =	vst v24;
	v22 =	vsel vm1, v29, v22;
	v29 =	vsel vm3, s4, v35  }
0x198: {  	vm2 =	vlt.f32 v21, v22;
	v21 =	vsel vm1, s3, v29;
	v29 =	vimm.f32 $+Inf;
	[tilespmem:s17+$0x4B40] =	vst v20  }
0x199: {  	v22 =	vadd.f32 v50, v28;
	vm1 =	vlt.f32 v31, v23;
	v24 =	vsel vm2, s1, v21;
	[tilespmem:v27+s9+$0x0] =	vst.idx.msk $0xffff, v29  }
0x19a: {  	v23 =	vsel vm1, v31, v23;
	v27 =	vshll.u32 v24, $0x8;
	v21 =	vld.idx.msk [tilespmem:v26+s9+$0x0], $0xffff  }
0x19b: {  	v28 =	vadd.f32 v52, v41;
	vm2 =	vlt.f32 v22, v23;
	v27 =	vadd.s32 v10, v27  }
0x19c: {  	v31 =	vsel vm0, s0, v37;
	v22 =	vsel vm2, v22, v23;
	v23 =	vor.u32 v1, v27  }
0x19d: {  	v19 =	vadd.f32 v19, v25;
	v25 =	vsel vm1, s2, v31;
	vm0 =	vlt.f32 v28, v22  }
0x19e: {  	v25 =	vsel vm2, s4, v25;
	[tilespmem:s17+$0x4350] =	vst v30;
	v22 =	vsel vm0, v28, v22  }
0x19f: {  	vm1 =	vlt.f32 v19, v22;
	v19 =	vsel vm0, s3, v25;
	[tilespmem:s17+$0x4B50] =	vst v21  }
0x1a0: {  	v25 =	vsel vm1, s1, v19;
	[tilespmem:v26+s9+$0x0] =	vst.idx.msk $0xffff, v29  }
0x1a1: {  	v19 =	vshll.u32 v25, $0x8;
	v22 =	vld.idx.msk [tilespmem:v23+s9+$0x0], $0xffff  }
0x1a2: {  	v19 =	vadd.s32 v9, v19  }
0x1a3: {  	v26 =	vor.u32 v1, v19;
	_ =	sdelay $0x1  }
0x1a4: {  	[tilespmem:s17+$0x4360] =	vst v24  }
0x1a5: {  	[tilespmem:s17+$0x4B60] =	vst v22  }
0x1a6: {  	[tilespmem:v23+s9+$0x0] =	vst.idx.msk $0xffff, v29  }
0x1a7: {  	v19 =	vld.idx.msk [tilespmem:v26+s9+$0x0], $0xffff;
	_ =	sdelay $0x3  }
0x1a8: {  	[tilespmem:s17+$0x4370] =	vst v25  }
0x1a9: {  	[tilespmem:s17+$0x4B70] =	vst v19  }
0x1aa: {  	[tilespmem:v26+s9+$0x0] =	vst.idx.msk $0xffff, v29  }
0x1ab: {  	v23 =	vld [tilespmem:s15+$0x100]  }
0x1ac: {  	v25 =	vld [tilespmem:s15+$0x110]  }
0x1ad: {  	v26 =	vld [tilespmem:s15+$0x120]  }
0x1ae: {  	v27 =	vld [tilespmem:s15+$0x130]  }
0x1af: {  	s2 =	simm.s32 $0x3;
	v24 =	vmov s9;
	v28 =	vld [tilespmem:s15+$0x0]  }
0x1b0: {  	s11 =	simm.s32 $0x1;
	v30 =	vmov s2;
	v31 =	vld [tilespmem:s15+$0xFFFFFE00]  }
0x1b1: {  	v53 =	vmov s11;
	v54 =	vld [tilespmem:s15+$0xFFFFFE10]  }
0x1b2: {  	s10 =	simm.s32 $0x2;
	v55 =	vld [tilespmem:s15+$0xFFFFFE20]  }
0x1b3: {  	v56 =	vmov s10;
	v57 =	vld [tilespmem:s15+$0xFFFFFE30]  }
0x1b4: {  	v58 =	vld.idx.msk [tilespmem:v24+s8+$0x0], $0xffff  }
0x1b5: {  	v30 =	vld.idx.msk [tilespmem:v30+s8+$0x0], $0xffff  }
0x1b6: {  	v32 =	vld.idx.msk [tilespmem:v53+s8+$0x0], $0xffff  }
0x1b7: {  	v59 =	vld [tilespmem:s15+$0xFFFFFF00]  }
0x1b8: {  	v35 =	vld.idx.msk [tilespmem:v56+s8+$0x0], $0xffff  }
0x1b9: {  	v60 =	vld [tilespmem:s15+$0x10]  }
0x1ba: {  	v62 =	vld [tilespmem:s15+$0x20]  }
0x1bb: {  	v63 =	vld [tilespmem:s15+$0x30];
	v31 =	vadd.f32 v31, v58  }
0x1bc: {  	s6 =	simm.s32 $0x5;
	v45 =	vld [tilespmem:s15+$0xFFFFFF10];
	v61 =	vadd.f32 v54, v58;
	v34 =	vadd.f32 v55, v58  }
0x1bd: {  	v44 =	vmov s6;
	v47 =	vld [tilespmem:s15+$0xFFFFFF20];
	v36 =	vadd.f32 v57, v58;
	v38 =	vadd.f32 v59, v32  }
0x1be: {  	v41 =	vimm.s32 $0x0;
	s4 =	simm.s32 $0x4;
	v23 =	vadd.f32 v23, v30;
	v48 =	vadd.f32 v25, v30  }
0x1bf: {  	v42 =	vmov s4;
	s3 =	simm.s32 $0x7;
	v28 =	vadd.f32 v28, v35;
	v49 =	vadd.f32 v26, v30  }
0x1c0: {  	s5 =	simm.s32 $0x6;
	v43 =	vmov s3;
	v27 =	vadd.f32 v27, v30;
	v30 =	vadd.f32 v60, v35  }
0x1c1: {  	v24 =	vmov s5;
	v52 =	vadd.f32 v62, v35;
	v35 =	vadd.f32 v63, v35  }
0x1c2: {  	v54 =	vadd.f32 v45, v32;
	v55 =	vadd.f32 v47, v32;
	vm0 =	vlt.f32 v31, v29  }
0x1c3: {  	v25 =	vld [tilespmem:s15+$0xFFFFFF30];
	vm3 =	vlt.f32 v61, v29;
	vm15 =	vlt.f32 v34, v29;
	vm5 =	vlt.f32 v36, v29  }
0x1c4: {  	s7 =	sadd.s32 $0x400, s15;
	v31 =	vsel vm0, v31, v29;
	v46 =	vsel vm0, s9, v41;
	v56 =	vsel vm3, v61, v29  }
0x1c5: {  	v40 =	vld [tilespmem:s7+$0xFFFFFE00];
	v57 =	vsel vm15, v34, v29;
	v29 =	vsel vm5, v36, v29;
	v61 =	vsel vm3, s9, v41  }
0x1c6: {  	v39 =	vld [tilespmem:s7+$0xFFFFFE10];
	v62 =	vsel vm15, s9, v41;
	v41 =	vsel vm5, s9, v41;
	vm0 =	vlt.f32 v38, v31  }
0x1c7: {  	v37 =	vld.idx.msk [tilespmem:v42+s8+$0x0], $0xffff;
	vm6 =	vlt.f32 v54, v56;
	vm7 =	vlt.f32 v55, v57;
	v26 =	vsel vm0, v38, v31  }
0x1c8: {  	v34 =	vld [tilespmem:s7+$0x0];
	v31 =	vsel vm0, s11, v46;
	v32 =	vadd.f32 v25, v32;
	v58 =	vsel vm6, v54, v56  }
0x1c9: {  	v25 =	vld [tilespmem:s7+$0x120];
	v59 =	vsel vm7, v55, v57;
	v42 =	vsel vm6, s11, v61;
	v63 =	vsel vm7, s11, v62  }
0x1ca: {  	v38 =	vld [tilespmem:s7+$0xFFFFFE20];
	vm0 =	vlt.f32 v28, v26;
	vm9 =	vlt.f32 v30, v58;
	vm10 =	vlt.f32 v52, v59  }
0x1cb: {  	v53 =	vsel vm0, v28, v26;
	v31 =	vsel vm0, s10, v31;
	v28 =	vld [tilespmem:s7+$0x100];
	vm8 =	vlt.f32 v32, v29  }
0x1cc: {  	v26 =	vld [tilespmem:s7+$0x110];
	v30 =	vsel vm9, v30, v58;
	v60 =	vsel vm10, v52, v59;
	v29 =	vsel vm8, v32, v29  }
0x1cd: {  	vm0 =	vlt.f32 v23, v53;
	vm2 =	vlt.f32 v48, v30;
	v32 =	vld.idx.msk [tilespmem:v44+s8+$0x0], $0xffff;
	vm11 =	vlt.f32 v35, v29  }
0x1ce: {  	vm1 =	vlt.f32 v49, v60;
	v33 =	vsel vm0, v23, v53;
	v23 =	vld [tilespmem:s7+$0x130];
	v29 =	vsel vm11, v35, v29  }
0x1cf: {  	s30 =	sor.u32 $0x330, s17;
	v41 =	vsel vm8, s11, v41;
	v31 =	vsel vm0, s2, v31;
	v35 =	vld [tilespmem:s7+$0xFFFFFE30];
	vm0 =	vlt.f32 v27, v29  }
0x1d0: {  	s31 =	sor.u32 $0x320, s17;
	[dreg:$0x11] =	wrdreg s30;
	v44 =	vsel vm9, s10, v42;
	v42 =	vsel vm10, s10, v63;
	v27 =	vsel vm0, v27, v29;
	v29 =	vld.idx.msk [tilespmem:v43+s8+$0x0], $0xffff  }
0x1d1: {  	s0 =	sor.u32 $0x310, s17;
	s1 =	sor.u32 $0x300, s17;
	s9 =	simm.s32 $0x8;
	v36 =	vsel vm2, v48, v30;
	v30 =	vsel vm1, v49, v60;
	v41 =	vsel vm11, s10, v41;
	v43 =	vld [tilespmem:s7+$0xFFFFFF00]  }
.LBB2_11:
0x1d2: {  	p0 =	sne.s32 s9, $0x3C;
	v45 =	vld.idx.msk [tilespmem:v24+s8+$0x0], $0xffff;
	v44 =	vsel vm2, s2, v44;
	v42 =	vsel vm1, s2, v42;
	v41 =	vsel vm0, s2, v41;
	s2 =	smov.u32 s3;
	s3 =	sadd.s32 $0x3, s9  }
0x1d3: {  	v46 =	vmov s9;
	s10 =	sadd.s32 $0x2, s9;
	v47 =	vmov s3;
	v48 =	vld [tilespmem:s7+$0x10]  }
0x1d4: {  	s11 =	sadd.s32 $0x1, s9;
	v24 =	vmov s10;
	v40 =	vadd.f32 v40, v37;
	v39 =	vadd.f32 v39, v37;
	v49 =	vld [tilespmem:s7+$0x20]  }
0x1d5: {  	v50 =	vmov s11;
	v38 =	vadd.f32 v38, v37;
	v35 =	vadd.f32 v35, v37;
	v37 =	vld [tilespmem:s7+$0x30]  }
0x1d6: {  	v52 =	vadd.f32 v28, v29;
	vm0 =	vlt.f32 v40, v33;
	v43 =	vadd.f32 v43, v32;
	v51 =	vld [tilespmem:s7+$0xFFFFFF10]  }
0x1d7: {  	v53 =	vadd.f32 v26, v29;
	v28 =	vsel vm0, v40, v33;
	v31 =	vsel vm0, s4, v31;
	v33 =	vld [tilespmem:s7+$0xFFFFFF20]  }
0x1d8: {  	v54 =	vadd.f32 v25, v29;
	v26 =	vadd.f32 v34, v45;
	vm0 =	vlt.f32 v43, v28;
	v40 =	vld [tilespmem:s7+$0xFFFFFF30]  }
0x1d9: {  	v29 =	vadd.f32 v23, v29;
	v25 =	vsel vm0, v43, v28;
	v28 =	vsel vm0, s6, v31  }
0x1da: {  	v43 =	vadd.f32 v48, v45;
	v48 =	vadd.f32 v49, v45;
	vm0 =	vlt.f32 v26, v25  }
0x1db: {  	s7 =	sadd.s32 $0x400, s7;
	v37 =	vadd.f32 v37, v45;
	v23 =	vsel vm0, v26, v25;
	v25 =	vsel vm0, s5, v28  }
0x1dc: {  	v45 =	vadd.f32 v51, v32;
	v28 =	vld [tilespmem:s7+$0x100];
	v49 =	vadd.f32 v33, v32;
	vm0 =	vlt.f32 v52, v23  }
0x1dd: {  	v26 =	vld [tilespmem:s7+$0x110];
	v32 =	vadd.f32 v40, v32;
	v33 =	vsel vm0, v52, v23;
	v31 =	vsel vm0, s2, v25  }
0x1de: {  	vm3 =	vlt.f32 v39, v36;
	vm4 =	vlt.f32 v38, v30;
	vm5 =	vlt.f32 v35, v27;
	v25 =	vld [tilespmem:s7+$0x120]  }
0x1df: {  	v36 =	vsel vm3, v39, v36;
	v30 =	vsel vm4, v38, v30;
	v27 =	vsel vm5, v35, v27;
	v23 =	vld [tilespmem:s7+$0x130]  }
0x1e0: {  	vm6 =	vlt.f32 v45, v36;
	vm7 =	vlt.f32 v49, v30;
	vm8 =	vlt.f32 v32, v27;
	v34 =	vld [tilespmem:s7+$0x0]  }
0x1e1: {  	v35 =	vsel vm6, v45, v36;
	v30 =	vsel vm7, v49, v30;
	v27 =	vsel vm8, v32, v27;
	v40 =	vld [tilespmem:s7+$0xFFFFFE00]  }
0x1e2: {  	vm9 =	vlt.f32 v43, v35;
	vm10 =	vlt.f32 v48, v30;
	vm11 =	vlt.f32 v37, v27;
	v39 =	vld [tilespmem:s7+$0xFFFFFE10]  }
0x1e3: {  	v32 =	vsel vm9, v43, v35;
	v30 =	vsel vm10, v48, v30;
	v27 =	vsel vm11, v37, v27;
	v38 =	vld [tilespmem:s7+$0xFFFFFE20]  }
.Ltmp4:
0x1e4: {  	vm2 =	vlt.f32 v53, v32;
	vm1 =	vlt.f32 v54, v30;
	vm0 =	vlt.f32 v29, v27;
	v35 =	vld [tilespmem:s7+$0xFFFFFE30];
	(pc) =	sbr.rel @p0 .LBB2_11-.Ltmp4, $4  }
0x1e5: {  	v36 =	vsel vm2, v53, v32;
	v30 =	vsel vm1, v54, v30;
	v27 =	vsel vm0, v29, v27;
	v37 =	vld.idx.msk [tilespmem:v46+s8+$0x0], $0xffff  }
0x1e6: {  	v42 =	vsel vm4, s4, v42;
	v41 =	vsel vm5, s4, v41;
	v43 =	vsel vm3, s4, v44;
	s4 =	smov.u32 s9;
	v29 =	vld.idx.msk [tilespmem:v47+s8+$0x0], $0xffff  }
0x1e7: {  	v42 =	vsel vm7, s6, v42;
	v41 =	vsel vm8, s6, v41;
	v44 =	vsel vm6, s6, v43;
	s6 =	smov.u32 s11;
	v32 =	vld.idx.msk [tilespmem:v50+s8+$0x0], $0xffff  }
0x1e8: {  	s9 =	sadd.s32 $0x4, s9;
	v42 =	vsel vm10, s5, v42;
	v44 =	vsel vm9, s5, v44;
	v41 =	vsel vm11, s5, v41;
	s5 =	smov.u32 s10;
	v43 =	vld [tilespmem:s7+$0xFFFFFF00]  }
0x1e9: {  	_ =	sdelay $0x3  }
0x1ea: {  	v45 =	vld.idx.msk [tilespmem:v24+s8+$0x0], $0xffff  }
0x1eb: {  	v24 =	vadd.f32 v40, v37;
	_ =	sdelay $0x1  }
0x1ec: {  	vm3 =	vlt.f32 v24, v33;
	v61 =	vadd.f32 v43, v32  }
0x1ed: {  	v24 =	vsel vm3, v24, v33  }
0x1ee: {  	v62 =	vld [tilespmem:s7+$0xFFFFFF10];
	v34 =	vadd.f32 v34, v45;
	vm4 =	vlt.f32 v61, v24  }
0x1ef: {  	v24 =	vsel vm4, v61, v24  }
0x1f0: {  	v63 =	vld [tilespmem:s7+$0x10];
	v28 =	vadd.f32 v28, v29;
	v31 =	vsel vm3, s4, v31;
	vm3 =	vlt.f32 v34, v24  }
0x1f1: {  	v39 =	vadd.f32 v39, v37;
	v31 =	vsel vm4, s6, v31;
	v24 =	vsel vm3, v34, v24  }
0x1f2: {  	v31 =	vsel vm3, s5, v31;
	vm3 =	vlt.f32 v28, v24  }
0x1f3: {  	v24 =	vadd.f32 v62, v32;
	v28 =	vsel vm3, s3, v31;
	vm3 =	vlt.f32 v39, v36  }
0x1f4: {  	v31 =	vsel vm3, v39, v36;
	v43 =	vshll.u32 v28, $0x8  }
0x1f5: {  	v46 =	vld [tilespmem:s7+$0xFFFFFF20];
	v47 =	vadd.f32 v63, v45;
	vm14 =	vlt.f32 v24, v31;
	v33 =	vadd.s32 v7, v43  }
0x1f6: {  	v48 =	vsel vm2, s2, v44;
	v24 =	vsel vm14, v24, v31;
	v31 =	vor.u32 v1, v33  }
0x1f7: {  	v49 =	vld [tilespmem:s7+$0x20];
	v26 =	vadd.f32 v26, v29;
	v39 =	vsel vm3, s4, v48;
	vm2 =	vlt.f32 v47, v24  }
0x1f8: {  	v38 =	vadd.f32 v38, v37;
	v50 =	vsel vm14, s6, v39;
	v24 =	vsel vm2, v47, v24  }
0x1f9: {  	vm3 =	vlt.f32 v26, v24;
	v24 =	vsel vm2, s5, v50  }
0x1fa: {  	s11 =	simm.s32 $0x0;
	v26 =	vadd.f32 v46, v32;
	vm2 =	vlt.f32 v38, v30;
	v51 =	vsel vm3, s3, v24  }
0x1fb: {  	v30 =	vsel vm2, v38, v30;
	v24 =	vld.idx.msk [tilespmem:v31+s11+$0x0], $0xffff;
	v52 =	vshll.u32 v51, $0x8  }
0x1fc: {  	v53 =	vld [tilespmem:s7+$0xFFFFFF30];
	v33 =	vadd.f32 v49, v45;
	vm3 =	vlt.f32 v26, v30;
	v36 =	vadd.s32 v8, v52  }
0x1fd: {  	v54 =	vsel vm1, s2, v42;
	v26 =	vsel vm3, v26, v30;
	v30 =	vor.u32 v1, v36  }
0x1fe: {  	v55 =	vld [tilespmem:s7+$0x30];
	v25 =	vadd.f32 v25, v29;
	v39 =	vsel vm2, s4, v54;
	vm1 =	vlt.f32 v33, v26  }
0x1ff: {  	v35 =	vadd.f32 v35, v37;
	[tilespmem:s17+$0x4440] =	vst v28;
	v56 =	vsel vm3, s6, v39;
	v26 =	vsel vm1, v33, v26  }
0x200: {  	v33 =	vimm.f32 $+Inf;
	vm2 =	vlt.f32 v25, v26;
	v25 =	vsel vm1, s5, v56;
	[tilespmem:s17+$0x4C40] =	vst v24  }
0x201: {  	v26 =	vadd.f32 v53, v32;
	vm1 =	vlt.f32 v35, v27;
	v28 =	vsel vm2, s3, v25;
	[tilespmem:v31+s11+$0x0] =	vst.idx.msk $0xffff, v33  }
0x202: {  	v27 =	vsel vm1, v35, v27;
	v31 =	vshll.u32 v28, $0x8;
	v25 =	vld.idx.msk [tilespmem:v30+s11+$0x0], $0xffff  }
0x203: {  	v57 =	vadd.f32 v55, v45;
	vm2 =	vlt.f32 v26, v27;
	v31 =	vadd.s32 v10, v31  }
0x204: {  	v58 =	vsel vm0, s2, v41;
	v26 =	vsel vm2, v26, v27;
	v27 =	vor.u32 v1, v31  }
0x205: {  	v23 =	vadd.f32 v23, v29;
	v29 =	vsel vm1, s4, v58;
	vm0 =	vlt.f32 v57, v26  }
0x206: {  	v29 =	vsel vm2, s6, v29;
	[tilespmem:s17+$0x4450] =	vst v51;
	v26 =	vsel vm0, v57, v26  }
0x207: {  	vm1 =	vlt.f32 v23, v26;
	v23 =	vsel vm0, s5, v29;
	[tilespmem:s17+$0x4C50] =	vst v25  }
0x208: {  	v29 =	vsel vm1, s3, v23;
	[tilespmem:v30+s11+$0x0] =	vst.idx.msk $0xffff, v33  }
0x209: {  	v23 =	vshll.u32 v29, $0x8;
	v26 =	vld.idx.msk [tilespmem:v27+s11+$0x0], $0xffff  }
0x20a: {  	v23 =	vadd.s32 v9, v23  }
0x20b: {  	v30 =	vor.u32 v1, v23;
	_ =	sdelay $0x1  }
0x20c: {  	[tilespmem:s17+$0x4460] =	vst v28  }
0x20d: {  	[tilespmem:s17+$0x4C60] =	vst v26  }
0x20e: {  	[tilespmem:v27+s11+$0x0] =	vst.idx.msk $0xffff, v33  }
0x20f: {  	v23 =	vld.idx.msk [tilespmem:v30+s11+$0x0], $0xffff;
	_ =	sdelay $0x3  }
0x210: {  	[tilespmem:s17+$0x4470] =	vst v29  }
0x211: {  	[tilespmem:s17+$0x4C70] =	vst v23  }
0x212: {  	[tilespmem:v30+s11+$0x0] =	vst.idx.msk $0xffff, v33  }
0x213: {  	v27 =	vld [tilespmem:s15+$0x100]  }
0x214: {  	v29 =	vld [tilespmem:s15+$0x110]  }
0x215: {  	v30 =	vld [tilespmem:s15+$0x120]  }
0x216: {  	v31 =	vld [tilespmem:s15+$0x130]  }
0x217: {  	s5 =	simm.s32 $0x3;
	v28 =	vmov s11;
	v32 =	vld [tilespmem:s15+$0x0]  }
0x218: {  	s30 =	simm.s32 $0x1;
	v59 =	vmov s5;
	v60 =	vld [tilespmem:s15+$0xFFFFFE00]  }
0x219: {  	v61 =	vmov s30;
	v62 =	vld [tilespmem:s15+$0xFFFFFE10]  }
0x21a: {  	s14 =	simm.s32 $0x2;
	v63 =	vld [tilespmem:s15+$0xFFFFFE20]  }
0x21b: {  	v52 =	vmov s14;
	v53 =	vld [tilespmem:s15+$0xFFFFFE30]  }
0x21c: {  	v54 =	vld.idx.msk [tilespmem:v28+s8+$0x0], $0xffff  }
0x21d: {  	v34 =	vld.idx.msk [tilespmem:v59+s8+$0x0], $0xffff  }
0x21e: {  	v36 =	vld.idx.msk [tilespmem:v61+s8+$0x0], $0xffff  }
0x21f: {  	v55 =	vld [tilespmem:s15+$0xFFFFFF00]  }
0x220: {  	v39 =	vld.idx.msk [tilespmem:v52+s8+$0x0], $0xffff  }
0x221: {  	v56 =	vld [tilespmem:s15+$0x10]  }
0x222: {  	v58 =	vld [tilespmem:s15+$0x20]  }
0x223: {  	v59 =	vld [tilespmem:s15+$0x30];
	v35 =	vadd.f32 v60, v54  }
0x224: {  	s9 =	simm.s32 $0x5;
	v49 =	vld [tilespmem:s15+$0xFFFFFF10];
	v57 =	vadd.f32 v62, v54;
	v38 =	vadd.f32 v63, v54  }
0x225: {  	v48 =	vmov s9;
	v51 =	vld [tilespmem:s15+$0xFFFFFF20];
	v40 =	vadd.f32 v53, v54;
	v42 =	vadd.f32 v55, v36  }
0x226: {  	v45 =	vimm.s32 $0x0;
	s6 =	simm.s32 $0x4;
	v27 =	vadd.f32 v27, v34;
	v52 =	vadd.f32 v29, v34  }
0x227: {  	v46 =	vmov s6;
	s3 =	simm.s32 $0x7;
	v32 =	vadd.f32 v32, v39;
	v53 =	vadd.f32 v30, v34  }
0x228: {  	s7 =	simm.s32 $0x6;
	v47 =	vmov s3;
	v31 =	vadd.f32 v31, v34;
	v61 =	vadd.f32 v56, v39  }
0x229: {  	v28 =	vmov s7;
	v62 =	vadd.f32 v58, v39;
	v39 =	vadd.f32 v59, v39  }
0x22a: {  	v29 =	vld [tilespmem:s15+$0xFFFFFF30];
	v54 =	vadd.f32 v49, v36;
	v55 =	vadd.f32 v51, v36;
	vm0 =	vlt.f32 v35, v33  }
0x22b: {  	vm3 =	vlt.f32 v57, v33;
	vm15 =	vlt.f32 v38, v33;
	vm5 =	vlt.f32 v40, v33  }
0x22c: {  	s10 =	sadd.s32 $0x400, s15;
	v35 =	vsel vm0, v35, v33;
	v50 =	vsel vm0, s11, v45;
	v56 =	vsel vm3, v57, v33  }
0x22d: {  	v44 =	vld [tilespmem:s10+$0xFFFFFE00];
	v57 =	vsel vm15, v38, v33;
	v33 =	vsel vm5, v40, v33;
	vm0 =	vlt.f32 v42, v35  }
0x22e: {  	v43 =	vld [tilespmem:s10+$0xFFFFFE10];
	vm6 =	vlt.f32 v54, v56;
	vm7 =	vlt.f32 v55, v57;
	v30 =	vsel vm0, v42, v35  }
0x22f: {  	v41 =	vld.idx.msk [tilespmem:v46+s8+$0x0], $0xffff;
	v60 =	vsel vm0, s30, v50;
	v36 =	vadd.f32 v29, v36;
	v58 =	vsel vm6, v54, v56  }
0x230: {  	v38 =	vld [tilespmem:s10+$0x0];
	v59 =	vsel vm7, v55, v57;
	vm0 =	vlt.f32 v32, v30;
	vm9 =	vlt.f32 v61, v58  }
0x231: {  	v29 =	vld [tilespmem:s10+$0x120];
	vm10 =	vlt.f32 v62, v59;
	v63 =	vsel vm0, v32, v30;
	v35 =	vsel vm0, s14, v60  }
0x232: {  	v42 =	vld [tilespmem:s10+$0xFFFFFE20];
	vm8 =	vlt.f32 v36, v33;
	v34 =	vsel vm9, v61, v58;
	v60 =	vsel vm10, v62, v59  }
0x233: {  	v32 =	vld [tilespmem:s10+$0x100];
	v61 =	vsel vm3, s11, v45;
	v62 =	vsel vm15, s11, v45;
	v45 =	vsel vm5, s11, v45  }
0x234: {  	v30 =	vld [tilespmem:s10+$0x110];
	vm0 =	vlt.f32 v27, v63;
	v33 =	vsel vm8, v36, v33;
	vm2 =	vlt.f32 v52, v34  }
0x235: {  	vm1 =	vlt.f32 v53, v60;
	v36 =	vld.idx.msk [tilespmem:v48+s8+$0x0], $0xffff;
	v46 =	vsel vm6, s30, v61;
	vm11 =	vlt.f32 v39, v33  }
0x236: {  	v45 =	vsel vm8, s30, v45;
	v37 =	vsel vm0, v27, v63;
	v27 =	vld [tilespmem:s10+$0x130];
	v33 =	vsel vm11, v39, v33  }
0x237: {  	v35 =	vsel vm0, s5, v35;
	v40 =	vsel vm2, v52, v34;
	v39 =	vld [tilespmem:s10+$0xFFFFFE30];
	vm0 =	vlt.f32 v31, v33  }
0x238: {  	s13 =	sor.u32 $0x410, s17;
	s12 =	sor.u32 $0x420, s17;
	v34 =	vsel vm1, v53, v60;
	v63 =	vsel vm7, s30, v62;
	v31 =	vsel vm0, v31, v33;
	v33 =	vld.idx.msk [tilespmem:v47+s8+$0x0], $0xffff  }
0x239: {  	s2 =	sor.u32 $0x430, s17;
	s4 =	sor.u32 $0x400, s17;
	s11 =	simm.s32 $0x8;
	v48 =	vsel vm9, s14, v46;
	v46 =	vsel vm10, s14, v63;
	v45 =	vsel vm11, s14, v45;
	v47 =	vld [tilespmem:s10+$0xFFFFFF00]  }
.LBB2_13:
0x23a: {  	p0 =	sne.s32 s11, $0x3C;
	v49 =	vld.idx.msk [tilespmem:v28+s8+$0x0], $0xffff;
	v48 =	vsel vm2, s5, v48;
	v46 =	vsel vm1, s5, v46;
	v45 =	vsel vm0, s5, v45;
	s5 =	smov.u32 s3;
	s3 =	sadd.s32 $0x3, s11  }
0x23b: {  	v50 =	vmov s11;
	s14 =	sadd.s32 $0x2, s11;
	v51 =	vmov s3;
	v52 =	vld [tilespmem:s10+$0x10]  }
0x23c: {  	s21 =	sadd.s32 $0x1, s11;
	v28 =	vmov s14;
	v44 =	vadd.f32 v44, v41;
	v43 =	vadd.f32 v43, v41;
	v53 =	vld [tilespmem:s10+$0x20]  }
0x23d: {  	v54 =	vmov s21;
	v42 =	vadd.f32 v42, v41;
	v39 =	vadd.f32 v39, v41;
	v41 =	vld [tilespmem:s10+$0x30]  }
0x23e: {  	v56 =	vadd.f32 v32, v33;
	vm0 =	vlt.f32 v44, v37;
	v47 =	vadd.f32 v47, v36;
	v55 =	vld [tilespmem:s10+$0xFFFFFF10]  }
0x23f: {  	v57 =	vadd.f32 v30, v33;
	v32 =	vsel vm0, v44, v37;
	v35 =	vsel vm0, s6, v35;
	v37 =	vld [tilespmem:s10+$0xFFFFFF20]  }
0x240: {  	v58 =	vadd.f32 v29, v33;
	v30 =	vadd.f32 v38, v49;
	vm0 =	vlt.f32 v47, v32;
	v44 =	vld [tilespmem:s10+$0xFFFFFF30]  }
0x241: {  	v33 =	vadd.f32 v27, v33;
	v29 =	vsel vm0, v47, v32;
	v32 =	vsel vm0, s9, v35  }
0x242: {  	v47 =	vadd.f32 v52, v49;
	v52 =	vadd.f32 v53, v49;
	vm0 =	vlt.f32 v30, v29  }
0x243: {  	s10 =	sadd.s32 $0x400, s10;
	v41 =	vadd.f32 v41, v49;
	v27 =	vsel vm0, v30, v29;
	v29 =	vsel vm0, s7, v32  }
0x244: {  	v49 =	vadd.f32 v55, v36;
	v32 =	vld [tilespmem:s10+$0x100];
	v53 =	vadd.f32 v37, v36;
	vm0 =	vlt.f32 v56, v27  }
0x245: {  	v30 =	vld [tilespmem:s10+$0x110];
	v36 =	vadd.f32 v44, v36;
	v37 =	vsel vm0, v56, v27;
	v35 =	vsel vm0, s5, v29  }
0x246: {  	vm3 =	vlt.f32 v43, v40;
	vm4 =	vlt.f32 v42, v34;
	vm5 =	vlt.f32 v39, v31;
	v29 =	vld [tilespmem:s10+$0x120]  }
0x247: {  	v40 =	vsel vm3, v43, v40;
	v34 =	vsel vm4, v42, v34;
	v31 =	vsel vm5, v39, v31;
	v27 =	vld [tilespmem:s10+$0x130]  }
0x248: {  	vm6 =	vlt.f32 v49, v40;
	vm7 =	vlt.f32 v53, v34;
	vm8 =	vlt.f32 v36, v31;
	v38 =	vld [tilespmem:s10+$0x0]  }
0x249: {  	v39 =	vsel vm6, v49, v40;
	v34 =	vsel vm7, v53, v34;
	v31 =	vsel vm8, v36, v31;
	v44 =	vld [tilespmem:s10+$0xFFFFFE00]  }
0x24a: {  	vm9 =	vlt.f32 v47, v39;
	vm10 =	vlt.f32 v52, v34;
	vm11 =	vlt.f32 v41, v31;
	v43 =	vld [tilespmem:s10+$0xFFFFFE10]  }
0x24b: {  	v36 =	vsel vm9, v47, v39;
	v34 =	vsel vm10, v52, v34;
	v31 =	vsel vm11, v41, v31;
	v42 =	vld [tilespmem:s10+$0xFFFFFE20]  }
.Ltmp5:
0x24c: {  	vm2 =	vlt.f32 v57, v36;
	vm1 =	vlt.f32 v58, v34;
	vm0 =	vlt.f32 v33, v31;
	v39 =	vld [tilespmem:s10+$0xFFFFFE30];
	(pc) =	sbr.rel @p0 .LBB2_13-.Ltmp5, $4  }
0x24d: {  	v40 =	vsel vm2, v57, v36;
	v34 =	vsel vm1, v58, v34;
	v31 =	vsel vm0, v33, v31;
	v41 =	vld.idx.msk [tilespmem:v50+s8+$0x0], $0xffff  }
0x24e: {  	v46 =	vsel vm4, s6, v46;
	v45 =	vsel vm5, s6, v45;
	v47 =	vsel vm3, s6, v48;
	s6 =	smov.u32 s11;
	v33 =	vld.idx.msk [tilespmem:v51+s8+$0x0], $0xffff  }
0x24f: {  	v46 =	vsel vm7, s9, v46;
	v45 =	vsel vm8, s9, v45;
	v48 =	vsel vm6, s9, v47;
	s9 =	smov.u32 s21;
	v36 =	vld.idx.msk [tilespmem:v54+s8+$0x0], $0xffff  }
0x250: {  	s11 =	sadd.s32 $0x4, s11;
	v46 =	vsel vm10, s7, v46;
	v48 =	vsel vm9, s7, v48;
	v45 =	vsel vm11, s7, v45;
	s7 =	smov.u32 s14;
	v47 =	vld [tilespmem:s10+$0xFFFFFF00]  }
0x251: {  	_ =	sdelay $0x3  }
0x252: {  	v49 =	vld.idx.msk [tilespmem:v28+s8+$0x0], $0xffff  }
0x253: {  	v28 =	vadd.f32 v44, v41;
	_ =	sdelay $0x1  }
0x254: {  	vm3 =	vlt.f32 v28, v37;
	v61 =	vadd.f32 v47, v36  }
0x255: {  	v28 =	vsel vm3, v28, v37  }
0x256: {  	v62 =	vld [tilespmem:s10+$0xFFFFFF10];
	v38 =	vadd.f32 v38, v49;
	vm4 =	vlt.f32 v61, v28  }
0x257: {  	v28 =	vsel vm4, v61, v28  }
0x258: {  	v63 =	vld [tilespmem:s10+$0x10];
	v32 =	vadd.f32 v32, v33;
	v35 =	vsel vm3, s6, v35;
	vm3 =	vlt.f32 v38, v28  }
0x259: {  	v43 =	vadd.f32 v43, v41;
	v35 =	vsel vm4, s9, v35;
	v28 =	vsel vm3, v38, v28  }
0x25a: {  	v35 =	vsel vm3, s7, v35;
	vm3 =	vlt.f32 v32, v28  }
0x25b: {  	v28 =	vadd.f32 v62, v36;
	v32 =	vsel vm3, s3, v35;
	vm3 =	vlt.f32 v43, v40  }
0x25c: {  	v50 =	vsel vm3, v43, v40;
	v51 =	vshll.u32 v32, $0x8  }
0x25d: {  	v52 =	vld [tilespmem:s10+$0xFFFFFF20];
	v53 =	vadd.f32 v63, v49;
	vm14 =	vlt.f32 v28, v50;
	v37 =	vadd.s32 v7, v51  }
0x25e: {  	v54 =	vsel vm2, s5, v48;
	v28 =	vsel vm14, v28, v50;
	v55 =	vor.u32 v1, v37  }
0x25f: {  	v56 =	vld [tilespmem:s10+$0x20];
	v30 =	vadd.f32 v30, v33;
	v43 =	vsel vm3, s6, v54;
	vm2 =	vlt.f32 v53, v28  }
0x260: {  	v42 =	vadd.f32 v42, v41;
	v57 =	vsel vm14, s9, v43;
	v28 =	vsel vm2, v53, v28  }
0x261: {  	vm3 =	vlt.f32 v30, v28;
	v28 =	vsel vm2, s7, v57  }
0x262: {  	s23 =	simm.s32 $0x0;
	v30 =	vadd.f32 v52, v36;
	vm2 =	vlt.f32 v42, v34;
	v58 =	vsel vm3, s3, v28  }
0x263: {  	v34 =	vsel vm2, v42, v34;
	v28 =	vld.idx.msk [tilespmem:v55+s23+$0x0], $0xffff;
	v59 =	vshll.u32 v58, $0x8  }
0x264: {  	v60 =	vld [tilespmem:s10+$0xFFFFFF30];
	v37 =	vadd.f32 v56, v49;
	vm3 =	vlt.f32 v30, v34;
	v40 =	vadd.s32 v8, v59  }
0x265: {  	v61 =	vsel vm1, s5, v46;
	v30 =	vsel vm3, v30, v34;
	v62 =	vor.u32 v1, v40  }
0x266: {  	v29 =	vadd.f32 v29, v33;
	v63 =	vld [tilespmem:s10+$0x30];
	v43 =	vsel vm2, s6, v61;
	vm1 =	vlt.f32 v37, v30  }
0x267: {  	v39 =	vadd.f32 v39, v41;
	[tilespmem:s17+$0x4540] =	vst v32;
	v46 =	vsel vm3, s9, v43;
	v30 =	vsel vm1, v37, v30  }
0x268: {  	v37 =	vimm.f32 $+Inf;
	vm2 =	vlt.f32 v29, v30;
	v29 =	vsel vm1, s7, v46;
	[tilespmem:s17+$0x4D40] =	vst v28  }
0x269: {  	v30 =	vadd.f32 v60, v36;
	vm1 =	vlt.f32 v39, v31;
	v47 =	vsel vm2, s3, v29;
	[tilespmem:v55+s23+$0x0] =	vst.idx.msk $0xffff, v37  }
0x26a: {  	v31 =	vsel vm1, v39, v31;
	v48 =	vshll.u32 v47, $0x8;
	v29 =	vld.idx.msk [tilespmem:v62+s23+$0x0], $0xffff  }
0x26b: {  	v49 =	vadd.f32 v63, v49;
	vm2 =	vlt.f32 v30, v31;
	v35 =	vadd.s32 v10, v48  }
0x26c: {  	v50 =	vsel vm0, s5, v45;
	v30 =	vsel vm2, v30, v31;
	v31 =	vor.u32 v1, v35  }
0x26d: {  	v27 =	vadd.f32 v27, v33;
	v51 =	vsel vm1, s6, v50;
	vm0 =	vlt.f32 v49, v30  }
0x26e: {  	v33 =	vsel vm2, s9, v51;
	[tilespmem:s17+$0x4550] =	vst v58;
	v30 =	vsel vm0, v49, v30  }
0x26f: {  	vm1 =	vlt.f32 v27, v30;
	v27 =	vsel vm0, s7, v33;
	[tilespmem:s17+$0x4D50] =	vst v29  }
0x270: {  	v33 =	vsel vm1, s3, v27;
	[tilespmem:v62+s23+$0x0] =	vst.idx.msk $0xffff, v37  }
0x271: {  	v27 =	vshll.u32 v33, $0x8;
	v30 =	vld.idx.msk [tilespmem:v31+s23+$0x0], $0xffff  }
0x272: {  	v27 =	vadd.s32 v9, v27  }
0x273: {  	v52 =	vor.u32 v1, v27;
	_ =	sdelay $0x1  }
0x274: {  	[tilespmem:s17+$0x4560] =	vst v47  }
0x275: {  	[tilespmem:s17+$0x4D60] =	vst v30  }
0x276: {  	[tilespmem:v31+s23+$0x0] =	vst.idx.msk $0xffff, v37  }
0x277: {  	v27 =	vld.idx.msk [tilespmem:v52+s23+$0x0], $0xffff;
	_ =	sdelay $0x3  }
0x278: {  	[tilespmem:s17+$0x4570] =	vst v33  }
0x279: {  	[tilespmem:s17+$0x4D70] =	vst v27  }
0x27a: {  	[tilespmem:v52+s23+$0x0] =	vst.idx.msk $0xffff, v37  }
0x27b: {  	v31 =	vld [tilespmem:s15+$0x100]  }
0x27c: {  	v33 =	vld [tilespmem:s15+$0x110]  }
0x27d: {  	v34 =	vld [tilespmem:s15+$0x120]  }
0x27e: {  	v35 =	vld [tilespmem:s15+$0x130]  }
0x27f: {  	v53 =	vmov s23;
	s9 =	simm.s32 $0x3;
	v36 =	vld [tilespmem:s15+$0x0]  }
0x280: {  	s30 =	simm.s32 $0x1;
	v54 =	vmov s9;
	v55 =	vld [tilespmem:s15+$0xFFFFFE00]  }
0x281: {  	v61 =	vmov s30;
	v62 =	vld [tilespmem:s15+$0xFFFFFE10]  }
0x282: {  	s24 =	simm.s32 $0x2;
	v63 =	vld [tilespmem:s15+$0xFFFFFE20]  }
0x283: {  	v56 =	vmov s24;
	v57 =	vld [tilespmem:s15+$0xFFFFFE30]  }
0x284: {  	v58 =	vld.idx.msk [tilespmem:v53+s8+$0x0], $0xffff  }
0x285: {  	v38 =	vld.idx.msk [tilespmem:v54+s8+$0x0], $0xffff  }
0x286: {  	v40 =	vld.idx.msk [tilespmem:v61+s8+$0x0], $0xffff  }
0x287: {  	v59 =	vld [tilespmem:s15+$0xFFFFFF00]  }
0x288: {  	v43 =	vld.idx.msk [tilespmem:v56+s8+$0x0], $0xffff  }
0x289: {  	s14 =	simm.s32 $0x6;
	v60 =	vld [tilespmem:s15+$0x10]  }
0x28a: {  	s11 =	simm.s32 $0x4;
	v32 =	vmov s14;
	v53 =	vld [tilespmem:s15+$0xFFFFFF10];
	v39 =	vadd.f32 v55, v58;
	v48 =	vadd.f32 v62, v58  }
0x28b: {  	v50 =	vmov s11;
	v61 =	vld [tilespmem:s15+$0x20];
	v42 =	vadd.f32 v63, v58;
	v44 =	vadd.f32 v57, v58  }
0x28c: {  	v49 =	vimm.s32 $0x0;
	s3 =	simm.s32 $0x7;
	v62 =	vld [tilespmem:s15+$0x30];
	v46 =	vadd.f32 v59, v40;
	v31 =	vadd.f32 v31, v38  }
0x28d: {  	s21 =	simm.s32 $0x5;
	v51 =	vmov s3;
	v55 =	vld [tilespmem:s15+$0xFFFFFF20];
	v56 =	vadd.f32 v33, v38;
	v36 =	vadd.f32 v36, v43  }
0x28e: {  	v52 =	vmov s21;
	v63 =	vld [tilespmem:s15+$0xFFFFFF30];
	v57 =	vadd.f32 v34, v38;
	v35 =	vadd.f32 v35, v38  }
0x28f: {  	v38 =	vadd.f32 v60, v43;
	v60 =	vadd.f32 v53, v40;
	vm0 =	vlt.f32 v39, v37  }
0x290: {  	vm3 =	vlt.f32 v48, v37;
	vm15 =	vlt.f32 v42, v37;
	v39 =	vsel vm0, v39, v37  }
0x291: {  	vm5 =	vlt.f32 v44, v37;
	v54 =	vsel vm0, s23, v49;
	vm0 =	vlt.f32 v46, v39  }
0x292: {  	s22 =	sadd.s32 $0x400, s15;
	v58 =	vsel vm0, s30, v54;
	v54 =	vadd.f32 v61, v43;
	v43 =	vadd.f32 v62, v43  }
0x293: {  	v47 =	vld [tilespmem:s22+$0xFFFFFE10];
	v46 =	vsel vm0, v46, v39;
	v61 =	vadd.f32 v55, v40;
	v40 =	vadd.f32 v63, v40  }
0x294: {  	v45 =	vld.idx.msk [tilespmem:v50+s8+$0x0], $0xffff;
	v62 =	vsel vm3, v48, v37;
	v63 =	vsel vm15, v42, v37;
	vm0 =	vlt.f32 v36, v46  }
0x295: {  	v34 =	vld [tilespmem:s22+$0x110];
	v37 =	vsel vm5, v44, v37;
	vm6 =	vlt.f32 v60, v62;
	v59 =	vsel vm0, v36, v46  }
0x296: {  	v33 =	vld [tilespmem:s22+$0x120];
	v39 =	vsel vm0, s24, v58;
	vm7 =	vlt.f32 v61, v63;
	vm8 =	vlt.f32 v40, v37  }
0x297: {  	v42 =	vld [tilespmem:s22+$0x0];
	v58 =	vsel vm6, v60, v62;
	v62 =	vsel vm15, s23, v49;
	vm0 =	vlt.f32 v31, v59  }
0x298: {  	v48 =	vld [tilespmem:s22+$0xFFFFFE00];
	v37 =	vsel vm8, v40, v37;
	vm9 =	vlt.f32 v38, v58;
	v41 =	vsel vm0, v31, v59  }
0x299: {  	v36 =	vld [tilespmem:s22+$0x100];
	v39 =	vsel vm0, s9, v39;
	v59 =	vsel vm7, v61, v63;
	vm11 =	vlt.f32 v43, v37  }
0x29a: {  	v46 =	vld [tilespmem:s22+$0xFFFFFE20];
	v38 =	vsel vm9, v38, v58;
	v61 =	vsel vm3, s23, v49;
	v49 =	vsel vm5, s23, v49  }
0x29b: {  	v40 =	vld.idx.msk [tilespmem:v52+s8+$0x0], $0xffff;
	v63 =	vsel vm7, s30, v62;
	vm10 =	vlt.f32 v54, v59;
	v37 =	vsel vm11, v43, v37  }
0x29c: {  	v31 =	vld [tilespmem:s22+$0x130];
	vm2 =	vlt.f32 v56, v38;
	v50 =	vsel vm6, s30, v61;
	v49 =	vsel vm8, s30, v49  }
0x29d: {  	v43 =	vld [tilespmem:s22+$0xFFFFFE30];
	v60 =	vsel vm10, v54, v59;
	vm0 =	vlt.f32 v35, v37;
	v44 =	vsel vm2, v56, v38  }
0x29e: {  	s10 =	sor.u32 $0x500, s17;
	s5 =	sor.u32 $0x530, s17;
	v52 =	vsel vm9, s24, v50;
	vm1 =	vlt.f32 v57, v60;
	v35 =	vsel vm0, v35, v37;
	v37 =	vld.idx.msk [tilespmem:v51+s8+$0x0], $0xffff  }
0x29f: {  	s6 =	sor.u32 $0x520, s17;
	s7 =	sor.u32 $0x510, s17;
	s23 =	simm.s32 $0x8;
	v50 =	vsel vm10, s24, v63;
	v49 =	vsel vm11, s24, v49;
	v51 =	vld [tilespmem:s22+$0xFFFFFF00];
	v38 =	vsel vm1, v57, v60  }
.LBB2_15:
0x2a0: {  	p0 =	sne.s32 s23, $0x3C;
	v53 =	vld.idx.msk [tilespmem:v32+s8+$0x0], $0xffff;
	v52 =	vsel vm2, s9, v52;
	v50 =	vsel vm1, s9, v50;
	v49 =	vsel vm0, s9, v49;
	s9 =	smov.u32 s3;
	s3 =	sadd.s32 $0x3, s23  }
0x2a1: {  	v54 =	vmov s23;
	s24 =	sadd.s32 $0x2, s23;
	v55 =	vmov s3;
	v56 =	vld [tilespmem:s22+$0x10]  }
0x2a2: {  	s25 =	sadd.s32 $0x1, s23;
	v32 =	vmov s24;
	v48 =	vadd.f32 v48, v45;
	v47 =	vadd.f32 v47, v45;
	v57 =	vld [tilespmem:s22+$0x20]  }
0x2a3: {  	v58 =	vmov s25;
	v46 =	vadd.f32 v46, v45;
	v43 =	vadd.f32 v43, v45;
	v45 =	vld [tilespmem:s22+$0x30]  }
0x2a4: {  	v60 =	vadd.f32 v36, v37;
	vm0 =	vlt.f32 v48, v41;
	v51 =	vadd.f32 v51, v40;
	v59 =	vld [tilespmem:s22+$0xFFFFFF10]  }
0x2a5: {  	v61 =	vadd.f32 v34, v37;
	v36 =	vsel vm0, v48, v41;
	v39 =	vsel vm0, s11, v39;
	v41 =	vld [tilespmem:s22+$0xFFFFFF20]  }
0x2a6: {  	v62 =	vadd.f32 v33, v37;
	v34 =	vadd.f32 v42, v53;
	vm0 =	vlt.f32 v51, v36;
	v48 =	vld [tilespmem:s22+$0xFFFFFF30]  }
0x2a7: {  	v37 =	vadd.f32 v31, v37;
	v33 =	vsel vm0, v51, v36;
	v36 =	vsel vm0, s21, v39  }
0x2a8: {  	v51 =	vadd.f32 v56, v53;
	v56 =	vadd.f32 v57, v53;
	vm0 =	vlt.f32 v34, v33  }
0x2a9: {  	s22 =	sadd.s32 $0x400, s22;
	v45 =	vadd.f32 v45, v53;
	v31 =	vsel vm0, v34, v33;
	v33 =	vsel vm0, s14, v36  }
0x2aa: {  	v53 =	vadd.f32 v59, v40;
	v36 =	vld [tilespmem:s22+$0x100];
	v57 =	vadd.f32 v41, v40;
	vm0 =	vlt.f32 v60, v31  }
0x2ab: {  	v34 =	vld [tilespmem:s22+$0x110];
	v40 =	vadd.f32 v48, v40;
	v41 =	vsel vm0, v60, v31;
	v39 =	vsel vm0, s9, v33  }
0x2ac: {  	vm3 =	vlt.f32 v47, v44;
	vm4 =	vlt.f32 v46, v38;
	vm5 =	vlt.f32 v43, v35;
	v33 =	vld [tilespmem:s22+$0x120]  }
0x2ad: {  	v44 =	vsel vm3, v47, v44;
	v38 =	vsel vm4, v46, v38;
	v35 =	vsel vm5, v43, v35;
	v31 =	vld [tilespmem:s22+$0x130]  }
0x2ae: {  	vm6 =	vlt.f32 v53, v44;
	vm7 =	vlt.f32 v57, v38;
	vm8 =	vlt.f32 v40, v35;
	v42 =	vld [tilespmem:s22+$0x0]  }
0x2af: {  	v43 =	vsel vm6, v53, v44;
	v38 =	vsel vm7, v57, v38;
	v35 =	vsel vm8, v40, v35;
	v48 =	vld [tilespmem:s22+$0xFFFFFE00]  }
0x2b0: {  	vm9 =	vlt.f32 v51, v43;
	vm10 =	vlt.f32 v56, v38;
	vm11 =	vlt.f32 v45, v35;
	v47 =	vld [tilespmem:s22+$0xFFFFFE10]  }
0x2b1: {  	v40 =	vsel vm9, v51, v43;
	v38 =	vsel vm10, v56, v38;
	v35 =	vsel vm11, v45, v35;
	v46 =	vld [tilespmem:s22+$0xFFFFFE20]  }
.Ltmp6:
0x2b2: {  	vm2 =	vlt.f32 v61, v40;
	vm1 =	vlt.f32 v62, v38;
	vm0 =	vlt.f32 v37, v35;
	v43 =	vld [tilespmem:s22+$0xFFFFFE30];
	(pc) =	sbr.rel @p0 .LBB2_15-.Ltmp6, $4  }
0x2b3: {  	v44 =	vsel vm2, v61, v40;
	v38 =	vsel vm1, v62, v38;
	v35 =	vsel vm0, v37, v35;
	v45 =	vld.idx.msk [tilespmem:v54+s8+$0x0], $0xffff  }
0x2b4: {  	v50 =	vsel vm4, s11, v50;
	v49 =	vsel vm5, s11, v49;
	v51 =	vsel vm3, s11, v52;
	s11 =	smov.u32 s23;
	v37 =	vld.idx.msk [tilespmem:v55+s8+$0x0], $0xffff  }
0x2b5: {  	v50 =	vsel vm7, s21, v50;
	v49 =	vsel vm8, s21, v49;
	v52 =	vsel vm6, s21, v51;
	s21 =	smov.u32 s25;
	v40 =	vld.idx.msk [tilespmem:v58+s8+$0x0], $0xffff  }
0x2b6: {  	s23 =	sadd.s32 $0x4, s23;
	v50 =	vsel vm10, s14, v50;
	v52 =	vsel vm9, s14, v52;
	v49 =	vsel vm11, s14, v49;
	s14 =	smov.u32 s24;
	v51 =	vld [tilespmem:s22+$0xFFFFFF00]  }
0x2b7: {  	_ =	sdelay $0x3  }
0x2b8: {  	v53 =	vld.idx.msk [tilespmem:v32+s8+$0x0], $0xffff  }
0x2b9: {  	v55 =	vadd.f32 v48, v45;
	_ =	sdelay $0x1  }
0x2ba: {  	vm3 =	vlt.f32 v55, v41;
	v56 =	vadd.f32 v51, v40  }
0x2bb: {  	v32 =	vsel vm3, v55, v41  }
0x2bc: {  	v57 =	vld [tilespmem:s22+$0xFFFFFF10];
	v42 =	vadd.f32 v42, v53;
	vm4 =	vlt.f32 v56, v32  }
0x2bd: {  	v32 =	vsel vm4, v56, v32  }
0x2be: {  	v58 =	vld [tilespmem:s22+$0x10];
	v36 =	vadd.f32 v36, v37;
	v39 =	vsel vm3, s11, v39;
	vm3 =	vlt.f32 v42, v32  }
0x2bf: {  	v47 =	vadd.f32 v47, v45;
	v39 =	vsel vm4, s21, v39;
	v32 =	vsel vm3, v42, v32  }
0x2c0: {  	v39 =	vsel vm3, s14, v39;
	vm3 =	vlt.f32 v36, v32  }
0x2c1: {  	v59 =	vadd.f32 v57, v40;
	v36 =	vsel vm3, s3, v39;
	vm3 =	vlt.f32 v47, v44  }
0x2c2: {  	v60 =	vsel vm3, v47, v44;
	v61 =	vshll.u32 v36, $0x8  }
0x2c3: {  	v62 =	vld [tilespmem:s22+$0xFFFFFF20];
	v63 =	vadd.f32 v58, v53;
	vm14 =	vlt.f32 v59, v60;
	v41 =	vadd.s32 v7, v61  }
0x2c4: {  	v48 =	vsel vm2, s9, v52;
	v32 =	vsel vm14, v59, v60;
	v51 =	vor.u32 v1, v41  }
0x2c5: {  	v52 =	vld [tilespmem:s22+$0x20];
	v34 =	vadd.f32 v34, v37;
	v47 =	vsel vm3, s11, v48;
	vm2 =	vlt.f32 v63, v32  }
0x2c6: {  	v46 =	vadd.f32 v46, v45;
	v54 =	vsel vm14, s21, v47;
	v32 =	vsel vm2, v63, v32  }
0x2c7: {  	v55 =	vsel vm2, s14, v54;
	vm3 =	vlt.f32 v34, v32  }
0x2c8: {  	s24 =	simm.s32 $0x0;
	v56 =	vadd.f32 v62, v40;
	vm2 =	vlt.f32 v46, v38;
	v57 =	vsel vm3, s3, v55  }
0x2c9: {  	v38 =	vsel vm2, v46, v38;
	v32 =	vld.idx.msk [tilespmem:v51+s24+$0x0], $0xffff;
	v58 =	vshll.u32 v57, $0x8  }
0x2ca: {  	v59 =	vld [tilespmem:s22+$0xFFFFFF30];
	v41 =	vadd.f32 v52, v53;
	vm3 =	vlt.f32 v56, v38;
	v44 =	vadd.s32 v8, v58  }
0x2cb: {  	v60 =	vsel vm1, s9, v50;
	v34 =	vsel vm3, v56, v38;
	v61 =	vor.u32 v1, v44  }
0x2cc: {  	v33 =	vadd.f32 v33, v37;
	v62 =	vld [tilespmem:s22+$0x30];
	v47 =	vsel vm2, s11, v60;
	vm1 =	vlt.f32 v41, v34  }
0x2cd: {  	v43 =	vadd.f32 v43, v45;
	v63 =	vsel vm3, s21, v47;
	[tilespmem:s17+$0x4640] =	vst v36;
	v34 =	vsel vm1, v41, v34  }
0x2ce: {  	v45 =	vsel vm1, s14, v63;
	v41 =	vimm.f32 $+Inf;
	vm2 =	vlt.f32 v33, v34;
	[tilespmem:s17+$0x4E40] =	vst v32  }
0x2cf: {  	v46 =	vadd.f32 v59, v40;
	vm1 =	vlt.f32 v43, v35;
	v47 =	vsel vm2, s3, v45;
	[tilespmem:v51+s24+$0x0] =	vst.idx.msk $0xffff, v41  }
0x2d0: {  	v48 =	vsel vm1, v43, v35;
	v50 =	vshll.u32 v47, $0x8;
	v34 =	vld.idx.msk [tilespmem:v61+s24+$0x0], $0xffff  }
0x2d1: {  	vm2 =	vlt.f32 v46, v48;
	v51 =	vadd.f32 v62, v53;
	v35 =	vadd.s32 v10, v50  }
0x2d2: {  	v52 =	vsel vm0, s9, v49;
	v33 =	vsel vm2, v46, v48;
	v35 =	vor.u32 v1, v35  }
0x2d3: {  	v31 =	vadd.f32 v31, v37;
	v53 =	vsel vm1, s11, v52;
	vm0 =	vlt.f32 v51, v33  }
0x2d4: {  	v36 =	vsel vm2, s21, v53;
	[tilespmem:s17+$0x4650] =	vst v57;
	v33 =	vsel vm0, v51, v33  }
0x2d5: {  	vm1 =	vlt.f32 v31, v33;
	v31 =	vsel vm0, s14, v36;
	[tilespmem:s17+$0x4E50] =	vst v34  }
0x2d6: {  	v36 =	vsel vm1, s3, v31;
	[tilespmem:v61+s24+$0x0] =	vst.idx.msk $0xffff, v41  }
0x2d7: {  	v31 =	vshll.u32 v36, $0x8;
	v33 =	vld.idx.msk [tilespmem:v35+s24+$0x0], $0xffff  }
0x2d8: {  	v31 =	vadd.s32 v9, v31  }
0x2d9: {  	v54 =	vor.u32 v1, v31;
	_ =	sdelay $0x1  }
0x2da: {  	[tilespmem:s17+$0x4660] =	vst v47  }
0x2db: {  	[tilespmem:s17+$0x4E60] =	vst v33  }
0x2dc: {  	[tilespmem:v35+s24+$0x0] =	vst.idx.msk $0xffff, v41  }
0x2dd: {  	v31 =	vld.idx.msk [tilespmem:v54+s24+$0x0], $0xffff;
	_ =	sdelay $0x3  }
0x2de: {  	[tilespmem:s17+$0x4670] =	vst v36  }
0x2df: {  	[tilespmem:s17+$0x4E70] =	vst v31  }
0x2e0: {  	[tilespmem:v54+s24+$0x0] =	vst.idx.msk $0xffff, v41  }
0x2e1: {  	v35 =	vld [tilespmem:s15+$0x100]  }
0x2e2: {  	v36 =	vld [tilespmem:s15+$0x110]  }
0x2e3: {  	v38 =	vld [tilespmem:s15+$0x120]  }
0x2e4: {  	v39 =	vld [tilespmem:s15+$0x130]  }
0x2e5: {  	s30 =	simm.s32 $0x1;
	v55 =	vmov s24;
	v40 =	vld [tilespmem:s15+$0x0]  }
0x2e6: {  	v58 =	vmov s30;
	v57 =	vld [tilespmem:s15+$0xFFFFFE00]  }
0x2e7: {  	s23 =	simm.s32 $0x3;
	v59 =	vld [tilespmem:s15+$0xFFFFFE10]  }
0x2e8: {  	s29 =	simm.s32 $0x2;
	v56 =	vmov s23;
	v46 =	vld [tilespmem:s15+$0xFFFFFE20]  }
0x2e9: {  	v60 =	vmov s29;
	v61 =	vld [tilespmem:s15+$0xFFFFFE30]  }
0x2ea: {  	v62 =	vld.idx.msk [tilespmem:v55+s8+$0x0], $0xffff  }
0x2eb: {  	v44 =	vld.idx.msk [tilespmem:v58+s8+$0x0], $0xffff  }
0x2ec: {  	v63 =	vld [tilespmem:s15+$0xFFFFFF00]  }
0x2ed: {  	v42 =	vld.idx.msk [tilespmem:v56+s8+$0x0], $0xffff  }
0x2ee: {  	s21 =	simm.s32 $0x6;
	v47 =	vld.idx.msk [tilespmem:v60+s8+$0x0], $0xffff  }
0x2ef: {  	s22 =	simm.s32 $0x4;
	v53 =	vimm.s32 $0x0;
	v37 =	vmov s21;
	v52 =	vld [tilespmem:s15+$0x20];
	v43 =	vadd.f32 v57, v62  }
0x2f0: {  	s3 =	simm.s32 $0x7;
	v54 =	vmov s22;
	v51 =	vld [tilespmem:s15+$0x10];
	v45 =	vadd.f32 v59, v62;
	v46 =	vadd.f32 v46, v62  }
0x2f1: {  	s25 =	simm.s32 $0x5;
	v55 =	vmov s3;
	v49 =	vld [tilespmem:s15+$0x30];
	v48 =	vadd.f32 v61, v62;
	v50 =	vadd.f32 v63, v44  }
0x2f2: {  	v56 =	vmov s25;
	v57 =	vld [tilespmem:s15+$0xFFFFFF10];
	v35 =	vadd.f32 v35, v42;
	v60 =	vadd.f32 v36, v42  }
0x2f3: {  	v36 =	vld [tilespmem:s15+$0xFFFFFF30];
	v40 =	vadd.f32 v40, v47;
	v61 =	vadd.f32 v38, v42;
	vm0 =	vlt.f32 v43, v41  }
0x2f4: {  	v39 =	vadd.f32 v39, v42;
	v62 =	vadd.f32 v52, v47;
	v43 =	vsel vm0, v43, v41  }
0x2f5: {  	v59 =	vld [tilespmem:s15+$0xFFFFFF20];
	vm3 =	vlt.f32 v45, v41;
	v58 =	vsel vm0, s24, v53;
	vm0 =	vlt.f32 v50, v43  }
0x2f6: {  	vm15 =	vlt.f32 v46, v41;
	vm5 =	vlt.f32 v48, v41;
	v38 =	vsel vm0, v50, v43  }
0x2f7: {  	s26 =	sadd.s32 $0x400, s15;
	v50 =	vsel vm0, s30, v58;
	v58 =	vadd.f32 v51, v47;
	v47 =	vadd.f32 v49, v47  }
0x2f8: {  	v52 =	vld [tilespmem:s26+$0xFFFFFE00];
	v49 =	vadd.f32 v57, v44;
	v63 =	vadd.f32 v36, v44;
	vm0 =	vlt.f32 v40, v38  }
0x2f9: {  	v36 =	vld [tilespmem:s26+$0x120];
	v57 =	vsel vm3, v45, v41;
	v42 =	vsel vm0, v40, v38;
	v43 =	vsel vm0, s29, v50  }
0x2fa: {  	v51 =	vld [tilespmem:s26+$0xFFFFFE10];
	v50 =	vadd.f32 v59, v44;
	v59 =	vsel vm15, v46, v41;
	v41 =	vsel vm5, v48, v41  }
0x2fb: {  	v40 =	vld [tilespmem:s26+$0x100];
	vm6 =	vlt.f32 v49, v57;
	vm0 =	vlt.f32 v35, v42;
	vm8 =	vlt.f32 v63, v41  }
0x2fc: {  	v38 =	vld [tilespmem:s26+$0x110];
	v44 =	vsel vm0, v35, v42;
	v42 =	vsel vm0, s23, v43;
	vm7 =	vlt.f32 v50, v59  }
0x2fd: {  	v46 =	vld [tilespmem:s26+$0x0];
	v43 =	vsel vm6, v49, v57;
	v41 =	vsel vm8, v63, v41;
	v45 =	vsel vm7, v50, v59  }
0x2fe: {  	v48 =	vld [tilespmem:s26+$0xFFFFFE30];
	vm9 =	vlt.f32 v58, v43;
	vm11 =	vlt.f32 v47, v41;
	vm10 =	vlt.f32 v62, v45  }
0x2ff: {  	v35 =	vld [tilespmem:s26+$0x130];
	v43 =	vsel vm9, v58, v43;
	v41 =	vsel vm11, v47, v41;
	v45 =	vsel vm10, v62, v45  }
0x300: {  	v49 =	vld.idx.msk [tilespmem:v54+s8+$0x0], $0xffff;
	vm2 =	vlt.f32 v60, v43;
	vm0 =	vlt.f32 v39, v41;
	v62 =	vsel vm15, s24, v53  }
0x301: {  	v50 =	vld [tilespmem:s26+$0xFFFFFE20];
	vm1 =	vlt.f32 v61, v45;
	v47 =	vsel vm2, v60, v43;
	v39 =	vsel vm0, v39, v41  }
0x302: {  	v41 =	vld.idx.msk [tilespmem:v55+s8+$0x0], $0xffff;
	v43 =	vsel vm1, v61, v45;
	v61 =	vsel vm3, s24, v53;
	v53 =	vsel vm5, s24, v53  }
0x303: {  	s28 =	simm.s32 $0x8;
	s9 =	sor.u32 $0x620, s17;
	v63 =	vsel vm7, s30, v62;
	v55 =	vld [tilespmem:s26+$0xFFFFFF00];
	v54 =	vsel vm6, s30, v61;
	v53 =	vsel vm8, s30, v53  }
0x304: {  	s11 =	sor.u32 $0x630, s17;
	s14 =	sor.u32 $0x610, s17;
	s24 =	sor.u32 $0x600, s17;
	v45 =	vld.idx.msk [tilespmem:v56+s8+$0x0], $0xffff;
	v56 =	vsel vm9, s29, v54;
	v54 =	vsel vm10, s29, v63;
	v53 =	vsel vm11, s29, v53  }
.LBB2_17:
0x305: {  	p0 =	sne.s32 s28, $0x3C;
	v57 =	vld.idx.msk [tilespmem:v37+s8+$0x0], $0xffff;
	v56 =	vsel vm2, s23, v56;
	v54 =	vsel vm1, s23, v54;
	v53 =	vsel vm0, s23, v53;
	s23 =	smov.u32 s3;
	s3 =	sadd.s32 $0x3, s28  }
0x306: {  	v58 =	vmov s28;
	s29 =	sadd.s32 $0x2, s28;
	v59 =	vmov s3;
	v60 =	vld [tilespmem:s26+$0x10]  }
0x307: {  	s30 =	sadd.s32 $0x1, s28;
	v37 =	vmov s29;
	v52 =	vadd.f32 v52, v49;
	v51 =	vadd.f32 v51, v49;
	v61 =	vld [tilespmem:s26+$0x20]  }
0x308: {  	v62 =	vmov s30;
	v50 =	vadd.f32 v50, v49;
	v48 =	vadd.f32 v48, v49;
	v49 =	vld [tilespmem:s26+$0x30]  }
0x309: {  	v2 =	vadd.f32 v40, v41;
	vm0 =	vlt.f32 v52, v44;
	v55 =	vadd.f32 v55, v45;
	v63 =	vld [tilespmem:s26+$0xFFFFFF10]  }
0x30a: {  	v3 =	vadd.f32 v38, v41;
	v40 =	vsel vm0, v52, v44;
	v42 =	vsel vm0, s22, v42;
	v44 =	vld [tilespmem:s26+$0xFFFFFF20]  }
0x30b: {  	v4 =	vadd.f32 v36, v41;
	v38 =	vadd.f32 v46, v57;
	vm0 =	vlt.f32 v55, v40;
	v52 =	vld [tilespmem:s26+$0xFFFFFF30]  }
0x30c: {  	v41 =	vadd.f32 v35, v41;
	v36 =	vsel vm0, v55, v40;
	v40 =	vsel vm0, s25, v42  }
0x30d: {  	v55 =	vadd.f32 v60, v57;
	v60 =	vadd.f32 v61, v57;
	vm0 =	vlt.f32 v38, v36  }
0x30e: {  	s26 =	sadd.s32 $0x400, s26;
	v49 =	vadd.f32 v49, v57;
	v35 =	vsel vm0, v38, v36;
	v36 =	vsel vm0, s21, v40  }
0x30f: {  	v57 =	vadd.f32 v63, v45;
	v40 =	vld [tilespmem:s26+$0x100];
	v61 =	vadd.f32 v44, v45;
	vm0 =	vlt.f32 v2, v35  }
0x310: {  	v38 =	vld [tilespmem:s26+$0x110];
	v45 =	vadd.f32 v52, v45;
	v44 =	vsel vm0, v2, v35;
	v42 =	vsel vm0, s23, v36  }
0x311: {  	vm3 =	vlt.f32 v51, v47;
	vm4 =	vlt.f32 v50, v43;
	vm5 =	vlt.f32 v48, v39;
	v36 =	vld [tilespmem:s26+$0x120]  }
0x312: {  	v43 =	vsel vm4, v50, v43;
	v39 =	vsel vm5, v48, v39;
	v2 =	vsel vm3, v51, v47;
	v35 =	vld [tilespmem:s26+$0x130]  }
0x313: {  	vm6 =	vlt.f32 v57, v2;
	vm7 =	vlt.f32 v61, v43;
	vm8 =	vlt.f32 v45, v39;
	v46 =	vld [tilespmem:s26+$0x0]  }
0x314: {  	v2 =	vsel vm6, v57, v2;
	v43 =	vsel vm7, v61, v43;
	v39 =	vsel vm8, v45, v39;
	v52 =	vld [tilespmem:s26+$0xFFFFFE00]  }
0x315: {  	vm9 =	vlt.f32 v55, v2;
	vm10 =	vlt.f32 v60, v43;
	vm11 =	vlt.f32 v49, v39;
	v51 =	vld [tilespmem:s26+$0xFFFFFE10]  }
0x316: {  	v2 =	vsel vm9, v55, v2;
	v43 =	vsel vm10, v60, v43;
	v39 =	vsel vm11, v49, v39;
	v50 =	vld [tilespmem:s26+$0xFFFFFE20]  }
.Ltmp7:
0x317: {  	vm2 =	vlt.f32 v3, v2;
	vm1 =	vlt.f32 v4, v43;
	vm0 =	vlt.f32 v41, v39;
	v48 =	vld [tilespmem:s26+$0xFFFFFE30];
	(pc) =	sbr.rel @p0 .LBB2_17-.Ltmp7, $4  }
0x318: {  	v47 =	vsel vm2, v3, v2;
	v43 =	vsel vm1, v4, v43;
	v39 =	vsel vm0, v41, v39;
	v49 =	vld.idx.msk [tilespmem:v58+s8+$0x0], $0xffff  }
0x319: {  	v2 =	vsel vm3, s22, v56;
	v3 =	vsel vm4, s22, v54;
	v4 =	vsel vm5, s22, v53;
	s22 =	smov.u32 s28;
	v41 =	vld.idx.msk [tilespmem:v59+s8+$0x0], $0xffff  }
0x31a: {  	v2 =	vsel vm6, s25, v2;
	v3 =	vsel vm7, s25, v3;
	v4 =	vsel vm8, s25, v4;
	s25 =	smov.u32 s30;
	v45 =	vld.idx.msk [tilespmem:v62+s8+$0x0], $0xffff  }
0x31b: {  	s28 =	sadd.s32 $0x4, s28;
	v56 =	vsel vm9, s21, v2;
	v54 =	vsel vm10, s21, v3;
	v53 =	vsel vm11, s21, v4;
	s21 =	smov.u32 s29;
	v55 =	vld [tilespmem:s26+$0xFFFFFF00]  }
0x31c: {  	_ =	sdelay $0x3  }
0x31d: {  	v2 =	vld.idx.msk [tilespmem:v37+s8+$0x0], $0xffff  }
0x31e: {  	v3 =	vadd.f32 v52, v49;
	_ =	sdelay $0x1  }
0x31f: {  	vm3 =	vlt.f32 v3, v44;
	v4 =	vadd.f32 v55, v45  }
0x320: {  	v3 =	vsel vm3, v3, v44  }
0x321: {  	v61 =	vld [tilespmem:s26+$0xFFFFFF10];
	v62 =	vadd.f32 v46, v2;
	vm4 =	vlt.f32 v4, v3  }
0x322: {  	v3 =	vsel vm4, v4, v3  }
0x323: {  	v63 =	vld [tilespmem:s26+$0x10];
	v40 =	vadd.f32 v40, v41;
	v42 =	vsel vm3, s22, v42;
	vm12 =	vlt.f32 v62, v3  }
0x324: {  	v51 =	vadd.f32 v51, v49;
	v42 =	vsel vm4, s25, v42;
	v3 =	vsel vm12, v62, v3  }
0x325: {  	v42 =	vsel vm12, s21, v42;
	vm13 =	vlt.f32 v40, v3  }
0x326: {  	vm14 =	vlt.f32 v51, v47;
	v3 =	vadd.f32 v61, v45;
	v37 =	vsel vm13, s3, v42  }
0x327: {  	v52 =	vsel vm14, v51, v47;
	v42 =	vshll.u32 v37, $0x8  }
0x328: {  	v55 =	vld [tilespmem:s26+$0xFFFFFF20];
	v4 =	vadd.f32 v63, v2;
	vm15 =	vlt.f32 v3, v52;
	v7 =	vadd.s32 v7, v42  }
0x329: {  	v56 =	vsel vm2, s23, v56;
	v3 =	vsel vm15, v3, v52;
	v7 =	vor.u32 v1, v7  }
0x32a: {  	v57 =	vld [tilespmem:s26+$0x20];
	v38 =	vadd.f32 v38, v41;
	v42 =	vsel vm14, s22, v56;
	vm6 =	vlt.f32 v4, v3  }
0x32b: {  	v58 =	vadd.f32 v50, v49;
	v59 =	vsel vm15, s25, v42;
	v3 =	vsel vm6, v4, v3  }
0x32c: {  	vm7 =	vlt.f32 v38, v3;
	v3 =	vsel vm6, s21, v59  }
0x32d: {  	s28 =	simm.s32 $0x0;
	vm8 =	vlt.f32 v58, v43;
	v60 =	vadd.f32 v55, v45;
	v3 =	vsel vm7, s3, v3  }
0x32e: {  	v53 =	vsel vm0, s23, v53;
	v61 =	vsel vm8, v58, v43;
	v62 =	vshll.u32 v3, $0x8;
	v42 =	vld.idx.msk [tilespmem:v7+s28+$0x0], $0xffff  }
0x32f: {  	v63 =	vld [tilespmem:s26+$0xFFFFFF30];
	v40 =	vadd.f32 v57, v2;
	vm9 =	vlt.f32 v60, v61;
	v8 =	vadd.s32 v8, v62  }
0x330: {  	v47 =	vsel vm1, s23, v54;
	v58 =	vld [tilespmem:$0x1FFE0];
	v4 =	vsel vm9, v60, v61;
	v8 =	vor.u32 v1, v8  }
0x331: {  	v50 =	vld [tilespmem:s26+$0x30];
	v36 =	vadd.f32 v36, v41;
	v43 =	vsel vm8, s22, v47;
	vm10 =	vlt.f32 v40, v4  }
0x332: {  	v51 =	vadd.f32 v48, v49;
	v52 =	vsel vm9, s25, v43;
	v4 =	vsel vm10, v40, v4;
	[tilespmem:s17+$0x4740] =	vst v37  }
0x333: {  	v56 =	vimm.f32 $+Inf;
	v54 =	vsel vm10, s21, v52;
	vm11 =	vlt.f32 v36, v4;
	[tilespmem:s17+$0x4F40] =	vst v42  }
0x334: {  	vm12 =	vlt.f32 v51, v39;
	v55 =	vadd.f32 v63, v45;
	v4 =	vsel vm11, s3, v54;
	[tilespmem:v7+s28+$0x0] =	vst.idx.msk $0xffff, v56  }
0x335: {  	v57 =	vsel vm12, v51, v39;
	v39 =	vadd.f32 $0.0e+00, v58;
	v60 =	vshll.u32 v4, $0x8;
	v59 =	vld.idx.msk [tilespmem:v8+s28+$0x0], $0xffff  }
0x336: {  	v2 =	vadd.f32 v50, v2;
	vm13 =	vlt.f32 v55, v57;
	v10 =	vadd.s32 v10, v60  }
0x337: {  	v11 =	vadd.f32 v11, v39;
	v10 =	vor.u32 v1, v10;
	v7 =	vsel vm13, v55, v57  }
0x338: {  	v35 =	vadd.f32 v35, v41;
	v61 =	vsel vm12, s22, v53;
	vm14 =	vlt.f32 v2, v7  }
0x339: {  	v36 =	vsel vm13, s25, v61;
	v62 =	vadd.f32 v15, v11;
	[tilespmem:s17+$0x4750] =	vst v3;
	v2 =	vsel vm14, v2, v7  }
0x33a: {  	v3 =	vsel vm14, s21, v36;
	vm15 =	vlt.f32 v35, v2;
	[tilespmem:s17+$0x4F50] =	vst v59  }
0x33b: {  	v2 =	vsel vm15, s3, v3;
	v3 =	vadd.f32 v20, v62;
	[tilespmem:v8+s28+$0x0] =	vst.idx.msk $0xffff, v56  }
0x33c: {  	v15 =	vshll.u32 v2, $0x8;
	v63 =	vld.idx.msk [tilespmem:v10+s28+$0x0], $0xffff  }
0x33d: {  	v5 =	vadd.f32 $0.0e+00, v5;
	v3 =	vadd.f32 v24, v3;
	v8 =	vadd.s32 v9, v15  }
0x33e: {  	v8 =	vor.u32 v1, v8  }
0x33f: {  	v5 =	vadd.f32 v13, v5;
	v3 =	vadd.f32 v28, v3  }
0x340: {  	[tilespmem:s17+$0x4760] =	vst v4  }
0x341: {  	v17 =	vadd.f32 v17, v5;
	v3 =	vadd.f32 v32, v3;
	[tilespmem:s17+$0x4F60] =	vst v63  }
0x342: {  	[tilespmem:v10+s28+$0x0] =	vst.idx.msk $0xffff, v56  }
0x343: {  	v4 =	vadd.f32 v21, v17;
	v3 =	vadd.f32 v42, v3;
	v20 =	vld.idx.msk [tilespmem:v8+s28+$0x0], $0xffff;
	_ =	sdelay $0x1  }
0x344: {  	v6 =	vadd.f32 $0.0e+00, v6;
	v4 =	vadd.f32 v25, v4;
	(erf) = vrcp.f32 v3;
	_ =	sdelay $0x1  }
0x345: {  	v4 =	vadd.f32 v29, v4;
	v3 =	vadd.f32 v14, v6;
	[tilespmem:s17+$0x4770] =	vst v2  }
0x346: {  	v25 =	vld [tilespmem:$0x1FFF0];
	[tilespmem:s17+$0x4F70] =	vst v20  }
0x347: {  	v2 =	vadd.f32 v18, v3;
	v3 =	vadd.f32 v34, v4;
	[tilespmem:v8+s28+$0x0] =	vst.idx.msk $0xffff, v56  }
0x348: {  	s21 =	rddreg [dreg:$0xc];
	v21 =	vld [tilespmem:s17+$0x4840]  }
0x349: {  	s22 =	rddreg [dreg:$0x10];
	v2 =	vadd.f32 v22, v2;
	v3 =	vadd.f32 v59, v3;
	v24 =	vld [tilespmem:s21+$0x4840]  }
0x34a: {  	v8 =	vld [tilespmem:s22+$0x4840]  }
0x34b: {  	v9 =	vadd.f32 $0.0e+00, v25;
	v2 =	vadd.f32 v26, v2;
	(erf) = vrcp.f32 v3;
	v3 =	vld [tilespmem:s1+$0x4840]  }
0x34c: {  	v28 =	vld [tilespmem:s4+$0x4840];
	v26 =	vpop (erf)  }
0x34d: {  	v9 =	vadd.f32 v12, v9;
	v2 =	vadd.f32 v30, v2;
	v29 =	vld [tilespmem:s10+$0x4840];
	v4 =	vmul.f32 v21, v26  }
0x34e: {  	v30 =	vld [tilespmem:s24+$0x4840];
	v6 =	vmul.f32 v24, v26  }
0x34f: {  	v9 =	vadd.f32 v16, v9;
	v2 =	vadd.f32 v33, v2;
	v32 =	vmul.f32 v8, v26;
	[tilespmem:s17+$0x4840] =	vst v4  }
0x350: {  	s23 =	rddreg [dreg:$0xb];
	v3 =	vmul.f32 v3, v26;
	[tilespmem:s21+$0x4840] =	vst v6;
	v33 =	vld [tilespmem:s20+$0x4840]  }
0x351: {  	s25 =	rddreg [dreg:$0xf];
	v34 =	vadd.f32 v19, v9;
	v2 =	vadd.f32 v63, v2;
	v36 =	vmul.f32 v28, v26;
	[tilespmem:s22+$0x4840] =	vst v32;
	v35 =	vld [tilespmem:s23+$0x4840]  }
0x352: {  	v37 =	vmul.f32 v29, v26;
	[tilespmem:s1+$0x4840] =	vst v3;
	v3 =	vld [tilespmem:s25+$0x4840]  }
0x353: {  	v38 =	vmul.f32 v30, v26;
	(erf) = vrcp.f32 v2;
	[tilespmem:s4+$0x4840] =	vst v36;
	v4 =	vadd.f32 v23, v34;
	v2 =	vld [tilespmem:s0+$0x4840]  }
0x354: {  	[tilespmem:s10+$0x4840] =	vst v37;
	v39 =	vpop (erf);
	v40 =	vld [tilespmem:s13+$0x4840]  }
0x355: {  	[tilespmem:s24+$0x4840] =	vst v38;
	v41 =	vld [tilespmem:s7+$0x4840];
	v4 =	vadd.f32 v27, v4;
	v6 =	vmul.f32 v33, v39  }
0x356: {  	v42 =	vld [tilespmem:s14+$0x4840];
	v7 =	vmul.f32 v35, v39  }
0x357: {  	v4 =	vadd.f32 v31, v4;
	v3 =	vmul.f32 v3, v39;
	[tilespmem:s20+$0x4840] =	vst v6  }
0x358: {  	s26 =	rddreg [dreg:$0xa];
	v2 =	vmul.f32 v2, v39;
	[tilespmem:s23+$0x4840] =	vst v7;
	v6 =	vld [tilespmem:s19+$0x4840]  }
0x359: {  	s28 =	rddreg [dreg:$0xe];
	v44 =	vmul.f32 v40, v39;
	[tilespmem:s25+$0x4840] =	vst v3;
	v3 =	vadd.f32 v20, v4;
	v43 =	vld [tilespmem:s26+$0x4840]  }
0x35a: {  	v45 =	vmul.f32 v41, v39;
	[tilespmem:s0+$0x4840] =	vst v2;
	v2 =	vld [tilespmem:s28+$0x4840]  }
0x35b: {  	v46 =	vmul.f32 v42, v39;
	[tilespmem:s13+$0x4840] =	vst v44;
	(erf) = vrcp.f32 v3;
	v3 =	vld [tilespmem:s31+$0x4840]  }
0x35c: {  	[tilespmem:s7+$0x4840] =	vst v45;
	v47 =	vpop (erf);
	v48 =	vld [tilespmem:s12+$0x4840]  }
0x35d: {  	[tilespmem:s14+$0x4840] =	vst v46;
	v50 =	vld [tilespmem:s6+$0x4840];
	v49 =	vmul.f32 v6, v47  }
0x35e: {  	v51 =	vld [tilespmem:s9+$0x4840];
	v4 =	vmul.f32 v43, v47  }
0x35f: {  	v2 =	vmul.f32 v2, v47;
	[tilespmem:s19+$0x4840] =	vst v49  }
0x360: {  	s29 =	rddreg [dreg:$0x9];
	v3 =	vmul.f32 v3, v47;
	[tilespmem:s26+$0x4840] =	vst v4;
	v52 =	vld [tilespmem:s18+$0x4840]  }
0x361: {  	s30 =	rddreg [dreg:$0xd];
	v53 =	vmul.f32 v48, v47;
	[tilespmem:s28+$0x4840] =	vst v2;
	v2 =	vld [tilespmem:s29+$0x4840]  }
0x362: {  	v6 =	vmul.f32 v50, v47;
	[tilespmem:s31+$0x4840] =	vst v3;
	v3 =	vld [tilespmem:s30+$0x4840];
	s31 =	rddreg [dreg:$0x11]  }
0x363: {  	v55 =	vmul.f32 v51, v47;
	[tilespmem:s12+$0x4840] =	vst v53;
	v54 =	vld [tilespmem:s31+$0x4840]  }
0x364: {  	[tilespmem:s6+$0x4840] =	vst v6;
	v57 =	vld [tilespmem:s2+$0x4840];
	v56 =	vpop (erf)  }
0x365: {  	[tilespmem:s9+$0x4840] =	vst v55;
	v58 =	vld [tilespmem:s5+$0x4840];
	v4 =	vmul.f32 v52, v56  }
0x366: {  	v59 =	vld [tilespmem:s11+$0x4840];
	v2 =	vmul.f32 v2, v56  }
0x367: {  	v60 =	vld [tilespmem:s17+$0x4F40];
	v3 =	vmul.f32 v3, v56;
	[tilespmem:s18+$0x4840] =	vst v4  }
0x368: {  	v61 =	vld [tilespmem:s17+$0x4F50];
	[tilespmem:s29+$0x4840] =	vst v2;
	v2 =	vmul.f32 v54, v56  }
0x369: {  	v62 =	vld [tilespmem:s17+$0x4F60];
	[tilespmem:s30+$0x4840] =	vst v3;
	v3 =	vmul.f32 v57, v56  }
0x36a: {  	v63 =	vld [tilespmem:s17+$0x4F70];
	[tilespmem:s31+$0x4840] =	vst v2;
	v2 =	vmul.f32 v58, v56  }
0x36b: {  	s16 =	sadd.s32 $0x1, s16;
	[tilespmem:s2+$0x4840] =	vst v3;
	v3 =	vmul.f32 v59, v56  }
0x36c: {  	p0 =	sne.s32 s16, $0x4;
	[tilespmem:s5+$0x4840] =	vst v2;
	v2 =	vmul.f32 v60, v26  }
.Ltmp8:
0x36d: {  	[tilespmem:s11+$0x4840] =	vst v3;
	v3 =	vmul.f32 v61, v39;
	(pc) =	sbr.rel @p0 .LBB2_2-.Ltmp8, $4  }
0x36e: {  	[tilespmem:s17+$0x4F40] =	vst v2;
	v2 =	vmul.f32 v62, v47  }
0x36f: {  	[tilespmem:s17+$0x4F50] =	vst v3;
	v3 =	vmul.f32 v63, v56  }
0x370: {  	[tilespmem:s17+$0x4F60] =	vst v2  }
0x371: {  	s15 =	sadd.s32 $0x40, s15;
	[tilespmem:s17+$0x4F70] =	vst v3  }
0x372: {  	s0 =	rddreg [dreg:$0x5];
	s3 =	simm.s32 $0x100  }
0x373: {  	s4 =	simm.s32 $0x2000;
	s1 =	simm.s32 $0x4040;
	s2 =	simm.s32 $0x1  }
0x374: {  	[hbm4b:s0+s3] =	stream.strided.scatter [tilespmem:s1], [sflag:$0x1], $0x800, s4, s3, $0x38;
	[tilespmem:$0x5040] =	vst v63  }
0x375: {  	_ =	swait.ge [sflag:s2], $0x800  }
0x376: {  	[sflag:s2] =	ssyncset.done $0x0  }
0x377: {  	s29 =	simm.s32 $0x4840;
	s28 =	rddreg [dreg:$0x6];
	[sflag:s2] =	ssyncadd.s32 $0xFFFFF800  }
0x378: {  	[hbm4b:s28+s3] =	stream.strided.scatter [tilespmem:s29], [sflag:$0x1], $0x800, s4, s3, $0x38;
	[tilespmem:$0x5040] =	vst v63  }
0x379: {  	_ =	swait.ge [sflag:s2], $0x800  }
0x37a: {  	s30 =	rddreg [dreg:$0x8]  }
0x37b: {  	s31 =	rddreg [dreg:$0x7];
	s1 =	sadd.s32 $0x1, s30  }
0x37c: {  	p0 =	sne.s32 s1, s31  }
.Ltmp9:
0x37d: {  	_ = 	snop;
	(pc) =	sbr.rel @p0 .LBB2_1-.Ltmp9, $3  }
0x37e: {  	_ =	sdelay $0x1  }
0x37f: {  	[sflag:s2] =	ssyncset.done $0x0  }
0x380: {  	[sflag:s2] =	ssyncadd.s32 $0xFFFFF800  }
0x381: {  	_ =	sfence.sel $0x180000  }
0x382: {  	[bflag:$0x0] =	sbarrier.arrive $0xFFFF  }
0x383: {  	_ =	strace $0x90000047  }
0x384: {  	s0 =	stileid.u32;
	[bflag:$0x2] =	sbarrier.arrive $0xFFFF  }
0x385: {  	p0 =	sne.s32 s0, $0x0;
	s0 =	rddreg [dreg:$0x3]  }
0x386: {  	s0 =	sadd.s32 @!p0 $0x100000, s0  }
0x387: {  	[sflag:s0] =	ssyncadd.tile.s32 @!p0 $0x1;
	_ =	shalt  }
.Lfunc_end2:
_tile_overlayer_lowered:
.L_overlay_start_2:
0x388: {  	(tag) =	ssettag $0x2  }
0x389: {  	s0 =	rddreg [dreg:$0x0];
	s2 =	stileid.u32  }
0x38a: {  	s1 =	rddreg [dreg:$0x1];
	p0 =	sne.s32 s2, $0x0  }
0x38b: {  	s3 =	rddreg [dreg:$0x2];
	[bflag:$0x3] =	sbarrier.arrive $0xFFFF;
	s2 =	simm.s32 @!p0 $0x1C01  }
0x38c: {  	[timem:s3], [sflag:s2] =	dma.local @!p0 [hbm:s0], s1  }
0x38d: {  	s0 =	simm.s32 @!p0 $0x1  }
0x38e: {  	_ =	swait.ge @!p0 [sflag:s0], s1  }
0x38f: {  	s1 =	ssub.s32 @!p0 $0x0, s1;
	[sflag:s0] =	ssyncset.done @!p0 $0x0  }
0x390: {  	[sflag:s0] =	ssyncadd.s32 @!p0 s1  }
0x391: {  	[bflag:$0x3] =	sbarrier.arrive $0xFFFF  }
0x392: {  	_ =	shalt  }

</sc_bundles>
